<compile_context>
chip_gen: v7x
topology: tpu7x:2x2x1
jax: 0.10.2.dev20260603
libtpu: 0.0.44.dev20260713+nightly
codegen_flags: <defaults>
</compile_context>

<pallas_src>
import functools

import jax
import jax.numpy as jnp
from jax import lax
from jax.experimental import pallas as pl
from jax.experimental.pallas import tpu as pltpu
from jax.experimental.pallas import tpu_sc as plsc

_D = 64
_H = 200
_B = 4096
_OUT = 128
_V = 1000000
_NC = 2
_NS = 16
_NW = _NC * _NS
_BPW = _B // _NW
_S0, _S1 = 104, 96
_NBUF = 4
_UNROLL = 8

_TC_FULL = 999936 // 128
_VTAIL = _V - 999936
_TPB = 4


def _tpose_body(tt_hbm, tail_hbm, out_hbm, ibuf, obuf, tbuf, isem, osem):
    wid = lax.axis_index("s") * _NC + lax.axis_index("c")

    def issue_in(ct, slot):
        pltpu.async_copy(
            tt_hbm.at[:, :, pl.ds(128 * ct, 128)],
            ibuf.at[slot],
            isem,
        )

    def wait_in(slot):
        pltpu.make_async_copy(
            tt_hbm.at[:, :, pl.ds(0, 128)],
            ibuf.at[slot],
            isem,
        ).wait()

    def issue_out(ct, slot):
        pltpu.async_copy(
            obuf.at[slot],
            out_hbm.at[pl.ds(8 * ct, 8)],
            osem,
        )

    def wait_out(slot):
        pltpu.make_async_copy(
            obuf.at[slot],
            out_hbm.at[pl.ds(0, 8)],
            osem,
        ).wait()

    lanes = lax.iota(jnp.int32, 16)
    sub = lanes >> 3
    row = lanes & 7
    dt_vecs = [sub + 2 * a for a in range(4)]
    base_a = [16 * a + lanes for a in range(4)]

    def transpose_block(slot):
        def sbody(s2, carry):
            for half in range(2):
                perm = (lanes + (2 * s2 + half)) & 15
                for jp in range(4):
                    idx = []
                    vs = []
                    for jc in (2 * jp, 2 * jp + 1):
                        j_vec = 16 * jc + perm
                        o_vec = j_vec >> 1
                        ot = o_vec >> 3
                        orr = o_vec & 7
                        cpar = (j_vec & 1) << 6
                        for a in range(4):
                            idx.append([ot, orr, cpar + base_a[a]])
                            vs.append(
                                plsc.load_gather(
                                    ibuf.at[slot],
                                    [dt_vecs[a], row, j_vec],
                                )
                            )
                    for ix, v in zip(idx, vs):
                        plsc.store_scatter(obuf.at[slot], ix, v)
            return carry

        lax.fori_loop(0, 8, sbody, 0)

    nblk = (_TC_FULL - 1 - wid) // _NW + 1

    for p in range(_TPB):
        issue_in(wid + p * _NW, p)

    def blk_body(k, carry):
        slot = k & (_TPB - 1)
        ct = wid + k * _NW
        wait_in(slot)

        @pl.when(k >= _TPB)
        def _():
            wait_out(slot)

        transpose_block(slot)
        issue_out(ct, slot)

        @pl.when(k + _TPB < nblk)
        def _():
            issue_in(ct + _TPB * _NW, slot)

        return carry

    lax.fori_loop(0, nblk, blk_body, 0)

    for p in range(_TPB):
        @pl.when(nblk >= p + 1)
        def _():
            wait_out((nblk - 1 - p) & (_TPB - 1))

    @pl.when(wid == 0)
    def _():
        pltpu.sync_copy(tail_hbm, tbuf)
        pltpu.sync_copy(tbuf, out_hbm.at[pl.ds(62496, 4)])


def _make_tpose():
    mesh = plsc.VectorSubcoreMesh(core_axis_name="c", subcore_axis_name="s")
    return functools.partial(
        pl.kernel,
        mesh=mesh,
        out_type=jax.ShapeDtypeStruct((_V // 16, 8, 128), jnp.float32),
        scratch_types=[
            pltpu.VMEM((_TPB, 8, 8, 128), jnp.float32),
            pltpu.VMEM((_TPB, 8, 8, 128), jnp.float32),
            pltpu.VMEM((4, 8, 128), jnp.float32),
            pltpu.SemaphoreType.DMA,
            pltpu.SemaphoreType.DMA,
        ],
        compiler_params=pltpu.CompilerParams(needs_layout_passes=False),
    )(_tpose_body)


_TPOSE = _make_tpose()


def _pool_body(idx_hbm, table_hbm, out_hbm, idx_v, rows_v, out_v, sem):
    wid = lax.axis_index("s") * _NC + lax.axis_index("c")
    base = wid * _BPW
    pltpu.sync_copy(idx_hbm.at[pl.ds(base, _BPW)], idx_v)

    def issue(r, slot):
        pltpu.async_copy(
            table_hbm.at[idx_v.at[r, pl.ds(0, _S0)]],
            rows_v.at[slot, pl.ds(0, _S0)],
            sem,
        )
        pltpu.async_copy(
            table_hbm.at[idx_v.at[r, pl.ds(_S0, _S1)]],
            rows_v.at[slot, pl.ds(_S0, _S1)],
            sem,
        )

    def wait(slot):
        pltpu.make_async_copy(
            table_hbm.at[idx_v.at[0, pl.ds(0, _S0)]],
            rows_v.at[slot, pl.ds(0, _S0)],
            sem,
        ).wait()
        pltpu.make_async_copy(
            table_hbm.at[idx_v.at[0, pl.ds(_S0, _S1)]],
            rows_v.at[slot, pl.ds(_S0, _S1)],
            sem,
        ).wait()

    def reduce_into(slot, r):
        zero = jnp.zeros((16,), jnp.float32)

        def body(g, accs):
            j = g * _UNROLL
            new = []
            for k in range(_D // 16):
                c = pl.ds(k * 16, 16)
                x = [rows_v[slot, j + u, c] for u in range(_UNROLL)]
                t01 = x[0] + x[1]
                t23 = x[2] + x[3]
                t45 = x[4] + x[5]
                t67 = x[6] + x[7]
                new.append(accs[k] + ((t01 + t23) + (t45 + t67)))
            return tuple(new)

        accs = lax.fori_loop(0, _H // _UNROLL, body, (zero,) * (_D // 16))
        for k in range(_D // 16):
            out_v[r, pl.ds(k * 16, 16)] = accs[k]

    for p in range(_NBUF):
        issue(p, p)

    def outer(g, carry):
        for slot in range(_NBUF):
            r = g * _NBUF + slot
            wait(slot)
            reduce_into(slot, r)
            nxt = r + _NBUF

            @pl.when(nxt < _BPW)
            def _():
                issue(nxt, slot)

        return carry

    lax.fori_loop(0, _BPW // _NBUF, outer, 0)
    pltpu.sync_copy(out_v, out_hbm.at[pl.ds(base, _BPW)])


def _make_pool():
    mesh = plsc.VectorSubcoreMesh(core_axis_name="c", subcore_axis_name="s")
    return functools.partial(
        pl.kernel,
        mesh=mesh,
        out_type=jax.ShapeDtypeStruct((_B, _D), jnp.float32),
        scratch_types=[
            pltpu.VMEM((_BPW, _H), jnp.int32),
            pltpu.VMEM((_NBUF, _H, _D), jnp.float32),
            pltpu.VMEM((_BPW, _D), jnp.float32),
            pltpu.SemaphoreType.DMA,
        ],
        compiler_params=pltpu.CompilerParams(use_tc_tiling_on_sc=False),
    )(_pool_body)


_POOL = _make_pool()


def _linear_body(x_ref, w_ref, b_ref, o_ref):
    x = x_ref[...] * (1.0 / _H)
    o_ref[...] = (
        jnp.dot(x, w_ref[...], preferred_element_type=jnp.float32) + b_ref[...]
    )


_BLK = 1024


def _linear(x, w, b):
    return pl.pallas_call(
        _linear_body,
        grid=(_B // _BLK,),
        in_specs=[
            pl.BlockSpec((_BLK, _D), lambda i: (i, 0)),
            pl.BlockSpec((_D, _OUT), lambda i: (0, 0)),
            pl.BlockSpec((1, _OUT), lambda i: (0, 0)),
        ],
        out_specs=pl.BlockSpec((_BLK, _OUT), lambda i: (i, 0)),
        out_shape=jax.ShapeDtypeStruct((_B, _OUT), jnp.float32),
    )(x, w, b.reshape(1, _OUT))


def kernel(word_indices, embedding, W, b):
    tt = embedding.T.reshape(8, 8, _V)
    tail = embedding[999936:].reshape(4, 8, 128)
    packed = _TPOSE(tt, tail)
    table = packed.reshape(_V, _D)
    pooled = _POOL(word_indices.astype(jnp.int32), table)
    return _linear(pooled, W, b)

# --- scband reference (transcript-rebuilt; emitter-appended) ---
"""Pipeline reference for scband-dan-10213432230391 (READ-ONLY COPY).

The authoritative reference and input builder live on the scoring server;
editing this copy changes nothing except your own understanding.
"""

import jax, jax.numpy as jnp
import numpy as np

VOCAB = 1000000
EMBED_DIM = 64
OUTPUT_DIM = 128
BATCH = 4096
HIST = 200


def setup_inputs(seed: int = 0) -> dict:
    key = jax.random.key(seed)
    k_idx, k_emb, k_w, k_b = jax.random.split(key, 4)
    word_indices = jax.random.randint(k_idx, (BATCH, HIST), 0, VOCAB, dtype=jnp.int64 if jax.config.jax_enable_x64 else jnp.int32)
    embedding = jax.random.normal(k_emb, (VOCAB, EMBED_DIM), dtype=jnp.float32) * 0.02
    W = jax.random.normal(k_w, (EMBED_DIM, OUTPUT_DIM), dtype=jnp.float32) * (1.0 / np.sqrt(EMBED_DIM))
    b = jnp.zeros((OUTPUT_DIM,), dtype=jnp.float32)
    return {"word_indices": word_indices, "embedding": embedding, "W": W, "b": b}


def reference(word_indices, embedding, W, b):
    # embeddings = self.embedding(word_indices)  -> gather rows
    embeddings = jnp.take(embedding, word_indices, axis=0)  # [B, L, D]
    # avg_embeddings = torch.mean(embeddings, dim=1)
    avg_embeddings = jnp.mean(embeddings, axis=1)  # [B, D]
    # output = self.linear(avg_embeddings)
    output = avg_embeddings @ W + b  # [B, OUTPUT_DIM]
    return output

if __name__ == "__main__":
    import jax
    _d = setup_inputs()
    print(jax.jit(kernel)(*tuple(_d.values())))

</pallas_src>

<mosaic_0001>
#map = affine_map<(d0, d1) -> (0, 0)>
module attributes {stable_mosaic.version = 14 : i64} {
  func.func @_pool_body(%arg0: i32, %arg1: i32, %arg2: memref<4096x200xi32, #tpu.memory_space<hbm>>, %arg3: memref<1000000x64xf32, #tpu.memory_space<hbm>>, %arg4: memref<4096x64xf32, #tpu.memory_space<hbm>>, %arg5: memref<128x200xi32, #tpu.memory_space<vmem>>, %arg6: memref<4x200x64xf32, #tpu.memory_space<vmem>>, %arg7: memref<128x64xf32, #tpu.memory_space<vmem>>, %arg8: memref<!tpu.dma_semaphore, #tpu.memory_space<semaphore_mem>>) attributes {dimension_semantics = [#tpu.dimension_semantics<core_parallel>, #tpu.dimension_semantics<subcore_parallel>], iteration_bounds = array<i64: 2, 16>, scalar_prefetch = 0 : i64, scratch_operands = 4 : i64, tpu.core_type = #tpu.core_type<sc_vector_subcore>, window_params = [{transform_indices = #map}, {transform_indices = #map}, {transform_indices = #map}]} {
    %mul3A = arith.constant 2 : i32
    %mul3A_0 = arith.muli %arg1, %mul3A : i32
    %add3A = arith.addi %mul3A_0, %arg0 : i32
    %mul3A_1 = arith.constant 128 : i32
    %mul3A_2 = arith.muli %add3A, %mul3A_1 : i32
    "tpu.region"() ({
      %run_scoped3A = tpu.sem_alloc : memref<!tpu.dma_semaphore, #tpu.memory_space<semaphore_mem>>
      %dma_start3A_103 = arith.constant 0 : i32
      %dma_start3A_104 = tpu.memref_slice %arg2[%mul3A_2, %dma_start3A_103] : memref<4096x200xi32, #tpu.memory_space<hbm>> -> memref<128x200xi32, #tpu.memory_space<hbm>>
      %dma_start3A_105 = arith.constant 0 : i32
      %dma_start3A_106 = tpu.memref_slice %arg2[%mul3A_2, %dma_start3A_105] : memref<4096x200xi32, #tpu.memory_space<hbm>> -> memref<128x200xi32, #tpu.memory_space<hbm>>
      tpu.enqueue_dma source(%dma_start3A_106 : memref<128x200xi32, #tpu.memory_space<hbm>>) target(%arg5 : memref<128x200xi32, #tpu.memory_space<vmem>>) target_semaphore(%run_scoped3A : memref<!tpu.dma_semaphore, #tpu.memory_space<semaphore_mem>>)
      %dma_wait3A = arith.constant 0 : i32
      %dma_wait3A_107 = tpu.memref_slice %arg2[%mul3A_2, %dma_wait3A] : memref<4096x200xi32, #tpu.memory_space<hbm>> -> memref<128x200xi32, #tpu.memory_space<hbm>>
      %dma_wait3A_108 = arith.constant 0 : i32
      %dma_wait3A_109 = tpu.memref_slice %arg2[%mul3A_2, %dma_wait3A_108] : memref<4096x200xi32, #tpu.memory_space<hbm>> -> memref<128x200xi32, #tpu.memory_space<hbm>>
      tpu.wait_dma2 semaphore(%run_scoped3A : memref<!tpu.dma_semaphore, #tpu.memory_space<semaphore_mem>>) src(%dma_wait3A_109 : memref<128x200xi32, #tpu.memory_space<hbm>>) dst(%arg5 : memref<128x200xi32, #tpu.memory_space<vmem>>)
      tpu.yield
    }) : () -> ()
    %dma_start3A = arith.constant 0 : i32
    %dma_start3A_3 = arith.constant 0 : i32
    %dma_start3A_4 = arith.constant 0 : i32
    %dma_start3A_5 = arith.constant 0 : i32
    %dma_start3A_6 = tpu.memref_slice %arg6[%dma_start3A_3, %dma_start3A_4, %dma_start3A_5] : memref<4x200x64xf32, #tpu.memory_space<vmem>> -> memref<1x104x64xf32, #tpu.memory_space<vmem>>
    %dma_start3A_7 = tpu.memref_squeeze %dma_start3A_6 : memref<1x104x64xf32, #tpu.memory_space<vmem>> -> memref<104x64xf32, #tpu.memory_space<vmem>>
    %dma_start3A_8 = arith.constant 0 : i32
    %dma_start3A_9 = tpu.memref_slice %arg5[%dma_start3A, %dma_start3A_8] : memref<128x200xi32, #tpu.memory_space<vmem>> -> memref<1x104xi32, #tpu.memory_space<vmem>>
    %dma_start3A_10 = tpu.memref_squeeze %dma_start3A_9 : memref<1x104xi32, #tpu.memory_space<vmem>> -> memref<104xi32, #tpu.memory_space<vmem>>
    %dma_start3A_11 = arith.constant 0 : i32
    %dma_start3A_12 = arith.constant 0 : i32
    %dma_start3A_13 = tpu.memref_slice %arg3[%dma_start3A_11, %dma_start3A_12] : memref<1000000x64xf32, #tpu.memory_space<hbm>> -> memref<1000000x64xf32, #tpu.memory_space<hbm>>
    tpu.enqueue_indirect_dma source(%dma_start3A_13 : memref<1000000x64xf32, #tpu.memory_space<hbm>>) target(%dma_start3A_7 : memref<104x64xf32, #tpu.memory_space<vmem>>) offsets(%dma_start3A_10 : memref<104xi32, #tpu.memory_space<vmem>>) semaphore(%arg8 : memref<!tpu.dma_semaphore, #tpu.memory_space<semaphore_mem>>)
    %dma_start3A_14 = arith.constant 0 : i32
    %dma_start3A_15 = arith.constant 0 : i32
    %dma_start3A_16 = arith.constant 104 : i32
    %dma_start3A_17 = arith.constant 0 : i32
    %dma_start3A_18 = tpu.memref_slice %arg6[%dma_start3A_15, %dma_start3A_16, %dma_start3A_17] : memref<4x200x64xf32, #tpu.memory_space<vmem>> -> memref<1x96x64xf32, #tpu.memory_space<vmem>>
    %dma_start3A_19 = tpu.memref_squeeze %dma_start3A_18 : memref<1x96x64xf32, #tpu.memory_space<vmem>> -> memref<96x64xf32, #tpu.memory_space<vmem>>
    %dma_start3A_20 = arith.constant 104 : i32
    %dma_start3A_21 = tpu.memref_slice %arg5[%dma_start3A_14, %dma_start3A_20] : memref<128x200xi32, #tpu.memory_space<vmem>> -> memref<1x96xi32, #tpu.memory_space<vmem>>
    %dma_start3A_22 = tpu.memref_squeeze %dma_start3A_21 : memref<1x96xi32, #tpu.memory_space<vmem>> -> memref<96xi32, #tpu.memory_space<vmem>>
    %dma_start3A_23 = arith.constant 0 : i32
    %dma_start3A_24 = arith.constant 0 : i32
    %dma_start3A_25 = tpu.memref_slice %arg3[%dma_start3A_23, %dma_start3A_24] : memref<1000000x64xf32, #tpu.memory_space<hbm>> -> memref<1000000x64xf32, #tpu.memory_space<hbm>>
    tpu.enqueue_indirect_dma source(%dma_start3A_25 : memref<1000000x64xf32, #tpu.memory_space<hbm>>) target(%dma_start3A_19 : memref<96x64xf32, #tpu.memory_space<vmem>>) offsets(%dma_start3A_22 : memref<96xi32, #tpu.memory_space<vmem>>) semaphore(%arg8 : memref<!tpu.dma_semaphore, #tpu.memory_space<semaphore_mem>>)
    %dma_start3A_26 = arith.constant 1 : i32
    %dma_start3A_27 = arith.constant 1 : i32
    %dma_start3A_28 = arith.constant 0 : i32
    %dma_start3A_29 = arith.constant 0 : i32
    %dma_start3A_30 = tpu.memref_slice %arg6[%dma_start3A_27, %dma_start3A_28, %dma_start3A_29] : memref<4x200x64xf32, #tpu.memory_space<vmem>> -> memref<1x104x64xf32, #tpu.memory_space<vmem>>
    %dma_start3A_31 = tpu.memref_squeeze %dma_start3A_30 : memref<1x104x64xf32, #tpu.memory_space<vmem>> -> memref<104x64xf32, #tpu.memory_space<vmem>>
    %dma_start3A_32 = arith.constant 0 : i32
    %dma_start3A_33 = tpu.memref_slice %arg5[%dma_start3A_26, %dma_start3A_32] : memref<128x200xi32, #tpu.memory_space<vmem>> -> memref<1x104xi32, #tpu.memory_space<vmem>>
    %dma_start3A_34 = tpu.memref_squeeze %dma_start3A_33 : memref<1x104xi32, #tpu.memory_space<vmem>> -> memref<104xi32, #tpu.memory_space<vmem>>
    %dma_start3A_35 = arith.constant 0 : i32
    %dma_start3A_36 = arith.constant 0 : i32
    %dma_start3A_37 = tpu.memref_slice %arg3[%dma_start3A_35, %dma_start3A_36] : memref<1000000x64xf32, #tpu.memory_space<hbm>> -> memref<1000000x64xf32, #tpu.memory_space<hbm>>
    tpu.enqueue_indirect_dma source(%dma_start3A_37 : memref<1000000x64xf32, #tpu.memory_space<hbm>>) target(%dma_start3A_31 : memref<104x64xf32, #tpu.memory_space<vmem>>) offsets(%dma_start3A_34 : memref<104xi32, #tpu.memory_space<vmem>>) semaphore(%arg8 : memref<!tpu.dma_semaphore, #tpu.memory_space<semaphore_mem>>)
    %dma_start3A_38 = arith.constant 1 : i32
    %dma_start3A_39 = arith.constant 1 : i32
    %dma_start3A_40 = arith.constant 104 : i32
    %dma_start3A_41 = arith.constant 0 : i32
    %dma_start3A_42 = tpu.memref_slice %arg6[%dma_start3A_39, %dma_start3A_40, %dma_start3A_41] : memref<4x200x64xf32, #tpu.memory_space<vmem>> -> memref<1x96x64xf32, #tpu.memory_space<vmem>>
    %dma_start3A_43 = tpu.memref_squeeze %dma_start3A_42 : memref<1x96x64xf32, #tpu.memory_space<vmem>> -> memref<96x64xf32, #tpu.memory_space<vmem>>
    %dma_start3A_44 = arith.constant 104 : i32
    %dma_start3A_45 = tpu.memref_slice %arg5[%dma_start3A_38, %dma_start3A_44] : memref<128x200xi32, #tpu.memory_space<vmem>> -> memref<1x96xi32, #tpu.memory_space<vmem>>
    %dma_start3A_46 = tpu.memref_squeeze %dma_start3A_45 : memref<1x96xi32, #tpu.memory_space<vmem>> -> memref<96xi32, #tpu.memory_space<vmem>>
    %dma_start3A_47 = arith.constant 0 : i32
    %dma_start3A_48 = arith.constant 0 : i32
    %dma_start3A_49 = tpu.memref_slice %arg3[%dma_start3A_47, %dma_start3A_48] : memref<1000000x64xf32, #tpu.memory_space<hbm>> -> memref<1000000x64xf32, #tpu.memory_space<hbm>>
    tpu.enqueue_indirect_dma source(%dma_start3A_49 : memref<1000000x64xf32, #tpu.memory_space<hbm>>) target(%dma_start3A_43 : memref<96x64xf32, #tpu.memory_space<vmem>>) offsets(%dma_start3A_46 : memref<96xi32, #tpu.memory_space<vmem>>) semaphore(%arg8 : memref<!tpu.dma_semaphore, #tpu.memory_space<semaphore_mem>>)
    %dma_start3A_50 = arith.constant 2 : i32
    %dma_start3A_51 = arith.constant 2 : i32
    %dma_start3A_52 = arith.constant 0 : i32
    %dma_start3A_53 = arith.constant 0 : i32
    %dma_start3A_54 = tpu.memref_slice %arg6[%dma_start3A_51, %dma_start3A_52, %dma_start3A_53] : memref<4x200x64xf32, #tpu.memory_space<vmem>> -> memref<1x104x64xf32, #tpu.memory_space<vmem>>
    %dma_start3A_55 = tpu.memref_squeeze %dma_start3A_54 : memref<1x104x64xf32, #tpu.memory_space<vmem>> -> memref<104x64xf32, #tpu.memory_space<vmem>>
    %dma_start3A_56 = arith.constant 0 : i32
    %dma_start3A_57 = tpu.memref_slice %arg5[%dma_start3A_50, %dma_start3A_56] : memref<128x200xi32, #tpu.memory_space<vmem>> -> memref<1x104xi32, #tpu.memory_space<vmem>>
    %dma_start3A_58 = tpu.memref_squeeze %dma_start3A_57 : memref<1x104xi32, #tpu.memory_space<vmem>> -> memref<104xi32, #tpu.memory_space<vmem>>
    %dma_start3A_59 = arith.constant 0 : i32
    %dma_start3A_60 = arith.constant 0 : i32
    %dma_start3A_61 = tpu.memref_slice %arg3[%dma_start3A_59, %dma_start3A_60] : memref<1000000x64xf32, #tpu.memory_space<hbm>> -> memref<1000000x64xf32, #tpu.memory_space<hbm>>
    tpu.enqueue_indirect_dma source(%dma_start3A_61 : memref<1000000x64xf32, #tpu.memory_space<hbm>>) target(%dma_start3A_55 : memref<104x64xf32, #tpu.memory_space<vmem>>) offsets(%dma_start3A_58 : memref<104xi32, #tpu.memory_space<vmem>>) semaphore(%arg8 : memref<!tpu.dma_semaphore, #tpu.memory_space<semaphore_mem>>)
    %dma_start3A_62 = arith.constant 2 : i32
    %dma_start3A_63 = arith.constant 2 : i32
    %dma_start3A_64 = arith.constant 104 : i32
    %dma_start3A_65 = arith.constant 0 : i32
    %dma_start3A_66 = tpu.memref_slice %arg6[%dma_start3A_63, %dma_start3A_64, %dma_start3A_65] : memref<4x200x64xf32, #tpu.memory_space<vmem>> -> memref<1x96x64xf32, #tpu.memory_space<vmem>>
    %dma_start3A_67 = tpu.memref_squeeze %dma_start3A_66 : memref<1x96x64xf32, #tpu.memory_space<vmem>> -> memref<96x64xf32, #tpu.memory_space<vmem>>
    %dma_start3A_68 = arith.constant 104 : i32
    %dma_start3A_69 = tpu.memref_slice %arg5[%dma_start3A_62, %dma_start3A_68] : memref<128x200xi32, #tpu.memory_space<vmem>> -> memref<1x96xi32, #tpu.memory_space<vmem>>
    %dma_start3A_70 = tpu.memref_squeeze %dma_start3A_69 : memref<1x96xi32, #tpu.memory_space<vmem>> -> memref<96xi32, #tpu.memory_space<vmem>>
    %dma_start3A_71 = arith.constant 0 : i32
    %dma_start3A_72 = arith.constant 0 : i32
    %dma_start3A_73 = tpu.memref_slice %arg3[%dma_start3A_71, %dma_start3A_72] : memref<1000000x64xf32, #tpu.memory_space<hbm>> -> memref<1000000x64xf32, #tpu.memory_space<hbm>>
    tpu.enqueue_indirect_dma source(%dma_start3A_73 : memref<1000000x64xf32, #tpu.memory_space<hbm>>) target(%dma_start3A_67 : memref<96x64xf32, #tpu.memory_space<vmem>>) offsets(%dma_start3A_70 : memref<96xi32, #tpu.memory_space<vmem>>) semaphore(%arg8 : memref<!tpu.dma_semaphore, #tpu.memory_space<semaphore_mem>>)
    %dma_start3A_74 = arith.constant 3 : i32
    %dma_start3A_75 = arith.constant 3 : i32
    %dma_start3A_76 = arith.constant 0 : i32
    %dma_start3A_77 = arith.constant 0 : i32
    %dma_start3A_78 = tpu.memref_slice %arg6[%dma_start3A_75, %dma_start3A_76, %dma_start3A_77] : memref<4x200x64xf32, #tpu.memory_space<vmem>> -> memref<1x104x64xf32, #tpu.memory_space<vmem>>
    %dma_start3A_79 = tpu.memref_squeeze %dma_start3A_78 : memref<1x104x64xf32, #tpu.memory_space<vmem>> -> memref<104x64xf32, #tpu.memory_space<vmem>>
    %dma_start3A_80 = arith.constant 0 : i32
    %dma_start3A_81 = tpu.memref_slice %arg5[%dma_start3A_74, %dma_start3A_80] : memref<128x200xi32, #tpu.memory_space<vmem>> -> memref<1x104xi32, #tpu.memory_space<vmem>>
    %dma_start3A_82 = tpu.memref_squeeze %dma_start3A_81 : memref<1x104xi32, #tpu.memory_space<vmem>> -> memref<104xi32, #tpu.memory_space<vmem>>
    %dma_start3A_83 = arith.constant 0 : i32
    %dma_start3A_84 = arith.constant 0 : i32
    %dma_start3A_85 = tpu.memref_slice %arg3[%dma_start3A_83, %dma_start3A_84] : memref<1000000x64xf32, #tpu.memory_space<hbm>> -> memref<1000000x64xf32, #tpu.memory_space<hbm>>
    tpu.enqueue_indirect_dma source(%dma_start3A_85 : memref<1000000x64xf32, #tpu.memory_space<hbm>>) target(%dma_start3A_79 : memref<104x64xf32, #tpu.memory_space<vmem>>) offsets(%dma_start3A_82 : memref<104xi32, #tpu.memory_space<vmem>>) semaphore(%arg8 : memref<!tpu.dma_semaphore, #tpu.memory_space<semaphore_mem>>)
    %dma_start3A_86 = arith.constant 3 : i32
    %dma_start3A_87 = arith.constant 3 : i32
    %dma_start3A_88 = arith.constant 104 : i32
    %dma_start3A_89 = arith.constant 0 : i32
    %dma_start3A_90 = tpu.memref_slice %arg6[%dma_start3A_87, %dma_start3A_88, %dma_start3A_89] : memref<4x200x64xf32, #tpu.memory_space<vmem>> -> memref<1x96x64xf32, #tpu.memory_space<vmem>>
    %dma_start3A_91 = tpu.memref_squeeze %dma_start3A_90 : memref<1x96x64xf32, #tpu.memory_space<vmem>> -> memref<96x64xf32, #tpu.memory_space<vmem>>
    %dma_start3A_92 = arith.constant 104 : i32
    %dma_start3A_93 = tpu.memref_slice %arg5[%dma_start3A_86, %dma_start3A_92] : memref<128x200xi32, #tpu.memory_space<vmem>> -> memref<1x96xi32, #tpu.memory_space<vmem>>
    %dma_start3A_94 = tpu.memref_squeeze %dma_start3A_93 : memref<1x96xi32, #tpu.memory_space<vmem>> -> memref<96xi32, #tpu.memory_space<vmem>>
    %dma_start3A_95 = arith.constant 0 : i32
    %dma_start3A_96 = arith.constant 0 : i32
    %dma_start3A_97 = tpu.memref_slice %arg3[%dma_start3A_95, %dma_start3A_96] : memref<1000000x64xf32, #tpu.memory_space<hbm>> -> memref<1000000x64xf32, #tpu.memory_space<hbm>>
    tpu.enqueue_indirect_dma source(%dma_start3A_97 : memref<1000000x64xf32, #tpu.memory_space<hbm>>) target(%dma_start3A_91 : memref<96x64xf32, #tpu.memory_space<vmem>>) offsets(%dma_start3A_94 : memref<96xi32, #tpu.memory_space<vmem>>) semaphore(%arg8 : memref<!tpu.dma_semaphore, #tpu.memory_space<semaphore_mem>>)
    %scan3A = arith.constant 0 : i32
    %scan3A_98 = arith.constant 0 : i32
    %scan3A_99 = arith.constant 32 : i32
    %scan3A_100 = arith.addi %scan3A_98, %scan3A_99 : i32
    %scan3A_101 = arith.constant 1 : i32
    scf.for %scan3A_103 = %scan3A_98 to %scan3A_100 step %scan3A_101  : i32 {
      %mul3A_104 = arith.constant 4 : i32
      %mul3A_105 = arith.muli %scan3A_103, %mul3A_104 : i32
      %add3A_106 = arith.constant 0 : i32
      %add3A_107 = arith.addi %mul3A_105, %add3A_106 : i32
      %dma_wait3A = arith.constant 0 : i32
      %dma_wait3A_108 = arith.constant 0 : i32
      %dma_wait3A_109 = arith.constant 0 : i32
      %dma_wait3A_110 = arith.constant 0 : i32
      %dma_wait3A_111 = tpu.memref_slice %arg6[%dma_wait3A_108, %dma_wait3A_109, %dma_wait3A_110] : memref<4x200x64xf32, #tpu.memory_space<vmem>> -> memref<1x104x64xf32, #tpu.memory_space<vmem>>
      %dma_wait3A_112 = tpu.memref_squeeze %dma_wait3A_111 : memref<1x104x64xf32, #tpu.memory_space<vmem>> -> memref<104x64xf32, #tpu.memory_space<vmem>>
      %dma_wait3A_113 = arith.constant 0 : i32
      %dma_wait3A_114 = tpu.memref_slice %arg5[%dma_wait3A, %dma_wait3A_113] : memref<128x200xi32, #tpu.memory_space<vmem>> -> memref<1x104xi32, #tpu.memory_space<vmem>>
      %dma_wait3A_115 = tpu.memref_squeeze %dma_wait3A_114 : memref<1x104xi32, #tpu.memory_space<vmem>> -> memref<104xi32, #tpu.memory_space<vmem>>
      %dma_wait3A_116 = arith.constant 0 : i32
      %dma_wait3A_117 = arith.constant 0 : i32
      %dma_wait3A_118 = tpu.memref_slice %arg3[%dma_wait3A_116, %dma_wait3A_117] : memref<1000000x64xf32, #tpu.memory_space<hbm>> -> memref<1000000x64xf32, #tpu.memory_space<hbm>>
      tpu.wait_indirect_dma semaphore(%arg8 : memref<!tpu.dma_semaphore, #tpu.memory_space<semaphore_mem>>) src(%dma_wait3A_118 : memref<1000000x64xf32, #tpu.memory_space<hbm>>) dst(%dma_wait3A_112 : memref<104x64xf32, #tpu.memory_space<vmem>>)
      %dma_wait3A_119 = arith.constant 0 : i32
      %dma_wait3A_120 = arith.constant 0 : i32
      %dma_wait3A_121 = arith.constant 104 : i32
      %dma_wait3A_122 = arith.constant 0 : i32
      %dma_wait3A_123 = tpu.memref_slice %arg6[%dma_wait3A_120, %dma_wait3A_121, %dma_wait3A_122] : memref<4x200x64xf32, #tpu.memory_space<vmem>> -> memref<1x96x64xf32, #tpu.memory_space<vmem>>
      %dma_wait3A_124 = tpu.memref_squeeze %dma_wait3A_123 : memref<1x96x64xf32, #tpu.memory_space<vmem>> -> memref<96x64xf32, #tpu.memory_space<vmem>>
      %dma_wait3A_125 = arith.constant 104 : i32
      %dma_wait3A_126 = tpu.memref_slice %arg5[%dma_wait3A_119, %dma_wait3A_125] : memref<128x200xi32, #tpu.memory_space<vmem>> -> memref<1x96xi32, #tpu.memory_space<vmem>>
      %dma_wait3A_127 = tpu.memref_squeeze %dma_wait3A_126 : memref<1x96xi32, #tpu.memory_space<vmem>> -> memref<96xi32, #tpu.memory_space<vmem>>
      %dma_wait3A_128 = arith.constant 0 : i32
      %dma_wait3A_129 = arith.constant 0 : i32
      %dma_wait3A_130 = tpu.memref_slice %arg3[%dma_wait3A_128, %dma_wait3A_129] : memref<1000000x64xf32, #tpu.memory_space<hbm>> -> memref<1000000x64xf32, #tpu.memory_space<hbm>>
      tpu.wait_indirect_dma semaphore(%arg8 : memref<!tpu.dma_semaphore, #tpu.memory_space<semaphore_mem>>) src(%dma_wait3A_130 : memref<1000000x64xf32, #tpu.memory_space<hbm>>) dst(%dma_wait3A_124 : memref<96x64xf32, #tpu.memory_space<vmem>>)
      %broadcast_in_dim3A = arith.constant 0.000000e+00 : f32
      %broadcast_in_dim3A_131 = vector.broadcast %broadcast_in_dim3A : f32 to vector<16xf32>
      %scan3A_132 = arith.constant 0 : i32
      %scan3A_133 = arith.constant 25 : i32
      %scan3A_134 = arith.addi %scan3A_132, %scan3A_133 : i32
      %scan3A_135 = arith.constant 1 : i32
      %scan3A_136:4 = scf.for %scan3A_350 = %scan3A_132 to %scan3A_134 step %scan3A_135 iter_args(%scan3A_351 = %broadcast_in_dim3A_131, %scan3A_352 = %broadcast_in_dim3A_131, %scan3A_353 = %broadcast_in_dim3A_131, %scan3A_354 = %broadcast_in_dim3A_131) -> (vector<16xf32>, vector<16xf32>, vector<16xf32>, vector<16xf32>)  : i32 {
        %mul3A_355 = arith.constant 8 : i32
        %mul3A_356 = arith.muli %scan3A_350, %mul3A_355 : i32
        %add3A_357 = arith.constant 0 : i32
        %add3A_358 = arith.addi %mul3A_356, %add3A_357 : i32
        %get3A = arith.constant 0 : i32
        %get3A_359 = arith.index_cast %get3A : i32 to index
        %get3A_360 = arith.index_cast %add3A_358 : i32 to index
        %get3A_361 = arith.constant 0 : index
        %get3A_362 = tpu.vector_load %arg6[%get3A_359, %get3A_360, %get3A_361] {strides = array<i32>} : memref<4x200x64xf32, #tpu.memory_space<vmem>>, vector<1x1x16xf32>,
        %get3A_363 = vector.shape_cast %get3A_362 : vector<1x1x16xf32> to vector<16xf32>
        %add3A_364 = arith.constant 1 : i32
        %add3A_365 = arith.addi %mul3A_356, %add3A_364 : i32
        %get3A_366 = arith.constant 0 : i32
        %get3A_367 = arith.index_cast %get3A_366 : i32 to index
        %get3A_368 = arith.index_cast %add3A_365 : i32 to index
        %get3A_369 = arith.constant 0 : index
        %get3A_370 = tpu.vector_load %arg6[%get3A_367, %get3A_368, %get3A_369] {strides = array<i32>} : memref<4x200x64xf32, #tpu.memory_space<vmem>>, vector<1x1x16xf32>,
        %get3A_371 = vector.shape_cast %get3A_370 : vector<1x1x16xf32> to vector<16xf32>
        %add3A_372 = arith.constant 2 : i32
        %add3A_373 = arith.addi %mul3A_356, %add3A_372 : i32
        %get3A_374 = arith.constant 0 : i32
        %get3A_375 = arith.index_cast %get3A_374 : i32 to index
        %get3A_376 = arith.index_cast %add3A_373 : i32 to index
        %get3A_377 = arith.constant 0 : index
        %get3A_378 = tpu.vector_load %arg6[%get3A_375, %get3A_376, %get3A_377] {strides = array<i32>} : memref<4x200x64xf32, #tpu.memory_space<vmem>>, vector<1x1x16xf32>,
        %get3A_379 = vector.shape_cast %get3A_378 : vector<1x1x16xf32> to vector<16xf32>
        %add3A_380 = arith.constant 3 : i32
        %add3A_381 = arith.addi %mul3A_356, %add3A_380 : i32
        %get3A_382 = arith.constant 0 : i32
        %get3A_383 = arith.index_cast %get3A_382 : i32 to index
        %get3A_384 = arith.index_cast %add3A_381 : i32 to index
        %get3A_385 = arith.constant 0 : index
        %get3A_386 = tpu.vector_load %arg6[%get3A_383, %get3A_384, %get3A_385] {strides = array<i32>} : memref<4x200x64xf32, #tpu.memory_space<vmem>>, vector<1x1x16xf32>,
        %get3A_387 = vector.shape_cast %get3A_386 : vector<1x1x16xf32> to vector<16xf32>
        %add3A_388 = arith.constant 4 : i32
        %add3A_389 = arith.addi %mul3A_356, %add3A_388 : i32
        %get3A_390 = arith.constant 0 : i32
        %get3A_391 = arith.index_cast %get3A_390 : i32 to index
        %get3A_392 = arith.index_cast %add3A_389 : i32 to index
        %get3A_393 = arith.constant 0 : index
        %get3A_394 = tpu.vector_load %arg6[%get3A_391, %get3A_392, %get3A_393] {strides = array<i32>} : memref<4x200x64xf32, #tpu.memory_space<vmem>>, vector<1x1x16xf32>,
        %get3A_395 = vector.shape_cast %get3A_394 : vector<1x1x16xf32> to vector<16xf32>
        %add3A_396 = arith.constant 5 : i32
        %add3A_397 = arith.addi %mul3A_356, %add3A_396 : i32
        %get3A_398 = arith.constant 0 : i32
        %get3A_399 = arith.index_cast %get3A_398 : i32 to index
        %get3A_400 = arith.index_cast %add3A_397 : i32 to index
        %get3A_401 = arith.constant 0 : index
        %get3A_402 = tpu.vector_load %arg6[%get3A_399, %get3A_400, %get3A_401] {strides = array<i32>} : memref<4x200x64xf32, #tpu.memory_space<vmem>>, vector<1x1x16xf32>,
        %get3A_403 = vector.shape_cast %get3A_402 : vector<1x1x16xf32> to vector<16xf32>
        %add3A_404 = arith.constant 6 : i32
        %add3A_405 = arith.addi %mul3A_356, %add3A_404 : i32
        %get3A_406 = arith.constant 0 : i32
        %get3A_407 = arith.index_cast %get3A_406 : i32 to index
        %get3A_408 = arith.index_cast %add3A_405 : i32 to index
        %get3A_409 = arith.constant 0 : index
        %get3A_410 = tpu.vector_load %arg6[%get3A_407, %get3A_408, %get3A_409] {strides = array<i32>} : memref<4x200x64xf32, #tpu.memory_space<vmem>>, vector<1x1x16xf32>,
        %get3A_411 = vector.shape_cast %get3A_410 : vector<1x1x16xf32> to vector<16xf32>
        %add3A_412 = arith.constant 7 : i32
        %add3A_413 = arith.addi %mul3A_356, %add3A_412 : i32
        %get3A_414 = arith.constant 0 : i32
        %get3A_415 = arith.index_cast %get3A_414 : i32 to index
        %get3A_416 = arith.index_cast %add3A_413 : i32 to index
        %get3A_417 = arith.constant 0 : index
        %get3A_418 = tpu.vector_load %arg6[%get3A_415, %get3A_416, %get3A_417] {strides = array<i32>} : memref<4x200x64xf32, #tpu.memory_space<vmem>>, vector<1x1x16xf32>,
        %get3A_419 = vector.shape_cast %get3A_418 : vector<1x1x16xf32> to vector<16xf32>
        %add3A_420 = arith.addf %get3A_363, %get3A_371 : vector<16xf32>
        %add3A_421 = arith.addf %get3A_379, %get3A_387 : vector<16xf32>
        %add3A_422 = arith.addf %get3A_395, %get3A_403 : vector<16xf32>
        %add3A_423 = arith.addf %get3A_411, %get3A_419 : vector<16xf32>
        %add3A_424 = arith.addf %add3A_420, %add3A_421 : vector<16xf32>
        %add3A_425 = arith.addf %add3A_422, %add3A_423 : vector<16xf32>
        %add3A_426 = arith.addf %add3A_424, %add3A_425 : vector<16xf32>
        %add3A_427 = arith.addf %scan3A_351, %add3A_426 : vector<16xf32>
        %add3A_428 = arith.constant 0 : i32
        %add3A_429 = arith.addi %mul3A_356, %add3A_428 : i32
        %get3A_430 = arith.constant 0 : i32
        %get3A_431 = arith.index_cast %get3A_430 : i32 to index
        %get3A_432 = arith.index_cast %add3A_429 : i32 to index
        %get3A_433 = arith.constant 16 : index
        %get3A_434 = tpu.vector_load %arg6[%get3A_431, %get3A_432, %get3A_433] {strides = array<i32>} : memref<4x200x64xf32, #tpu.memory_space<vmem>>, vector<1x1x16xf32>,
        %get3A_435 = vector.shape_cast %get3A_434 : vector<1x1x16xf32> to vector<16xf32>
        %add3A_436 = arith.constant 1 : i32
        %add3A_437 = arith.addi %mul3A_356, %add3A_436 : i32
        %get3A_438 = arith.constant 0 : i32
        %get3A_439 = arith.index_cast %get3A_438 : i32 to index
        %get3A_440 = arith.index_cast %add3A_437 : i32 to index
        %get3A_441 = arith.constant 16 : index
        %get3A_442 = tpu.vector_load %arg6[%get3A_439, %get3A_440, %get3A_441] {strides = array<i32>} : memref<4x200x64xf32, #tpu.memory_space<vmem>>, vector<1x1x16xf32>,
        %get3A_443 = vector.shape_cast %get3A_442 : vector<1x1x16xf32> to vector<16xf32>
        %add3A_444 = arith.constant 2 : i32
        %add3A_445 = arith.addi %mul3A_356, %add3A_444 : i32
        %get3A_446 = arith.constant 0 : i32
        %get3A_447 = arith.index_cast %get3A_446 : i32 to index
        %get3A_448 = arith.index_cast %add3A_445 : i32 to index
        %get3A_449 = arith.constant 16 : index
        %get3A_450 = tpu.vector_load %arg6[%get3A_447, %get3A_448, %get3A_449] {strides = array<i32>} : memref<4x200x64xf32, #tpu.memory_space<vmem>>, vector<1x1x16xf32>,
        %get3A_451 = vector.shape_cast %get3A_450 : vector<1x1x16xf32> to vector<16xf32>
        %add3A_452 = arith.constant 3 : i32
        %add3A_453 = arith.addi %mul3A_356, %add3A_452 : i32
        %get3A_454 = arith.constant 0 : i32
        %get3A_455 = arith.index_cast %get3A_454 : i32 to index
        %get3A_456 = arith.index_cast %add3A_453 : i32 to index
        %get3A_457 = arith.constant 16 : index
        %get3A_458 = tpu.vector_load %arg6[%get3A_455, %get3A_456, %get3A_457] {strides = array<i32>} : memref<4x200x64xf32, #tpu.memory_space<vmem>>, vector<1x1x16xf32>,
        %get3A_459 = vector.shape_cast %get3A_458 : vector<1x1x16xf32> to vector<16xf32>
        %add3A_460 = arith.constant 4 : i32
        %add3A_461 = arith.addi %mul3A_356, %add3A_460 : i32
        %get3A_462 = arith.constant 0 : i32
        %get3A_463 = arith.index_cast %get3A_462 : i32 to index
        %get3A_464 = arith.index_cast %add3A_461 : i32 to index
        %get3A_465 = arith.constant 16 : index
        %get3A_466 = tpu.vector_load %arg6[%get3A_463, %get3A_464, %get3A_465] {strides = array<i32>} : memref<4x200x64xf32, #tpu.memory_space<vmem>>, vector<1x1x16xf32>,
        %get3A_467 = vector.shape_cast %get3A_466 : vector<1x1x16xf32> to vector<16xf32>
        %add3A_468 = arith.constant 5 : i32
        %add3A_469 = arith.addi %mul3A_356, %add3A_468 : i32
        %get3A_470 = arith.constant 0 : i32
        %get3A_471 = arith.index_cast %get3A_470 : i32 to index
        %get3A_472 = arith.index_cast %add3A_469 : i32 to index
        %get3A_473 = arith.constant 16 : index
        %get3A_474 = tpu.vector_load %arg6[%get3A_471, %get3A_472, %get3A_473] {strides = array<i32>} : memref<4x200x64xf32, #tpu.memory_space<vmem>>, vector<1x1x16xf32>,
        %get3A_475 = vector.shape_cast %get3A_474 : vector<1x1x16xf32> to vector<16xf32>
        %add3A_476 = arith.constant 6 : i32
        %add3A_477 = arith.addi %mul3A_356, %add3A_476 : i32
        %get3A_478 = arith.constant 0 : i32
        %get3A_479 = arith.index_cast %get3A_478 : i32 to index
        %get3A_480 = arith.index_cast %add3A_477 : i32 to index
        %get3A_481 = arith.constant 16 : index
        %get3A_482 = tpu.vector_load %arg6[%get3A_479, %get3A_480, %get3A_481] {strides = array<i32>} : memref<4x200x64xf32, #tpu.memory_space<vmem>>, vector<1x1x16xf32>,
        %get3A_483 = vector.shape_cast %get3A_482 : vector<1x1x16xf32> to vector<16xf32>
        %add3A_484 = arith.constant 7 : i32
        %add3A_485 = arith.addi %mul3A_356, %add3A_484 : i32
        %get3A_486 = arith.constant 0 : i32
        %get3A_487 = arith.index_cast %get3A_486 : i32 to index
        %get3A_488 = arith.index_cast %add3A_485 : i32 to index
        %get3A_489 = arith.constant 16 : index
        %get3A_490 = tpu.vector_load %arg6[%get3A_487, %get3A_488, %get3A_489] {strides = array<i32>} : memref<4x200x64xf32, #tpu.memory_space<vmem>>, vector<1x1x16xf32>,
        %get3A_491 = vector.shape_cast %get3A_490 : vector<1x1x16xf32> to vector<16xf32>
        %add3A_492 = arith.addf %get3A_435, %get3A_443 : vector<16xf32>
        %add3A_493 = arith.addf %get3A_451, %get3A_459 : vector<16xf32>
        %add3A_494 = arith.addf %get3A_467, %get3A_475 : vector<16xf32>
        %add3A_495 = arith.addf %get3A_483, %get3A_491 : vector<16xf32>
        %add3A_496 = arith.addf %add3A_492, %add3A_493 : vector<16xf32>
        %add3A_497 = arith.addf %add3A_494, %add3A_495 : vector<16xf32>
        %add3A_498 = arith.addf %add3A_496, %add3A_497 : vector<16xf32>
        %add3A_499 = arith.addf %scan3A_352, %add3A_498 : vector<16xf32>
        %add3A_500 = arith.constant 0 : i32
        %add3A_501 = arith.addi %mul3A_356, %add3A_500 : i32
        %get3A_502 = arith.constant 0 : i32
        %get3A_503 = arith.index_cast %get3A_502 : i32 to index
        %get3A_504 = arith.index_cast %add3A_501 : i32 to index
        %get3A_505 = arith.constant 32 : index
        %get3A_506 = tpu.vector_load %arg6[%get3A_503, %get3A_504, %get3A_505] {strides = array<i32>} : memref<4x200x64xf32, #tpu.memory_space<vmem>>, vector<1x1x16xf32>,
        %get3A_507 = vector.shape_cast %get3A_506 : vector<1x1x16xf32> to vector<16xf32>
        %add3A_508 = arith.constant 1 : i32
        %add3A_509 = arith.addi %mul3A_356, %add3A_508 : i32
        %get3A_510 = arith.constant 0 : i32
        %get3A_511 = arith.index_cast %get3A_510 : i32 to index
        %get3A_512 = arith.index_cast %add3A_509 : i32 to index
        %get3A_513 = arith.constant 32 : index
        %get3A_514 = tpu.vector_load %arg6[%get3A_511, %get3A_512, %get3A_513] {strides = array<i32>} : memref<4x200x64xf32, #tpu.memory_space<vmem>>, vector<1x1x16xf32>,
        %get3A_515 = vector.shape_cast %get3A_514 : vector<1x1x16xf32> to vector<16xf32>
        %add3A_516 = arith.constant 2 : i32
        %add3A_517 = arith.addi %mul3A_356, %add3A_516 : i32
        %get3A_518 = arith.constant 0 : i32
        %get3A_519 = arith.index_cast %get3A_518 : i32 to index
        %get3A_520 = arith.index_cast %add3A_517 : i32 to index
        %get3A_521 = arith.constant 32 : index
        %get3A_522 = tpu.vector_load %arg6[%get3A_519, %get3A_520, %get3A_521] {strides = array<i32>} : memref<4x200x64xf32, #tpu.memory_space<vmem>>, vector<1x1x16xf32>,
        %get3A_523 = vector.shape_cast %get3A_522 : vector<1x1x16xf32> to vector<16xf32>
        %add3A_524 = arith.constant 3 : i32
        %add3A_525 = arith.addi %mul3A_356, %add3A_524 : i32
        %get3A_526 = arith.constant 0 : i32
        %get3A_527 = arith.index_cast %get3A_526 : i32 to index
        %get3A_528 = arith.index_cast %add3A_525 : i32 to index
        %get3A_529 = arith.constant 32 : index
        %get3A_530 = tpu.vector_load %arg6[%get3A_527, %get3A_528, %get3A_529] {strides = array<i32>} : memref<4x200x64xf32, #tpu.memory_space<vmem>>, vector<1x1x16xf32>,
        %get3A_531 = vector.shape_cast %get3A_530 : vector<1x1x16xf32> to vector<16xf32>
        %add3A_532 = arith.constant 4 : i32
        %add3A_533 = arith.addi %mul3A_356, %add3A_532 : i32
        %get3A_534 = arith.constant 0 : i32
        %get3A_535 = arith.index_cast %get3A_534 : i32 to index
        %get3A_536 = arith.index_cast %add3A_533 : i32 to index
        %get3A_537 = arith.constant 32 : index
        %get3A_538 = tpu.vector_load %arg6[%get3A_535, %get3A_536, %get3A_537] {strides = array<i32>} : memref<4x200x64xf32, #tpu.memory_space<vmem>>, vector<1x1x16xf32>,
        %get3A_539 = vector.shape_cast %get3A_538 : vector<1x1x16xf32> to vector<16xf32>
        %add3A_540 = arith.constant 5 : i32
        %add3A_541 = arith.addi %mul3A_356, %add3A_540 : i32
        %get3A_542 = arith.constant 0 : i32
        %get3A_543 = arith.index_cast %get3A_542 : i32 to index
        %get3A_544 = arith.index_cast %add3A_541 : i32 to index
        %get3A_545 = arith.constant 32 : index
        %get3A_546 = tpu.vector_load %arg6[%get3A_543, %get3A_544, %get3A_545] {strides = array<i32>} : memref<4x200x64xf32, #tpu.memory_space<vmem>>, vector<1x1x16xf32>,
        %get3A_547 = vector.shape_cast %get3A_546 : vector<1x1x16xf32> to vector<16xf32>
        %add3A_548 = arith.constant 6 : i32
        %add3A_549 = arith.addi %mul3A_356, %add3A_548 : i32
        %get3A_550 = arith.constant 0 : i32
        %get3A_551 = arith.index_cast %get3A_550 : i32 to index
        %get3A_552 = arith.index_cast %add3A_549 : i32 to index
        %get3A_553 = arith.constant 32 : index
        %get3A_554 = tpu.vector_load %arg6[%get3A_551, %get3A_552, %get3A_553] {strides = array<i32>} : memref<4x200x64xf32, #tpu.memory_space<vmem>>, vector<1x1x16xf32>,
        %get3A_555 = vector.shape_cast %get3A_554 : vector<1x1x16xf32> to vector<16xf32>
        %add3A_556 = arith.constant 7 : i32
        %add3A_557 = arith.addi %mul3A_356, %add3A_556 : i32
        %get3A_558 = arith.constant 0 : i32
        %get3A_559 = arith.index_cast %get3A_558 : i32 to index
        %get3A_560 = arith.index_cast %add3A_557 : i32 to index
        %get3A_561 = arith.constant 32 : index
        %get3A_562 = tpu.vector_load %arg6[%get3A_559, %get3A_560, %get3A_561] {strides = array<i32>} : memref<4x200x64xf32, #tpu.memory_space<vmem>>, vector<1x1x16xf32>,
        %get3A_563 = vector.shape_cast %get3A_562 : vector<1x1x16xf32> to vector<16xf32>
        %add3A_564 = arith.addf %get3A_507, %get3A_515 : vector<16xf32>
        %add3A_565 = arith.addf %get3A_523, %get3A_531 : vector<16xf32>
        %add3A_566 = arith.addf %get3A_539, %get3A_547 : vector<16xf32>
        %add3A_567 = arith.addf %get3A_555, %get3A_563 : vector<16xf32>
        %add3A_568 = arith.addf %add3A_564, %add3A_565 : vector<16xf32>
        %add3A_569 = arith.addf %add3A_566, %add3A_567 : vector<16xf32>
        %add3A_570 = arith.addf %add3A_568, %add3A_569 : vector<16xf32>
        %add3A_571 = arith.addf %scan3A_353, %add3A_570 : vector<16xf32>
        %add3A_572 = arith.constant 0 : i32
        %add3A_573 = arith.addi %mul3A_356, %add3A_572 : i32
        %get3A_574 = arith.constant 0 : i32
        %get3A_575 = arith.index_cast %get3A_574 : i32 to index
        %get3A_576 = arith.index_cast %add3A_573 : i32 to index
        %get3A_577 = arith.constant 48 : index
        %get3A_578 = tpu.vector_load %arg6[%get3A_575, %get3A_576, %get3A_577] {strides = array<i32>} : memref<4x200x64xf32, #tpu.memory_space<vmem>>, vector<1x1x16xf32>,
        %get3A_579 = vector.shape_cast %get3A_578 : vector<1x1x16xf32> to vector<16xf32>
        %add3A_580 = arith.constant 1 : i32
        %add3A_581 = arith.addi %mul3A_356, %add3A_580 : i32
        %get3A_582 = arith.constant 0 : i32
        %get3A_583 = arith.index_cast %get3A_582 : i32 to index
        %get3A_584 = arith.index_cast %add3A_581 : i32 to index
        %get3A_585 = arith.constant 48 : index
        %get3A_586 = tpu.vector_load %arg6[%get3A_583, %get3A_584, %get3A_585] {strides = array<i32>} : memref<4x200x64xf32, #tpu.memory_space<vmem>>, vector<1x1x16xf32>,
        %get3A_587 = vector.shape_cast %get3A_586 : vector<1x1x16xf32> to vector<16xf32>
        %add3A_588 = arith.constant 2 : i32
        %add3A_589 = arith.addi %mul3A_356, %add3A_588 : i32
        %get3A_590 = arith.constant 0 : i32
        %get3A_591 = arith.index_cast %get3A_590 : i32 to index
        %get3A_592 = arith.index_cast %add3A_589 : i32 to index
        %get3A_593 = arith.constant 48 : index
        %get3A_594 = tpu.vector_load %arg6[%get3A_591, %get3A_592, %get3A_593] {strides = array<i32>} : memref<4x200x64xf32, #tpu.memory_space<vmem>>, vector<1x1x16xf32>,
        %get3A_595 = vector.shape_cast %get3A_594 : vector<1x1x16xf32> to vector<16xf32>
        %add3A_596 = arith.constant 3 : i32
        %add3A_597 = arith.addi %mul3A_356, %add3A_596 : i32
        %get3A_598 = arith.constant 0 : i32
        %get3A_599 = arith.index_cast %get3A_598 : i32 to index
        %get3A_600 = arith.index_cast %add3A_597 : i32 to index
        %get3A_601 = arith.constant 48 : index
        %get3A_602 = tpu.vector_load %arg6[%get3A_599, %get3A_600, %get3A_601] {strides = array<i32>} : memref<4x200x64xf32, #tpu.memory_space<vmem>>, vector<1x1x16xf32>,
        %get3A_603 = vector.shape_cast %get3A_602 : vector<1x1x16xf32> to vector<16xf32>
        %add3A_604 = arith.constant 4 : i32
        %add3A_605 = arith.addi %mul3A_356, %add3A_604 : i32
        %get3A_606 = arith.constant 0 : i32
        %get3A_607 = arith.index_cast %get3A_606 : i32 to index
        %get3A_608 = arith.index_cast %add3A_605 : i32 to index
        %get3A_609 = arith.constant 48 : index
        %get3A_610 = tpu.vector_load %arg6[%get3A_607, %get3A_608, %get3A_609] {strides = array<i32>} : memref<4x200x64xf32, #tpu.memory_space<vmem>>, vector<1x1x16xf32>,
        %get3A_611 = vector.shape_cast %get3A_610 : vector<1x1x16xf32> to vector<16xf32>
        %add3A_612 = arith.constant 5 : i32
        %add3A_613 = arith.addi %mul3A_356, %add3A_612 : i32
        %get3A_614 = arith.constant 0 : i32
        %get3A_615 = arith.index_cast %get3A_614 : i32 to index
        %get3A_616 = arith.index_cast %add3A_613 : i32 to index
        %get3A_617 = arith.constant 48 : index
        %get3A_618 = tpu.vector_load %arg6[%get3A_615, %get3A_616, %get3A_617] {strides = array<i32>} : memref<4x200x64xf32, #tpu.memory_space<vmem>>, vector<1x1x16xf32>,
        %get3A_619 = vector.shape_cast %get3A_618 : vector<1x1x16xf32> to vector<16xf32>
        %add3A_620 = arith.constant 6 : i32
        %add3A_621 = arith.addi %mul3A_356, %add3A_620 : i32
        %get3A_622 = arith.constant 0 : i32
        %get3A_623 = arith.index_cast %get3A_622 : i32 to index
        %get3A_624 = arith.index_cast %add3A_621 : i32 to index
        %get3A_625 = arith.constant 48 : index
        %get3A_626 = tpu.vector_load %arg6[%get3A_623, %get3A_624, %get3A_625] {strides = array<i32>} : memref<4x200x64xf32, #tpu.memory_space<vmem>>, vector<1x1x16xf32>,
        %get3A_627 = vector.shape_cast %get3A_626 : vector<1x1x16xf32> to vector<16xf32>
        %add3A_628 = arith.constant 7 : i32
        %add3A_629 = arith.addi %mul3A_356, %add3A_628 : i32
        %get3A_630 = arith.constant 0 : i32
        %get3A_631 = arith.index_cast %get3A_630 : i32 to index
        %get3A_632 = arith.index_cast %add3A_629 : i32 to index
        %get3A_633 = arith.constant 48 : index
        %get3A_634 = tpu.vector_load %arg6[%get3A_631, %get3A_632, %get3A_633] {strides = array<i32>} : memref<4x200x64xf32, #tpu.memory_space<vmem>>, vector<1x1x16xf32>,
        %get3A_635 = vector.shape_cast %get3A_634 : vector<1x1x16xf32> to vector<16xf32>
        %add3A_636 = arith.addf %get3A_579, %get3A_587 : vector<16xf32>
        %add3A_637 = arith.addf %get3A_595, %get3A_603 : vector<16xf32>
        %add3A_638 = arith.addf %get3A_611, %get3A_619 : vector<16xf32>
        %add3A_639 = arith.addf %get3A_627, %get3A_635 : vector<16xf32>
        %add3A_640 = arith.addf %add3A_636, %add3A_637 : vector<16xf32>
        %add3A_641 = arith.addf %add3A_638, %add3A_639 : vector<16xf32>
        %add3A_642 = arith.addf %add3A_640, %add3A_641 : vector<16xf32>
        %add3A_643 = arith.addf %scan3A_354, %add3A_642 : vector<16xf32>
        scf.yield %add3A_427, %add3A_499, %add3A_571, %add3A_643 : vector<16xf32>, vector<16xf32>, vector<16xf32>, vector<16xf32>
      }
      %scan3A_137 = arith.constant 25 : i32
      %swap3A = arith.index_cast %add3A_107 : i32 to index
      %swap3A_138 = arith.constant 0 : index
      %swap3A_139 = tpu.vector_load %arg7[%swap3A, %swap3A_138] {strides = array<i32>} : memref<128x64xf32, #tpu.memory_space<vmem>>, vector<1x16xf32>,
      %swap3A_140 = vector.shape_cast %swap3A_139 : vector<1x16xf32> to vector<16xf32>
      %swap3A_141 = vector.shape_cast %scan3A_136#0 : vector<16xf32> to vector<1x16xf32>
      tpu.vector_store %arg7[%swap3A, %swap3A_138], %swap3A_141 {strides = array<i32>} : memref<128x64xf32, #tpu.memory_space<vmem>>, vector<1x16xf32>,
      %swap3A_142 = arith.index_cast %add3A_107 : i32 to index
      %swap3A_143 = arith.constant 16 : index
      %swap3A_144 = tpu.vector_load %arg7[%swap3A_142, %swap3A_143] {strides = array<i32>} : memref<128x64xf32, #tpu.memory_space<vmem>>, vector<1x16xf32>,
      %swap3A_145 = vector.shape_cast %swap3A_144 : vector<1x16xf32> to vector<16xf32>
      %swap3A_146 = vector.shape_cast %scan3A_136#1 : vector<16xf32> to vector<1x16xf32>
      tpu.vector_store %arg7[%swap3A_142, %swap3A_143], %swap3A_146 {strides = array<i32>} : memref<128x64xf32, #tpu.memory_space<vmem>>, vector<1x16xf32>,
      %swap3A_147 = arith.index_cast %add3A_107 : i32 to index
      %swap3A_148 = arith.constant 32 : index
      %swap3A_149 = tpu.vector_load %arg7[%swap3A_147, %swap3A_148] {strides = array<i32>} : memref<128x64xf32, #tpu.memory_space<vmem>>, vector<1x16xf32>,
      %swap3A_150 = vector.shape_cast %swap3A_149 : vector<1x16xf32> to vector<16xf32>
      %swap3A_151 = vector.shape_cast %scan3A_136#2 : vector<16xf32> to vector<1x16xf32>
      tpu.vector_store %arg7[%swap3A_147, %swap3A_148], %swap3A_151 {strides = array<i32>} : memref<128x64xf32, #tpu.memory_space<vmem>>, vector<1x16xf32>,
      %swap3A_152 = arith.index_cast %add3A_107 : i32 to index
      %swap3A_153 = arith.constant 48 : index
      %swap3A_154 = tpu.vector_load %arg7[%swap3A_152, %swap3A_153] {strides = array<i32>} : memref<128x64xf32, #tpu.memory_space<vmem>>, vector<1x16xf32>,
      %swap3A_155 = vector.shape_cast %swap3A_154 : vector<1x16xf32> to vector<16xf32>
      %swap3A_156 = vector.shape_cast %scan3A_136#3 : vector<16xf32> to vector<1x16xf32>
      tpu.vector_store %arg7[%swap3A_152, %swap3A_153], %swap3A_156 {strides = array<i32>} : memref<128x64xf32, #tpu.memory_space<vmem>>, vector<1x16xf32>,
      %add3A_157 = arith.constant 4 : i32
      %add3A_158 = arith.addi %add3A_107, %add3A_157 : i32
      %lt3A = arith.constant 128 : i32
      %lt3A_159 = arith.cmpi slt, %add3A_158, %lt3A : i32
      %convert_element_type3A = arith.extui %lt3A_159 : i1 to i32
      %cond3A = arith.constant 0 : i32
      %cond3A_160 = arith.cmpi ne, %convert_element_type3A, %cond3A : i32
      scf.if %cond3A_160 {
        %dma_start3A_350 = arith.constant 0 : i32
        %dma_start3A_351 = arith.constant 0 : i32
        %dma_start3A_352 = arith.constant 0 : i32
        %dma_start3A_353 = tpu.memref_slice %arg6[%dma_start3A_350, %dma_start3A_351, %dma_start3A_352] : memref<4x200x64xf32, #tpu.memory_space<vmem>> -> memref<1x104x64xf32, #tpu.memory_space<vmem>>
        %dma_start3A_354 = tpu.memref_squeeze %dma_start3A_353 : memref<1x104x64xf32, #tpu.memory_space<vmem>> -> memref<104x64xf32, #tpu.memory_space<vmem>>
        %dma_start3A_355 = arith.constant 0 : i32
        %dma_start3A_356 = tpu.memref_slice %arg5[%add3A_158, %dma_start3A_355] : memref<128x200xi32, #tpu.memory_space<vmem>> -> memref<1x104xi32, #tpu.memory_space<vmem>>
        %dma_start3A_357 = tpu.memref_squeeze %dma_start3A_356 : memref<1x104xi32, #tpu.memory_space<vmem>> -> memref<104xi32, #tpu.memory_space<vmem>>
        %dma_start3A_358 = arith.constant 0 : i32
        %dma_start3A_359 = arith.constant 0 : i32
        %dma_start3A_360 = tpu.memref_slice %arg3[%dma_start3A_358, %dma_start3A_359] : memref<1000000x64xf32, #tpu.memory_space<hbm>> -> memref<1000000x64xf32, #tpu.memory_space<hbm>>
        tpu.enqueue_indirect_dma source(%dma_start3A_360 : memref<1000000x64xf32, #tpu.memory_space<hbm>>) target(%dma_start3A_354 : memref<104x64xf32, #tpu.memory_space<vmem>>) offsets(%dma_start3A_357 : memref<104xi32, #tpu.memory_space<vmem>>) semaphore(%arg8 : memref<!tpu.dma_semaphore, #tpu.memory_space<semaphore_mem>>)
        %dma_start3A_361 = arith.constant 0 : i32
        %dma_start3A_362 = arith.constant 104 : i32
        %dma_start3A_363 = arith.constant 0 : i32
        %dma_start3A_364 = tpu.memref_slice %arg6[%dma_start3A_361, %dma_start3A_362, %dma_start3A_363] : memref<4x200x64xf32, #tpu.memory_space<vmem>> -> memref<1x96x64xf32, #tpu.memory_space<vmem>>
        %dma_start3A_365 = tpu.memref_squeeze %dma_start3A_364 : memref<1x96x64xf32, #tpu.memory_space<vmem>> -> memref<96x64xf32, #tpu.memory_space<vmem>>
        %dma_start3A_366 = arith.constant 104 : i32
        %dma_start3A_367 = tpu.memref_slice %arg5[%add3A_158, %dma_start3A_366] : memref<128x200xi32, #tpu.memory_space<vmem>> -> memref<1x96xi32, #tpu.memory_space<vmem>>
        %dma_start3A_368 = tpu.memref_squeeze %dma_start3A_367 : memref<1x96xi32, #tpu.memory_space<vmem>> -> memref<96xi32, #tpu.memory_space<vmem>>
        %dma_start3A_369 = arith.constant 0 : i32
        %dma_start3A_370 = arith.constant 0 : i32
        %dma_start3A_371 = tpu.memref_slice %arg3[%dma_start3A_369, %dma_start3A_370] : memref<1000000x64xf32, #tpu.memory_space<hbm>> -> memref<1000000x64xf32, #tpu.memory_space<hbm>>
        tpu.enqueue_indirect_dma source(%dma_start3A_371 : memref<1000000x64xf32, #tpu.memory_space<hbm>>) target(%dma_start3A_365 : memref<96x64xf32, #tpu.memory_space<vmem>>) offsets(%dma_start3A_368 : memref<96xi32, #tpu.memory_space<vmem>>) semaphore(%arg8 : memref<!tpu.dma_semaphore, #tpu.memory_space<semaphore_mem>>)
      } else {
      }
      %mul3A_161 = arith.constant 4 : i32
      %mul3A_162 = arith.muli %scan3A_103, %mul3A_161 : i32
      %add3A_163 = arith.constant 1 : i32
      %add3A_164 = arith.addi %mul3A_162, %add3A_163 : i32
      %dma_wait3A_165 = arith.constant 0 : i32
      %dma_wait3A_166 = arith.constant 1 : i32
      %dma_wait3A_167 = arith.constant 0 : i32
      %dma_wait3A_168 = arith.constant 0 : i32
      %dma_wait3A_169 = tpu.memref_slice %arg6[%dma_wait3A_166, %dma_wait3A_167, %dma_wait3A_168] : memref<4x200x64xf32, #tpu.memory_space<vmem>> -> memref<1x104x64xf32, #tpu.memory_space<vmem>>
      %dma_wait3A_170 = tpu.memref_squeeze %dma_wait3A_169 : memref<1x104x64xf32, #tpu.memory_space<vmem>> -> memref<104x64xf32, #tpu.memory_space<vmem>>
      %dma_wait3A_171 = arith.constant 0 : i32
      %dma_wait3A_172 = tpu.memref_slice %arg5[%dma_wait3A_165, %dma_wait3A_171] : memref<128x200xi32, #tpu.memory_space<vmem>> -> memref<1x104xi32, #tpu.memory_space<vmem>>
      %dma_wait3A_173 = tpu.memref_squeeze %dma_wait3A_172 : memref<1x104xi32, #tpu.memory_space<vmem>> -> memref<104xi32, #tpu.memory_space<vmem>>
      %dma_wait3A_174 = arith.constant 0 : i32
      %dma_wait3A_175 = arith.constant 0 : i32
      %dma_wait3A_176 = tpu.memref_slice %arg3[%dma_wait3A_174, %dma_wait3A_175] : memref<1000000x64xf32, #tpu.memory_space<hbm>> -> memref<1000000x64xf32, #tpu.memory_space<hbm>>
      tpu.wait_indirect_dma semaphore(%arg8 : memref<!tpu.dma_semaphore, #tpu.memory_space<semaphore_mem>>) src(%dma_wait3A_176 : memref<1000000x64xf32, #tpu.memory_space<hbm>>) dst(%dma_wait3A_170 : memref<104x64xf32, #tpu.memory_space<vmem>>)
      %dma_wait3A_177 = arith.constant 0 : i32
      %dma_wait3A_178 = arith.constant 1 : i32
      %dma_wait3A_179 = arith.constant 104 : i32
      %dma_wait3A_180 = arith.constant 0 : i32
      %dma_wait3A_181 = tpu.memref_slice %arg6[%dma_wait3A_178, %dma_wait3A_179, %dma_wait3A_180] : memref<4x200x64xf32, #tpu.memory_space<vmem>> -> memref<1x96x64xf32, #tpu.memory_space<vmem>>
      %dma_wait3A_182 = tpu.memref_squeeze %dma_wait3A_181 : memref<1x96x64xf32, #tpu.memory_space<vmem>> -> memref<96x64xf32, #tpu.memory_space<vmem>>
      %dma_wait3A_183 = arith.constant 104 : i32
      %dma_wait3A_184 = tpu.memref_slice %arg5[%dma_wait3A_177, %dma_wait3A_183] : memref<128x200xi32, #tpu.memory_space<vmem>> -> memref<1x96xi32, #tpu.memory_space<vmem>>
      %dma_wait3A_185 = tpu.memref_squeeze %dma_wait3A_184 : memref<1x96xi32, #tpu.memory_space<vmem>> -> memref<96xi32, #tpu.memory_space<vmem>>
      %dma_wait3A_186 = arith.constant 0 : i32
      %dma_wait3A_187 = arith.constant 0 : i32
      %dma_wait3A_188 = tpu.memref_slice %arg3[%dma_wait3A_186, %dma_wait3A_187] : memref<1000000x64xf32, #tpu.memory_space<hbm>> -> memref<1000000x64xf32, #tpu.memory_space<hbm>>
      tpu.wait_indirect_dma semaphore(%arg8 : memref<!tpu.dma_semaphore, #tpu.memory_space<semaphore_mem>>) src(%dma_wait3A_188 : memref<1000000x64xf32, #tpu.memory_space<hbm>>) dst(%dma_wait3A_182 : memref<96x64xf32, #tpu.memory_space<vmem>>)
      %broadcast_in_dim3A_189 = arith.constant 0.000000e+00 : f32
      %broadcast_in_dim3A_190 = vector.broadcast %broadcast_in_dim3A_189 : f32 to vector<16xf32>
      %scan3A_191 = arith.constant 0 : i32
      %scan3A_192 = arith.constant 25 : i32
      %scan3A_193 = arith.addi %scan3A_191, %scan3A_192 : i32
      %scan3A_194 = arith.constant 1 : i32
      %scan3A_195:4 = scf.for %scan3A_350 = %scan3A_191 to %scan3A_193 step %scan3A_194 iter_args(%scan3A_351 = %broadcast_in_dim3A_190, %scan3A_352 = %broadcast_in_dim3A_190, %scan3A_353 = %broadcast_in_dim3A_190, %scan3A_354 = %broadcast_in_dim3A_190) -> (vector<16xf32>, vector<16xf32>, vector<16xf32>, vector<16xf32>)  : i32 {
        %mul3A_355 = arith.constant 8 : i32
        %mul3A_356 = arith.muli %scan3A_350, %mul3A_355 : i32
        %add3A_357 = arith.constant 0 : i32
        %add3A_358 = arith.addi %mul3A_356, %add3A_357 : i32
        %get3A = arith.constant 1 : i32
        %get3A_359 = arith.index_cast %get3A : i32 to index
        %get3A_360 = arith.index_cast %add3A_358 : i32 to index
        %get3A_361 = arith.constant 0 : index
        %get3A_362 = tpu.vector_load %arg6[%get3A_359, %get3A_360, %get3A_361] {strides = array<i32>} : memref<4x200x64xf32, #tpu.memory_space<vmem>>, vector<1x1x16xf32>,
        %get3A_363 = vector.shape_cast %get3A_362 : vector<1x1x16xf32> to vector<16xf32>
        %add3A_364 = arith.constant 1 : i32
        %add3A_365 = arith.addi %mul3A_356, %add3A_364 : i32
        %get3A_366 = arith.constant 1 : i32
        %get3A_367 = arith.index_cast %get3A_366 : i32 to index
        %get3A_368 = arith.index_cast %add3A_365 : i32 to index
        %get3A_369 = arith.constant 0 : index
        %get3A_370 = tpu.vector_load %arg6[%get3A_367, %get3A_368, %get3A_369] {strides = array<i32>} : memref<4x200x64xf32, #tpu.memory_space<vmem>>, vector<1x1x16xf32>,
        %get3A_371 = vector.shape_cast %get3A_370 : vector<1x1x16xf32> to vector<16xf32>
        %add3A_372 = arith.constant 2 : i32
        %add3A_373 = arith.addi %mul3A_356, %add3A_372 : i32
        %get3A_374 = arith.constant 1 : i32
        %get3A_375 = arith.index_cast %get3A_374 : i32 to index
        %get3A_376 = arith.index_cast %add3A_373 : i32 to index
        %get3A_377 = arith.constant 0 : index
        %get3A_378 = tpu.vector_load %arg6[%get3A_375, %get3A_376, %get3A_377] {strides = array<i32>} : memref<4x200x64xf32, #tpu.memory_space<vmem>>, vector<1x1x16xf32>,
        %get3A_379 = vector.shape_cast %get3A_378 : vector<1x1x16xf32> to vector<16xf32>
        %add3A_380 = arith.constant 3 : i32
        %add3A_381 = arith.addi %mul3A_356, %add3A_380 : i32
        %get3A_382 = arith.constant 1 : i32
        %get3A_383 = arith.index_cast %get3A_382 : i32 to index
        %get3A_384 = arith.index_cast %add3A_381 : i32 to index
        %get3A_385 = arith.constant 0 : index
        %get3A_386 = tpu.vector_load %arg6[%get3A_383, %get3A_384, %get3A_385] {strides = array<i32>} : memref<4x200x64xf32, #tpu.memory_space<vmem>>, vector<1x1x16xf32>,
        %get3A_387 = vector.shape_cast %get3A_386 : vector<1x1x16xf32> to vector<16xf32>
        %add3A_388 = arith.constant 4 : i32
        %add3A_389 = arith.addi %mul3A_356, %add3A_388 : i32
        %get3A_390 = arith.constant 1 : i32
        %get3A_391 = arith.index_cast %get3A_390 : i32 to index
        %get3A_392 = arith.index_cast %add3A_389 : i32 to index
        %get3A_393 = arith.constant 0 : index
        %get3A_394 = tpu.vector_load %arg6[%get3A_391, %get3A_392, %get3A_393] {strides = array<i32>} : memref<4x200x64xf32, #tpu.memory_space<vmem>>, vector<1x1x16xf32>,
        %get3A_395 = vector.shape_cast %get3A_394 : vector<1x1x16xf32> to vector<16xf32>
        %add3A_396 = arith.constant 5 : i32
        %add3A_397 = arith.addi %mul3A_356, %add3A_396 : i32
        %get3A_398 = arith.constant 1 : i32
        %get3A_399 = arith.index_cast %get3A_398 : i32 to index
        %get3A_400 = arith.index_cast %add3A_397 : i32 to index
        %get3A_401 = arith.constant 0 : index
        %get3A_402 = tpu.vector_load %arg6[%get3A_399, %get3A_400, %get3A_401] {strides = array<i32>} : memref<4x200x64xf32, #tpu.memory_space<vmem>>, vector<1x1x16xf32>,
        %get3A_403 = vector.shape_cast %get3A_402 : vector<1x1x16xf32> to vector<16xf32>
        %add3A_404 = arith.constant 6 : i32
        %add3A_405 = arith.addi %mul3A_356, %add3A_404 : i32
        %get3A_406 = arith.constant 1 : i32
        %get3A_407 = arith.index_cast %get3A_406 : i32 to index
        %get3A_408 = arith.index_cast %add3A_405 : i32 to index
        %get3A_409 = arith.constant 0 : index
        %get3A_410 = tpu.vector_load %arg6[%get3A_407, %get3A_408, %get3A_409] {strides = array<i32>} : memref<4x200x64xf32, #tpu.memory_space<vmem>>, vector<1x1x16xf32>,
        %get3A_411 = vector.shape_cast %get3A_410 : vector<1x1x16xf32> to vector<16xf32>
        %add3A_412 = arith.constant 7 : i32
        %add3A_413 = arith.addi %mul3A_356, %add3A_412 : i32
        %get3A_414 = arith.constant 1 : i32
        %get3A_415 = arith.index_cast %get3A_414 : i32 to index
        %get3A_416 = arith.index_cast %add3A_413 : i32 to index
        %get3A_417 = arith.constant 0 : index
        %get3A_418 = tpu.vector_load %arg6[%get3A_415, %get3A_416, %get3A_417] {strides = array<i32>} : memref<4x200x64xf32, #tpu.memory_space<vmem>>, vector<1x1x16xf32>,
        %get3A_419 = vector.shape_cast %get3A_418 : vector<1x1x16xf32> to vector<16xf32>
        %add3A_420 = arith.addf %get3A_363, %get3A_371 : vector<16xf32>
        %add3A_421 = arith.addf %get3A_379, %get3A_387 : vector<16xf32>
        %add3A_422 = arith.addf %get3A_395, %get3A_403 : vector<16xf32>
        %add3A_423 = arith.addf %get3A_411, %get3A_419 : vector<16xf32>
        %add3A_424 = arith.addf %add3A_420, %add3A_421 : vector<16xf32>
        %add3A_425 = arith.addf %add3A_422, %add3A_423 : vector<16xf32>
        %add3A_426 = arith.addf %add3A_424, %add3A_425 : vector<16xf32>
        %add3A_427 = arith.addf %scan3A_351, %add3A_426 : vector<16xf32>
        %add3A_428 = arith.constant 0 : i32
        %add3A_429 = arith.addi %mul3A_356, %add3A_428 : i32
        %get3A_430 = arith.constant 1 : i32
        %get3A_431 = arith.index_cast %get3A_430 : i32 to index
        %get3A_432 = arith.index_cast %add3A_429 : i32 to index
        %get3A_433 = arith.constant 16 : index
        %get3A_434 = tpu.vector_load %arg6[%get3A_431, %get3A_432, %get3A_433] {strides = array<i32>} : memref<4x200x64xf32, #tpu.memory_space<vmem>>, vector<1x1x16xf32>,
        %get3A_435 = vector.shape_cast %get3A_434 : vector<1x1x16xf32> to vector<16xf32>
        %add3A_436 = arith.constant 1 : i32
        %add3A_437 = arith.addi %mul3A_356, %add3A_436 : i32
        %get3A_438 = arith.constant 1 : i32
        %get3A_439 = arith.index_cast %get3A_438 : i32 to index
        %get3A_440 = arith.index_cast %add3A_437 : i32 to index
        %get3A_441 = arith.constant 16 : index
        %get3A_442 = tpu.vector_load %arg6[%get3A_439, %get3A_440, %get3A_441] {strides = array<i32>} : memref<4x200x64xf32, #tpu.memory_space<vmem>>, vector<1x1x16xf32>,
        %get3A_443 = vector.shape_cast %get3A_442 : vector<1x1x16xf32> to vector<16xf32>
        %add3A_444 = arith.constant 2 : i32
        %add3A_445 = arith.addi %mul3A_356, %add3A_444 : i32
        %get3A_446 = arith.constant 1 : i32
        %get3A_447 = arith.index_cast %get3A_446 : i32 to index
        %get3A_448 = arith.index_cast %add3A_445 : i32 to index
        %get3A_449 = arith.constant 16 : index
        %get3A_450 = tpu.vector_load %arg6[%get3A_447, %get3A_448, %get3A_449] {strides = array<i32>} : memref<4x200x64xf32, #tpu.memory_space<vmem>>, vector<1x1x16xf32>,
        %get3A_451 = vector.shape_cast %get3A_450 : vector<1x1x16xf32> to vector<16xf32>
        %add3A_452 = arith.constant 3 : i32
        %add3A_453 = arith.addi %mul3A_356, %add3A_452 : i32
        %get3A_454 = arith.constant 1 : i32
        %get3A_455 = arith.index_cast %get3A_454 : i32 to index
        %get3A_456 = arith.index_cast %add3A_453 : i32 to index
        %get3A_457 = arith.constant 16 : index
        %get3A_458 = tpu.vector_load %arg6[%get3A_455, %get3A_456, %get3A_457] {strides = array<i32>} : memref<4x200x64xf32, #tpu.memory_space<vmem>>, vector<1x1x16xf32>,
        %get3A_459 = vector.shape_cast %get3A_458 : vector<1x1x16xf32> to vector<16xf32>
        %add3A_460 = arith.constant 4 : i32
        %add3A_461 = arith.addi %mul3A_356, %add3A_460 : i32
        %get3A_462 = arith.constant 1 : i32
        %get3A_463 = arith.index_cast %get3A_462 : i32 to index
        %get3A_464 = arith.index_cast %add3A_461 : i32 to index
        %get3A_465 = arith.constant 16 : index
        %get3A_466 = tpu.vector_load %arg6[%get3A_463, %get3A_464, %get3A_465] {strides = array<i32>} : memref<4x200x64xf32, #tpu.memory_space<vmem>>, vector<1x1x16xf32>,
        %get3A_467 = vector.shape_cast %get3A_466 : vector<1x1x16xf32> to vector<16xf32>
        %add3A_468 = arith.constant 5 : i32
        %add3A_469 = arith.addi %mul3A_356, %add3A_468 : i32
        %get3A_470 = arith.constant 1 : i32
        %get3A_471 = arith.index_cast %get3A_470 : i32 to index
        %get3A_472 = arith.index_cast %add3A_469 : i32 to index
        %get3A_473 = arith.constant 16 : index
        %get3A_474 = tpu.vector_load %arg6[%get3A_471, %get3A_472, %get3A_473] {strides = array<i32>} : memref<4x200x64xf32, #tpu.memory_space<vmem>>, vector<1x1x16xf32>,
        %get3A_475 = vector.shape_cast %get3A_474 : vector<1x1x16xf32> to vector<16xf32>
        %add3A_476 = arith.constant 6 : i32
        %add3A_477 = arith.addi %mul3A_356, %add3A_476 : i32
        %get3A_478 = arith.constant 1 : i32
        %get3A_479 = arith.index_cast %get3A_478 : i32 to index
        %get3A_480 = arith.index_cast %add3A_477 : i32 to index
        %get3A_481 = arith.constant 16 : index
        %get3A_482 = tpu.vector_load %arg6[%get3A_479, %get3A_480, %get3A_481] {strides = array<i32>} : memref<4x200x64xf32, #tpu.memory_space<vmem>>, vector<1x1x16xf32>,
        %get3A_483 = vector.shape_cast %get3A_482 : vector<1x1x16xf32> to vector<16xf32>
        %add3A_484 = arith.constant 7 : i32
        %add3A_485 = arith.addi %mul3A_356, %add3A_484 : i32
        %get3A_486 = arith.constant 1 : i32
        %get3A_487 = arith.index_cast %get3A_486 : i32 to index
        %get3A_488 = arith.index_cast %add3A_485 : i32 to index
        %get3A_489 = arith.constant 16 : index
        %get3A_490 = tpu.vector_load %arg6[%get3A_487, %get3A_488, %get3A_489] {strides = array<i32>} : memref<4x200x64xf32, #tpu.memory_space<vmem>>, vector<1x1x16xf32>,
        %get3A_491 = vector.shape_cast %get3A_490 : vector<1x1x16xf32> to vector<16xf32>
        %add3A_492 = arith.addf %get3A_435, %get3A_443 : vector<16xf32>
        %add3A_493 = arith.addf %get3A_451, %get3A_459 : vector<16xf32>
        %add3A_494 = arith.addf %get3A_467, %get3A_475 : vector<16xf32>
        %add3A_495 = arith.addf %get3A_483, %get3A_491 : vector<16xf32>
        %add3A_496 = arith.addf %add3A_492, %add3A_493 : vector<16xf32>
        %add3A_497 = arith.addf %add3A_494, %add3A_495 : vector<16xf32>
        %add3A_498 = arith.addf %add3A_496, %add3A_497 : vector<16xf32>
        %add3A_499 = arith.addf %scan3A_352, %add3A_498 : vector<16xf32>
        %add3A_500 = arith.constant 0 : i32
        %add3A_501 = arith.addi %mul3A_356, %add3A_500 : i32
        %get3A_502 = arith.constant 1 : i32
        %get3A_503 = arith.index_cast %get3A_502 : i32 to index
        %get3A_504 = arith.index_cast %add3A_501 : i32 to index
        %get3A_505 = arith.constant 32 : index
        %get3A_506 = tpu.vector_load %arg6[%get3A_503, %get3A_504, %get3A_505] {strides = array<i32>} : memref<4x200x64xf32, #tpu.memory_space<vmem>>, vector<1x1x16xf32>,
        %get3A_507 = vector.shape_cast %get3A_506 : vector<1x1x16xf32> to vector<16xf32>
        %add3A_508 = arith.constant 1 : i32
        %add3A_509 = arith.addi %mul3A_356, %add3A_508 : i32
        %get3A_510 = arith.constant 1 : i32
        %get3A_511 = arith.index_cast %get3A_510 : i32 to index
        %get3A_512 = arith.index_cast %add3A_509 : i32 to index
        %get3A_513 = arith.constant 32 : index
        %get3A_514 = tpu.vector_load %arg6[%get3A_511, %get3A_512, %get3A_513] {strides = array<i32>} : memref<4x200x64xf32, #tpu.memory_space<vmem>>, vector<1x1x16xf32>,
        %get3A_515 = vector.shape_cast %get3A_514 : vector<1x1x16xf32> to vector<16xf32>
        %add3A_516 = arith.constant 2 : i32
        %add3A_517 = arith.addi %mul3A_356, %add3A_516 : i32
        %get3A_518 = arith.constant 1 : i32
        %get3A_519 = arith.index_cast %get3A_518 : i32 to index
        %get3A_520 = arith.index_cast %add3A_517 : i32 to index
        %get3A_521 = arith.constant 32 : index
        %get3A_522 = tpu.vector_load %arg6[%get3A_519, %get3A_520, %get3A_521] {strides = array<i32>} : memref<4x200x64xf32, #tpu.memory_space<vmem>>, vector<1x1x16xf32>,
        %get3A_523 = vector.shape_cast %get3A_522 : vector<1x1x16xf32> to vector<16xf32>
        %add3A_524 = arith.constant 3 : i32
        %add3A_525 = arith.addi %mul3A_356, %add3A_524 : i32
        %get3A_526 = arith.constant 1 : i32
        %get3A_527 = arith.index_cast %get3A_526 : i32 to index
        %get3A_528 = arith.index_cast %add3A_525 : i32 to index
        %get3A_529 = arith.constant 32 : index
        %get3A_530 = tpu.vector_load %arg6[%get3A_527, %get3A_528, %get3A_529] {strides = array<i32>} : memref<4x200x64xf32, #tpu.memory_space<vmem>>, vector<1x1x16xf32>,
        %get3A_531 = vector.shape_cast %get3A_530 : vector<1x1x16xf32> to vector<16xf32>
        %add3A_532 = arith.constant 4 : i32
        %add3A_533 = arith.addi %mul3A_356, %add3A_532 : i32
        %get3A_534 = arith.constant 1 : i32
        %get3A_535 = arith.index_cast %get3A_534 : i32 to index
        %get3A_536 = arith.index_cast %add3A_533 : i32 to index
        %get3A_537 = arith.constant 32 : index
        %get3A_538 = tpu.vector_load %arg6[%get3A_535, %get3A_536, %get3A_537] {strides = array<i32>} : memref<4x200x64xf32, #tpu.memory_space<vmem>>, vector<1x1x16xf32>,
        %get3A_539 = vector.shape_cast %get3A_538 : vector<1x1x16xf32> to vector<16xf32>
        %add3A_540 = arith.constant 5 : i32
        %add3A_541 = arith.addi %mul3A_356, %add3A_540 : i32
        %get3A_542 = arith.constant 1 : i32
        %get3A_543 = arith.index_cast %get3A_542 : i32 to index
        %get3A_544 = arith.index_cast %add3A_541 : i32 to index
        %get3A_545 = arith.constant 32 : index
        %get3A_546 = tpu.vector_load %arg6[%get3A_543, %get3A_544, %get3A_545] {strides = array<i32>} : memref<4x200x64xf32, #tpu.memory_space<vmem>>, vector<1x1x16xf32>,
        %get3A_547 = vector.shape_cast %get3A_546 : vector<1x1x16xf32> to vector<16xf32>
        %add3A_548 = arith.constant 6 : i32
        %add3A_549 = arith.addi %mul3A_356, %add3A_548 : i32
        %get3A_550 = arith.constant 1 : i32
        %get3A_551 = arith.index_cast %get3A_550 : i32 to index
        %get3A_552 = arith.index_cast %add3A_549 : i32 to index
        %get3A_553 = arith.constant 32 : index
        %get3A_554 = tpu.vector_load %arg6[%get3A_551, %get3A_552, %get3A_553] {strides = array<i32>} : memref<4x200x64xf32, #tpu.memory_space<vmem>>, vector<1x1x16xf32>,
        %get3A_555 = vector.shape_cast %get3A_554 : vector<1x1x16xf32> to vector<16xf32>
        %add3A_556 = arith.constant 7 : i32
        %add3A_557 = arith.addi %mul3A_356, %add3A_556 : i32
        %get3A_558 = arith.constant 1 : i32
        %get3A_559 = arith.index_cast %get3A_558 : i32 to index
        %get3A_560 = arith.index_cast %add3A_557 : i32 to index
        %get3A_561 = arith.constant 32 : index
        %get3A_562 = tpu.vector_load %arg6[%get3A_559, %get3A_560, %get3A_561] {strides = array<i32>} : memref<4x200x64xf32, #tpu.memory_space<vmem>>, vector<1x1x16xf32>,
        %get3A_563 = vector.shape_cast %get3A_562 : vector<1x1x16xf32> to vector<16xf32>
        %add3A_564 = arith.addf %get3A_507, %get3A_515 : vector<16xf32>
        %add3A_565 = arith.addf %get3A_523, %get3A_531 : vector<16xf32>
        %add3A_566 = arith.addf %get3A_539, %get3A_547 : vector<16xf32>
        %add3A_567 = arith.addf %get3A_555, %get3A_563 : vector<16xf32>
        %add3A_568 = arith.addf %add3A_564, %add3A_565 : vector<16xf32>
        %add3A_569 = arith.addf %add3A_566, %add3A_567 : vector<16xf32>
        %add3A_570 = arith.addf %add3A_568, %add3A_569 : vector<16xf32>
        %add3A_571 = arith.addf %scan3A_353, %add3A_570 : vector<16xf32>
        %add3A_572 = arith.constant 0 : i32
        %add3A_573 = arith.addi %mul3A_356, %add3A_572 : i32
        %get3A_574 = arith.constant 1 : i32
        %get3A_575 = arith.index_cast %get3A_574 : i32 to index
        %get3A_576 = arith.index_cast %add3A_573 : i32 to index
        %get3A_577 = arith.constant 48 : index
        %get3A_578 = tpu.vector_load %arg6[%get3A_575, %get3A_576, %get3A_577] {strides = array<i32>} : memref<4x200x64xf32, #tpu.memory_space<vmem>>, vector<1x1x16xf32>,
        %get3A_579 = vector.shape_cast %get3A_578 : vector<1x1x16xf32> to vector<16xf32>
        %add3A_580 = arith.constant 1 : i32
        %add3A_581 = arith.addi %mul3A_356, %add3A_580 : i32
        %get3A_582 = arith.constant 1 : i32
        %get3A_583 = arith.index_cast %get3A_582 : i32 to index
        %get3A_584 = arith.index_cast %add3A_581 : i32 to index
        %get3A_585 = arith.constant 48 : index
        %get3A_586 = tpu.vector_load %arg6[%get3A_583, %get3A_584, %get3A_585] {strides = array<i32>} : memref<4x200x64xf32, #tpu.memory_space<vmem>>, vector<1x1x16xf32>,
        %get3A_587 = vector.shape_cast %get3A_586 : vector<1x1x16xf32> to vector<16xf32>
        %add3A_588 = arith.constant 2 : i32
        %add3A_589 = arith.addi %mul3A_356, %add3A_588 : i32
        %get3A_590 = arith.constant 1 : i32
        %get3A_591 = arith.index_cast %get3A_590 : i32 to index
        %get3A_592 = arith.index_cast %add3A_589 : i32 to index
        %get3A_593 = arith.constant 48 : index
        %get3A_594 = tpu.vector_load %arg6[%get3A_591, %get3A_592, %get3A_593] {strides = array<i32>} : memref<4x200x64xf32, #tpu.memory_space<vmem>>, vector<1x1x16xf32>,
        %get3A_595 = vector.shape_cast %get3A_594 : vector<1x1x16xf32> to vector<16xf32>
        %add3A_596 = arith.constant 3 : i32
        %add3A_597 = arith.addi %mul3A_356, %add3A_596 : i32
        %get3A_598 = arith.constant 1 : i32
        %get3A_599 = arith.index_cast %get3A_598 : i32 to index
        %get3A_600 = arith.index_cast %add3A_597 : i32 to index
        %get3A_601 = arith.constant 48 : index
        %get3A_602 = tpu.vector_load %arg6[%get3A_599, %get3A_600, %get3A_601] {strides = array<i32>} : memref<4x200x64xf32, #tpu.memory_space<vmem>>, vector<1x1x16xf32>,
        %get3A_603 = vector.shape_cast %get3A_602 : vector<1x1x16xf32> to vector<16xf32>
        %add3A_604 = arith.constant 4 : i32
        %add3A_605 = arith.addi %mul3A_356, %add3A_604 : i32
        %get3A_606 = arith.constant 1 : i32
        %get3A_607 = arith.index_cast %get3A_606 : i32 to index
        %get3A_608 = arith.index_cast %add3A_605 : i32 to index
        %get3A_609 = arith.constant 48 : index
        %get3A_610 = tpu.vector_load %arg6[%get3A_607, %get3A_608, %get3A_609] {strides = array<i32>} : memref<4x200x64xf32, #tpu.memory_space<vmem>>, vector<1x1x16xf32>,
        %get3A_611 = vector.shape_cast %get3A_610 : vector<1x1x16xf32> to vector<16xf32>
        %add3A_612 = arith.constant 5 : i32
        %add3A_613 = arith.addi %mul3A_356, %add3A_612 : i32
        %get3A_614 = arith.constant 1 : i32
        %get3A_615 = arith.index_cast %get3A_614 : i32 to index
        %get3A_616 = arith.index_cast %add3A_613 : i32 to index
        %get3A_617 = arith.constant 48 : index
        %get3A_618 = tpu.vector_load %arg6[%get3A_615, %get3A_616, %get3A_617] {strides = array<i32>} : memref<4x200x64xf32, #tpu.memory_space<vmem>>, vector<1x1x16xf32>,
        %get3A_619 = vector.shape_cast %get3A_618 : vector<1x1x16xf32> to vector<16xf32>
        %add3A_620 = arith.constant 6 : i32
        %add3A_621 = arith.addi %mul3A_356, %add3A_620 : i32
        %get3A_622 = arith.constant 1 : i32
        %get3A_623 = arith.index_cast %get3A_622 : i32 to index
        %get3A_624 = arith.index_cast %add3A_621 : i32 to index
        %get3A_625 = arith.constant 48 : index
        %get3A_626 = tpu.vector_load %arg6[%get3A_623, %get3A_624, %get3A_625] {strides = array<i32>} : memref<4x200x64xf32, #tpu.memory_space<vmem>>, vector<1x1x16xf32>,
        %get3A_627 = vector.shape_cast %get3A_626 : vector<1x1x16xf32> to vector<16xf32>
        %add3A_628 = arith.constant 7 : i32
        %add3A_629 = arith.addi %mul3A_356, %add3A_628 : i32
        %get3A_630 = arith.constant 1 : i32
        %get3A_631 = arith.index_cast %get3A_630 : i32 to index
        %get3A_632 = arith.index_cast %add3A_629 : i32 to index
        %get3A_633 = arith.constant 48 : index
        %get3A_634 = tpu.vector_load %arg6[%get3A_631, %get3A_632, %get3A_633] {strides = array<i32>} : memref<4x200x64xf32, #tpu.memory_space<vmem>>, vector<1x1x16xf32>,
        %get3A_635 = vector.shape_cast %get3A_634 : vector<1x1x16xf32> to vector<16xf32>
        %add3A_636 = arith.addf %get3A_579, %get3A_587 : vector<16xf32>
        %add3A_637 = arith.addf %get3A_595, %get3A_603 : vector<16xf32>
        %add3A_638 = arith.addf %get3A_611, %get3A_619 : vector<16xf32>
        %add3A_639 = arith.addf %get3A_627, %get3A_635 : vector<16xf32>
        %add3A_640 = arith.addf %add3A_636, %add3A_637 : vector<16xf32>
        %add3A_641 = arith.addf %add3A_638, %add3A_639 : vector<16xf32>
        %add3A_642 = arith.addf %add3A_640, %add3A_641 : vector<16xf32>
        %add3A_643 = arith.addf %scan3A_354, %add3A_642 : vector<16xf32>
        scf.yield %add3A_427, %add3A_499, %add3A_571, %add3A_643 : vector<16xf32>, vector<16xf32>, vector<16xf32>, vector<16xf32>
      }
      %scan3A_196 = arith.constant 25 : i32
      %swap3A_197 = arith.index_cast %add3A_164 : i32 to index
      %swap3A_198 = arith.constant 0 : index
      %swap3A_199 = tpu.vector_load %arg7[%swap3A_197, %swap3A_198] {strides = array<i32>} : memref<128x64xf32, #tpu.memory_space<vmem>>, vector<1x16xf32>,
      %swap3A_200 = vector.shape_cast %swap3A_199 : vector<1x16xf32> to vector<16xf32>
      %swap3A_201 = vector.shape_cast %scan3A_195#0 : vector<16xf32> to vector<1x16xf32>
      tpu.vector_store %arg7[%swap3A_197, %swap3A_198], %swap3A_201 {strides = array<i32>} : memref<128x64xf32, #tpu.memory_space<vmem>>, vector<1x16xf32>,
      %swap3A_202 = arith.index_cast %add3A_164 : i32 to index
      %swap3A_203 = arith.constant 16 : index
      %swap3A_204 = tpu.vector_load %arg7[%swap3A_202, %swap3A_203] {strides = array<i32>} : memref<128x64xf32, #tpu.memory_space<vmem>>, vector<1x16xf32>,
      %swap3A_205 = vector.shape_cast %swap3A_204 : vector<1x16xf32> to vector<16xf32>
      %swap3A_206 = vector.shape_cast %scan3A_195#1 : vector<16xf32> to vector<1x16xf32>
      tpu.vector_store %arg7[%swap3A_202, %swap3A_203], %swap3A_206 {strides = array<i32>} : memref<128x64xf32, #tpu.memory_space<vmem>>, vector<1x16xf32>,
      %swap3A_207 = arith.index_cast %add3A_164 : i32 to index
      %swap3A_208 = arith.constant 32 : index
      %swap3A_209 = tpu.vector_load %arg7[%swap3A_207, %swap3A_208] {strides = array<i32>} : memref<128x64xf32, #tpu.memory_space<vmem>>, vector<1x16xf32>,
      %swap3A_210 = vector.shape_cast %swap3A_209 : vector<1x16xf32> to vector<16xf32>
      %swap3A_211 = vector.shape_cast %scan3A_195#2 : vector<16xf32> to vector<1x16xf32>
      tpu.vector_store %arg7[%swap3A_207, %swap3A_208], %swap3A_211 {strides = array<i32>} : memref<128x64xf32, #tpu.memory_space<vmem>>, vector<1x16xf32>,
      %swap3A_212 = arith.index_cast %add3A_164 : i32 to index
      %swap3A_213 = arith.constant 48 : index
      %swap3A_214 = tpu.vector_load %arg7[%swap3A_212, %swap3A_213] {strides = array<i32>} : memref<128x64xf32, #tpu.memory_space<vmem>>, vector<1x16xf32>,
      %swap3A_215 = vector.shape_cast %swap3A_214 : vector<1x16xf32> to vector<16xf32>
      %swap3A_216 = vector.shape_cast %scan3A_195#3 : vector<16xf32> to vector<1x16xf32>
      tpu.vector_store %arg7[%swap3A_212, %swap3A_213], %swap3A_216 {strides = array<i32>} : memref<128x64xf32, #tpu.memory_space<vmem>>, vector<1x16xf32>,
      %add3A_217 = arith.constant 4 : i32
      %add3A_218 = arith.addi %add3A_164, %add3A_217 : i32
      %lt3A_219 = arith.constant 128 : i32
      %lt3A_220 = arith.cmpi slt, %add3A_218, %lt3A_219 : i32
      %convert_element_type3A_221 = arith.extui %lt3A_220 : i1 to i32
      %cond3A_222 = arith.constant 0 : i32
      %cond3A_223 = arith.cmpi ne, %convert_element_type3A_221, %cond3A_222 : i32
      scf.if %cond3A_223 {
        %dma_start3A_350 = arith.constant 1 : i32
        %dma_start3A_351 = arith.constant 0 : i32
        %dma_start3A_352 = arith.constant 0 : i32
        %dma_start3A_353 = tpu.memref_slice %arg6[%dma_start3A_350, %dma_start3A_351, %dma_start3A_352] : memref<4x200x64xf32, #tpu.memory_space<vmem>> -> memref<1x104x64xf32, #tpu.memory_space<vmem>>
        %dma_start3A_354 = tpu.memref_squeeze %dma_start3A_353 : memref<1x104x64xf32, #tpu.memory_space<vmem>> -> memref<104x64xf32, #tpu.memory_space<vmem>>
        %dma_start3A_355 = arith.constant 0 : i32
        %dma_start3A_356 = tpu.memref_slice %arg5[%add3A_218, %dma_start3A_355] : memref<128x200xi32, #tpu.memory_space<vmem>> -> memref<1x104xi32, #tpu.memory_space<vmem>>
        %dma_start3A_357 = tpu.memref_squeeze %dma_start3A_356 : memref<1x104xi32, #tpu.memory_space<vmem>> -> memref<104xi32, #tpu.memory_space<vmem>>
        %dma_start3A_358 = arith.constant 0 : i32
        %dma_start3A_359 = arith.constant 0 : i32
        %dma_start3A_360 = tpu.memref_slice %arg3[%dma_start3A_358, %dma_start3A_359] : memref<1000000x64xf32, #tpu.memory_space<hbm>> -> memref<1000000x64xf32, #tpu.memory_space<hbm>>
        tpu.enqueue_indirect_dma source(%dma_start3A_360 : memref<1000000x64xf32, #tpu.memory_space<hbm>>) target(%dma_start3A_354 : memref<104x64xf32, #tpu.memory_space<vmem>>) offsets(%dma_start3A_357 : memref<104xi32, #tpu.memory_space<vmem>>) semaphore(%arg8 : memref<!tpu.dma_semaphore, #tpu.memory_space<semaphore_mem>>)
        %dma_start3A_361 = arith.constant 1 : i32
        %dma_start3A_362 = arith.constant 104 : i32
        %dma_start3A_363 = arith.constant 0 : i32
        %dma_start3A_364 = tpu.memref_slice %arg6[%dma_start3A_361, %dma_start3A_362, %dma_start3A_363] : memref<4x200x64xf32, #tpu.memory_space<vmem>> -> memref<1x96x64xf32, #tpu.memory_space<vmem>>
        %dma_start3A_365 = tpu.memref_squeeze %dma_start3A_364 : memref<1x96x64xf32, #tpu.memory_space<vmem>> -> memref<96x64xf32, #tpu.memory_space<vmem>>
        %dma_start3A_366 = arith.constant 104 : i32
        %dma_start3A_367 = tpu.memref_slice %arg5[%add3A_218, %dma_start3A_366] : memref<128x200xi32, #tpu.memory_space<vmem>> -> memref<1x96xi32, #tpu.memory_space<vmem>>
        %dma_start3A_368 = tpu.memref_squeeze %dma_start3A_367 : memref<1x96xi32, #tpu.memory_space<vmem>> -> memref<96xi32, #tpu.memory_space<vmem>>
        %dma_start3A_369 = arith.constant 0 : i32
        %dma_start3A_370 = arith.constant 0 : i32
        %dma_start3A_371 = tpu.memref_slice %arg3[%dma_start3A_369, %dma_start3A_370] : memref<1000000x64xf32, #tpu.memory_space<hbm>> -> memref<1000000x64xf32, #tpu.memory_space<hbm>>
        tpu.enqueue_indirect_dma source(%dma_start3A_371 : memref<1000000x64xf32, #tpu.memory_space<hbm>>) target(%dma_start3A_365 : memref<96x64xf32, #tpu.memory_space<vmem>>) offsets(%dma_start3A_368 : memref<96xi32, #tpu.memory_space<vmem>>) semaphore(%arg8 : memref<!tpu.dma_semaphore, #tpu.memory_space<semaphore_mem>>)
      } else {
      }
      %mul3A_224 = arith.constant 4 : i32
      %mul3A_225 = arith.muli %scan3A_103, %mul3A_224 : i32
      %add3A_226 = arith.constant 2 : i32
      %add3A_227 = arith.addi %mul3A_225, %add3A_226 : i32
      %dma_wait3A_228 = arith.constant 0 : i32
      %dma_wait3A_229 = arith.constant 2 : i32
      %dma_wait3A_230 = arith.constant 0 : i32
      %dma_wait3A_231 = arith.constant 0 : i32
      %dma_wait3A_232 = tpu.memref_slice %arg6[%dma_wait3A_229, %dma_wait3A_230, %dma_wait3A_231] : memref<4x200x64xf32, #tpu.memory_space<vmem>> -> memref<1x104x64xf32, #tpu.memory_space<vmem>>
      %dma_wait3A_233 = tpu.memref_squeeze %dma_wait3A_232 : memref<1x104x64xf32, #tpu.memory_space<vmem>> -> memref<104x64xf32, #tpu.memory_space<vmem>>
      %dma_wait3A_234 = arith.constant 0 : i32
      %dma_wait3A_235 = tpu.memref_slice %arg5[%dma_wait3A_228, %dma_wait3A_234] : memref<128x200xi32, #tpu.memory_space<vmem>> -> memref<1x104xi32, #tpu.memory_space<vmem>>
      %dma_wait3A_236 = tpu.memref_squeeze %dma_wait3A_235 : memref<1x104xi32, #tpu.memory_space<vmem>> -> memref<104xi32, #tpu.memory_space<vmem>>
      %dma_wait3A_237 = arith.constant 0 : i32
      %dma_wait3A_238 = arith.constant 0 : i32
      %dma_wait3A_239 = tpu.memref_slice %arg3[%dma_wait3A_237, %dma_wait3A_238] : memref<1000000x64xf32, #tpu.memory_space<hbm>> -> memref<1000000x64xf32, #tpu.memory_space<hbm>>
      tpu.wait_indirect_dma semaphore(%arg8 : memref<!tpu.dma_semaphore, #tpu.memory_space<semaphore_mem>>) src(%dma_wait3A_239 : memref<1000000x64xf32, #tpu.memory_space<hbm>>) dst(%dma_wait3A_233 : memref<104x64xf32, #tpu.memory_space<vmem>>)
      %dma_wait3A_240 = arith.constant 0 : i32
      %dma_wait3A_241 = arith.constant 2 : i32
      %dma_wait3A_242 = arith.constant 104 : i32
      %dma_wait3A_243 = arith.constant 0 : i32
      %dma_wait3A_244 = tpu.memref_slice %arg6[%dma_wait3A_241, %dma_wait3A_242, %dma_wait3A_243] : memref<4x200x64xf32, #tpu.memory_space<vmem>> -> memref<1x96x64xf32, #tpu.memory_space<vmem>>
      %dma_wait3A_245 = tpu.memref_squeeze %dma_wait3A_244 : memref<1x96x64xf32, #tpu.memory_space<vmem>> -> memref<96x64xf32, #tpu.memory_space<vmem>>
      %dma_wait3A_246 = arith.constant 104 : i32
      %dma_wait3A_247 = tpu.memref_slice %arg5[%dma_wait3A_240, %dma_wait3A_246] : memref<128x200xi32, #tpu.memory_space<vmem>> -> memref<1x96xi32, #tpu.memory_space<vmem>>
      %dma_wait3A_248 = tpu.memref_squeeze %dma_wait3A_247 : memref<1x96xi32, #tpu.memory_space<vmem>> -> memref<96xi32, #tpu.memory_space<vmem>>
      %dma_wait3A_249 = arith.constant 0 : i32
      %dma_wait3A_250 = arith.constant 0 : i32
      %dma_wait3A_251 = tpu.memref_slice %arg3[%dma_wait3A_249, %dma_wait3A_250] : memref<1000000x64xf32, #tpu.memory_space<hbm>> -> memref<1000000x64xf32, #tpu.memory_space<hbm>>
      tpu.wait_indirect_dma semaphore(%arg8 : memref<!tpu.dma_semaphore, #tpu.memory_space<semaphore_mem>>) src(%dma_wait3A_251 : memref<1000000x64xf32, #tpu.memory_space<hbm>>) dst(%dma_wait3A_245 : memref<96x64xf32, #tpu.memory_space<vmem>>)
      %broadcast_in_dim3A_252 = arith.constant 0.000000e+00 : f32
      %broadcast_in_dim3A_253 = vector.broadcast %broadcast_in_dim3A_252 : f32 to vector<16xf32>
      %scan3A_254 = arith.constant 0 : i32
      %scan3A_255 = arith.constant 25 : i32
      %scan3A_256 = arith.addi %scan3A_254, %scan3A_255 : i32
      %scan3A_257 = arith.constant 1 : i32
      %scan3A_258:4 = scf.for %scan3A_350 = %scan3A_254 to %scan3A_256 step %scan3A_257 iter_args(%scan3A_351 = %broadcast_in_dim3A_253, %scan3A_352 = %broadcast_in_dim3A_253, %scan3A_353 = %broadcast_in_dim3A_253, %scan3A_354 = %broadcast_in_dim3A_253) -> (vector<16xf32>, vector<16xf32>, vector<16xf32>, vector<16xf32>)  : i32 {
        %mul3A_355 = arith.constant 8 : i32
        %mul3A_356 = arith.muli %scan3A_350, %mul3A_355 : i32
        %add3A_357 = arith.constant 0 : i32
        %add3A_358 = arith.addi %mul3A_356, %add3A_357 : i32
        %get3A = arith.constant 2 : i32
        %get3A_359 = arith.index_cast %get3A : i32 to index
        %get3A_360 = arith.index_cast %add3A_358 : i32 to index
        %get3A_361 = arith.constant 0 : index
        %get3A_362 = tpu.vector_load %arg6[%get3A_359, %get3A_360, %get3A_361] {strides = array<i32>} : memref<4x200x64xf32, #tpu.memory_space<vmem>>, vector<1x1x16xf32>,
        %get3A_363 = vector.shape_cast %get3A_362 : vector<1x1x16xf32> to vector<16xf32>
        %add3A_364 = arith.constant 1 : i32
        %add3A_365 = arith.addi %mul3A_356, %add3A_364 : i32
        %get3A_366 = arith.constant 2 : i32
        %get3A_367 = arith.index_cast %get3A_366 : i32 to index
        %get3A_368 = arith.index_cast %add3A_365 : i32 to index
        %get3A_369 = arith.constant 0 : index
        %get3A_370 = tpu.vector_load %arg6[%get3A_367, %get3A_368, %get3A_369] {strides = array<i32>} : memref<4x200x64xf32, #tpu.memory_space<vmem>>, vector<1x1x16xf32>,
        %get3A_371 = vector.shape_cast %get3A_370 : vector<1x1x16xf32> to vector<16xf32>
        %add3A_372 = arith.constant 2 : i32
        %add3A_373 = arith.addi %mul3A_356, %add3A_372 : i32
        %get3A_374 = arith.constant 2 : i32
        %get3A_375 = arith.index_cast %get3A_374 : i32 to index
        %get3A_376 = arith.index_cast %add3A_373 : i32 to index
        %get3A_377 = arith.constant 0 : index
        %get3A_378 = tpu.vector_load %arg6[%get3A_375, %get3A_376, %get3A_377] {strides = array<i32>} : memref<4x200x64xf32, #tpu.memory_space<vmem>>, vector<1x1x16xf32>,
        %get3A_379 = vector.shape_cast %get3A_378 : vector<1x1x16xf32> to vector<16xf32>
        %add3A_380 = arith.constant 3 : i32
        %add3A_381 = arith.addi %mul3A_356, %add3A_380 : i32
        %get3A_382 = arith.constant 2 : i32
        %get3A_383 = arith.index_cast %get3A_382 : i32 to index
        %get3A_384 = arith.index_cast %add3A_381 : i32 to index
        %get3A_385 = arith.constant 0 : index
        %get3A_386 = tpu.vector_load %arg6[%get3A_383, %get3A_384, %get3A_385] {strides = array<i32>} : memref<4x200x64xf32, #tpu.memory_space<vmem>>, vector<1x1x16xf32>,
        %get3A_387 = vector.shape_cast %get3A_386 : vector<1x1x16xf32> to vector<16xf32>
        %add3A_388 = arith.constant 4 : i32
        %add3A_389 = arith.addi %mul3A_356, %add3A_388 : i32
        %get3A_390 = arith.constant 2 : i32
        %get3A_391 = arith.index_cast %get3A_390 : i32 to index
        %get3A_392 = arith.index_cast %add3A_389 : i32 to index
        %get3A_393 = arith.constant 0 : index
        %get3A_394 = tpu.vector_load %arg6[%get3A_391, %get3A_392, %get3A_393] {strides = array<i32>} : memref<4x200x64xf32, #tpu.memory_space<vmem>>, vector<1x1x16xf32>,
        %get3A_395 = vector.shape_cast %get3A_394 : vector<1x1x16xf32> to vector<16xf32>
        %add3A_396 = arith.constant 5 : i32
        %add3A_397 = arith.addi %mul3A_356, %add3A_396 : i32
        %get3A_398 = arith.constant 2 : i32
        %get3A_399 = arith.index_cast %get3A_398 : i32 to index
        %get3A_400 = arith.index_cast %add3A_397 : i32 to index
        %get3A_401 = arith.constant 0 : index
        %get3A_402 = tpu.vector_load %arg6[%get3A_399, %get3A_400, %get3A_401] {strides = array<i32>} : memref<4x200x64xf32, #tpu.memory_space<vmem>>, vector<1x1x16xf32>,
        %get3A_403 = vector.shape_cast %get3A_402 : vector<1x1x16xf32> to vector<16xf32>
        %add3A_404 = arith.constant 6 : i32
        %add3A_405 = arith.addi %mul3A_356, %add3A_404 : i32
        %get3A_406 = arith.constant 2 : i32
        %get3A_407 = arith.index_cast %get3A_406 : i32 to index
        %get3A_408 = arith.index_cast %add3A_405 : i32 to index
        %get3A_409 = arith.constant 0 : index
        %get3A_410 = tpu.vector_load %arg6[%get3A_407, %get3A_408, %get3A_409] {strides = array<i32>} : memref<4x200x64xf32, #tpu.memory_space<vmem>>, vector<1x1x16xf32>,
        %get3A_411 = vector.shape_cast %get3A_410 : vector<1x1x16xf32> to vector<16xf32>
        %add3A_412 = arith.constant 7 : i32
        %add3A_413 = arith.addi %mul3A_356, %add3A_412 : i32
        %get3A_414 = arith.constant 2 : i32
        %get3A_415 = arith.index_cast %get3A_414 : i32 to index
        %get3A_416 = arith.index_cast %add3A_413 : i32 to index
        %get3A_417 = arith.constant 0 : index
        %get3A_418 = tpu.vector_load %arg6[%get3A_415, %get3A_416, %get3A_417] {strides = array<i32>} : memref<4x200x64xf32, #tpu.memory_space<vmem>>, vector<1x1x16xf32>,
        %get3A_419 = vector.shape_cast %get3A_418 : vector<1x1x16xf32> to vector<16xf32>
        %add3A_420 = arith.addf %get3A_363, %get3A_371 : vector<16xf32>
        %add3A_421 = arith.addf %get3A_379, %get3A_387 : vector<16xf32>
        %add3A_422 = arith.addf %get3A_395, %get3A_403 : vector<16xf32>
        %add3A_423 = arith.addf %get3A_411, %get3A_419 : vector<16xf32>
        %add3A_424 = arith.addf %add3A_420, %add3A_421 : vector<16xf32>
        %add3A_425 = arith.addf %add3A_422, %add3A_423 : vector<16xf32>
        %add3A_426 = arith.addf %add3A_424, %add3A_425 : vector<16xf32>
        %add3A_427 = arith.addf %scan3A_351, %add3A_426 : vector<16xf32>
        %add3A_428 = arith.constant 0 : i32
        %add3A_429 = arith.addi %mul3A_356, %add3A_428 : i32
        %get3A_430 = arith.constant 2 : i32
        %get3A_431 = arith.index_cast %get3A_430 : i32 to index
        %get3A_432 = arith.index_cast %add3A_429 : i32 to index
        %get3A_433 = arith.constant 16 : index
        %get3A_434 = tpu.vector_load %arg6[%get3A_431, %get3A_432, %get3A_433] {strides = array<i32>} : memref<4x200x64xf32, #tpu.memory_space<vmem>>, vector<1x1x16xf32>,
        %get3A_435 = vector.shape_cast %get3A_434 : vector<1x1x16xf32> to vector<16xf32>
        %add3A_436 = arith.constant 1 : i32
        %add3A_437 = arith.addi %mul3A_356, %add3A_436 : i32
        %get3A_438 = arith.constant 2 : i32
        %get3A_439 = arith.index_cast %get3A_438 : i32 to index
        %get3A_440 = arith.index_cast %add3A_437 : i32 to index
        %get3A_441 = arith.constant 16 : index
        %get3A_442 = tpu.vector_load %arg6[%get3A_439, %get3A_440, %get3A_441] {strides = array<i32>} : memref<4x200x64xf32, #tpu.memory_space<vmem>>, vector<1x1x16xf32>,
        %get3A_443 = vector.shape_cast %get3A_442 : vector<1x1x16xf32> to vector<16xf32>
        %add3A_444 = arith.constant 2 : i32
        %add3A_445 = arith.addi %mul3A_356, %add3A_444 : i32
        %get3A_446 = arith.constant 2 : i32
        %get3A_447 = arith.index_cast %get3A_446 : i32 to index
        %get3A_448 = arith.index_cast %add3A_445 : i32 to index
        %get3A_449 = arith.constant 16 : index
        %get3A_450 = tpu.vector_load %arg6[%get3A_447, %get3A_448, %get3A_449] {strides = array<i32>} : memref<4x200x64xf32, #tpu.memory_space<vmem>>, vector<1x1x16xf32>,
        %get3A_451 = vector.shape_cast %get3A_450 : vector<1x1x16xf32> to vector<16xf32>
        %add3A_452 = arith.constant 3 : i32
        %add3A_453 = arith.addi %mul3A_356, %add3A_452 : i32
        %get3A_454 = arith.constant 2 : i32
        %get3A_455 = arith.index_cast %get3A_454 : i32 to index
        %get3A_456 = arith.index_cast %add3A_453 : i32 to index
        %get3A_457 = arith.constant 16 : index
        %get3A_458 = tpu.vector_load %arg6[%get3A_455, %get3A_456, %get3A_457] {strides = array<i32>} : memref<4x200x64xf32, #tpu.memory_space<vmem>>, vector<1x1x16xf32>,
        %get3A_459 = vector.shape_cast %get3A_458 : vector<1x1x16xf32> to vector<16xf32>
        %add3A_460 = arith.constant 4 : i32
        %add3A_461 = arith.addi %mul3A_356, %add3A_460 : i32
        %get3A_462 = arith.constant 2 : i32
        %get3A_463 = arith.index_cast %get3A_462 : i32 to index
        %get3A_464 = arith.index_cast %add3A_461 : i32 to index
        %get3A_465 = arith.constant 16 : index
        %get3A_466 = tpu.vector_load %arg6[%get3A_463, %get3A_464, %get3A_465] {strides = array<i32>} : memref<4x200x64xf32, #tpu.memory_space<vmem>>, vector<1x1x16xf32>,
        %get3A_467 = vector.shape_cast %get3A_466 : vector<1x1x16xf32> to vector<16xf32>
        %add3A_468 = arith.constant 5 : i32
        %add3A_469 = arith.addi %mul3A_356, %add3A_468 : i32
        %get3A_470 = arith.constant 2 : i32
        %get3A_471 = arith.index_cast %get3A_470 : i32 to index
        %get3A_472 = arith.index_cast %add3A_469 : i32 to index
        %get3A_473 = arith.constant 16 : index
        %get3A_474 = tpu.vector_load %arg6[%get3A_471, %get3A_472, %get3A_473] {strides = array<i32>} : memref<4x200x64xf32, #tpu.memory_space<vmem>>, vector<1x1x16xf32>,
        %get3A_475 = vector.shape_cast %get3A_474 : vector<1x1x16xf32> to vector<16xf32>
        %add3A_476 = arith.constant 6 : i32
        %add3A_477 = arith.addi %mul3A_356, %add3A_476 : i32
        %get3A_478 = arith.constant 2 : i32
        %get3A_479 = arith.index_cast %get3A_478 : i32 to index
        %get3A_480 = arith.index_cast %add3A_477 : i32 to index
        %get3A_481 = arith.constant 16 : index
        %get3A_482 = tpu.vector_load %arg6[%get3A_479, %get3A_480, %get3A_481] {strides = array<i32>} : memref<4x200x64xf32, #tpu.memory_space<vmem>>, vector<1x1x16xf32>,
        %get3A_483 = vector.shape_cast %get3A_482 : vector<1x1x16xf32> to vector<16xf32>
        %add3A_484 = arith.constant 7 : i32
        %add3A_485 = arith.addi %mul3A_356, %add3A_484 : i32
        %get3A_486 = arith.constant 2 : i32
        %get3A_487 = arith.index_cast %get3A_486 : i32 to index
        %get3A_488 = arith.index_cast %add3A_485 : i32 to index
        %get3A_489 = arith.constant 16 : index
        %get3A_490 = tpu.vector_load %arg6[%get3A_487, %get3A_488, %get3A_489] {strides = array<i32>} : memref<4x200x64xf32, #tpu.memory_space<vmem>>, vector<1x1x16xf32>,
        %get3A_491 = vector.shape_cast %get3A_490 : vector<1x1x16xf32> to vector<16xf32>
        %add3A_492 = arith.addf %get3A_435, %get3A_443 : vector<16xf32>
        %add3A_493 = arith.addf %get3A_451, %get3A_459 : vector<16xf32>
        %add3A_494 = arith.addf %get3A_467, %get3A_475 : vector<16xf32>
        %add3A_495 = arith.addf %get3A_483, %get3A_491 : vector<16xf32>
        %add3A_496 = arith.addf %add3A_492, %add3A_493 : vector<16xf32>
        %add3A_497 = arith.addf %add3A_494, %add3A_495 : vector<16xf32>
        %add3A_498 = arith.addf %add3A_496, %add3A_497 : vector<16xf32>
        %add3A_499 = arith.addf %scan3A_352, %add3A_498 : vector<16xf32>
        %add3A_500 = arith.constant 0 : i32
        %add3A_501 = arith.addi %mul3A_356, %add3A_500 : i32
        %get3A_502 = arith.constant 2 : i32
        %get3A_503 = arith.index_cast %get3A_502 : i32 to index
        %get3A_504 = arith.index_cast %add3A_501 : i32 to index
        %get3A_505 = arith.constant 32 : index
        %get3A_506 = tpu.vector_load %arg6[%get3A_503, %get3A_504, %get3A_505] {strides = array<i32>} : memref<4x200x64xf32, #tpu.memory_space<vmem>>, vector<1x1x16xf32>,
        %get3A_507 = vector.shape_cast %get3A_506 : vector<1x1x16xf32> to vector<16xf32>
        %add3A_508 = arith.constant 1 : i32
        %add3A_509 = arith.addi %mul3A_356, %add3A_508 : i32
        %get3A_510 = arith.constant 2 : i32
        %get3A_511 = arith.index_cast %get3A_510 : i32 to index
        %get3A_512 = arith.index_cast %add3A_509 : i32 to index
        %get3A_513 = arith.constant 32 : index
        %get3A_514 = tpu.vector_load %arg6[%get3A_511, %get3A_512, %get3A_513] {strides = array<i32>} : memref<4x200x64xf32, #tpu.memory_space<vmem>>, vector<1x1x16xf32>,
        %get3A_515 = vector.shape_cast %get3A_514 : vector<1x1x16xf32> to vector<16xf32>
        %add3A_516 = arith.constant 2 : i32
        %add3A_517 = arith.addi %mul3A_356, %add3A_516 : i32
        %get3A_518 = arith.constant 2 : i32
        %get3A_519 = arith.index_cast %get3A_518 : i32 to index
        %get3A_520 = arith.index_cast %add3A_517 : i32 to index
        %get3A_521 = arith.constant 32 : index
        %get3A_522 = tpu.vector_load %arg6[%get3A_519, %get3A_520, %get3A_521] {strides = array<i32>} : memref<4x200x64xf32, #tpu.memory_space<vmem>>, vector<1x1x16xf32>,
        %get3A_523 = vector.shape_cast %get3A_522 : vector<1x1x16xf32> to vector<16xf32>
        %add3A_524 = arith.constant 3 : i32
        %add3A_525 = arith.addi %mul3A_356, %add3A_524 : i32
        %get3A_526 = arith.constant 2 : i32
        %get3A_527 = arith.index_cast %get3A_526 : i32 to index
        %get3A_528 = arith.index_cast %add3A_525 : i32 to index
        %get3A_529 = arith.constant 32 : index
        %get3A_530 = tpu.vector_load %arg6[%get3A_527, %get3A_528, %get3A_529] {strides = array<i32>} : memref<4x200x64xf32, #tpu.memory_space<vmem>>, vector<1x1x16xf32>,
        %get3A_531 = vector.shape_cast %get3A_530 : vector<1x1x16xf32> to vector<16xf32>
        %add3A_532 = arith.constant 4 : i32
        %add3A_533 = arith.addi %mul3A_356, %add3A_532 : i32
        %get3A_534 = arith.constant 2 : i32
        %get3A_535 = arith.index_cast %get3A_534 : i32 to index
        %get3A_536 = arith.index_cast %add3A_533 : i32 to index
        %get3A_537 = arith.constant 32 : index
        %get3A_538 = tpu.vector_load %arg6[%get3A_535, %get3A_536, %get3A_537] {strides = array<i32>} : memref<4x200x64xf32, #tpu.memory_space<vmem>>, vector<1x1x16xf32>,
        %get3A_539 = vector.shape_cast %get3A_538 : vector<1x1x16xf32> to vector<16xf32>
        %add3A_540 = arith.constant 5 : i32
        %add3A_541 = arith.addi %mul3A_356, %add3A_540 : i32
        %get3A_542 = arith.constant 2 : i32
        %get3A_543 = arith.index_cast %get3A_542 : i32 to index
        %get3A_544 = arith.index_cast %add3A_541 : i32 to index
        %get3A_545 = arith.constant 32 : index
        %get3A_546 = tpu.vector_load %arg6[%get3A_543, %get3A_544, %get3A_545] {strides = array<i32>} : memref<4x200x64xf32, #tpu.memory_space<vmem>>, vector<1x1x16xf32>,
        %get3A_547 = vector.shape_cast %get3A_546 : vector<1x1x16xf32> to vector<16xf32>
        %add3A_548 = arith.constant 6 : i32
        %add3A_549 = arith.addi %mul3A_356, %add3A_548 : i32
        %get3A_550 = arith.constant 2 : i32
        %get3A_551 = arith.index_cast %get3A_550 : i32 to index
        %get3A_552 = arith.index_cast %add3A_549 : i32 to index
        %get3A_553 = arith.constant 32 : index
        %get3A_554 = tpu.vector_load %arg6[%get3A_551, %get3A_552, %get3A_553] {strides = array<i32>} : memref<4x200x64xf32, #tpu.memory_space<vmem>>, vector<1x1x16xf32>,
        %get3A_555 = vector.shape_cast %get3A_554 : vector<1x1x16xf32> to vector<16xf32>
        %add3A_556 = arith.constant 7 : i32
        %add3A_557 = arith.addi %mul3A_356, %add3A_556 : i32
        %get3A_558 = arith.constant 2 : i32
        %get3A_559 = arith.index_cast %get3A_558 : i32 to index
        %get3A_560 = arith.index_cast %add3A_557 : i32 to index
        %get3A_561 = arith.constant 32 : index
        %get3A_562 = tpu.vector_load %arg6[%get3A_559, %get3A_560, %get3A_561] {strides = array<i32>} : memref<4x200x64xf32, #tpu.memory_space<vmem>>, vector<1x1x16xf32>,
        %get3A_563 = vector.shape_cast %get3A_562 : vector<1x1x16xf32> to vector<16xf32>
        %add3A_564 = arith.addf %get3A_507, %get3A_515 : vector<16xf32>
        %add3A_565 = arith.addf %get3A_523, %get3A_531 : vector<16xf32>
        %add3A_566 = arith.addf %get3A_539, %get3A_547 : vector<16xf32>
        %add3A_567 = arith.addf %get3A_555, %get3A_563 : vector<16xf32>
        %add3A_568 = arith.addf %add3A_564, %add3A_565 : vector<16xf32>
        %add3A_569 = arith.addf %add3A_566, %add3A_567 : vector<16xf32>
        %add3A_570 = arith.addf %add3A_568, %add3A_569 : vector<16xf32>
        %add3A_571 = arith.addf %scan3A_353, %add3A_570 : vector<16xf32>
        %add3A_572 = arith.constant 0 : i32
        %add3A_573 = arith.addi %mul3A_356, %add3A_572 : i32
        %get3A_574 = arith.constant 2 : i32
        %get3A_575 = arith.index_cast %get3A_574 : i32 to index
        %get3A_576 = arith.index_cast %add3A_573 : i32 to index
        %get3A_577 = arith.constant 48 : index
        %get3A_578 = tpu.vector_load %arg6[%get3A_575, %get3A_576, %get3A_577] {strides = array<i32>} : memref<4x200x64xf32, #tpu.memory_space<vmem>>, vector<1x1x16xf32>,
        %get3A_579 = vector.shape_cast %get3A_578 : vector<1x1x16xf32> to vector<16xf32>
        %add3A_580 = arith.constant 1 : i32
        %add3A_581 = arith.addi %mul3A_356, %add3A_580 : i32
        %get3A_582 = arith.constant 2 : i32
        %get3A_583 = arith.index_cast %get3A_582 : i32 to index
        %get3A_584 = arith.index_cast %add3A_581 : i32 to index
        %get3A_585 = arith.constant 48 : index
        %get3A_586 = tpu.vector_load %arg6[%get3A_583, %get3A_584, %get3A_585] {strides = array<i32>} : memref<4x200x64xf32, #tpu.memory_space<vmem>>, vector<1x1x16xf32>,
        %get3A_587 = vector.shape_cast %get3A_586 : vector<1x1x16xf32> to vector<16xf32>
        %add3A_588 = arith.constant 2 : i32
        %add3A_589 = arith.addi %mul3A_356, %add3A_588 : i32
        %get3A_590 = arith.constant 2 : i32
        %get3A_591 = arith.index_cast %get3A_590 : i32 to index
        %get3A_592 = arith.index_cast %add3A_589 : i32 to index
        %get3A_593 = arith.constant 48 : index
        %get3A_594 = tpu.vector_load %arg6[%get3A_591, %get3A_592, %get3A_593] {strides = array<i32>} : memref<4x200x64xf32, #tpu.memory_space<vmem>>, vector<1x1x16xf32>,
        %get3A_595 = vector.shape_cast %get3A_594 : vector<1x1x16xf32> to vector<16xf32>
        %add3A_596 = arith.constant 3 : i32
        %add3A_597 = arith.addi %mul3A_356, %add3A_596 : i32
        %get3A_598 = arith.constant 2 : i32
        %get3A_599 = arith.index_cast %get3A_598 : i32 to index
        %get3A_600 = arith.index_cast %add3A_597 : i32 to index
        %get3A_601 = arith.constant 48 : index
        %get3A_602 = tpu.vector_load %arg6[%get3A_599, %get3A_600, %get3A_601] {strides = array<i32>} : memref<4x200x64xf32, #tpu.memory_space<vmem>>, vector<1x1x16xf32>,
        %get3A_603 = vector.shape_cast %get3A_602 : vector<1x1x16xf32> to vector<16xf32>
        %add3A_604 = arith.constant 4 : i32
        %add3A_605 = arith.addi %mul3A_356, %add3A_604 : i32
        %get3A_606 = arith.constant 2 : i32
        %get3A_607 = arith.index_cast %get3A_606 : i32 to index
        %get3A_608 = arith.index_cast %add3A_605 : i32 to index
        %get3A_609 = arith.constant 48 : index
        %get3A_610 = tpu.vector_load %arg6[%get3A_607, %get3A_608, %get3A_609] {strides = array<i32>} : memref<4x200x64xf32, #tpu.memory_space<vmem>>, vector<1x1x16xf32>,
        %get3A_611 = vector.shape_cast %get3A_610 : vector<1x1x16xf32> to vector<16xf32>
        %add3A_612 = arith.constant 5 : i32
        %add3A_613 = arith.addi %mul3A_356, %add3A_612 : i32
        %get3A_614 = arith.constant 2 : i32
        %get3A_615 = arith.index_cast %get3A_614 : i32 to index
        %get3A_616 = arith.index_cast %add3A_613 : i32 to index
        %get3A_617 = arith.constant 48 : index
        %get3A_618 = tpu.vector_load %arg6[%get3A_615, %get3A_616, %get3A_617] {strides = array<i32>} : memref<4x200x64xf32, #tpu.memory_space<vmem>>, vector<1x1x16xf32>,
        %get3A_619 = vector.shape_cast %get3A_618 : vector<1x1x16xf32> to vector<16xf32>
        %add3A_620 = arith.constant 6 : i32
        %add3A_621 = arith.addi %mul3A_356, %add3A_620 : i32
        %get3A_622 = arith.constant 2 : i32
        %get3A_623 = arith.index_cast %get3A_622 : i32 to index
        %get3A_624 = arith.index_cast %add3A_621 : i32 to index
        %get3A_625 = arith.constant 48 : index
        %get3A_626 = tpu.vector_load %arg6[%get3A_623, %get3A_624, %get3A_625] {strides = array<i32>} : memref<4x200x64xf32, #tpu.memory_space<vmem>>, vector<1x1x16xf32>,
        %get3A_627 = vector.shape_cast %get3A_626 : vector<1x1x16xf32> to vector<16xf32>
        %add3A_628 = arith.constant 7 : i32
        %add3A_629 = arith.addi %mul3A_356, %add3A_628 : i32
        %get3A_630 = arith.constant 2 : i32
        %get3A_631 = arith.index_cast %get3A_630 : i32 to index
        %get3A_632 = arith.index_cast %add3A_629 : i32 to index
        %get3A_633 = arith.constant 48 : index
        %get3A_634 = tpu.vector_load %arg6[%get3A_631, %get3A_632, %get3A_633] {strides = array<i32>} : memref<4x200x64xf32, #tpu.memory_space<vmem>>, vector<1x1x16xf32>,
        %get3A_635 = vector.shape_cast %get3A_634 : vector<1x1x16xf32> to vector<16xf32>
        %add3A_636 = arith.addf %get3A_579, %get3A_587 : vector<16xf32>
        %add3A_637 = arith.addf %get3A_595, %get3A_603 : vector<16xf32>
        %add3A_638 = arith.addf %get3A_611, %get3A_619 : vector<16xf32>
        %add3A_639 = arith.addf %get3A_627, %get3A_635 : vector<16xf32>
        %add3A_640 = arith.addf %add3A_636, %add3A_637 : vector<16xf32>
        %add3A_641 = arith.addf %add3A_638, %add3A_639 : vector<16xf32>
        %add3A_642 = arith.addf %add3A_640, %add3A_641 : vector<16xf32>
        %add3A_643 = arith.addf %scan3A_354, %add3A_642 : vector<16xf32>
        scf.yield %add3A_427, %add3A_499, %add3A_571, %add3A_643 : vector<16xf32>, vector<16xf32>, vector<16xf32>, vector<16xf32>
      }
      %scan3A_259 = arith.constant 25 : i32
      %swap3A_260 = arith.index_cast %add3A_227 : i32 to index
      %swap3A_261 = arith.constant 0 : index
      %swap3A_262 = tpu.vector_load %arg7[%swap3A_260, %swap3A_261] {strides = array<i32>} : memref<128x64xf32, #tpu.memory_space<vmem>>, vector<1x16xf32>,
      %swap3A_263 = vector.shape_cast %swap3A_262 : vector<1x16xf32> to vector<16xf32>
      %swap3A_264 = vector.shape_cast %scan3A_258#0 : vector<16xf32> to vector<1x16xf32>
      tpu.vector_store %arg7[%swap3A_260, %swap3A_261], %swap3A_264 {strides = array<i32>} : memref<128x64xf32, #tpu.memory_space<vmem>>, vector<1x16xf32>,
      %swap3A_265 = arith.index_cast %add3A_227 : i32 to index
      %swap3A_266 = arith.constant 16 : index
      %swap3A_267 = tpu.vector_load %arg7[%swap3A_265, %swap3A_266] {strides = array<i32>} : memref<128x64xf32, #tpu.memory_space<vmem>>, vector<1x16xf32>,
      %swap3A_268 = vector.shape_cast %swap3A_267 : vector<1x16xf32> to vector<16xf32>
      %swap3A_269 = vector.shape_cast %scan3A_258#1 : vector<16xf32> to vector<1x16xf32>
      tpu.vector_store %arg7[%swap3A_265, %swap3A_266], %swap3A_269 {strides = array<i32>} : memref<128x64xf32, #tpu.memory_space<vmem>>, vector<1x16xf32>,
      %swap3A_270 = arith.index_cast %add3A_227 : i32 to index
      %swap3A_271 = arith.constant 32 : index
      %swap3A_272 = tpu.vector_load %arg7[%swap3A_270, %swap3A_271] {strides = array<i32>} : memref<128x64xf32, #tpu.memory_space<vmem>>, vector<1x16xf32>,
      %swap3A_273 = vector.shape_cast %swap3A_272 : vector<1x16xf32> to vector<16xf32>
      %swap3A_274 = vector.shape_cast %scan3A_258#2 : vector<16xf32> to vector<1x16xf32>
      tpu.vector_store %arg7[%swap3A_270, %swap3A_271], %swap3A_274 {strides = array<i32>} : memref<128x64xf32, #tpu.memory_space<vmem>>, vector<1x16xf32>,
      %swap3A_275 = arith.index_cast %add3A_227 : i32 to index
      %swap3A_276 = arith.constant 48 : index
      %swap3A_277 = tpu.vector_load %arg7[%swap3A_275, %swap3A_276] {strides = array<i32>} : memref<128x64xf32, #tpu.memory_space<vmem>>, vector<1x16xf32>,
      %swap3A_278 = vector.shape_cast %swap3A_277 : vector<1x16xf32> to vector<16xf32>
      %swap3A_279 = vector.shape_cast %scan3A_258#3 : vector<16xf32> to vector<1x16xf32>
      tpu.vector_store %arg7[%swap3A_275, %swap3A_276], %swap3A_279 {strides = array<i32>} : memref<128x64xf32, #tpu.memory_space<vmem>>, vector<1x16xf32>,
      %add3A_280 = arith.constant 4 : i32
      %add3A_281 = arith.addi %add3A_227, %add3A_280 : i32
      %lt3A_282 = arith.constant 128 : i32
      %lt3A_283 = arith.cmpi slt, %add3A_281, %lt3A_282 : i32
      %convert_element_type3A_284 = arith.extui %lt3A_283 : i1 to i32
      %cond3A_285 = arith.constant 0 : i32
      %cond3A_286 = arith.cmpi ne, %convert_element_type3A_284, %cond3A_285 : i32
      scf.if %cond3A_286 {
        %dma_start3A_350 = arith.constant 2 : i32
        %dma_start3A_351 = arith.constant 0 : i32
        %dma_start3A_352 = arith.constant 0 : i32
        %dma_start3A_353 = tpu.memref_slice %arg6[%dma_start3A_350, %dma_start3A_351, %dma_start3A_352] : memref<4x200x64xf32, #tpu.memory_space<vmem>> -> memref<1x104x64xf32, #tpu.memory_space<vmem>>
        %dma_start3A_354 = tpu.memref_squeeze %dma_start3A_353 : memref<1x104x64xf32, #tpu.memory_space<vmem>> -> memref<104x64xf32, #tpu.memory_space<vmem>>
        %dma_start3A_355 = arith.constant 0 : i32
        %dma_start3A_356 = tpu.memref_slice %arg5[%add3A_281, %dma_start3A_355] : memref<128x200xi32, #tpu.memory_space<vmem>> -> memref<1x104xi32, #tpu.memory_space<vmem>>
        %dma_start3A_357 = tpu.memref_squeeze %dma_start3A_356 : memref<1x104xi32, #tpu.memory_space<vmem>> -> memref<104xi32, #tpu.memory_space<vmem>>
        %dma_start3A_358 = arith.constant 0 : i32
        %dma_start3A_359 = arith.constant 0 : i32
        %dma_start3A_360 = tpu.memref_slice %arg3[%dma_start3A_358, %dma_start3A_359] : memref<1000000x64xf32, #tpu.memory_space<hbm>> -> memref<1000000x64xf32, #tpu.memory_space<hbm>>
        tpu.enqueue_indirect_dma source(%dma_start3A_360 : memref<1000000x64xf32, #tpu.memory_space<hbm>>) target(%dma_start3A_354 : memref<104x64xf32, #tpu.memory_space<vmem>>) offsets(%dma_start3A_357 : memref<104xi32, #tpu.memory_space<vmem>>) semaphore(%arg8 : memref<!tpu.dma_semaphore, #tpu.memory_space<semaphore_mem>>)
        %dma_start3A_361 = arith.constant 2 : i32
        %dma_start3A_362 = arith.constant 104 : i32
        %dma_start3A_363 = arith.constant 0 : i32
        %dma_start3A_364 = tpu.memref_slice %arg6[%dma_start3A_361, %dma_start3A_362, %dma_start3A_363] : memref<4x200x64xf32, #tpu.memory_space<vmem>> -> memref<1x96x64xf32, #tpu.memory_space<vmem>>
        %dma_start3A_365 = tpu.memref_squeeze %dma_start3A_364 : memref<1x96x64xf32, #tpu.memory_space<vmem>> -> memref<96x64xf32, #tpu.memory_space<vmem>>
        %dma_start3A_366 = arith.constant 104 : i32
        %dma_start3A_367 = tpu.memref_slice %arg5[%add3A_281, %dma_start3A_366] : memref<128x200xi32, #tpu.memory_space<vmem>> -> memref<1x96xi32, #tpu.memory_space<vmem>>
        %dma_start3A_368 = tpu.memref_squeeze %dma_start3A_367 : memref<1x96xi32, #tpu.memory_space<vmem>> -> memref<96xi32, #tpu.memory_space<vmem>>
        %dma_start3A_369 = arith.constant 0 : i32
        %dma_start3A_370 = arith.constant 0 : i32
        %dma_start3A_371 = tpu.memref_slice %arg3[%dma_start3A_369, %dma_start3A_370] : memref<1000000x64xf32, #tpu.memory_space<hbm>> -> memref<1000000x64xf32, #tpu.memory_space<hbm>>
        tpu.enqueue_indirect_dma source(%dma_start3A_371 : memref<1000000x64xf32, #tpu.memory_space<hbm>>) target(%dma_start3A_365 : memref<96x64xf32, #tpu.memory_space<vmem>>) offsets(%dma_start3A_368 : memref<96xi32, #tpu.memory_space<vmem>>) semaphore(%arg8 : memref<!tpu.dma_semaphore, #tpu.memory_space<semaphore_mem>>)
      } else {
      }
      %mul3A_287 = arith.constant 4 : i32
      %mul3A_288 = arith.muli %scan3A_103, %mul3A_287 : i32
      %add3A_289 = arith.constant 3 : i32
      %add3A_290 = arith.addi %mul3A_288, %add3A_289 : i32
      %dma_wait3A_291 = arith.constant 0 : i32
      %dma_wait3A_292 = arith.constant 3 : i32
      %dma_wait3A_293 = arith.constant 0 : i32
      %dma_wait3A_294 = arith.constant 0 : i32
      %dma_wait3A_295 = tpu.memref_slice %arg6[%dma_wait3A_292, %dma_wait3A_293, %dma_wait3A_294] : memref<4x200x64xf32, #tpu.memory_space<vmem>> -> memref<1x104x64xf32, #tpu.memory_space<vmem>>
      %dma_wait3A_296 = tpu.memref_squeeze %dma_wait3A_295 : memref<1x104x64xf32, #tpu.memory_space<vmem>> -> memref<104x64xf32, #tpu.memory_space<vmem>>
      %dma_wait3A_297 = arith.constant 0 : i32
      %dma_wait3A_298 = tpu.memref_slice %arg5[%dma_wait3A_291, %dma_wait3A_297] : memref<128x200xi32, #tpu.memory_space<vmem>> -> memref<1x104xi32, #tpu.memory_space<vmem>>
      %dma_wait3A_299 = tpu.memref_squeeze %dma_wait3A_298 : memref<1x104xi32, #tpu.memory_space<vmem>> -> memref<104xi32, #tpu.memory_space<vmem>>
      %dma_wait3A_300 = arith.constant 0 : i32
      %dma_wait3A_301 = arith.constant 0 : i32
      %dma_wait3A_302 = tpu.memref_slice %arg3[%dma_wait3A_300, %dma_wait3A_301] : memref<1000000x64xf32, #tpu.memory_space<hbm>> -> memref<1000000x64xf32, #tpu.memory_space<hbm>>
      tpu.wait_indirect_dma semaphore(%arg8 : memref<!tpu.dma_semaphore, #tpu.memory_space<semaphore_mem>>) src(%dma_wait3A_302 : memref<1000000x64xf32, #tpu.memory_space<hbm>>) dst(%dma_wait3A_296 : memref<104x64xf32, #tpu.memory_space<vmem>>)
      %dma_wait3A_303 = arith.constant 0 : i32
      %dma_wait3A_304 = arith.constant 3 : i32
      %dma_wait3A_305 = arith.constant 104 : i32
      %dma_wait3A_306 = arith.constant 0 : i32
      %dma_wait3A_307 = tpu.memref_slice %arg6[%dma_wait3A_304, %dma_wait3A_305, %dma_wait3A_306] : memref<4x200x64xf32, #tpu.memory_space<vmem>> -> memref<1x96x64xf32, #tpu.memory_space<vmem>>
      %dma_wait3A_308 = tpu.memref_squeeze %dma_wait3A_307 : memref<1x96x64xf32, #tpu.memory_space<vmem>> -> memref<96x64xf32, #tpu.memory_space<vmem>>
      %dma_wait3A_309 = arith.constant 104 : i32
      %dma_wait3A_310 = tpu.memref_slice %arg5[%dma_wait3A_303, %dma_wait3A_309] : memref<128x200xi32, #tpu.memory_space<vmem>> -> memref<1x96xi32, #tpu.memory_space<vmem>>
      %dma_wait3A_311 = tpu.memref_squeeze %dma_wait3A_310 : memref<1x96xi32, #tpu.memory_space<vmem>> -> memref<96xi32, #tpu.memory_space<vmem>>
      %dma_wait3A_312 = arith.constant 0 : i32
      %dma_wait3A_313 = arith.constant 0 : i32
      %dma_wait3A_314 = tpu.memref_slice %arg3[%dma_wait3A_312, %dma_wait3A_313] : memref<1000000x64xf32, #tpu.memory_space<hbm>> -> memref<1000000x64xf32, #tpu.memory_space<hbm>>
      tpu.wait_indirect_dma semaphore(%arg8 : memref<!tpu.dma_semaphore, #tpu.memory_space<semaphore_mem>>) src(%dma_wait3A_314 : memref<1000000x64xf32, #tpu.memory_space<hbm>>) dst(%dma_wait3A_308 : memref<96x64xf32, #tpu.memory_space<vmem>>)
      %broadcast_in_dim3A_315 = arith.constant 0.000000e+00 : f32
      %broadcast_in_dim3A_316 = vector.broadcast %broadcast_in_dim3A_315 : f32 to vector<16xf32>
      %scan3A_317 = arith.constant 0 : i32
      %scan3A_318 = arith.constant 25 : i32
      %scan3A_319 = arith.addi %scan3A_317, %scan3A_318 : i32
      %scan3A_320 = arith.constant 1 : i32
      %scan3A_321:4 = scf.for %scan3A_350 = %scan3A_317 to %scan3A_319 step %scan3A_320 iter_args(%scan3A_351 = %broadcast_in_dim3A_316, %scan3A_352 = %broadcast_in_dim3A_316, %scan3A_353 = %broadcast_in_dim3A_316, %scan3A_354 = %broadcast_in_dim3A_316) -> (vector<16xf32>, vector<16xf32>, vector<16xf32>, vector<16xf32>)  : i32 {
        %mul3A_355 = arith.constant 8 : i32
        %mul3A_356 = arith.muli %scan3A_350, %mul3A_355 : i32
        %add3A_357 = arith.constant 0 : i32
        %add3A_358 = arith.addi %mul3A_356, %add3A_357 : i32
        %get3A = arith.constant 3 : i32
        %get3A_359 = arith.index_cast %get3A : i32 to index
        %get3A_360 = arith.index_cast %add3A_358 : i32 to index
        %get3A_361 = arith.constant 0 : index
        %get3A_362 = tpu.vector_load %arg6[%get3A_359, %get3A_360, %get3A_361] {strides = array<i32>} : memref<4x200x64xf32, #tpu.memory_space<vmem>>, vector<1x1x16xf32>,
        %get3A_363 = vector.shape_cast %get3A_362 : vector<1x1x16xf32> to vector<16xf32>
        %add3A_364 = arith.constant 1 : i32
        %add3A_365 = arith.addi %mul3A_356, %add3A_364 : i32
        %get3A_366 = arith.constant 3 : i32
        %get3A_367 = arith.index_cast %get3A_366 : i32 to index
        %get3A_368 = arith.index_cast %add3A_365 : i32 to index
        %get3A_369 = arith.constant 0 : index
        %get3A_370 = tpu.vector_load %arg6[%get3A_367, %get3A_368, %get3A_369] {strides = array<i32>} : memref<4x200x64xf32, #tpu.memory_space<vmem>>, vector<1x1x16xf32>,
        %get3A_371 = vector.shape_cast %get3A_370 : vector<1x1x16xf32> to vector<16xf32>
        %add3A_372 = arith.constant 2 : i32
        %add3A_373 = arith.addi %mul3A_356, %add3A_372 : i32
        %get3A_374 = arith.constant 3 : i32
        %get3A_375 = arith.index_cast %get3A_374 : i32 to index
        %get3A_376 = arith.index_cast %add3A_373 : i32 to index
        %get3A_377 = arith.constant 0 : index
        %get3A_378 = tpu.vector_load %arg6[%get3A_375, %get3A_376, %get3A_377] {strides = array<i32>} : memref<4x200x64xf32, #tpu.memory_space<vmem>>, vector<1x1x16xf32>,
        %get3A_379 = vector.shape_cast %get3A_378 : vector<1x1x16xf32> to vector<16xf32>
        %add3A_380 = arith.constant 3 : i32
        %add3A_381 = arith.addi %mul3A_356, %add3A_380 : i32
        %get3A_382 = arith.constant 3 : i32
        %get3A_383 = arith.index_cast %get3A_382 : i32 to index
        %get3A_384 = arith.index_cast %add3A_381 : i32 to index
        %get3A_385 = arith.constant 0 : index
        %get3A_386 = tpu.vector_load %arg6[%get3A_383, %get3A_384, %get3A_385] {strides = array<i32>} : memref<4x200x64xf32, #tpu.memory_space<vmem>>, vector<1x1x16xf32>,
        %get3A_387 = vector.shape_cast %get3A_386 : vector<1x1x16xf32> to vector<16xf32>
        %add3A_388 = arith.constant 4 : i32
        %add3A_389 = arith.addi %mul3A_356, %add3A_388 : i32
        %get3A_390 = arith.constant 3 : i32
        %get3A_391 = arith.index_cast %get3A_390 : i32 to index
        %get3A_392 = arith.index_cast %add3A_389 : i32 to index
        %get3A_393 = arith.constant 0 : index
        %get3A_394 = tpu.vector_load %arg6[%get3A_391, %get3A_392, %get3A_393] {strides = array<i32>} : memref<4x200x64xf32, #tpu.memory_space<vmem>>, vector<1x1x16xf32>,
        %get3A_395 = vector.shape_cast %get3A_394 : vector<1x1x16xf32> to vector<16xf32>
        %add3A_396 = arith.constant 5 : i32
        %add3A_397 = arith.addi %mul3A_356, %add3A_396 : i32
        %get3A_398 = arith.constant 3 : i32
        %get3A_399 = arith.index_cast %get3A_398 : i32 to index
        %get3A_400 = arith.index_cast %add3A_397 : i32 to index
        %get3A_401 = arith.constant 0 : index
        %get3A_402 = tpu.vector_load %arg6[%get3A_399, %get3A_400, %get3A_401] {strides = array<i32>} : memref<4x200x64xf32, #tpu.memory_space<vmem>>, vector<1x1x16xf32>,
        %get3A_403 = vector.shape_cast %get3A_402 : vector<1x1x16xf32> to vector<16xf32>
        %add3A_404 = arith.constant 6 : i32
        %add3A_405 = arith.addi %mul3A_356, %add3A_404 : i32
        %get3A_406 = arith.constant 3 : i32
        %get3A_407 = arith.index_cast %get3A_406 : i32 to index
        %get3A_408 = arith.index_cast %add3A_405 : i32 to index
        %get3A_409 = arith.constant 0 : index
        %get3A_410 = tpu.vector_load %arg6[%get3A_407, %get3A_408, %get3A_409] {strides = array<i32>} : memref<4x200x64xf32, #tpu.memory_space<vmem>>, vector<1x1x16xf32>,
        %get3A_411 = vector.shape_cast %get3A_410 : vector<1x1x16xf32> to vector<16xf32>
        %add3A_412 = arith.constant 7 : i32
        %add3A_413 = arith.addi %mul3A_356, %add3A_412 : i32
        %get3A_414 = arith.constant 3 : i32
        %get3A_415 = arith.index_cast %get3A_414 : i32 to index
        %get3A_416 = arith.index_cast %add3A_413 : i32 to index
        %get3A_417 = arith.constant 0 : index
        %get3A_418 = tpu.vector_load %arg6[%get3A_415, %get3A_416, %get3A_417] {strides = array<i32>} : memref<4x200x64xf32, #tpu.memory_space<vmem>>, vector<1x1x16xf32>,
        %get3A_419 = vector.shape_cast %get3A_418 : vector<1x1x16xf32> to vector<16xf32>
        %add3A_420 = arith.addf %get3A_363, %get3A_371 : vector<16xf32>
        %add3A_421 = arith.addf %get3A_379, %get3A_387 : vector<16xf32>
        %add3A_422 = arith.addf %get3A_395, %get3A_403 : vector<16xf32>
        %add3A_423 = arith.addf %get3A_411, %get3A_419 : vector<16xf32>
        %add3A_424 = arith.addf %add3A_420, %add3A_421 : vector<16xf32>
        %add3A_425 = arith.addf %add3A_422, %add3A_423 : vector<16xf32>
        %add3A_426 = arith.addf %add3A_424, %add3A_425 : vector<16xf32>
        %add3A_427 = arith.addf %scan3A_351, %add3A_426 : vector<16xf32>
        %add3A_428 = arith.constant 0 : i32
        %add3A_429 = arith.addi %mul3A_356, %add3A_428 : i32
        %get3A_430 = arith.constant 3 : i32
        %get3A_431 = arith.index_cast %get3A_430 : i32 to index
        %get3A_432 = arith.index_cast %add3A_429 : i32 to index
        %get3A_433 = arith.constant 16 : index
        %get3A_434 = tpu.vector_load %arg6[%get3A_431, %get3A_432, %get3A_433] {strides = array<i32>} : memref<4x200x64xf32, #tpu.memory_space<vmem>>, vector<1x1x16xf32>,
        %get3A_435 = vector.shape_cast %get3A_434 : vector<1x1x16xf32> to vector<16xf32>
        %add3A_436 = arith.constant 1 : i32
        %add3A_437 = arith.addi %mul3A_356, %add3A_436 : i32
        %get3A_438 = arith.constant 3 : i32
        %get3A_439 = arith.index_cast %get3A_438 : i32 to index
        %get3A_440 = arith.index_cast %add3A_437 : i32 to index
        %get3A_441 = arith.constant 16 : index
        %get3A_442 = tpu.vector_load %arg6[%get3A_439, %get3A_440, %get3A_441] {strides = array<i32>} : memref<4x200x64xf32, #tpu.memory_space<vmem>>, vector<1x1x16xf32>,
        %get3A_443 = vector.shape_cast %get3A_442 : vector<1x1x16xf32> to vector<16xf32>
        %add3A_444 = arith.constant 2 : i32
        %add3A_445 = arith.addi %mul3A_356, %add3A_444 : i32
        %get3A_446 = arith.constant 3 : i32
        %get3A_447 = arith.index_cast %get3A_446 : i32 to index
        %get3A_448 = arith.index_cast %add3A_445 : i32 to index
        %get3A_449 = arith.constant 16 : index
        %get3A_450 = tpu.vector_load %arg6[%get3A_447, %get3A_448, %get3A_449] {strides = array<i32>} : memref<4x200x64xf32, #tpu.memory_space<vmem>>, vector<1x1x16xf32>,
        %get3A_451 = vector.shape_cast %get3A_450 : vector<1x1x16xf32> to vector<16xf32>
        %add3A_452 = arith.constant 3 : i32
        %add3A_453 = arith.addi %mul3A_356, %add3A_452 : i32
        %get3A_454 = arith.constant 3 : i32
        %get3A_455 = arith.index_cast %get3A_454 : i32 to index
        %get3A_456 = arith.index_cast %add3A_453 : i32 to index
        %get3A_457 = arith.constant 16 : index
        %get3A_458 = tpu.vector_load %arg6[%get3A_455, %get3A_456, %get3A_457] {strides = array<i32>} : memref<4x200x64xf32, #tpu.memory_space<vmem>>, vector<1x1x16xf32>,
        %get3A_459 = vector.shape_cast %get3A_458 : vector<1x1x16xf32> to vector<16xf32>
        %add3A_460 = arith.constant 4 : i32
        %add3A_461 = arith.addi %mul3A_356, %add3A_460 : i32
        %get3A_462 = arith.constant 3 : i32
        %get3A_463 = arith.index_cast %get3A_462 : i32 to index
        %get3A_464 = arith.index_cast %add3A_461 : i32 to index
        %get3A_465 = arith.constant 16 : index
        %get3A_466 = tpu.vector_load %arg6[%get3A_463, %get3A_464, %get3A_465] {strides = array<i32>} : memref<4x200x64xf32, #tpu.memory_space<vmem>>, vector<1x1x16xf32>,
        %get3A_467 = vector.shape_cast %get3A_466 : vector<1x1x16xf32> to vector<16xf32>
        %add3A_468 = arith.constant 5 : i32
        %add3A_469 = arith.addi %mul3A_356, %add3A_468 : i32
        %get3A_470 = arith.constant 3 : i32
        %get3A_471 = arith.index_cast %get3A_470 : i32 to index
        %get3A_472 = arith.index_cast %add3A_469 : i32 to index
        %get3A_473 = arith.constant 16 : index
        %get3A_474 = tpu.vector_load %arg6[%get3A_471, %get3A_472, %get3A_473] {strides = array<i32>} : memref<4x200x64xf32, #tpu.memory_space<vmem>>, vector<1x1x16xf32>,
        %get3A_475 = vector.shape_cast %get3A_474 : vector<1x1x16xf32> to vector<16xf32>
        %add3A_476 = arith.constant 6 : i32
        %add3A_477 = arith.addi %mul3A_356, %add3A_476 : i32
        %get3A_478 = arith.constant 3 : i32
        %get3A_479 = arith.index_cast %get3A_478 : i32 to index
        %get3A_480 = arith.index_cast %add3A_477 : i32 to index
        %get3A_481 = arith.constant 16 : index
        %get3A_482 = tpu.vector_load %arg6[%get3A_479, %get3A_480, %get3A_481] {strides = array<i32>} : memref<4x200x64xf32, #tpu.memory_space<vmem>>, vector<1x1x16xf32>,
        %get3A_483 = vector.shape_cast %get3A_482 : vector<1x1x16xf32> to vector<16xf32>
        %add3A_484 = arith.constant 7 : i32
        %add3A_485 = arith.addi %mul3A_356, %add3A_484 : i32
        %get3A_486 = arith.constant 3 : i32
        %get3A_487 = arith.index_cast %get3A_486 : i32 to index
        %get3A_488 = arith.index_cast %add3A_485 : i32 to index
        %get3A_489 = arith.constant 16 : index
        %get3A_490 = tpu.vector_load %arg6[%get3A_487, %get3A_488, %get3A_489] {strides = array<i32>} : memref<4x200x64xf32, #tpu.memory_space<vmem>>, vector<1x1x16xf32>,
        %get3A_491 = vector.shape_cast %get3A_490 : vector<1x1x16xf32> to vector<16xf32>
        %add3A_492 = arith.addf %get3A_435, %get3A_443 : vector<16xf32>
        %add3A_493 = arith.addf %get3A_451, %get3A_459 : vector<16xf32>
        %add3A_494 = arith.addf %get3A_467, %get3A_475 : vector<16xf32>
        %add3A_495 = arith.addf %get3A_483, %get3A_491 : vector<16xf32>
        %add3A_496 = arith.addf %add3A_492, %add3A_493 : vector<16xf32>
        %add3A_497 = arith.addf %add3A_494, %add3A_495 : vector<16xf32>
        %add3A_498 = arith.addf %add3A_496, %add3A_497 : vector<16xf32>
        %add3A_499 = arith.addf %scan3A_352, %add3A_498 : vector<16xf32>
        %add3A_500 = arith.constant 0 : i32
        %add3A_501 = arith.addi %mul3A_356, %add3A_500 : i32
        %get3A_502 = arith.constant 3 : i32
        %get3A_503 = arith.index_cast %get3A_502 : i32 to index
        %get3A_504 = arith.index_cast %add3A_501 : i32 to index
        %get3A_505 = arith.constant 32 : index
        %get3A_506 = tpu.vector_load %arg6[%get3A_503, %get3A_504, %get3A_505] {strides = array<i32>} : memref<4x200x64xf32, #tpu.memory_space<vmem>>, vector<1x1x16xf32>,
        %get3A_507 = vector.shape_cast %get3A_506 : vector<1x1x16xf32> to vector<16xf32>
        %add3A_508 = arith.constant 1 : i32
        %add3A_509 = arith.addi %mul3A_356, %add3A_508 : i32
        %get3A_510 = arith.constant 3 : i32
        %get3A_511 = arith.index_cast %get3A_510 : i32 to index
        %get3A_512 = arith.index_cast %add3A_509 : i32 to index
        %get3A_513 = arith.constant 32 : index
        %get3A_514 = tpu.vector_load %arg6[%get3A_511, %get3A_512, %get3A_513] {strides = array<i32>} : memref<4x200x64xf32, #tpu.memory_space<vmem>>, vector<1x1x16xf32>,
        %get3A_515 = vector.shape_cast %get3A_514 : vector<1x1x16xf32> to vector<16xf32>
        %add3A_516 = arith.constant 2 : i32
        %add3A_517 = arith.addi %mul3A_356, %add3A_516 : i32
        %get3A_518 = arith.constant 3 : i32
        %get3A_519 = arith.index_cast %get3A_518 : i32 to index
        %get3A_520 = arith.index_cast %add3A_517 : i32 to index
        %get3A_521 = arith.constant 32 : index
        %get3A_522 = tpu.vector_load %arg6[%get3A_519, %get3A_520, %get3A_521] {strides = array<i32>} : memref<4x200x64xf32, #tpu.memory_space<vmem>>, vector<1x1x16xf32>,
        %get3A_523 = vector.shape_cast %get3A_522 : vector<1x1x16xf32> to vector<16xf32>
        %add3A_524 = arith.constant 3 : i32
        %add3A_525 = arith.addi %mul3A_356, %add3A_524 : i32
        %get3A_526 = arith.constant 3 : i32
        %get3A_527 = arith.index_cast %get3A_526 : i32 to index
        %get3A_528 = arith.index_cast %add3A_525 : i32 to index
        %get3A_529 = arith.constant 32 : index
        %get3A_530 = tpu.vector_load %arg6[%get3A_527, %get3A_528, %get3A_529] {strides = array<i32>} : memref<4x200x64xf32, #tpu.memory_space<vmem>>, vector<1x1x16xf32>,
        %get3A_531 = vector.shape_cast %get3A_530 : vector<1x1x16xf32> to vector<16xf32>
        %add3A_532 = arith.constant 4 : i32
        %add3A_533 = arith.addi %mul3A_356, %add3A_532 : i32
        %get3A_534 = arith.constant 3 : i32
        %get3A_535 = arith.index_cast %get3A_534 : i32 to index
        %get3A_536 = arith.index_cast %add3A_533 : i32 to index
        %get3A_537 = arith.constant 32 : index
        %get3A_538 = tpu.vector_load %arg6[%get3A_535, %get3A_536, %get3A_537] {strides = array<i32>} : memref<4x200x64xf32, #tpu.memory_space<vmem>>, vector<1x1x16xf32>,
        %get3A_539 = vector.shape_cast %get3A_538 : vector<1x1x16xf32> to vector<16xf32>
        %add3A_540 = arith.constant 5 : i32
        %add3A_541 = arith.addi %mul3A_356, %add3A_540 : i32
        %get3A_542 = arith.constant 3 : i32
        %get3A_543 = arith.index_cast %get3A_542 : i32 to index
        %get3A_544 = arith.index_cast %add3A_541 : i32 to index
        %get3A_545 = arith.constant 32 : index
        %get3A_546 = tpu.vector_load %arg6[%get3A_543, %get3A_544, %get3A_545] {strides = array<i32>} : memref<4x200x64xf32, #tpu.memory_space<vmem>>, vector<1x1x16xf32>,
        %get3A_547 = vector.shape_cast %get3A_546 : vector<1x1x16xf32> to vector<16xf32>
        %add3A_548 = arith.constant 6 : i32
        %add3A_549 = arith.addi %mul3A_356, %add3A_548 : i32
        %get3A_550 = arith.constant 3 : i32
        %get3A_551 = arith.index_cast %get3A_550 : i32 to index
        %get3A_552 = arith.index_cast %add3A_549 : i32 to index
        %get3A_553 = arith.constant 32 : index
        %get3A_554 = tpu.vector_load %arg6[%get3A_551, %get3A_552, %get3A_553] {strides = array<i32>} : memref<4x200x64xf32, #tpu.memory_space<vmem>>, vector<1x1x16xf32>,
        %get3A_555 = vector.shape_cast %get3A_554 : vector<1x1x16xf32> to vector<16xf32>
        %add3A_556 = arith.constant 7 : i32
        %add3A_557 = arith.addi %mul3A_356, %add3A_556 : i32
        %get3A_558 = arith.constant 3 : i32
        %get3A_559 = arith.index_cast %get3A_558 : i32 to index
        %get3A_560 = arith.index_cast %add3A_557 : i32 to index
        %get3A_561 = arith.constant 32 : index
        %get3A_562 = tpu.vector_load %arg6[%get3A_559, %get3A_560, %get3A_561] {strides = array<i32>} : memref<4x200x64xf32, #tpu.memory_space<vmem>>, vector<1x1x16xf32>,
        %get3A_563 = vector.shape_cast %get3A_562 : vector<1x1x16xf32> to vector<16xf32>
        %add3A_564 = arith.addf %get3A_507, %get3A_515 : vector<16xf32>
        %add3A_565 = arith.addf %get3A_523, %get3A_531 : vector<16xf32>
        %add3A_566 = arith.addf %get3A_539, %get3A_547 : vector<16xf32>
        %add3A_567 = arith.addf %get3A_555, %get3A_563 : vector<16xf32>
        %add3A_568 = arith.addf %add3A_564, %add3A_565 : vector<16xf32>
        %add3A_569 = arith.addf %add3A_566, %add3A_567 : vector<16xf32>
        %add3A_570 = arith.addf %add3A_568, %add3A_569 : vector<16xf32>
        %add3A_571 = arith.addf %scan3A_353, %add3A_570 : vector<16xf32>
        %add3A_572 = arith.constant 0 : i32
        %add3A_573 = arith.addi %mul3A_356, %add3A_572 : i32
        %get3A_574 = arith.constant 3 : i32
        %get3A_575 = arith.index_cast %get3A_574 : i32 to index
        %get3A_576 = arith.index_cast %add3A_573 : i32 to index
        %get3A_577 = arith.constant 48 : index
        %get3A_578 = tpu.vector_load %arg6[%get3A_575, %get3A_576, %get3A_577] {strides = array<i32>} : memref<4x200x64xf32, #tpu.memory_space<vmem>>, vector<1x1x16xf32>,
        %get3A_579 = vector.shape_cast %get3A_578 : vector<1x1x16xf32> to vector<16xf32>
        %add3A_580 = arith.constant 1 : i32
        %add3A_581 = arith.addi %mul3A_356, %add3A_580 : i32
        %get3A_582 = arith.constant 3 : i32
        %get3A_583 = arith.index_cast %get3A_582 : i32 to index
        %get3A_584 = arith.index_cast %add3A_581 : i32 to index
        %get3A_585 = arith.constant 48 : index
        %get3A_586 = tpu.vector_load %arg6[%get3A_583, %get3A_584, %get3A_585] {strides = array<i32>} : memref<4x200x64xf32, #tpu.memory_space<vmem>>, vector<1x1x16xf32>,
        %get3A_587 = vector.shape_cast %get3A_586 : vector<1x1x16xf32> to vector<16xf32>
        %add3A_588 = arith.constant 2 : i32
        %add3A_589 = arith.addi %mul3A_356, %add3A_588 : i32
        %get3A_590 = arith.constant 3 : i32
        %get3A_591 = arith.index_cast %get3A_590 : i32 to index
        %get3A_592 = arith.index_cast %add3A_589 : i32 to index
        %get3A_593 = arith.constant 48 : index
        %get3A_594 = tpu.vector_load %arg6[%get3A_591, %get3A_592, %get3A_593] {strides = array<i32>} : memref<4x200x64xf32, #tpu.memory_space<vmem>>, vector<1x1x16xf32>,
        %get3A_595 = vector.shape_cast %get3A_594 : vector<1x1x16xf32> to vector<16xf32>
        %add3A_596 = arith.constant 3 : i32
        %add3A_597 = arith.addi %mul3A_356, %add3A_596 : i32
        %get3A_598 = arith.constant 3 : i32
        %get3A_599 = arith.index_cast %get3A_598 : i32 to index
        %get3A_600 = arith.index_cast %add3A_597 : i32 to index
        %get3A_601 = arith.constant 48 : index
        %get3A_602 = tpu.vector_load %arg6[%get3A_599, %get3A_600, %get3A_601] {strides = array<i32>} : memref<4x200x64xf32, #tpu.memory_space<vmem>>, vector<1x1x16xf32>,
        %get3A_603 = vector.shape_cast %get3A_602 : vector<1x1x16xf32> to vector<16xf32>
        %add3A_604 = arith.constant 4 : i32
        %add3A_605 = arith.addi %mul3A_356, %add3A_604 : i32
        %get3A_606 = arith.constant 3 : i32
        %get3A_607 = arith.index_cast %get3A_606 : i32 to index
        %get3A_608 = arith.index_cast %add3A_605 : i32 to index
        %get3A_609 = arith.constant 48 : index
        %get3A_610 = tpu.vector_load %arg6[%get3A_607, %get3A_608, %get3A_609] {strides = array<i32>} : memref<4x200x64xf32, #tpu.memory_space<vmem>>, vector<1x1x16xf32>,
        %get3A_611 = vector.shape_cast %get3A_610 : vector<1x1x16xf32> to vector<16xf32>
        %add3A_612 = arith.constant 5 : i32
        %add3A_613 = arith.addi %mul3A_356, %add3A_612 : i32
        %get3A_614 = arith.constant 3 : i32
        %get3A_615 = arith.index_cast %get3A_614 : i32 to index
        %get3A_616 = arith.index_cast %add3A_613 : i32 to index
        %get3A_617 = arith.constant 48 : index
        %get3A_618 = tpu.vector_load %arg6[%get3A_615, %get3A_616, %get3A_617] {strides = array<i32>} : memref<4x200x64xf32, #tpu.memory_space<vmem>>, vector<1x1x16xf32>,
        %get3A_619 = vector.shape_cast %get3A_618 : vector<1x1x16xf32> to vector<16xf32>
        %add3A_620 = arith.constant 6 : i32
        %add3A_621 = arith.addi %mul3A_356, %add3A_620 : i32
        %get3A_622 = arith.constant 3 : i32
        %get3A_623 = arith.index_cast %get3A_622 : i32 to index
        %get3A_624 = arith.index_cast %add3A_621 : i32 to index
        %get3A_625 = arith.constant 48 : index
        %get3A_626 = tpu.vector_load %arg6[%get3A_623, %get3A_624, %get3A_625] {strides = array<i32>} : memref<4x200x64xf32, #tpu.memory_space<vmem>>, vector<1x1x16xf32>,
        %get3A_627 = vector.shape_cast %get3A_626 : vector<1x1x16xf32> to vector<16xf32>
        %add3A_628 = arith.constant 7 : i32
        %add3A_629 = arith.addi %mul3A_356, %add3A_628 : i32
        %get3A_630 = arith.constant 3 : i32
        %get3A_631 = arith.index_cast %get3A_630 : i32 to index
        %get3A_632 = arith.index_cast %add3A_629 : i32 to index
        %get3A_633 = arith.constant 48 : index
        %get3A_634 = tpu.vector_load %arg6[%get3A_631, %get3A_632, %get3A_633] {strides = array<i32>} : memref<4x200x64xf32, #tpu.memory_space<vmem>>, vector<1x1x16xf32>,
        %get3A_635 = vector.shape_cast %get3A_634 : vector<1x1x16xf32> to vector<16xf32>
        %add3A_636 = arith.addf %get3A_579, %get3A_587 : vector<16xf32>
        %add3A_637 = arith.addf %get3A_595, %get3A_603 : vector<16xf32>
        %add3A_638 = arith.addf %get3A_611, %get3A_619 : vector<16xf32>
        %add3A_639 = arith.addf %get3A_627, %get3A_635 : vector<16xf32>
        %add3A_640 = arith.addf %add3A_636, %add3A_637 : vector<16xf32>
        %add3A_641 = arith.addf %add3A_638, %add3A_639 : vector<16xf32>
        %add3A_642 = arith.addf %add3A_640, %add3A_641 : vector<16xf32>
        %add3A_643 = arith.addf %scan3A_354, %add3A_642 : vector<16xf32>
        scf.yield %add3A_427, %add3A_499, %add3A_571, %add3A_643 : vector<16xf32>, vector<16xf32>, vector<16xf32>, vector<16xf32>
      }
      %scan3A_322 = arith.constant 25 : i32
      %swap3A_323 = arith.index_cast %add3A_290 : i32 to index
      %swap3A_324 = arith.constant 0 : index
      %swap3A_325 = tpu.vector_load %arg7[%swap3A_323, %swap3A_324] {strides = array<i32>} : memref<128x64xf32, #tpu.memory_space<vmem>>, vector<1x16xf32>,
      %swap3A_326 = vector.shape_cast %swap3A_325 : vector<1x16xf32> to vector<16xf32>
      %swap3A_327 = vector.shape_cast %scan3A_321#0 : vector<16xf32> to vector<1x16xf32>
      tpu.vector_store %arg7[%swap3A_323, %swap3A_324], %swap3A_327 {strides = array<i32>} : memref<128x64xf32, #tpu.memory_space<vmem>>, vector<1x16xf32>,
      %swap3A_328 = arith.index_cast %add3A_290 : i32 to index
      %swap3A_329 = arith.constant 16 : index
      %swap3A_330 = tpu.vector_load %arg7[%swap3A_328, %swap3A_329] {strides = array<i32>} : memref<128x64xf32, #tpu.memory_space<vmem>>, vector<1x16xf32>,
      %swap3A_331 = vector.shape_cast %swap3A_330 : vector<1x16xf32> to vector<16xf32>
      %swap3A_332 = vector.shape_cast %scan3A_321#1 : vector<16xf32> to vector<1x16xf32>
      tpu.vector_store %arg7[%swap3A_328, %swap3A_329], %swap3A_332 {strides = array<i32>} : memref<128x64xf32, #tpu.memory_space<vmem>>, vector<1x16xf32>,
      %swap3A_333 = arith.index_cast %add3A_290 : i32 to index
      %swap3A_334 = arith.constant 32 : index
      %swap3A_335 = tpu.vector_load %arg7[%swap3A_333, %swap3A_334] {strides = array<i32>} : memref<128x64xf32, #tpu.memory_space<vmem>>, vector<1x16xf32>,
      %swap3A_336 = vector.shape_cast %swap3A_335 : vector<1x16xf32> to vector<16xf32>
      %swap3A_337 = vector.shape_cast %scan3A_321#2 : vector<16xf32> to vector<1x16xf32>
      tpu.vector_store %arg7[%swap3A_333, %swap3A_334], %swap3A_337 {strides = array<i32>} : memref<128x64xf32, #tpu.memory_space<vmem>>, vector<1x16xf32>,
      %swap3A_338 = arith.index_cast %add3A_290 : i32 to index
      %swap3A_339 = arith.constant 48 : index
      %swap3A_340 = tpu.vector_load %arg7[%swap3A_338, %swap3A_339] {strides = array<i32>} : memref<128x64xf32, #tpu.memory_space<vmem>>, vector<1x16xf32>,
      %swap3A_341 = vector.shape_cast %swap3A_340 : vector<1x16xf32> to vector<16xf32>
      %swap3A_342 = vector.shape_cast %scan3A_321#3 : vector<16xf32> to vector<1x16xf32>
      tpu.vector_store %arg7[%swap3A_338, %swap3A_339], %swap3A_342 {strides = array<i32>} : memref<128x64xf32, #tpu.memory_space<vmem>>, vector<1x16xf32>,
      %add3A_343 = arith.constant 4 : i32
      %add3A_344 = arith.addi %add3A_290, %add3A_343 : i32
      %lt3A_345 = arith.constant 128 : i32
      %lt3A_346 = arith.cmpi slt, %add3A_344, %lt3A_345 : i32
      %convert_element_type3A_347 = arith.extui %lt3A_346 : i1 to i32
      %cond3A_348 = arith.constant 0 : i32
      %cond3A_349 = arith.cmpi ne, %convert_element_type3A_347, %cond3A_348 : i32
      scf.if %cond3A_349 {
        %dma_start3A_350 = arith.constant 3 : i32
        %dma_start3A_351 = arith.constant 0 : i32
        %dma_start3A_352 = arith.constant 0 : i32
        %dma_start3A_353 = tpu.memref_slice %arg6[%dma_start3A_350, %dma_start3A_351, %dma_start3A_352] : memref<4x200x64xf32, #tpu.memory_space<vmem>> -> memref<1x104x64xf32, #tpu.memory_space<vmem>>
        %dma_start3A_354 = tpu.memref_squeeze %dma_start3A_353 : memref<1x104x64xf32, #tpu.memory_space<vmem>> -> memref<104x64xf32, #tpu.memory_space<vmem>>
        %dma_start3A_355 = arith.constant 0 : i32
        %dma_start3A_356 = tpu.memref_slice %arg5[%add3A_344, %dma_start3A_355] : memref<128x200xi32, #tpu.memory_space<vmem>> -> memref<1x104xi32, #tpu.memory_space<vmem>>
        %dma_start3A_357 = tpu.memref_squeeze %dma_start3A_356 : memref<1x104xi32, #tpu.memory_space<vmem>> -> memref<104xi32, #tpu.memory_space<vmem>>
        %dma_start3A_358 = arith.constant 0 : i32
        %dma_start3A_359 = arith.constant 0 : i32
        %dma_start3A_360 = tpu.memref_slice %arg3[%dma_start3A_358, %dma_start3A_359] : memref<1000000x64xf32, #tpu.memory_space<hbm>> -> memref<1000000x64xf32, #tpu.memory_space<hbm>>
        tpu.enqueue_indirect_dma source(%dma_start3A_360 : memref<1000000x64xf32, #tpu.memory_space<hbm>>) target(%dma_start3A_354 : memref<104x64xf32, #tpu.memory_space<vmem>>) offsets(%dma_start3A_357 : memref<104xi32, #tpu.memory_space<vmem>>) semaphore(%arg8 : memref<!tpu.dma_semaphore, #tpu.memory_space<semaphore_mem>>)
        %dma_start3A_361 = arith.constant 3 : i32
        %dma_start3A_362 = arith.constant 104 : i32
        %dma_start3A_363 = arith.constant 0 : i32
        %dma_start3A_364 = tpu.memref_slice %arg6[%dma_start3A_361, %dma_start3A_362, %dma_start3A_363] : memref<4x200x64xf32, #tpu.memory_space<vmem>> -> memref<1x96x64xf32, #tpu.memory_space<vmem>>
        %dma_start3A_365 = tpu.memref_squeeze %dma_start3A_364 : memref<1x96x64xf32, #tpu.memory_space<vmem>> -> memref<96x64xf32, #tpu.memory_space<vmem>>
        %dma_start3A_366 = arith.constant 104 : i32
        %dma_start3A_367 = tpu.memref_slice %arg5[%add3A_344, %dma_start3A_366] : memref<128x200xi32, #tpu.memory_space<vmem>> -> memref<1x96xi32, #tpu.memory_space<vmem>>
        %dma_start3A_368 = tpu.memref_squeeze %dma_start3A_367 : memref<1x96xi32, #tpu.memory_space<vmem>> -> memref<96xi32, #tpu.memory_space<vmem>>
        %dma_start3A_369 = arith.constant 0 : i32
        %dma_start3A_370 = arith.constant 0 : i32
        %dma_start3A_371 = tpu.memref_slice %arg3[%dma_start3A_369, %dma_start3A_370] : memref<1000000x64xf32, #tpu.memory_space<hbm>> -> memref<1000000x64xf32, #tpu.memory_space<hbm>>
        tpu.enqueue_indirect_dma source(%dma_start3A_371 : memref<1000000x64xf32, #tpu.memory_space<hbm>>) target(%dma_start3A_365 : memref<96x64xf32, #tpu.memory_space<vmem>>) offsets(%dma_start3A_368 : memref<96xi32, #tpu.memory_space<vmem>>) semaphore(%arg8 : memref<!tpu.dma_semaphore, #tpu.memory_space<semaphore_mem>>)
      } else {
      }
    }
    %scan3A_102 = arith.constant 32 : i32
    "tpu.region"() ({
      %run_scoped3A = tpu.sem_alloc : memref<!tpu.dma_semaphore, #tpu.memory_space<semaphore_mem>>
      %dma_start3A_103 = arith.constant 0 : i32
      %dma_start3A_104 = tpu.memref_slice %arg4[%mul3A_2, %dma_start3A_103] : memref<4096x64xf32, #tpu.memory_space<hbm>> -> memref<128x64xf32, #tpu.memory_space<hbm>>
      %dma_start3A_105 = arith.constant 0 : i32
      %dma_start3A_106 = tpu.memref_slice %arg4[%mul3A_2, %dma_start3A_105] : memref<4096x64xf32, #tpu.memory_space<hbm>> -> memref<128x64xf32, #tpu.memory_space<hbm>>
      tpu.enqueue_dma source(%arg7 : memref<128x64xf32, #tpu.memory_space<vmem>>) target(%dma_start3A_106 : memref<128x64xf32, #tpu.memory_space<hbm>>) target_semaphore(%run_scoped3A : memref<!tpu.dma_semaphore, #tpu.memory_space<semaphore_mem>>)
      %dma_wait3A = arith.constant 0 : i32
      %dma_wait3A_107 = tpu.memref_slice %arg4[%mul3A_2, %dma_wait3A] : memref<4096x64xf32, #tpu.memory_space<hbm>> -> memref<128x64xf32, #tpu.memory_space<hbm>>
      %dma_wait3A_108 = arith.constant 0 : i32
      %dma_wait3A_109 = tpu.memref_slice %arg4[%mul3A_2, %dma_wait3A_108] : memref<4096x64xf32, #tpu.memory_space<hbm>> -> memref<128x64xf32, #tpu.memory_space<hbm>>
      tpu.wait_dma2 semaphore(%run_scoped3A : memref<!tpu.dma_semaphore, #tpu.memory_space<semaphore_mem>>) src(%arg7 : memref<128x64xf32, #tpu.memory_space<vmem>>) dst(%dma_wait3A_109 : memref<128x64xf32, #tpu.memory_space<hbm>>)
      tpu.yield
    }) : () -> ()
    return
  }
}

#map = affine_map<(d0, d1) -> (0, 0, 0)>
module attributes {stable_mosaic.version = 14 : i64} {
  func.func @_tpose_body(%arg0: i32, %arg1: i32, %arg2: memref<8x8x1000000xf32, #tpu.memory_space<hbm>>, %arg3: memref<4x8x128xf32, #tpu.memory_space<hbm>>, %arg4: memref<62500x8x128xf32, #tpu.memory_space<hbm>>, %arg5: memref<4x8x8x128xf32, #tpu.memory_space<vmem>>, %arg6: memref<4x8x8x128xf32, #tpu.memory_space<vmem>>, %arg7: memref<4x8x128xf32, #tpu.memory_space<vmem>>, %arg8: memref<!tpu.dma_semaphore, #tpu.memory_space<semaphore_mem>>, %arg9: memref<!tpu.dma_semaphore, #tpu.memory_space<semaphore_mem>>) attributes {dimension_semantics = [#tpu.dimension_semantics<core_parallel>, #tpu.dimension_semantics<subcore_parallel>], iteration_bounds = array<i64: 2, 16>, scalar_prefetch = 0 : i64, scratch_operands = 5 : i64, tpu.core_type = #tpu.core_type<sc_vector_subcore>, window_params = [{transform_indices = #map}, {transform_indices = #map}, {transform_indices = #map}]} {
    %mul3A = arith.constant 2 : i32
    %mul3A_0 = arith.muli %arg1, %mul3A : i32
    %add3A = arith.addi %mul3A_0, %arg0 : i32
    %iota3A = tpu.iota {dimensions = array<i32: 0>} : vector<16xi32>
    %shift_right_arithmetic3A = arith.constant 3 : i32
    %shift_right_arithmetic3A_1 = vector.broadcast %shift_right_arithmetic3A : i32 to vector<16xi32>
    %shift_right_arithmetic3A_2 = arith.shrsi %iota3A, %shift_right_arithmetic3A_1 : vector<16xi32>
    %and3A = arith.constant 7 : i32
    %and3A_3 = vector.broadcast %and3A : i32 to vector<16xi32>
    %and3A_4 = arith.andi %iota3A, %and3A_3 : vector<16xi32>
    %add3A_5 = arith.constant 0 : i32
    %add3A_6 = vector.broadcast %add3A_5 : i32 to vector<16xi32>
    %add3A_7 = arith.addi %shift_right_arithmetic3A_2, %add3A_6 : vector<16xi32>
    %add3A_8 = arith.constant 2 : i32
    %add3A_9 = vector.broadcast %add3A_8 : i32 to vector<16xi32>
    %add3A_10 = arith.addi %shift_right_arithmetic3A_2, %add3A_9 : vector<16xi32>
    %add3A_11 = arith.constant 4 : i32
    %add3A_12 = vector.broadcast %add3A_11 : i32 to vector<16xi32>
    %add3A_13 = arith.addi %shift_right_arithmetic3A_2, %add3A_12 : vector<16xi32>
    %add3A_14 = arith.constant 6 : i32
    %add3A_15 = vector.broadcast %add3A_14 : i32 to vector<16xi32>
    %add3A_16 = arith.addi %shift_right_arithmetic3A_2, %add3A_15 : vector<16xi32>
    %add3A_17 = arith.constant 0 : i32
    %add3A_18 = vector.broadcast %add3A_17 : i32 to vector<16xi32>
    %add3A_19 = arith.addi %add3A_18, %iota3A : vector<16xi32>
    %add3A_20 = arith.constant 16 : i32
    %add3A_21 = vector.broadcast %add3A_20 : i32 to vector<16xi32>
    %add3A_22 = arith.addi %add3A_21, %iota3A : vector<16xi32>
    %add3A_23 = arith.constant 32 : i32
    %add3A_24 = vector.broadcast %add3A_23 : i32 to vector<16xi32>
    %add3A_25 = arith.addi %add3A_24, %iota3A : vector<16xi32>
    %add3A_26 = arith.constant 48 : i32
    %add3A_27 = vector.broadcast %add3A_26 : i32 to vector<16xi32>
    %add3A_28 = arith.addi %add3A_27, %iota3A : vector<16xi32>
    %sub3A = arith.constant 7811 : i32
    %sub3A_29 = arith.subi %sub3A, %add3A : i32
    %jit3A = arith.constant 32 : i32
    %div3A = arith.divsi %sub3A_29, %jit3A : i32
    %sign3A = arith.constant 0 : i32
    %sign3A_30 = arith.cmpi sgt, %sub3A_29, %sign3A : i32
    %sign3A_31 = arith.extui %sign3A_30 : i1 to i32
    %sign3A_32 = arith.constant 0 : i32
    %sign3A_33 = arith.cmpi slt, %sub3A_29, %sign3A_32 : i32
    %sign3A_34 = arith.extui %sign3A_33 : i1 to i32
    %sign3A_35 = arith.subi %sign3A_31, %sign3A_34 : i32
    %sign3A_36 = arith.constant 0 : i32
    %sign3A_37 = arith.cmpi sgt, %jit3A, %sign3A_36 : i32
    %sign3A_38 = arith.extui %sign3A_37 : i1 to i32
    %sign3A_39 = arith.constant 0 : i32
    %sign3A_40 = arith.cmpi slt, %jit3A, %sign3A_39 : i32
    %sign3A_41 = arith.extui %sign3A_40 : i1 to i32
    %sign3A_42 = arith.subi %sign3A_38, %sign3A_41 : i32
    %ne3A = arith.cmpi ne, %sign3A_35, %sign3A_42 : i32
    %rem3A = arith.remsi %sub3A_29, %jit3A : i32
    %ne3A_43 = arith.constant 0 : i32
    %ne3A_44 = arith.cmpi ne, %rem3A, %ne3A_43 : i32
    %and3A_45 = arith.andi %ne3A, %ne3A_44 : i1
    %sub3A_46 = arith.constant 1 : i32
    %sub3A_47 = arith.subi %div3A, %sub3A_46 : i32
    %select_n3A = arith.select %and3A_45, %sub3A_47, %div3A : i32
    %add3A_48 = arith.constant 1 : i32
    %add3A_49 = arith.addi %select_n3A, %add3A_48 : i32
    %add3A_50 = arith.constant 0 : i32
    %add3A_51 = arith.addi %add3A, %add3A_50 : i32
    %mul3A_52 = arith.constant 128 : i32
    %mul3A_53 = arith.muli %mul3A_52, %add3A_51 : i32
    %dma_start3A = arith.constant 0 : i32
    %dma_start3A_54 = arith.constant 0 : i32
    %dma_start3A_55 = arith.constant 0 : i32
    %dma_start3A_56 = arith.constant 0 : i32
    %dma_start3A_57 = tpu.memref_slice %arg5[%dma_start3A, %dma_start3A_54, %dma_start3A_55, %dma_start3A_56] : memref<4x8x8x128xf32, #tpu.memory_space<vmem>> -> memref<1x8x8x128xf32, #tpu.memory_space<vmem>>
    %dma_start3A_58 = tpu.memref_squeeze %dma_start3A_57 : memref<1x8x8x128xf32, #tpu.memory_space<vmem>> -> memref<8x8x128xf32, #tpu.memory_space<vmem>>
    %dma_start3A_59 = arith.constant 0 : i32
    %dma_start3A_60 = arith.constant 0 : i32
    %dma_start3A_61 = tpu.memref_slice %arg2[%dma_start3A_59, %dma_start3A_60, %mul3A_53] : memref<8x8x1000000xf32, #tpu.memory_space<hbm>> -> memref<8x8x128xf32, #tpu.memory_space<hbm>>
    %dma_start3A_62 = arith.constant 0 : i32
    %dma_start3A_63 = arith.constant 0 : i32
    %dma_start3A_64 = arith.constant 0 : i32
    %dma_start3A_65 = tpu.memref_slice %arg5[%dma_start3A, %dma_start3A_62, %dma_start3A_63, %dma_start3A_64] : memref<4x8x8x128xf32, #tpu.memory_space<vmem>> -> memref<1x8x8x128xf32, #tpu.memory_space<vmem>>
    %dma_start3A_66 = tpu.memref_squeeze %dma_start3A_65 : memref<1x8x8x128xf32, #tpu.memory_space<vmem>> -> memref<8x8x128xf32, #tpu.memory_space<vmem>>
    %dma_start3A_67 = arith.constant 0 : i32
    %dma_start3A_68 = arith.constant 0 : i32
    %dma_start3A_69 = tpu.memref_slice %arg2[%dma_start3A_67, %dma_start3A_68, %mul3A_53] : memref<8x8x1000000xf32, #tpu.memory_space<hbm>> -> memref<8x8x128xf32, #tpu.memory_space<hbm>>
    tpu.enqueue_dma source(%dma_start3A_69 : memref<8x8x128xf32, #tpu.memory_space<hbm>>) target(%dma_start3A_66 : memref<8x8x128xf32, #tpu.memory_space<vmem>>) target_semaphore(%arg8 : memref<!tpu.dma_semaphore, #tpu.memory_space<semaphore_mem>>)
    %add3A_70 = arith.constant 32 : i32
    %add3A_71 = arith.addi %add3A, %add3A_70 : i32
    %mul3A_72 = arith.constant 128 : i32
    %mul3A_73 = arith.muli %mul3A_72, %add3A_71 : i32
    %dma_start3A_74 = arith.constant 1 : i32
    %dma_start3A_75 = arith.constant 0 : i32
    %dma_start3A_76 = arith.constant 0 : i32
    %dma_start3A_77 = arith.constant 0 : i32
    %dma_start3A_78 = tpu.memref_slice %arg5[%dma_start3A_74, %dma_start3A_75, %dma_start3A_76, %dma_start3A_77] : memref<4x8x8x128xf32, #tpu.memory_space<vmem>> -> memref<1x8x8x128xf32, #tpu.memory_space<vmem>>
    %dma_start3A_79 = tpu.memref_squeeze %dma_start3A_78 : memref<1x8x8x128xf32, #tpu.memory_space<vmem>> -> memref<8x8x128xf32, #tpu.memory_space<vmem>>
    %dma_start3A_80 = arith.constant 0 : i32
    %dma_start3A_81 = arith.constant 0 : i32
    %dma_start3A_82 = tpu.memref_slice %arg2[%dma_start3A_80, %dma_start3A_81, %mul3A_73] : memref<8x8x1000000xf32, #tpu.memory_space<hbm>> -> memref<8x8x128xf32, #tpu.memory_space<hbm>>
    %dma_start3A_83 = arith.constant 0 : i32
    %dma_start3A_84 = arith.constant 0 : i32
    %dma_start3A_85 = arith.constant 0 : i32
    %dma_start3A_86 = tpu.memref_slice %arg5[%dma_start3A_74, %dma_start3A_83, %dma_start3A_84, %dma_start3A_85] : memref<4x8x8x128xf32, #tpu.memory_space<vmem>> -> memref<1x8x8x128xf32, #tpu.memory_space<vmem>>
    %dma_start3A_87 = tpu.memref_squeeze %dma_start3A_86 : memref<1x8x8x128xf32, #tpu.memory_space<vmem>> -> memref<8x8x128xf32, #tpu.memory_space<vmem>>
    %dma_start3A_88 = arith.constant 0 : i32
    %dma_start3A_89 = arith.constant 0 : i32
    %dma_start3A_90 = tpu.memref_slice %arg2[%dma_start3A_88, %dma_start3A_89, %mul3A_73] : memref<8x8x1000000xf32, #tpu.memory_space<hbm>> -> memref<8x8x128xf32, #tpu.memory_space<hbm>>
    tpu.enqueue_dma source(%dma_start3A_90 : memref<8x8x128xf32, #tpu.memory_space<hbm>>) target(%dma_start3A_87 : memref<8x8x128xf32, #tpu.memory_space<vmem>>) target_semaphore(%arg8 : memref<!tpu.dma_semaphore, #tpu.memory_space<semaphore_mem>>)
    %add3A_91 = arith.constant 64 : i32
    %add3A_92 = arith.addi %add3A, %add3A_91 : i32
    %mul3A_93 = arith.constant 128 : i32
    %mul3A_94 = arith.muli %mul3A_93, %add3A_92 : i32
    %dma_start3A_95 = arith.constant 2 : i32
    %dma_start3A_96 = arith.constant 0 : i32
    %dma_start3A_97 = arith.constant 0 : i32
    %dma_start3A_98 = arith.constant 0 : i32
    %dma_start3A_99 = tpu.memref_slice %arg5[%dma_start3A_95, %dma_start3A_96, %dma_start3A_97, %dma_start3A_98] : memref<4x8x8x128xf32, #tpu.memory_space<vmem>> -> memref<1x8x8x128xf32, #tpu.memory_space<vmem>>
    %dma_start3A_100 = tpu.memref_squeeze %dma_start3A_99 : memref<1x8x8x128xf32, #tpu.memory_space<vmem>> -> memref<8x8x128xf32, #tpu.memory_space<vmem>>
    %dma_start3A_101 = arith.constant 0 : i32
    %dma_start3A_102 = arith.constant 0 : i32
    %dma_start3A_103 = tpu.memref_slice %arg2[%dma_start3A_101, %dma_start3A_102, %mul3A_94] : memref<8x8x1000000xf32, #tpu.memory_space<hbm>> -> memref<8x8x128xf32, #tpu.memory_space<hbm>>
    %dma_start3A_104 = arith.constant 0 : i32
    %dma_start3A_105 = arith.constant 0 : i32
    %dma_start3A_106 = arith.constant 0 : i32
    %dma_start3A_107 = tpu.memref_slice %arg5[%dma_start3A_95, %dma_start3A_104, %dma_start3A_105, %dma_start3A_106] : memref<4x8x8x128xf32, #tpu.memory_space<vmem>> -> memref<1x8x8x128xf32, #tpu.memory_space<vmem>>
    %dma_start3A_108 = tpu.memref_squeeze %dma_start3A_107 : memref<1x8x8x128xf32, #tpu.memory_space<vmem>> -> memref<8x8x128xf32, #tpu.memory_space<vmem>>
    %dma_start3A_109 = arith.constant 0 : i32
    %dma_start3A_110 = arith.constant 0 : i32
    %dma_start3A_111 = tpu.memref_slice %arg2[%dma_start3A_109, %dma_start3A_110, %mul3A_94] : memref<8x8x1000000xf32, #tpu.memory_space<hbm>> -> memref<8x8x128xf32, #tpu.memory_space<hbm>>
    tpu.enqueue_dma source(%dma_start3A_111 : memref<8x8x128xf32, #tpu.memory_space<hbm>>) target(%dma_start3A_108 : memref<8x8x128xf32, #tpu.memory_space<vmem>>) target_semaphore(%arg8 : memref<!tpu.dma_semaphore, #tpu.memory_space<semaphore_mem>>)
    %add3A_112 = arith.constant 96 : i32
    %add3A_113 = arith.addi %add3A, %add3A_112 : i32
    %mul3A_114 = arith.constant 128 : i32
    %mul3A_115 = arith.muli %mul3A_114, %add3A_113 : i32
    %dma_start3A_116 = arith.constant 3 : i32
    %dma_start3A_117 = arith.constant 0 : i32
    %dma_start3A_118 = arith.constant 0 : i32
    %dma_start3A_119 = arith.constant 0 : i32
    %dma_start3A_120 = tpu.memref_slice %arg5[%dma_start3A_116, %dma_start3A_117, %dma_start3A_118, %dma_start3A_119] : memref<4x8x8x128xf32, #tpu.memory_space<vmem>> -> memref<1x8x8x128xf32, #tpu.memory_space<vmem>>
    %dma_start3A_121 = tpu.memref_squeeze %dma_start3A_120 : memref<1x8x8x128xf32, #tpu.memory_space<vmem>> -> memref<8x8x128xf32, #tpu.memory_space<vmem>>
    %dma_start3A_122 = arith.constant 0 : i32
    %dma_start3A_123 = arith.constant 0 : i32
    %dma_start3A_124 = tpu.memref_slice %arg2[%dma_start3A_122, %dma_start3A_123, %mul3A_115] : memref<8x8x1000000xf32, #tpu.memory_space<hbm>> -> memref<8x8x128xf32, #tpu.memory_space<hbm>>
    %dma_start3A_125 = arith.constant 0 : i32
    %dma_start3A_126 = arith.constant 0 : i32
    %dma_start3A_127 = arith.constant 0 : i32
    %dma_start3A_128 = tpu.memref_slice %arg5[%dma_start3A_116, %dma_start3A_125, %dma_start3A_126, %dma_start3A_127] : memref<4x8x8x128xf32, #tpu.memory_space<vmem>> -> memref<1x8x8x128xf32, #tpu.memory_space<vmem>>
    %dma_start3A_129 = tpu.memref_squeeze %dma_start3A_128 : memref<1x8x8x128xf32, #tpu.memory_space<vmem>> -> memref<8x8x128xf32, #tpu.memory_space<vmem>>
    %dma_start3A_130 = arith.constant 0 : i32
    %dma_start3A_131 = arith.constant 0 : i32
    %dma_start3A_132 = tpu.memref_slice %arg2[%dma_start3A_130, %dma_start3A_131, %mul3A_115] : memref<8x8x1000000xf32, #tpu.memory_space<hbm>> -> memref<8x8x128xf32, #tpu.memory_space<hbm>>
    tpu.enqueue_dma source(%dma_start3A_132 : memref<8x8x128xf32, #tpu.memory_space<hbm>>) target(%dma_start3A_129 : memref<8x8x128xf32, #tpu.memory_space<vmem>>) target_semaphore(%arg8 : memref<!tpu.dma_semaphore, #tpu.memory_space<semaphore_mem>>)
    %while3A = arith.constant 0 : i32
    %while3A_133 = arith.constant 0 : i32
    %while3A_134 = arith.subi %add3A_49, %while3A_133 : i32
    %while3A_135 = arith.addi %while3A_133, %while3A_134 : i32
    %while3A_136 = arith.constant 1 : i32
    %while3A_137 = arith.divsi %while3A_134, %while3A_136 : i32
    %while3A_138 = arith.muli %while3A_137, %while3A_136 : i32
    %while3A_139 = arith.addi %while3A_133, %while3A_138 : i32
    %while3A_140 = arith.constant 1 : i32
    scf.for %while3A_163 = %while3A_133 to %while3A_139 step %while3A_140  : i32 {
      %and3A_164 = arith.constant 3 : i32
      %and3A_165 = arith.andi %while3A_163, %and3A_164 : i32
      %mul3A_166 = arith.constant 32 : i32
      %mul3A_167 = arith.muli %while3A_163, %mul3A_166 : i32
      %add3A_168 = arith.addi %add3A, %mul3A_167 : i32
      %dma_wait3A = arith.constant 0 : i32
      %dma_wait3A_169 = arith.constant 0 : i32
      %dma_wait3A_170 = arith.constant 0 : i32
      %dma_wait3A_171 = tpu.memref_slice %arg5[%and3A_165, %dma_wait3A, %dma_wait3A_169, %dma_wait3A_170] : memref<4x8x8x128xf32, #tpu.memory_space<vmem>> -> memref<1x8x8x128xf32, #tpu.memory_space<vmem>>
      %dma_wait3A_172 = tpu.memref_squeeze %dma_wait3A_171 : memref<1x8x8x128xf32, #tpu.memory_space<vmem>> -> memref<8x8x128xf32, #tpu.memory_space<vmem>>
      %dma_wait3A_173 = arith.constant 0 : i32
      %dma_wait3A_174 = arith.constant 0 : i32
      %dma_wait3A_175 = arith.constant 0 : i32
      %dma_wait3A_176 = tpu.memref_slice %arg2[%dma_wait3A_173, %dma_wait3A_174, %dma_wait3A_175] : memref<8x8x1000000xf32, #tpu.memory_space<hbm>> -> memref<8x8x128xf32, #tpu.memory_space<hbm>>
      %dma_wait3A_177 = arith.constant 0 : i32
      %dma_wait3A_178 = arith.constant 0 : i32
      %dma_wait3A_179 = arith.constant 0 : i32
      %dma_wait3A_180 = tpu.memref_slice %arg5[%and3A_165, %dma_wait3A_177, %dma_wait3A_178, %dma_wait3A_179] : memref<4x8x8x128xf32, #tpu.memory_space<vmem>> -> memref<1x8x8x128xf32, #tpu.memory_space<vmem>>
      %dma_wait3A_181 = tpu.memref_squeeze %dma_wait3A_180 : memref<1x8x8x128xf32, #tpu.memory_space<vmem>> -> memref<8x8x128xf32, #tpu.memory_space<vmem>>
      %dma_wait3A_182 = arith.constant 0 : i32
      %dma_wait3A_183 = arith.constant 0 : i32
      %dma_wait3A_184 = arith.constant 0 : i32
      %dma_wait3A_185 = tpu.memref_slice %arg2[%dma_wait3A_182, %dma_wait3A_183, %dma_wait3A_184] : memref<8x8x1000000xf32, #tpu.memory_space<hbm>> -> memref<8x8x128xf32, #tpu.memory_space<hbm>>
      tpu.wait_dma2 semaphore(%arg8 : memref<!tpu.dma_semaphore, #tpu.memory_space<semaphore_mem>>) src(%dma_wait3A_185 : memref<8x8x128xf32, #tpu.memory_space<hbm>>) dst(%dma_wait3A_181 : memref<8x8x128xf32, #tpu.memory_space<vmem>>)
      %ge3A_186 = arith.constant 4 : i32
      %ge3A_187 = arith.cmpi sge, %while3A_163, %ge3A_186 : i32
      %convert_element_type3A_188 = arith.extui %ge3A_187 : i1 to i32
      %cond3A_189 = arith.constant 0 : i32
      %cond3A_190 = arith.cmpi ne, %convert_element_type3A_188, %cond3A_189 : i32
      scf.if %cond3A_190 {
        %dma_wait3A_219 = arith.constant 0 : i32
        %dma_wait3A_220 = arith.constant 0 : i32
        %dma_wait3A_221 = arith.constant 0 : i32
        %dma_wait3A_222 = tpu.memref_slice %arg6[%and3A_165, %dma_wait3A_219, %dma_wait3A_220, %dma_wait3A_221] : memref<4x8x8x128xf32, #tpu.memory_space<vmem>> -> memref<1x8x8x128xf32, #tpu.memory_space<vmem>>
        %dma_wait3A_223 = tpu.memref_squeeze %dma_wait3A_222 : memref<1x8x8x128xf32, #tpu.memory_space<vmem>> -> memref<8x8x128xf32, #tpu.memory_space<vmem>>
        %dma_wait3A_224 = arith.constant 0 : i32
        %dma_wait3A_225 = arith.constant 0 : i32
        %dma_wait3A_226 = arith.constant 0 : i32
        %dma_wait3A_227 = tpu.memref_slice %arg4[%dma_wait3A_224, %dma_wait3A_225, %dma_wait3A_226] : memref<62500x8x128xf32, #tpu.memory_space<hbm>> -> memref<8x8x128xf32, #tpu.memory_space<hbm>>
        %dma_wait3A_228 = arith.constant 0 : i32
        %dma_wait3A_229 = arith.constant 0 : i32
        %dma_wait3A_230 = arith.constant 0 : i32
        %dma_wait3A_231 = tpu.memref_slice %arg4[%dma_wait3A_228, %dma_wait3A_229, %dma_wait3A_230] : memref<62500x8x128xf32, #tpu.memory_space<hbm>> -> memref<8x8x128xf32, #tpu.memory_space<hbm>>
        %dma_wait3A_232 = arith.constant 0 : i32
        %dma_wait3A_233 = arith.constant 0 : i32
        %dma_wait3A_234 = arith.constant 0 : i32
        %dma_wait3A_235 = tpu.memref_slice %arg6[%and3A_165, %dma_wait3A_232, %dma_wait3A_233, %dma_wait3A_234] : memref<4x8x8x128xf32, #tpu.memory_space<vmem>> -> memref<1x8x8x128xf32, #tpu.memory_space<vmem>>
        %dma_wait3A_236 = tpu.memref_squeeze %dma_wait3A_235 : memref<1x8x8x128xf32, #tpu.memory_space<vmem>> -> memref<8x8x128xf32, #tpu.memory_space<vmem>>
        tpu.wait_dma2 semaphore(%arg9 : memref<!tpu.dma_semaphore, #tpu.memory_space<semaphore_mem>>) src(%dma_wait3A_236 : memref<8x8x128xf32, #tpu.memory_space<vmem>>) dst(%dma_wait3A_231 : memref<8x8x128xf32, #tpu.memory_space<hbm>>)
      } else {
      }
      %scan3A = arith.constant 0 : i32
      %scan3A_191 = arith.constant 0 : i32
      %scan3A_192 = arith.constant 8 : i32
      %scan3A_193 = arith.addi %scan3A_191, %scan3A_192 : i32
      %scan3A_194 = arith.constant 1 : i32
      scf.for %scan3A_219 = %scan3A_191 to %scan3A_193 step %scan3A_194  : i32 {
        %mul3A_220 = arith.constant 2 : i32
        %mul3A_221 = arith.muli %mul3A_220, %scan3A_219 : i32
        %add3A_222 = arith.constant 0 : i32
        %add3A_223 = arith.addi %mul3A_221, %add3A_222 : i32
        %add3A_224 = vector.broadcast %add3A_223 : i32 to vector<16xi32>
        %add3A_225 = arith.addi %iota3A, %add3A_224 : vector<16xi32>
        %and3A_226 = arith.constant 15 : i32
        %and3A_227 = vector.broadcast %and3A_226 : i32 to vector<16xi32>
        %and3A_228 = arith.andi %add3A_225, %and3A_227 : vector<16xi32>
        %add3A_229 = arith.constant 0 : i32
        %add3A_230 = vector.broadcast %add3A_229 : i32 to vector<16xi32>
        %add3A_231 = arith.addi %add3A_230, %and3A_228 : vector<16xi32>
        %shift_right_arithmetic3A_232 = arith.constant 1 : i32
        %shift_right_arithmetic3A_233 = vector.broadcast %shift_right_arithmetic3A_232 : i32 to vector<16xi32>
        %shift_right_arithmetic3A_234 = arith.shrsi %add3A_231, %shift_right_arithmetic3A_233 : vector<16xi32>
        %shift_right_arithmetic3A_235 = arith.constant 3 : i32
        %shift_right_arithmetic3A_236 = vector.broadcast %shift_right_arithmetic3A_235 : i32 to vector<16xi32>
        %shift_right_arithmetic3A_237 = arith.shrsi %shift_right_arithmetic3A_234, %shift_right_arithmetic3A_236 : vector<16xi32>
        %and3A_238 = arith.constant 7 : i32
        %and3A_239 = vector.broadcast %and3A_238 : i32 to vector<16xi32>
        %and3A_240 = arith.andi %shift_right_arithmetic3A_234, %and3A_239 : vector<16xi32>
        %and3A_241 = arith.constant 1 : i32
        %and3A_242 = vector.broadcast %and3A_241 : i32 to vector<16xi32>
        %and3A_243 = arith.andi %add3A_231, %and3A_242 : vector<16xi32>
        %shift_left3A = arith.constant 6 : i32
        %shift_left3A_244 = vector.broadcast %shift_left3A : i32 to vector<16xi32>
        %shift_left3A_245 = arith.shli %and3A_243, %shift_left3A_244 : vector<16xi32>
        %add3A_246 = arith.addi %shift_left3A_245, %add3A_19 : vector<16xi32>
        %gather3A = arith.constant 0 : i32
        %gather3A_247 = arith.constant 0 : i32
        %gather3A_248 = arith.constant 0 : i32
        %gather3A_249 = tpu.memref_slice %arg5[%and3A_165, %gather3A, %gather3A_247, %gather3A_248] : memref<4x8x8x128xf32, #tpu.memory_space<vmem>> -> memref<1x8x8x128xf32, #tpu.memory_space<vmem>>
        %gather3A_250 = tpu.memref_squeeze %gather3A_249 : memref<1x8x8x128xf32, #tpu.memory_space<vmem>> -> memref<8x8x128xf32, #tpu.memory_space<vmem>>
        %gather3A_251 = tpu.vector_load_idx %gather3A_250[%add3A_7, %and3A_4, %add3A_231] : memref<8x8x128xf32, #tpu.memory_space<vmem>>[vector<16xi32>, vector<16xi32>, vector<16xi32>], vector<16xf32>,
        %add3A_252 = arith.addi %shift_left3A_245, %add3A_22 : vector<16xi32>
        %gather3A_253 = arith.constant 0 : i32
        %gather3A_254 = arith.constant 0 : i32
        %gather3A_255 = arith.constant 0 : i32
        %gather3A_256 = tpu.memref_slice %arg5[%and3A_165, %gather3A_253, %gather3A_254, %gather3A_255] : memref<4x8x8x128xf32, #tpu.memory_space<vmem>> -> memref<1x8x8x128xf32, #tpu.memory_space<vmem>>
        %gather3A_257 = tpu.memref_squeeze %gather3A_256 : memref<1x8x8x128xf32, #tpu.memory_space<vmem>> -> memref<8x8x128xf32, #tpu.memory_space<vmem>>
        %gather3A_258 = tpu.vector_load_idx %gather3A_257[%add3A_10, %and3A_4, %add3A_231] : memref<8x8x128xf32, #tpu.memory_space<vmem>>[vector<16xi32>, vector<16xi32>, vector<16xi32>], vector<16xf32>,
        %add3A_259 = arith.addi %shift_left3A_245, %add3A_25 : vector<16xi32>
        %gather3A_260 = arith.constant 0 : i32
        %gather3A_261 = arith.constant 0 : i32
        %gather3A_262 = arith.constant 0 : i32
        %gather3A_263 = tpu.memref_slice %arg5[%and3A_165, %gather3A_260, %gather3A_261, %gather3A_262] : memref<4x8x8x128xf32, #tpu.memory_space<vmem>> -> memref<1x8x8x128xf32, #tpu.memory_space<vmem>>
        %gather3A_264 = tpu.memref_squeeze %gather3A_263 : memref<1x8x8x128xf32, #tpu.memory_space<vmem>> -> memref<8x8x128xf32, #tpu.memory_space<vmem>>
        %gather3A_265 = tpu.vector_load_idx %gather3A_264[%add3A_13, %and3A_4, %add3A_231] : memref<8x8x128xf32, #tpu.memory_space<vmem>>[vector<16xi32>, vector<16xi32>, vector<16xi32>], vector<16xf32>,
        %add3A_266 = arith.addi %shift_left3A_245, %add3A_28 : vector<16xi32>
        %gather3A_267 = arith.constant 0 : i32
        %gather3A_268 = arith.constant 0 : i32
        %gather3A_269 = arith.constant 0 : i32
        %gather3A_270 = tpu.memref_slice %arg5[%and3A_165, %gather3A_267, %gather3A_268, %gather3A_269] : memref<4x8x8x128xf32, #tpu.memory_space<vmem>> -> memref<1x8x8x128xf32, #tpu.memory_space<vmem>>
        %gather3A_271 = tpu.memref_squeeze %gather3A_270 : memref<1x8x8x128xf32, #tpu.memory_space<vmem>> -> memref<8x8x128xf32, #tpu.memory_space<vmem>>
        %gather3A_272 = tpu.vector_load_idx %gather3A_271[%add3A_16, %and3A_4, %add3A_231] : memref<8x8x128xf32, #tpu.memory_space<vmem>>[vector<16xi32>, vector<16xi32>, vector<16xi32>], vector<16xf32>,
        %add3A_273 = arith.constant 16 : i32
        %add3A_274 = vector.broadcast %add3A_273 : i32 to vector<16xi32>
        %add3A_275 = arith.addi %add3A_274, %and3A_228 : vector<16xi32>
        %shift_right_arithmetic3A_276 = arith.constant 1 : i32
        %shift_right_arithmetic3A_277 = vector.broadcast %shift_right_arithmetic3A_276 : i32 to vector<16xi32>
        %shift_right_arithmetic3A_278 = arith.shrsi %add3A_275, %shift_right_arithmetic3A_277 : vector<16xi32>
        %shift_right_arithmetic3A_279 = arith.constant 3 : i32
        %shift_right_arithmetic3A_280 = vector.broadcast %shift_right_arithmetic3A_279 : i32 to vector<16xi32>
        %shift_right_arithmetic3A_281 = arith.shrsi %shift_right_arithmetic3A_278, %shift_right_arithmetic3A_280 : vector<16xi32>
        %and3A_282 = arith.constant 7 : i32
        %and3A_283 = vector.broadcast %and3A_282 : i32 to vector<16xi32>
        %and3A_284 = arith.andi %shift_right_arithmetic3A_278, %and3A_283 : vector<16xi32>
        %and3A_285 = arith.constant 1 : i32
        %and3A_286 = vector.broadcast %and3A_285 : i32 to vector<16xi32>
        %and3A_287 = arith.andi %add3A_275, %and3A_286 : vector<16xi32>
        %shift_left3A_288 = arith.constant 6 : i32
        %shift_left3A_289 = vector.broadcast %shift_left3A_288 : i32 to vector<16xi32>
        %shift_left3A_290 = arith.shli %and3A_287, %shift_left3A_289 : vector<16xi32>
        %add3A_291 = arith.addi %shift_left3A_290, %add3A_19 : vector<16xi32>
        %gather3A_292 = arith.constant 0 : i32
        %gather3A_293 = arith.constant 0 : i32
        %gather3A_294 = arith.constant 0 : i32
        %gather3A_295 = tpu.memref_slice %arg5[%and3A_165, %gather3A_292, %gather3A_293, %gather3A_294] : memref<4x8x8x128xf32, #tpu.memory_space<vmem>> -> memref<1x8x8x128xf32, #tpu.memory_space<vmem>>
        %gather3A_296 = tpu.memref_squeeze %gather3A_295 : memref<1x8x8x128xf32, #tpu.memory_space<vmem>> -> memref<8x8x128xf32, #tpu.memory_space<vmem>>
        %gather3A_297 = tpu.vector_load_idx %gather3A_296[%add3A_7, %and3A_4, %add3A_275] : memref<8x8x128xf32, #tpu.memory_space<vmem>>[vector<16xi32>, vector<16xi32>, vector<16xi32>], vector<16xf32>,
        %add3A_298 = arith.addi %shift_left3A_290, %add3A_22 : vector<16xi32>
        %gather3A_299 = arith.constant 0 : i32
        %gather3A_300 = arith.constant 0 : i32
        %gather3A_301 = arith.constant 0 : i32
        %gather3A_302 = tpu.memref_slice %arg5[%and3A_165, %gather3A_299, %gather3A_300, %gather3A_301] : memref<4x8x8x128xf32, #tpu.memory_space<vmem>> -> memref<1x8x8x128xf32, #tpu.memory_space<vmem>>
        %gather3A_303 = tpu.memref_squeeze %gather3A_302 : memref<1x8x8x128xf32, #tpu.memory_space<vmem>> -> memref<8x8x128xf32, #tpu.memory_space<vmem>>
        %gather3A_304 = tpu.vector_load_idx %gather3A_303[%add3A_10, %and3A_4, %add3A_275] : memref<8x8x128xf32, #tpu.memory_space<vmem>>[vector<16xi32>, vector<16xi32>, vector<16xi32>], vector<16xf32>,
        %add3A_305 = arith.addi %shift_left3A_290, %add3A_25 : vector<16xi32>
        %gather3A_306 = arith.constant 0 : i32
        %gather3A_307 = arith.constant 0 : i32
        %gather3A_308 = arith.constant 0 : i32
        %gather3A_309 = tpu.memref_slice %arg5[%and3A_165, %gather3A_306, %gather3A_307, %gather3A_308] : memref<4x8x8x128xf32, #tpu.memory_space<vmem>> -> memref<1x8x8x128xf32, #tpu.memory_space<vmem>>
        %gather3A_310 = tpu.memref_squeeze %gather3A_309 : memref<1x8x8x128xf32, #tpu.memory_space<vmem>> -> memref<8x8x128xf32, #tpu.memory_space<vmem>>
        %gather3A_311 = tpu.vector_load_idx %gather3A_310[%add3A_13, %and3A_4, %add3A_275] : memref<8x8x128xf32, #tpu.memory_space<vmem>>[vector<16xi32>, vector<16xi32>, vector<16xi32>], vector<16xf32>,
        %add3A_312 = arith.addi %shift_left3A_290, %add3A_28 : vector<16xi32>
        %gather3A_313 = arith.constant 0 : i32
        %gather3A_314 = arith.constant 0 : i32
        %gather3A_315 = arith.constant 0 : i32
        %gather3A_316 = tpu.memref_slice %arg5[%and3A_165, %gather3A_313, %gather3A_314, %gather3A_315] : memref<4x8x8x128xf32, #tpu.memory_space<vmem>> -> memref<1x8x8x128xf32, #tpu.memory_space<vmem>>
        %gather3A_317 = tpu.memref_squeeze %gather3A_316 : memref<1x8x8x128xf32, #tpu.memory_space<vmem>> -> memref<8x8x128xf32, #tpu.memory_space<vmem>>
        %gather3A_318 = tpu.vector_load_idx %gather3A_317[%add3A_16, %and3A_4, %add3A_275] : memref<8x8x128xf32, #tpu.memory_space<vmem>>[vector<16xi32>, vector<16xi32>, vector<16xi32>], vector<16xf32>,
        %scatter3A = arith.constant 0 : i32
        %scatter3A_319 = arith.constant 0 : i32
        %scatter3A_320 = arith.constant 0 : i32
        %scatter3A_321 = tpu.memref_slice %arg6[%and3A_165, %scatter3A, %scatter3A_319, %scatter3A_320] : memref<4x8x8x128xf32, #tpu.memory_space<vmem>> -> memref<1x8x8x128xf32, #tpu.memory_space<vmem>>
        %scatter3A_322 = tpu.memref_squeeze %scatter3A_321 : memref<1x8x8x128xf32, #tpu.memory_space<vmem>> -> memref<8x8x128xf32, #tpu.memory_space<vmem>>
        tpu.vector_store_idx %scatter3A_322[%shift_right_arithmetic3A_237, %and3A_240, %add3A_246], %gather3A_251 : memref<8x8x128xf32, #tpu.memory_space<vmem>>[vector<16xi32>, vector<16xi32>, vector<16xi32>], vector<16xf32>,
        %scatter3A_323 = arith.constant 0 : i32
        %scatter3A_324 = arith.constant 0 : i32
        %scatter3A_325 = arith.constant 0 : i32
        %scatter3A_326 = tpu.memref_slice %arg6[%and3A_165, %scatter3A_323, %scatter3A_324, %scatter3A_325] : memref<4x8x8x128xf32, #tpu.memory_space<vmem>> -> memref<1x8x8x128xf32, #tpu.memory_space<vmem>>
        %scatter3A_327 = tpu.memref_squeeze %scatter3A_326 : memref<1x8x8x128xf32, #tpu.memory_space<vmem>> -> memref<8x8x128xf32, #tpu.memory_space<vmem>>
        tpu.vector_store_idx %scatter3A_327[%shift_right_arithmetic3A_237, %and3A_240, %add3A_252], %gather3A_258 : memref<8x8x128xf32, #tpu.memory_space<vmem>>[vector<16xi32>, vector<16xi32>, vector<16xi32>], vector<16xf32>,
        %scatter3A_328 = arith.constant 0 : i32
        %scatter3A_329 = arith.constant 0 : i32
        %scatter3A_330 = arith.constant 0 : i32
        %scatter3A_331 = tpu.memref_slice %arg6[%and3A_165, %scatter3A_328, %scatter3A_329, %scatter3A_330] : memref<4x8x8x128xf32, #tpu.memory_space<vmem>> -> memref<1x8x8x128xf32, #tpu.memory_space<vmem>>
        %scatter3A_332 = tpu.memref_squeeze %scatter3A_331 : memref<1x8x8x128xf32, #tpu.memory_space<vmem>> -> memref<8x8x128xf32, #tpu.memory_space<vmem>>
        tpu.vector_store_idx %scatter3A_332[%shift_right_arithmetic3A_237, %and3A_240, %add3A_259], %gather3A_265 : memref<8x8x128xf32, #tpu.memory_space<vmem>>[vector<16xi32>, vector<16xi32>, vector<16xi32>], vector<16xf32>,
        %scatter3A_333 = arith.constant 0 : i32
        %scatter3A_334 = arith.constant 0 : i32
        %scatter3A_335 = arith.constant 0 : i32
        %scatter3A_336 = tpu.memref_slice %arg6[%and3A_165, %scatter3A_333, %scatter3A_334, %scatter3A_335] : memref<4x8x8x128xf32, #tpu.memory_space<vmem>> -> memref<1x8x8x128xf32, #tpu.memory_space<vmem>>
        %scatter3A_337 = tpu.memref_squeeze %scatter3A_336 : memref<1x8x8x128xf32, #tpu.memory_space<vmem>> -> memref<8x8x128xf32, #tpu.memory_space<vmem>>
        tpu.vector_store_idx %scatter3A_337[%shift_right_arithmetic3A_237, %and3A_240, %add3A_266], %gather3A_272 : memref<8x8x128xf32, #tpu.memory_space<vmem>>[vector<16xi32>, vector<16xi32>, vector<16xi32>], vector<16xf32>,
        %scatter3A_338 = arith.constant 0 : i32
        %scatter3A_339 = arith.constant 0 : i32
        %scatter3A_340 = arith.constant 0 : i32
        %scatter3A_341 = tpu.memref_slice %arg6[%and3A_165, %scatter3A_338, %scatter3A_339, %scatter3A_340] : memref<4x8x8x128xf32, #tpu.memory_space<vmem>> -> memref<1x8x8x128xf32, #tpu.memory_space<vmem>>
        %scatter3A_342 = tpu.memref_squeeze %scatter3A_341 : memref<1x8x8x128xf32, #tpu.memory_space<vmem>> -> memref<8x8x128xf32, #tpu.memory_space<vmem>>
        tpu.vector_store_idx %scatter3A_342[%shift_right_arithmetic3A_281, %and3A_284, %add3A_291], %gather3A_297 : memref<8x8x128xf32, #tpu.memory_space<vmem>>[vector<16xi32>, vector<16xi32>, vector<16xi32>], vector<16xf32>,
        %scatter3A_343 = arith.constant 0 : i32
        %scatter3A_344 = arith.constant 0 : i32
        %scatter3A_345 = arith.constant 0 : i32
        %scatter3A_346 = tpu.memref_slice %arg6[%and3A_165, %scatter3A_343, %scatter3A_344, %scatter3A_345] : memref<4x8x8x128xf32, #tpu.memory_space<vmem>> -> memref<1x8x8x128xf32, #tpu.memory_space<vmem>>
        %scatter3A_347 = tpu.memref_squeeze %scatter3A_346 : memref<1x8x8x128xf32, #tpu.memory_space<vmem>> -> memref<8x8x128xf32, #tpu.memory_space<vmem>>
        tpu.vector_store_idx %scatter3A_347[%shift_right_arithmetic3A_281, %and3A_284, %add3A_298], %gather3A_304 : memref<8x8x128xf32, #tpu.memory_space<vmem>>[vector<16xi32>, vector<16xi32>, vector<16xi32>], vector<16xf32>,
        %scatter3A_348 = arith.constant 0 : i32
        %scatter3A_349 = arith.constant 0 : i32
        %scatter3A_350 = arith.constant 0 : i32
        %scatter3A_351 = tpu.memref_slice %arg6[%and3A_165, %scatter3A_348, %scatter3A_349, %scatter3A_350] : memref<4x8x8x128xf32, #tpu.memory_space<vmem>> -> memref<1x8x8x128xf32, #tpu.memory_space<vmem>>
        %scatter3A_352 = tpu.memref_squeeze %scatter3A_351 : memref<1x8x8x128xf32, #tpu.memory_space<vmem>> -> memref<8x8x128xf32, #tpu.memory_space<vmem>>
        tpu.vector_store_idx %scatter3A_352[%shift_right_arithmetic3A_281, %and3A_284, %add3A_305], %gather3A_311 : memref<8x8x128xf32, #tpu.memory_space<vmem>>[vector<16xi32>, vector<16xi32>, vector<16xi32>], vector<16xf32>,
        %scatter3A_353 = arith.constant 0 : i32
        %scatter3A_354 = arith.constant 0 : i32
        %scatter3A_355 = arith.constant 0 : i32
        %scatter3A_356 = tpu.memref_slice %arg6[%and3A_165, %scatter3A_353, %scatter3A_354, %scatter3A_355] : memref<4x8x8x128xf32, #tpu.memory_space<vmem>> -> memref<1x8x8x128xf32, #tpu.memory_space<vmem>>
        %scatter3A_357 = tpu.memref_squeeze %scatter3A_356 : memref<1x8x8x128xf32, #tpu.memory_space<vmem>> -> memref<8x8x128xf32, #tpu.memory_space<vmem>>
        tpu.vector_store_idx %scatter3A_357[%shift_right_arithmetic3A_281, %and3A_284, %add3A_312], %gather3A_318 : memref<8x8x128xf32, #tpu.memory_space<vmem>>[vector<16xi32>, vector<16xi32>, vector<16xi32>], vector<16xf32>,
        %add3A_358 = arith.constant 32 : i32
        %add3A_359 = vector.broadcast %add3A_358 : i32 to vector<16xi32>
        %add3A_360 = arith.addi %add3A_359, %and3A_228 : vector<16xi32>
        %shift_right_arithmetic3A_361 = arith.constant 1 : i32
        %shift_right_arithmetic3A_362 = vector.broadcast %shift_right_arithmetic3A_361 : i32 to vector<16xi32>
        %shift_right_arithmetic3A_363 = arith.shrsi %add3A_360, %shift_right_arithmetic3A_362 : vector<16xi32>
        %shift_right_arithmetic3A_364 = arith.constant 3 : i32
        %shift_right_arithmetic3A_365 = vector.broadcast %shift_right_arithmetic3A_364 : i32 to vector<16xi32>
        %shift_right_arithmetic3A_366 = arith.shrsi %shift_right_arithmetic3A_363, %shift_right_arithmetic3A_365 : vector<16xi32>
        %and3A_367 = arith.constant 7 : i32
        %and3A_368 = vector.broadcast %and3A_367 : i32 to vector<16xi32>
        %and3A_369 = arith.andi %shift_right_arithmetic3A_363, %and3A_368 : vector<16xi32>
        %and3A_370 = arith.constant 1 : i32
        %and3A_371 = vector.broadcast %and3A_370 : i32 to vector<16xi32>
        %and3A_372 = arith.andi %add3A_360, %and3A_371 : vector<16xi32>
        %shift_left3A_373 = arith.constant 6 : i32
        %shift_left3A_374 = vector.broadcast %shift_left3A_373 : i32 to vector<16xi32>
        %shift_left3A_375 = arith.shli %and3A_372, %shift_left3A_374 : vector<16xi32>
        %add3A_376 = arith.addi %shift_left3A_375, %add3A_19 : vector<16xi32>
        %gather3A_377 = arith.constant 0 : i32
        %gather3A_378 = arith.constant 0 : i32
        %gather3A_379 = arith.constant 0 : i32
        %gather3A_380 = tpu.memref_slice %arg5[%and3A_165, %gather3A_377, %gather3A_378, %gather3A_379] : memref<4x8x8x128xf32, #tpu.memory_space<vmem>> -> memref<1x8x8x128xf32, #tpu.memory_space<vmem>>
        %gather3A_381 = tpu.memref_squeeze %gather3A_380 : memref<1x8x8x128xf32, #tpu.memory_space<vmem>> -> memref<8x8x128xf32, #tpu.memory_space<vmem>>
        %gather3A_382 = tpu.vector_load_idx %gather3A_381[%add3A_7, %and3A_4, %add3A_360] : memref<8x8x128xf32, #tpu.memory_space<vmem>>[vector<16xi32>, vector<16xi32>, vector<16xi32>], vector<16xf32>,
        %add3A_383 = arith.addi %shift_left3A_375, %add3A_22 : vector<16xi32>
        %gather3A_384 = arith.constant 0 : i32
        %gather3A_385 = arith.constant 0 : i32
        %gather3A_386 = arith.constant 0 : i32
        %gather3A_387 = tpu.memref_slice %arg5[%and3A_165, %gather3A_384, %gather3A_385, %gather3A_386] : memref<4x8x8x128xf32, #tpu.memory_space<vmem>> -> memref<1x8x8x128xf32, #tpu.memory_space<vmem>>
        %gather3A_388 = tpu.memref_squeeze %gather3A_387 : memref<1x8x8x128xf32, #tpu.memory_space<vmem>> -> memref<8x8x128xf32, #tpu.memory_space<vmem>>
        %gather3A_389 = tpu.vector_load_idx %gather3A_388[%add3A_10, %and3A_4, %add3A_360] : memref<8x8x128xf32, #tpu.memory_space<vmem>>[vector<16xi32>, vector<16xi32>, vector<16xi32>], vector<16xf32>,
        %add3A_390 = arith.addi %shift_left3A_375, %add3A_25 : vector<16xi32>
        %gather3A_391 = arith.constant 0 : i32
        %gather3A_392 = arith.constant 0 : i32
        %gather3A_393 = arith.constant 0 : i32
        %gather3A_394 = tpu.memref_slice %arg5[%and3A_165, %gather3A_391, %gather3A_392, %gather3A_393] : memref<4x8x8x128xf32, #tpu.memory_space<vmem>> -> memref<1x8x8x128xf32, #tpu.memory_space<vmem>>
        %gather3A_395 = tpu.memref_squeeze %gather3A_394 : memref<1x8x8x128xf32, #tpu.memory_space<vmem>> -> memref<8x8x128xf32, #tpu.memory_space<vmem>>
        %gather3A_396 = tpu.vector_load_idx %gather3A_395[%add3A_13, %and3A_4, %add3A_360] : memref<8x8x128xf32, #tpu.memory_space<vmem>>[vector<16xi32>, vector<16xi32>, vector<16xi32>], vector<16xf32>,
        %add3A_397 = arith.addi %shift_left3A_375, %add3A_28 : vector<16xi32>
        %gather3A_398 = arith.constant 0 : i32
        %gather3A_399 = arith.constant 0 : i32
        %gather3A_400 = arith.constant 0 : i32
        %gather3A_401 = tpu.memref_slice %arg5[%and3A_165, %gather3A_398, %gather3A_399, %gather3A_400] : memref<4x8x8x128xf32, #tpu.memory_space<vmem>> -> memref<1x8x8x128xf32, #tpu.memory_space<vmem>>
        %gather3A_402 = tpu.memref_squeeze %gather3A_401 : memref<1x8x8x128xf32, #tpu.memory_space<vmem>> -> memref<8x8x128xf32, #tpu.memory_space<vmem>>
        %gather3A_403 = tpu.vector_load_idx %gather3A_402[%add3A_16, %and3A_4, %add3A_360] : memref<8x8x128xf32, #tpu.memory_space<vmem>>[vector<16xi32>, vector<16xi32>, vector<16xi32>], vector<16xf32>,
        %add3A_404 = arith.constant 48 : i32
        %add3A_405 = vector.broadcast %add3A_404 : i32 to vector<16xi32>
        %add3A_406 = arith.addi %add3A_405, %and3A_228 : vector<16xi32>
        %shift_right_arithmetic3A_407 = arith.constant 1 : i32
        %shift_right_arithmetic3A_408 = vector.broadcast %shift_right_arithmetic3A_407 : i32 to vector<16xi32>
        %shift_right_arithmetic3A_409 = arith.shrsi %add3A_406, %shift_right_arithmetic3A_408 : vector<16xi32>
        %shift_right_arithmetic3A_410 = arith.constant 3 : i32
        %shift_right_arithmetic3A_411 = vector.broadcast %shift_right_arithmetic3A_410 : i32 to vector<16xi32>
        %shift_right_arithmetic3A_412 = arith.shrsi %shift_right_arithmetic3A_409, %shift_right_arithmetic3A_411 : vector<16xi32>
        %and3A_413 = arith.constant 7 : i32
        %and3A_414 = vector.broadcast %and3A_413 : i32 to vector<16xi32>
        %and3A_415 = arith.andi %shift_right_arithmetic3A_409, %and3A_414 : vector<16xi32>
        %and3A_416 = arith.constant 1 : i32
        %and3A_417 = vector.broadcast %and3A_416 : i32 to vector<16xi32>
        %and3A_418 = arith.andi %add3A_406, %and3A_417 : vector<16xi32>
        %shift_left3A_419 = arith.constant 6 : i32
        %shift_left3A_420 = vector.broadcast %shift_left3A_419 : i32 to vector<16xi32>
        %shift_left3A_421 = arith.shli %and3A_418, %shift_left3A_420 : vector<16xi32>
        %add3A_422 = arith.addi %shift_left3A_421, %add3A_19 : vector<16xi32>
        %gather3A_423 = arith.constant 0 : i32
        %gather3A_424 = arith.constant 0 : i32
        %gather3A_425 = arith.constant 0 : i32
        %gather3A_426 = tpu.memref_slice %arg5[%and3A_165, %gather3A_423, %gather3A_424, %gather3A_425] : memref<4x8x8x128xf32, #tpu.memory_space<vmem>> -> memref<1x8x8x128xf32, #tpu.memory_space<vmem>>
        %gather3A_427 = tpu.memref_squeeze %gather3A_426 : memref<1x8x8x128xf32, #tpu.memory_space<vmem>> -> memref<8x8x128xf32, #tpu.memory_space<vmem>>
        %gather3A_428 = tpu.vector_load_idx %gather3A_427[%add3A_7, %and3A_4, %add3A_406] : memref<8x8x128xf32, #tpu.memory_space<vmem>>[vector<16xi32>, vector<16xi32>, vector<16xi32>], vector<16xf32>,
        %add3A_429 = arith.addi %shift_left3A_421, %add3A_22 : vector<16xi32>
        %gather3A_430 = arith.constant 0 : i32
        %gather3A_431 = arith.constant 0 : i32
        %gather3A_432 = arith.constant 0 : i32
        %gather3A_433 = tpu.memref_slice %arg5[%and3A_165, %gather3A_430, %gather3A_431, %gather3A_432] : memref<4x8x8x128xf32, #tpu.memory_space<vmem>> -> memref<1x8x8x128xf32, #tpu.memory_space<vmem>>
        %gather3A_434 = tpu.memref_squeeze %gather3A_433 : memref<1x8x8x128xf32, #tpu.memory_space<vmem>> -> memref<8x8x128xf32, #tpu.memory_space<vmem>>
        %gather3A_435 = tpu.vector_load_idx %gather3A_434[%add3A_10, %and3A_4, %add3A_406] : memref<8x8x128xf32, #tpu.memory_space<vmem>>[vector<16xi32>, vector<16xi32>, vector<16xi32>], vector<16xf32>,
        %add3A_436 = arith.addi %shift_left3A_421, %add3A_25 : vector<16xi32>
        %gather3A_437 = arith.constant 0 : i32
        %gather3A_438 = arith.constant 0 : i32
        %gather3A_439 = arith.constant 0 : i32
        %gather3A_440 = tpu.memref_slice %arg5[%and3A_165, %gather3A_437, %gather3A_438, %gather3A_439] : memref<4x8x8x128xf32, #tpu.memory_space<vmem>> -> memref<1x8x8x128xf32, #tpu.memory_space<vmem>>
        %gather3A_441 = tpu.memref_squeeze %gather3A_440 : memref<1x8x8x128xf32, #tpu.memory_space<vmem>> -> memref<8x8x128xf32, #tpu.memory_space<vmem>>
        %gather3A_442 = tpu.vector_load_idx %gather3A_441[%add3A_13, %and3A_4, %add3A_406] : memref<8x8x128xf32, #tpu.memory_space<vmem>>[vector<16xi32>, vector<16xi32>, vector<16xi32>], vector<16xf32>,
        %add3A_443 = arith.addi %shift_left3A_421, %add3A_28 : vector<16xi32>
        %gather3A_444 = arith.constant 0 : i32
        %gather3A_445 = arith.constant 0 : i32
        %gather3A_446 = arith.constant 0 : i32
        %gather3A_447 = tpu.memref_slice %arg5[%and3A_165, %gather3A_444, %gather3A_445, %gather3A_446] : memref<4x8x8x128xf32, #tpu.memory_space<vmem>> -> memref<1x8x8x128xf32, #tpu.memory_space<vmem>>
        %gather3A_448 = tpu.memref_squeeze %gather3A_447 : memref<1x8x8x128xf32, #tpu.memory_space<vmem>> -> memref<8x8x128xf32, #tpu.memory_space<vmem>>
        %gather3A_449 = tpu.vector_load_idx %gather3A_448[%add3A_16, %and3A_4, %add3A_406] : memref<8x8x128xf32, #tpu.memory_space<vmem>>[vector<16xi32>, vector<16xi32>, vector<16xi32>], vector<16xf32>,
        %scatter3A_450 = arith.constant 0 : i32
        %scatter3A_451 = arith.constant 0 : i32
        %scatter3A_452 = arith.constant 0 : i32
        %scatter3A_453 = tpu.memref_slice %arg6[%and3A_165, %scatter3A_450, %scatter3A_451, %scatter3A_452] : memref<4x8x8x128xf32, #tpu.memory_space<vmem>> -> memref<1x8x8x128xf32, #tpu.memory_space<vmem>>
        %scatter3A_454 = tpu.memref_squeeze %scatter3A_453 : memref<1x8x8x128xf32, #tpu.memory_space<vmem>> -> memref<8x8x128xf32, #tpu.memory_space<vmem>>
        tpu.vector_store_idx %scatter3A_454[%shift_right_arithmetic3A_366, %and3A_369, %add3A_376], %gather3A_382 : memref<8x8x128xf32, #tpu.memory_space<vmem>>[vector<16xi32>, vector<16xi32>, vector<16xi32>], vector<16xf32>,
        %scatter3A_455 = arith.constant 0 : i32
        %scatter3A_456 = arith.constant 0 : i32
        %scatter3A_457 = arith.constant 0 : i32
        %scatter3A_458 = tpu.memref_slice %arg6[%and3A_165, %scatter3A_455, %scatter3A_456, %scatter3A_457] : memref<4x8x8x128xf32, #tpu.memory_space<vmem>> -> memref<1x8x8x128xf32, #tpu.memory_space<vmem>>
        %scatter3A_459 = tpu.memref_squeeze %scatter3A_458 : memref<1x8x8x128xf32, #tpu.memory_space<vmem>> -> memref<8x8x128xf32, #tpu.memory_space<vmem>>
        tpu.vector_store_idx %scatter3A_459[%shift_right_arithmetic3A_366, %and3A_369, %add3A_383], %gather3A_389 : memref<8x8x128xf32, #tpu.memory_space<vmem>>[vector<16xi32>, vector<16xi32>, vector<16xi32>], vector<16xf32>,
        %scatter3A_460 = arith.constant 0 : i32
        %scatter3A_461 = arith.constant 0 : i32
        %scatter3A_462 = arith.constant 0 : i32
        %scatter3A_463 = tpu.memref_slice %arg6[%and3A_165, %scatter3A_460, %scatter3A_461, %scatter3A_462] : memref<4x8x8x128xf32, #tpu.memory_space<vmem>> -> memref<1x8x8x128xf32, #tpu.memory_space<vmem>>
        %scatter3A_464 = tpu.memref_squeeze %scatter3A_463 : memref<1x8x8x128xf32, #tpu.memory_space<vmem>> -> memref<8x8x128xf32, #tpu.memory_space<vmem>>
        tpu.vector_store_idx %scatter3A_464[%shift_right_arithmetic3A_366, %and3A_369, %add3A_390], %gather3A_396 : memref<8x8x128xf32, #tpu.memory_space<vmem>>[vector<16xi32>, vector<16xi32>, vector<16xi32>], vector<16xf32>,
        %scatter3A_465 = arith.constant 0 : i32
        %scatter3A_466 = arith.constant 0 : i32
        %scatter3A_467 = arith.constant 0 : i32
        %scatter3A_468 = tpu.memref_slice %arg6[%and3A_165, %scatter3A_465, %scatter3A_466, %scatter3A_467] : memref<4x8x8x128xf32, #tpu.memory_space<vmem>> -> memref<1x8x8x128xf32, #tpu.memory_space<vmem>>
        %scatter3A_469 = tpu.memref_squeeze %scatter3A_468 : memref<1x8x8x128xf32, #tpu.memory_space<vmem>> -> memref<8x8x128xf32, #tpu.memory_space<vmem>>
        tpu.vector_store_idx %scatter3A_469[%shift_right_arithmetic3A_366, %and3A_369, %add3A_397], %gather3A_403 : memref<8x8x128xf32, #tpu.memory_space<vmem>>[vector<16xi32>, vector<16xi32>, vector<16xi32>], vector<16xf32>,
        %scatter3A_470 = arith.constant 0 : i32
        %scatter3A_471 = arith.constant 0 : i32
        %scatter3A_472 = arith.constant 0 : i32
        %scatter3A_473 = tpu.memref_slice %arg6[%and3A_165, %scatter3A_470, %scatter3A_471, %scatter3A_472] : memref<4x8x8x128xf32, #tpu.memory_space<vmem>> -> memref<1x8x8x128xf32, #tpu.memory_space<vmem>>
        %scatter3A_474 = tpu.memref_squeeze %scatter3A_473 : memref<1x8x8x128xf32, #tpu.memory_space<vmem>> -> memref<8x8x128xf32, #tpu.memory_space<vmem>>
        tpu.vector_store_idx %scatter3A_474[%shift_right_arithmetic3A_412, %and3A_415, %add3A_422], %gather3A_428 : memref<8x8x128xf32, #tpu.memory_space<vmem>>[vector<16xi32>, vector<16xi32>, vector<16xi32>], vector<16xf32>,
        %scatter3A_475 = arith.constant 0 : i32
        %scatter3A_476 = arith.constant 0 : i32
        %scatter3A_477 = arith.constant 0 : i32
        %scatter3A_478 = tpu.memref_slice %arg6[%and3A_165, %scatter3A_475, %scatter3A_476, %scatter3A_477] : memref<4x8x8x128xf32, #tpu.memory_space<vmem>> -> memref<1x8x8x128xf32, #tpu.memory_space<vmem>>
        %scatter3A_479 = tpu.memref_squeeze %scatter3A_478 : memref<1x8x8x128xf32, #tpu.memory_space<vmem>> -> memref<8x8x128xf32, #tpu.memory_space<vmem>>
        tpu.vector_store_idx %scatter3A_479[%shift_right_arithmetic3A_412, %and3A_415, %add3A_429], %gather3A_435 : memref<8x8x128xf32, #tpu.memory_space<vmem>>[vector<16xi32>, vector<16xi32>, vector<16xi32>], vector<16xf32>,
        %scatter3A_480 = arith.constant 0 : i32
        %scatter3A_481 = arith.constant 0 : i32
        %scatter3A_482 = arith.constant 0 : i32
        %scatter3A_483 = tpu.memref_slice %arg6[%and3A_165, %scatter3A_480, %scatter3A_481, %scatter3A_482] : memref<4x8x8x128xf32, #tpu.memory_space<vmem>> -> memref<1x8x8x128xf32, #tpu.memory_space<vmem>>
        %scatter3A_484 = tpu.memref_squeeze %scatter3A_483 : memref<1x8x8x128xf32, #tpu.memory_space<vmem>> -> memref<8x8x128xf32, #tpu.memory_space<vmem>>
        tpu.vector_store_idx %scatter3A_484[%shift_right_arithmetic3A_412, %and3A_415, %add3A_436], %gather3A_442 : memref<8x8x128xf32, #tpu.memory_space<vmem>>[vector<16xi32>, vector<16xi32>, vector<16xi32>], vector<16xf32>,
        %scatter3A_485 = arith.constant 0 : i32
        %scatter3A_486 = arith.constant 0 : i32
        %scatter3A_487 = arith.constant 0 : i32
        %scatter3A_488 = tpu.memref_slice %arg6[%and3A_165, %scatter3A_485, %scatter3A_486, %scatter3A_487] : memref<4x8x8x128xf32, #tpu.memory_space<vmem>> -> memref<1x8x8x128xf32, #tpu.memory_space<vmem>>
        %scatter3A_489 = tpu.memref_squeeze %scatter3A_488 : memref<1x8x8x128xf32, #tpu.memory_space<vmem>> -> memref<8x8x128xf32, #tpu.memory_space<vmem>>
        tpu.vector_store_idx %scatter3A_489[%shift_right_arithmetic3A_412, %and3A_415, %add3A_443], %gather3A_449 : memref<8x8x128xf32, #tpu.memory_space<vmem>>[vector<16xi32>, vector<16xi32>, vector<16xi32>], vector<16xf32>,
        %add3A_490 = arith.constant 64 : i32
        %add3A_491 = vector.broadcast %add3A_490 : i32 to vector<16xi32>
        %add3A_492 = arith.addi %add3A_491, %and3A_228 : vector<16xi32>
        %shift_right_arithmetic3A_493 = arith.constant 1 : i32
        %shift_right_arithmetic3A_494 = vector.broadcast %shift_right_arithmetic3A_493 : i32 to vector<16xi32>
        %shift_right_arithmetic3A_495 = arith.shrsi %add3A_492, %shift_right_arithmetic3A_494 : vector<16xi32>
        %shift_right_arithmetic3A_496 = arith.constant 3 : i32
        %shift_right_arithmetic3A_497 = vector.broadcast %shift_right_arithmetic3A_496 : i32 to vector<16xi32>
        %shift_right_arithmetic3A_498 = arith.shrsi %shift_right_arithmetic3A_495, %shift_right_arithmetic3A_497 : vector<16xi32>
        %and3A_499 = arith.constant 7 : i32
        %and3A_500 = vector.broadcast %and3A_499 : i32 to vector<16xi32>
        %and3A_501 = arith.andi %shift_right_arithmetic3A_495, %and3A_500 : vector<16xi32>
        %and3A_502 = arith.constant 1 : i32
        %and3A_503 = vector.broadcast %and3A_502 : i32 to vector<16xi32>
        %and3A_504 = arith.andi %add3A_492, %and3A_503 : vector<16xi32>
        %shift_left3A_505 = arith.constant 6 : i32
        %shift_left3A_506 = vector.broadcast %shift_left3A_505 : i32 to vector<16xi32>
        %shift_left3A_507 = arith.shli %and3A_504, %shift_left3A_506 : vector<16xi32>
        %add3A_508 = arith.addi %shift_left3A_507, %add3A_19 : vector<16xi32>
        %gather3A_509 = arith.constant 0 : i32
        %gather3A_510 = arith.constant 0 : i32
        %gather3A_511 = arith.constant 0 : i32
        %gather3A_512 = tpu.memref_slice %arg5[%and3A_165, %gather3A_509, %gather3A_510, %gather3A_511] : memref<4x8x8x128xf32, #tpu.memory_space<vmem>> -> memref<1x8x8x128xf32, #tpu.memory_space<vmem>>
        %gather3A_513 = tpu.memref_squeeze %gather3A_512 : memref<1x8x8x128xf32, #tpu.memory_space<vmem>> -> memref<8x8x128xf32, #tpu.memory_space<vmem>>
        %gather3A_514 = tpu.vector_load_idx %gather3A_513[%add3A_7, %and3A_4, %add3A_492] : memref<8x8x128xf32, #tpu.memory_space<vmem>>[vector<16xi32>, vector<16xi32>, vector<16xi32>], vector<16xf32>,
        %add3A_515 = arith.addi %shift_left3A_507, %add3A_22 : vector<16xi32>
        %gather3A_516 = arith.constant 0 : i32
        %gather3A_517 = arith.constant 0 : i32
        %gather3A_518 = arith.constant 0 : i32
        %gather3A_519 = tpu.memref_slice %arg5[%and3A_165, %gather3A_516, %gather3A_517, %gather3A_518] : memref<4x8x8x128xf32, #tpu.memory_space<vmem>> -> memref<1x8x8x128xf32, #tpu.memory_space<vmem>>
        %gather3A_520 = tpu.memref_squeeze %gather3A_519 : memref<1x8x8x128xf32, #tpu.memory_space<vmem>> -> memref<8x8x128xf32, #tpu.memory_space<vmem>>
        %gather3A_521 = tpu.vector_load_idx %gather3A_520[%add3A_10, %and3A_4, %add3A_492] : memref<8x8x128xf32, #tpu.memory_space<vmem>>[vector<16xi32>, vector<16xi32>, vector<16xi32>], vector<16xf32>,
        %add3A_522 = arith.addi %shift_left3A_507, %add3A_25 : vector<16xi32>
        %gather3A_523 = arith.constant 0 : i32
        %gather3A_524 = arith.constant 0 : i32
        %gather3A_525 = arith.constant 0 : i32
        %gather3A_526 = tpu.memref_slice %arg5[%and3A_165, %gather3A_523, %gather3A_524, %gather3A_525] : memref<4x8x8x128xf32, #tpu.memory_space<vmem>> -> memref<1x8x8x128xf32, #tpu.memory_space<vmem>>
        %gather3A_527 = tpu.memref_squeeze %gather3A_526 : memref<1x8x8x128xf32, #tpu.memory_space<vmem>> -> memref<8x8x128xf32, #tpu.memory_space<vmem>>
        %gather3A_528 = tpu.vector_load_idx %gather3A_527[%add3A_13, %and3A_4, %add3A_492] : memref<8x8x128xf32, #tpu.memory_space<vmem>>[vector<16xi32>, vector<16xi32>, vector<16xi32>], vector<16xf32>,
        %add3A_529 = arith.addi %shift_left3A_507, %add3A_28 : vector<16xi32>
        %gather3A_530 = arith.constant 0 : i32
        %gather3A_531 = arith.constant 0 : i32
        %gather3A_532 = arith.constant 0 : i32
        %gather3A_533 = tpu.memref_slice %arg5[%and3A_165, %gather3A_530, %gather3A_531, %gather3A_532] : memref<4x8x8x128xf32, #tpu.memory_space<vmem>> -> memref<1x8x8x128xf32, #tpu.memory_space<vmem>>
        %gather3A_534 = tpu.memref_squeeze %gather3A_533 : memref<1x8x8x128xf32, #tpu.memory_space<vmem>> -> memref<8x8x128xf32, #tpu.memory_space<vmem>>
        %gather3A_535 = tpu.vector_load_idx %gather3A_534[%add3A_16, %and3A_4, %add3A_492] : memref<8x8x128xf32, #tpu.memory_space<vmem>>[vector<16xi32>, vector<16xi32>, vector<16xi32>], vector<16xf32>,
        %add3A_536 = arith.constant 80 : i32
        %add3A_537 = vector.broadcast %add3A_536 : i32 to vector<16xi32>
        %add3A_538 = arith.addi %add3A_537, %and3A_228 : vector<16xi32>
        %shift_right_arithmetic3A_539 = arith.constant 1 : i32
        %shift_right_arithmetic3A_540 = vector.broadcast %shift_right_arithmetic3A_539 : i32 to vector<16xi32>
        %shift_right_arithmetic3A_541 = arith.shrsi %add3A_538, %shift_right_arithmetic3A_540 : vector<16xi32>
        %shift_right_arithmetic3A_542 = arith.constant 3 : i32
        %shift_right_arithmetic3A_543 = vector.broadcast %shift_right_arithmetic3A_542 : i32 to vector<16xi32>
        %shift_right_arithmetic3A_544 = arith.shrsi %shift_right_arithmetic3A_541, %shift_right_arithmetic3A_543 : vector<16xi32>
        %and3A_545 = arith.constant 7 : i32
        %and3A_546 = vector.broadcast %and3A_545 : i32 to vector<16xi32>
        %and3A_547 = arith.andi %shift_right_arithmetic3A_541, %and3A_546 : vector<16xi32>
        %and3A_548 = arith.constant 1 : i32
        %and3A_549 = vector.broadcast %and3A_548 : i32 to vector<16xi32>
        %and3A_550 = arith.andi %add3A_538, %and3A_549 : vector<16xi32>
        %shift_left3A_551 = arith.constant 6 : i32
        %shift_left3A_552 = vector.broadcast %shift_left3A_551 : i32 to vector<16xi32>
        %shift_left3A_553 = arith.shli %and3A_550, %shift_left3A_552 : vector<16xi32>
        %add3A_554 = arith.addi %shift_left3A_553, %add3A_19 : vector<16xi32>
        %gather3A_555 = arith.constant 0 : i32
        %gather3A_556 = arith.constant 0 : i32
        %gather3A_557 = arith.constant 0 : i32
        %gather3A_558 = tpu.memref_slice %arg5[%and3A_165, %gather3A_555, %gather3A_556, %gather3A_557] : memref<4x8x8x128xf32, #tpu.memory_space<vmem>> -> memref<1x8x8x128xf32, #tpu.memory_space<vmem>>
        %gather3A_559 = tpu.memref_squeeze %gather3A_558 : memref<1x8x8x128xf32, #tpu.memory_space<vmem>> -> memref<8x8x128xf32, #tpu.memory_space<vmem>>
        %gather3A_560 = tpu.vector_load_idx %gather3A_559[%add3A_7, %and3A_4, %add3A_538] : memref<8x8x128xf32, #tpu.memory_space<vmem>>[vector<16xi32>, vector<16xi32>, vector<16xi32>], vector<16xf32>,
        %add3A_561 = arith.addi %shift_left3A_553, %add3A_22 : vector<16xi32>
        %gather3A_562 = arith.constant 0 : i32
        %gather3A_563 = arith.constant 0 : i32
        %gather3A_564 = arith.constant 0 : i32
        %gather3A_565 = tpu.memref_slice %arg5[%and3A_165, %gather3A_562, %gather3A_563, %gather3A_564] : memref<4x8x8x128xf32, #tpu.memory_space<vmem>> -> memref<1x8x8x128xf32, #tpu.memory_space<vmem>>
        %gather3A_566 = tpu.memref_squeeze %gather3A_565 : memref<1x8x8x128xf32, #tpu.memory_space<vmem>> -> memref<8x8x128xf32, #tpu.memory_space<vmem>>
        %gather3A_567 = tpu.vector_load_idx %gather3A_566[%add3A_10, %and3A_4, %add3A_538] : memref<8x8x128xf32, #tpu.memory_space<vmem>>[vector<16xi32>, vector<16xi32>, vector<16xi32>], vector<16xf32>,
        %add3A_568 = arith.addi %shift_left3A_553, %add3A_25 : vector<16xi32>
        %gather3A_569 = arith.constant 0 : i32
        %gather3A_570 = arith.constant 0 : i32
        %gather3A_571 = arith.constant 0 : i32
        %gather3A_572 = tpu.memref_slice %arg5[%and3A_165, %gather3A_569, %gather3A_570, %gather3A_571] : memref<4x8x8x128xf32, #tpu.memory_space<vmem>> -> memref<1x8x8x128xf32, #tpu.memory_space<vmem>>
        %gather3A_573 = tpu.memref_squeeze %gather3A_572 : memref<1x8x8x128xf32, #tpu.memory_space<vmem>> -> memref<8x8x128xf32, #tpu.memory_space<vmem>>
        %gather3A_574 = tpu.vector_load_idx %gather3A_573[%add3A_13, %and3A_4, %add3A_538] : memref<8x8x128xf32, #tpu.memory_space<vmem>>[vector<16xi32>, vector<16xi32>, vector<16xi32>], vector<16xf32>,
        %add3A_575 = arith.addi %shift_left3A_553, %add3A_28 : vector<16xi32>
        %gather3A_576 = arith.constant 0 : i32
        %gather3A_577 = arith.constant 0 : i32
        %gather3A_578 = arith.constant 0 : i32
        %gather3A_579 = tpu.memref_slice %arg5[%and3A_165, %gather3A_576, %gather3A_577, %gather3A_578] : memref<4x8x8x128xf32, #tpu.memory_space<vmem>> -> memref<1x8x8x128xf32, #tpu.memory_space<vmem>>
        %gather3A_580 = tpu.memref_squeeze %gather3A_579 : memref<1x8x8x128xf32, #tpu.memory_space<vmem>> -> memref<8x8x128xf32, #tpu.memory_space<vmem>>
        %gather3A_581 = tpu.vector_load_idx %gather3A_580[%add3A_16, %and3A_4, %add3A_538] : memref<8x8x128xf32, #tpu.memory_space<vmem>>[vector<16xi32>, vector<16xi32>, vector<16xi32>], vector<16xf32>,
        %scatter3A_582 = arith.constant 0 : i32
        %scatter3A_583 = arith.constant 0 : i32
        %scatter3A_584 = arith.constant 0 : i32
        %scatter3A_585 = tpu.memref_slice %arg6[%and3A_165, %scatter3A_582, %scatter3A_583, %scatter3A_584] : memref<4x8x8x128xf32, #tpu.memory_space<vmem>> -> memref<1x8x8x128xf32, #tpu.memory_space<vmem>>
        %scatter3A_586 = tpu.memref_squeeze %scatter3A_585 : memref<1x8x8x128xf32, #tpu.memory_space<vmem>> -> memref<8x8x128xf32, #tpu.memory_space<vmem>>
        tpu.vector_store_idx %scatter3A_586[%shift_right_arithmetic3A_498, %and3A_501, %add3A_508], %gather3A_514 : memref<8x8x128xf32, #tpu.memory_space<vmem>>[vector<16xi32>, vector<16xi32>, vector<16xi32>], vector<16xf32>,
        %scatter3A_587 = arith.constant 0 : i32
        %scatter3A_588 = arith.constant 0 : i32
        %scatter3A_589 = arith.constant 0 : i32
        %scatter3A_590 = tpu.memref_slice %arg6[%and3A_165, %scatter3A_587, %scatter3A_588, %scatter3A_589] : memref<4x8x8x128xf32, #tpu.memory_space<vmem>> -> memref<1x8x8x128xf32, #tpu.memory_space<vmem>>
        %scatter3A_591 = tpu.memref_squeeze %scatter3A_590 : memref<1x8x8x128xf32, #tpu.memory_space<vmem>> -> memref<8x8x128xf32, #tpu.memory_space<vmem>>
        tpu.vector_store_idx %scatter3A_591[%shift_right_arithmetic3A_498, %and3A_501, %add3A_515], %gather3A_521 : memref<8x8x128xf32, #tpu.memory_space<vmem>>[vector<16xi32>, vector<16xi32>, vector<16xi32>], vector<16xf32>,
        %scatter3A_592 = arith.constant 0 : i32
        %scatter3A_593 = arith.constant 0 : i32
        %scatter3A_594 = arith.constant 0 : i32
        %scatter3A_595 = tpu.memref_slice %arg6[%and3A_165, %scatter3A_592, %scatter3A_593, %scatter3A_594] : memref<4x8x8x128xf32, #tpu.memory_space<vmem>> -> memref<1x8x8x128xf32, #tpu.memory_space<vmem>>
        %scatter3A_596 = tpu.memref_squeeze %scatter3A_595 : memref<1x8x8x128xf32, #tpu.memory_space<vmem>> -> memref<8x8x128xf32, #tpu.memory_space<vmem>>
        tpu.vector_store_idx %scatter3A_596[%shift_right_arithmetic3A_498, %and3A_501, %add3A_522], %gather3A_528 : memref<8x8x128xf32, #tpu.memory_space<vmem>>[vector<16xi32>, vector<16xi32>, vector<16xi32>], vector<16xf32>,
        %scatter3A_597 = arith.constant 0 : i32
        %scatter3A_598 = arith.constant 0 : i32
        %scatter3A_599 = arith.constant 0 : i32
        %scatter3A_600 = tpu.memref_slice %arg6[%and3A_165, %scatter3A_597, %scatter3A_598, %scatter3A_599] : memref<4x8x8x128xf32, #tpu.memory_space<vmem>> -> memref<1x8x8x128xf32, #tpu.memory_space<vmem>>
        %scatter3A_601 = tpu.memref_squeeze %scatter3A_600 : memref<1x8x8x128xf32, #tpu.memory_space<vmem>> -> memref<8x8x128xf32, #tpu.memory_space<vmem>>
        tpu.vector_store_idx %scatter3A_601[%shift_right_arithmetic3A_498, %and3A_501, %add3A_529], %gather3A_535 : memref<8x8x128xf32, #tpu.memory_space<vmem>>[vector<16xi32>, vector<16xi32>, vector<16xi32>], vector<16xf32>,
        %scatter3A_602 = arith.constant 0 : i32
        %scatter3A_603 = arith.constant 0 : i32
        %scatter3A_604 = arith.constant 0 : i32
        %scatter3A_605 = tpu.memref_slice %arg6[%and3A_165, %scatter3A_602, %scatter3A_603, %scatter3A_604] : memref<4x8x8x128xf32, #tpu.memory_space<vmem>> -> memref<1x8x8x128xf32, #tpu.memory_space<vmem>>
        %scatter3A_606 = tpu.memref_squeeze %scatter3A_605 : memref<1x8x8x128xf32, #tpu.memory_space<vmem>> -> memref<8x8x128xf32, #tpu.memory_space<vmem>>
        tpu.vector_store_idx %scatter3A_606[%shift_right_arithmetic3A_544, %and3A_547, %add3A_554], %gather3A_560 : memref<8x8x128xf32, #tpu.memory_space<vmem>>[vector<16xi32>, vector<16xi32>, vector<16xi32>], vector<16xf32>,
        %scatter3A_607 = arith.constant 0 : i32
        %scatter3A_608 = arith.constant 0 : i32
        %scatter3A_609 = arith.constant 0 : i32
        %scatter3A_610 = tpu.memref_slice %arg6[%and3A_165, %scatter3A_607, %scatter3A_608, %scatter3A_609] : memref<4x8x8x128xf32, #tpu.memory_space<vmem>> -> memref<1x8x8x128xf32, #tpu.memory_space<vmem>>
        %scatter3A_611 = tpu.memref_squeeze %scatter3A_610 : memref<1x8x8x128xf32, #tpu.memory_space<vmem>> -> memref<8x8x128xf32, #tpu.memory_space<vmem>>
        tpu.vector_store_idx %scatter3A_611[%shift_right_arithmetic3A_544, %and3A_547, %add3A_561], %gather3A_567 : memref<8x8x128xf32, #tpu.memory_space<vmem>>[vector<16xi32>, vector<16xi32>, vector<16xi32>], vector<16xf32>,
        %scatter3A_612 = arith.constant 0 : i32
        %scatter3A_613 = arith.constant 0 : i32
        %scatter3A_614 = arith.constant 0 : i32
        %scatter3A_615 = tpu.memref_slice %arg6[%and3A_165, %scatter3A_612, %scatter3A_613, %scatter3A_614] : memref<4x8x8x128xf32, #tpu.memory_space<vmem>> -> memref<1x8x8x128xf32, #tpu.memory_space<vmem>>
        %scatter3A_616 = tpu.memref_squeeze %scatter3A_615 : memref<1x8x8x128xf32, #tpu.memory_space<vmem>> -> memref<8x8x128xf32, #tpu.memory_space<vmem>>
        tpu.vector_store_idx %scatter3A_616[%shift_right_arithmetic3A_544, %and3A_547, %add3A_568], %gather3A_574 : memref<8x8x128xf32, #tpu.memory_space<vmem>>[vector<16xi32>, vector<16xi32>, vector<16xi32>], vector<16xf32>,
        %scatter3A_617 = arith.constant 0 : i32
        %scatter3A_618 = arith.constant 0 : i32
        %scatter3A_619 = arith.constant 0 : i32
        %scatter3A_620 = tpu.memref_slice %arg6[%and3A_165, %scatter3A_617, %scatter3A_618, %scatter3A_619] : memref<4x8x8x128xf32, #tpu.memory_space<vmem>> -> memref<1x8x8x128xf32, #tpu.memory_space<vmem>>
        %scatter3A_621 = tpu.memref_squeeze %scatter3A_620 : memref<1x8x8x128xf32, #tpu.memory_space<vmem>> -> memref<8x8x128xf32, #tpu.memory_space<vmem>>
        tpu.vector_store_idx %scatter3A_621[%shift_right_arithmetic3A_544, %and3A_547, %add3A_575], %gather3A_581 : memref<8x8x128xf32, #tpu.memory_space<vmem>>[vector<16xi32>, vector<16xi32>, vector<16xi32>], vector<16xf32>,
        %add3A_622 = arith.constant 96 : i32
        %add3A_623 = vector.broadcast %add3A_622 : i32 to vector<16xi32>
        %add3A_624 = arith.addi %add3A_623, %and3A_228 : vector<16xi32>
        %shift_right_arithmetic3A_625 = arith.constant 1 : i32
        %shift_right_arithmetic3A_626 = vector.broadcast %shift_right_arithmetic3A_625 : i32 to vector<16xi32>
        %shift_right_arithmetic3A_627 = arith.shrsi %add3A_624, %shift_right_arithmetic3A_626 : vector<16xi32>
        %shift_right_arithmetic3A_628 = arith.constant 3 : i32
        %shift_right_arithmetic3A_629 = vector.broadcast %shift_right_arithmetic3A_628 : i32 to vector<16xi32>
        %shift_right_arithmetic3A_630 = arith.shrsi %shift_right_arithmetic3A_627, %shift_right_arithmetic3A_629 : vector<16xi32>
        %and3A_631 = arith.constant 7 : i32
        %and3A_632 = vector.broadcast %and3A_631 : i32 to vector<16xi32>
        %and3A_633 = arith.andi %shift_right_arithmetic3A_627, %and3A_632 : vector<16xi32>
        %and3A_634 = arith.constant 1 : i32
        %and3A_635 = vector.broadcast %and3A_634 : i32 to vector<16xi32>
        %and3A_636 = arith.andi %add3A_624, %and3A_635 : vector<16xi32>
        %shift_left3A_637 = arith.constant 6 : i32
        %shift_left3A_638 = vector.broadcast %shift_left3A_637 : i32 to vector<16xi32>
        %shift_left3A_639 = arith.shli %and3A_636, %shift_left3A_638 : vector<16xi32>
        %add3A_640 = arith.addi %shift_left3A_639, %add3A_19 : vector<16xi32>
        %gather3A_641 = arith.constant 0 : i32
        %gather3A_642 = arith.constant 0 : i32
        %gather3A_643 = arith.constant 0 : i32
        %gather3A_644 = tpu.memref_slice %arg5[%and3A_165, %gather3A_641, %gather3A_642, %gather3A_643] : memref<4x8x8x128xf32, #tpu.memory_space<vmem>> -> memref<1x8x8x128xf32, #tpu.memory_space<vmem>>
        %gather3A_645 = tpu.memref_squeeze %gather3A_644 : memref<1x8x8x128xf32, #tpu.memory_space<vmem>> -> memref<8x8x128xf32, #tpu.memory_space<vmem>>
        %gather3A_646 = tpu.vector_load_idx %gather3A_645[%add3A_7, %and3A_4, %add3A_624] : memref<8x8x128xf32, #tpu.memory_space<vmem>>[vector<16xi32>, vector<16xi32>, vector<16xi32>], vector<16xf32>,
        %add3A_647 = arith.addi %shift_left3A_639, %add3A_22 : vector<16xi32>
        %gather3A_648 = arith.constant 0 : i32
        %gather3A_649 = arith.constant 0 : i32
        %gather3A_650 = arith.constant 0 : i32
        %gather3A_651 = tpu.memref_slice %arg5[%and3A_165, %gather3A_648, %gather3A_649, %gather3A_650] : memref<4x8x8x128xf32, #tpu.memory_space<vmem>> -> memref<1x8x8x128xf32, #tpu.memory_space<vmem>>
        %gather3A_652 = tpu.memref_squeeze %gather3A_651 : memref<1x8x8x128xf32, #tpu.memory_space<vmem>> -> memref<8x8x128xf32, #tpu.memory_space<vmem>>
        %gather3A_653 = tpu.vector_load_idx %gather3A_652[%add3A_10, %and3A_4, %add3A_624] : memref<8x8x128xf32, #tpu.memory_space<vmem>>[vector<16xi32>, vector<16xi32>, vector<16xi32>], vector<16xf32>,
        %add3A_654 = arith.addi %shift_left3A_639, %add3A_25 : vector<16xi32>
        %gather3A_655 = arith.constant 0 : i32
        %gather3A_656 = arith.constant 0 : i32
        %gather3A_657 = arith.constant 0 : i32
        %gather3A_658 = tpu.memref_slice %arg5[%and3A_165, %gather3A_655, %gather3A_656, %gather3A_657] : memref<4x8x8x128xf32, #tpu.memory_space<vmem>> -> memref<1x8x8x128xf32, #tpu.memory_space<vmem>>
        %gather3A_659 = tpu.memref_squeeze %gather3A_658 : memref<1x8x8x128xf32, #tpu.memory_space<vmem>> -> memref<8x8x128xf32, #tpu.memory_space<vmem>>
        %gather3A_660 = tpu.vector_load_idx %gather3A_659[%add3A_13, %and3A_4, %add3A_624] : memref<8x8x128xf32, #tpu.memory_space<vmem>>[vector<16xi32>, vector<16xi32>, vector<16xi32>], vector<16xf32>,
        %add3A_661 = arith.addi %shift_left3A_639, %add3A_28 : vector<16xi32>
        %gather3A_662 = arith.constant 0 : i32
        %gather3A_663 = arith.constant 0 : i32
        %gather3A_664 = arith.constant 0 : i32
        %gather3A_665 = tpu.memref_slice %arg5[%and3A_165, %gather3A_662, %gather3A_663, %gather3A_664] : memref<4x8x8x128xf32, #tpu.memory_space<vmem>> -> memref<1x8x8x128xf32, #tpu.memory_space<vmem>>
        %gather3A_666 = tpu.memref_squeeze %gather3A_665 : memref<1x8x8x128xf32, #tpu.memory_space<vmem>> -> memref<8x8x128xf32, #tpu.memory_space<vmem>>
        %gather3A_667 = tpu.vector_load_idx %gather3A_666[%add3A_16, %and3A_4, %add3A_624] : memref<8x8x128xf32, #tpu.memory_space<vmem>>[vector<16xi32>, vector<16xi32>, vector<16xi32>], vector<16xf32>,
        %add3A_668 = arith.constant 112 : i32
        %add3A_669 = vector.broadcast %add3A_668 : i32 to vector<16xi32>
        %add3A_670 = arith.addi %add3A_669, %and3A_228 : vector<16xi32>
        %shift_right_arithmetic3A_671 = arith.constant 1 : i32
        %shift_right_arithmetic3A_672 = vector.broadcast %shift_right_arithmetic3A_671 : i32 to vector<16xi32>
        %shift_right_arithmetic3A_673 = arith.shrsi %add3A_670, %shift_right_arithmetic3A_672 : vector<16xi32>
        %shift_right_arithmetic3A_674 = arith.constant 3 : i32
        %shift_right_arithmetic3A_675 = vector.broadcast %shift_right_arithmetic3A_674 : i32 to vector<16xi32>
        %shift_right_arithmetic3A_676 = arith.shrsi %shift_right_arithmetic3A_673, %shift_right_arithmetic3A_675 : vector<16xi32>
        %and3A_677 = arith.constant 7 : i32
        %and3A_678 = vector.broadcast %and3A_677 : i32 to vector<16xi32>
        %and3A_679 = arith.andi %shift_right_arithmetic3A_673, %and3A_678 : vector<16xi32>
        %and3A_680 = arith.constant 1 : i32
        %and3A_681 = vector.broadcast %and3A_680 : i32 to vector<16xi32>
        %and3A_682 = arith.andi %add3A_670, %and3A_681 : vector<16xi32>
        %shift_left3A_683 = arith.constant 6 : i32
        %shift_left3A_684 = vector.broadcast %shift_left3A_683 : i32 to vector<16xi32>
        %shift_left3A_685 = arith.shli %and3A_682, %shift_left3A_684 : vector<16xi32>
        %add3A_686 = arith.addi %shift_left3A_685, %add3A_19 : vector<16xi32>
        %gather3A_687 = arith.constant 0 : i32
        %gather3A_688 = arith.constant 0 : i32
        %gather3A_689 = arith.constant 0 : i32
        %gather3A_690 = tpu.memref_slice %arg5[%and3A_165, %gather3A_687, %gather3A_688, %gather3A_689] : memref<4x8x8x128xf32, #tpu.memory_space<vmem>> -> memref<1x8x8x128xf32, #tpu.memory_space<vmem>>
        %gather3A_691 = tpu.memref_squeeze %gather3A_690 : memref<1x8x8x128xf32, #tpu.memory_space<vmem>> -> memref<8x8x128xf32, #tpu.memory_space<vmem>>
        %gather3A_692 = tpu.vector_load_idx %gather3A_691[%add3A_7, %and3A_4, %add3A_670] : memref<8x8x128xf32, #tpu.memory_space<vmem>>[vector<16xi32>, vector<16xi32>, vector<16xi32>], vector<16xf32>,
        %add3A_693 = arith.addi %shift_left3A_685, %add3A_22 : vector<16xi32>
        %gather3A_694 = arith.constant 0 : i32
        %gather3A_695 = arith.constant 0 : i32
        %gather3A_696 = arith.constant 0 : i32
        %gather3A_697 = tpu.memref_slice %arg5[%and3A_165, %gather3A_694, %gather3A_695, %gather3A_696] : memref<4x8x8x128xf32, #tpu.memory_space<vmem>> -> memref<1x8x8x128xf32, #tpu.memory_space<vmem>>
        %gather3A_698 = tpu.memref_squeeze %gather3A_697 : memref<1x8x8x128xf32, #tpu.memory_space<vmem>> -> memref<8x8x128xf32, #tpu.memory_space<vmem>>
        %gather3A_699 = tpu.vector_load_idx %gather3A_698[%add3A_10, %and3A_4, %add3A_670] : memref<8x8x128xf32, #tpu.memory_space<vmem>>[vector<16xi32>, vector<16xi32>, vector<16xi32>], vector<16xf32>,
        %add3A_700 = arith.addi %shift_left3A_685, %add3A_25 : vector<16xi32>
        %gather3A_701 = arith.constant 0 : i32
        %gather3A_702 = arith.constant 0 : i32
        %gather3A_703 = arith.constant 0 : i32
        %gather3A_704 = tpu.memref_slice %arg5[%and3A_165, %gather3A_701, %gather3A_702, %gather3A_703] : memref<4x8x8x128xf32, #tpu.memory_space<vmem>> -> memref<1x8x8x128xf32, #tpu.memory_space<vmem>>
        %gather3A_705 = tpu.memref_squeeze %gather3A_704 : memref<1x8x8x128xf32, #tpu.memory_space<vmem>> -> memref<8x8x128xf32, #tpu.memory_space<vmem>>
        %gather3A_706 = tpu.vector_load_idx %gather3A_705[%add3A_13, %and3A_4, %add3A_670] : memref<8x8x128xf32, #tpu.memory_space<vmem>>[vector<16xi32>, vector<16xi32>, vector<16xi32>], vector<16xf32>,
        %add3A_707 = arith.addi %shift_left3A_685, %add3A_28 : vector<16xi32>
        %gather3A_708 = arith.constant 0 : i32
        %gather3A_709 = arith.constant 0 : i32
        %gather3A_710 = arith.constant 0 : i32
        %gather3A_711 = tpu.memref_slice %arg5[%and3A_165, %gather3A_708, %gather3A_709, %gather3A_710] : memref<4x8x8x128xf32, #tpu.memory_space<vmem>> -> memref<1x8x8x128xf32, #tpu.memory_space<vmem>>
        %gather3A_712 = tpu.memref_squeeze %gather3A_711 : memref<1x8x8x128xf32, #tpu.memory_space<vmem>> -> memref<8x8x128xf32, #tpu.memory_space<vmem>>
        %gather3A_713 = tpu.vector_load_idx %gather3A_712[%add3A_16, %and3A_4, %add3A_670] : memref<8x8x128xf32, #tpu.memory_space<vmem>>[vector<16xi32>, vector<16xi32>, vector<16xi32>], vector<16xf32>,
        %scatter3A_714 = arith.constant 0 : i32
        %scatter3A_715 = arith.constant 0 : i32
        %scatter3A_716 = arith.constant 0 : i32
        %scatter3A_717 = tpu.memref_slice %arg6[%and3A_165, %scatter3A_714, %scatter3A_715, %scatter3A_716] : memref<4x8x8x128xf32, #tpu.memory_space<vmem>> -> memref<1x8x8x128xf32, #tpu.memory_space<vmem>>
        %scatter3A_718 = tpu.memref_squeeze %scatter3A_717 : memref<1x8x8x128xf32, #tpu.memory_space<vmem>> -> memref<8x8x128xf32, #tpu.memory_space<vmem>>
        tpu.vector_store_idx %scatter3A_718[%shift_right_arithmetic3A_630, %and3A_633, %add3A_640], %gather3A_646 : memref<8x8x128xf32, #tpu.memory_space<vmem>>[vector<16xi32>, vector<16xi32>, vector<16xi32>], vector<16xf32>,
        %scatter3A_719 = arith.constant 0 : i32
        %scatter3A_720 = arith.constant 0 : i32
        %scatter3A_721 = arith.constant 0 : i32
        %scatter3A_722 = tpu.memref_slice %arg6[%and3A_165, %scatter3A_719, %scatter3A_720, %scatter3A_721] : memref<4x8x8x128xf32, #tpu.memory_space<vmem>> -> memref<1x8x8x128xf32, #tpu.memory_space<vmem>>
        %scatter3A_723 = tpu.memref_squeeze %scatter3A_722 : memref<1x8x8x128xf32, #tpu.memory_space<vmem>> -> memref<8x8x128xf32, #tpu.memory_space<vmem>>
        tpu.vector_store_idx %scatter3A_723[%shift_right_arithmetic3A_630, %and3A_633, %add3A_647], %gather3A_653 : memref<8x8x128xf32, #tpu.memory_space<vmem>>[vector<16xi32>, vector<16xi32>, vector<16xi32>], vector<16xf32>,
        %scatter3A_724 = arith.constant 0 : i32
        %scatter3A_725 = arith.constant 0 : i32
        %scatter3A_726 = arith.constant 0 : i32
        %scatter3A_727 = tpu.memref_slice %arg6[%and3A_165, %scatter3A_724, %scatter3A_725, %scatter3A_726] : memref<4x8x8x128xf32, #tpu.memory_space<vmem>> -> memref<1x8x8x128xf32, #tpu.memory_space<vmem>>
        %scatter3A_728 = tpu.memref_squeeze %scatter3A_727 : memref<1x8x8x128xf32, #tpu.memory_space<vmem>> -> memref<8x8x128xf32, #tpu.memory_space<vmem>>
        tpu.vector_store_idx %scatter3A_728[%shift_right_arithmetic3A_630, %and3A_633, %add3A_654], %gather3A_660 : memref<8x8x128xf32, #tpu.memory_space<vmem>>[vector<16xi32>, vector<16xi32>, vector<16xi32>], vector<16xf32>,
        %scatter3A_729 = arith.constant 0 : i32
        %scatter3A_730 = arith.constant 0 : i32
        %scatter3A_731 = arith.constant 0 : i32
        %scatter3A_732 = tpu.memref_slice %arg6[%and3A_165, %scatter3A_729, %scatter3A_730, %scatter3A_731] : memref<4x8x8x128xf32, #tpu.memory_space<vmem>> -> memref<1x8x8x128xf32, #tpu.memory_space<vmem>>
        %scatter3A_733 = tpu.memref_squeeze %scatter3A_732 : memref<1x8x8x128xf32, #tpu.memory_space<vmem>> -> memref<8x8x128xf32, #tpu.memory_space<vmem>>
        tpu.vector_store_idx %scatter3A_733[%shift_right_arithmetic3A_630, %and3A_633, %add3A_661], %gather3A_667 : memref<8x8x128xf32, #tpu.memory_space<vmem>>[vector<16xi32>, vector<16xi32>, vector<16xi32>], vector<16xf32>,
        %scatter3A_734 = arith.constant 0 : i32
        %scatter3A_735 = arith.constant 0 : i32
        %scatter3A_736 = arith.constant 0 : i32
        %scatter3A_737 = tpu.memref_slice %arg6[%and3A_165, %scatter3A_734, %scatter3A_735, %scatter3A_736] : memref<4x8x8x128xf32, #tpu.memory_space<vmem>> -> memref<1x8x8x128xf32, #tpu.memory_space<vmem>>
        %scatter3A_738 = tpu.memref_squeeze %scatter3A_737 : memref<1x8x8x128xf32, #tpu.memory_space<vmem>> -> memref<8x8x128xf32, #tpu.memory_space<vmem>>
        tpu.vector_store_idx %scatter3A_738[%shift_right_arithmetic3A_676, %and3A_679, %add3A_686], %gather3A_692 : memref<8x8x128xf32, #tpu.memory_space<vmem>>[vector<16xi32>, vector<16xi32>, vector<16xi32>], vector<16xf32>,
        %scatter3A_739 = arith.constant 0 : i32
        %scatter3A_740 = arith.constant 0 : i32
        %scatter3A_741 = arith.constant 0 : i32
        %scatter3A_742 = tpu.memref_slice %arg6[%and3A_165, %scatter3A_739, %scatter3A_740, %scatter3A_741] : memref<4x8x8x128xf32, #tpu.memory_space<vmem>> -> memref<1x8x8x128xf32, #tpu.memory_space<vmem>>
        %scatter3A_743 = tpu.memref_squeeze %scatter3A_742 : memref<1x8x8x128xf32, #tpu.memory_space<vmem>> -> memref<8x8x128xf32, #tpu.memory_space<vmem>>
        tpu.vector_store_idx %scatter3A_743[%shift_right_arithmetic3A_676, %and3A_679, %add3A_693], %gather3A_699 : memref<8x8x128xf32, #tpu.memory_space<vmem>>[vector<16xi32>, vector<16xi32>, vector<16xi32>], vector<16xf32>,
        %scatter3A_744 = arith.constant 0 : i32
        %scatter3A_745 = arith.constant 0 : i32
        %scatter3A_746 = arith.constant 0 : i32
        %scatter3A_747 = tpu.memref_slice %arg6[%and3A_165, %scatter3A_744, %scatter3A_745, %scatter3A_746] : memref<4x8x8x128xf32, #tpu.memory_space<vmem>> -> memref<1x8x8x128xf32, #tpu.memory_space<vmem>>
        %scatter3A_748 = tpu.memref_squeeze %scatter3A_747 : memref<1x8x8x128xf32, #tpu.memory_space<vmem>> -> memref<8x8x128xf32, #tpu.memory_space<vmem>>
        tpu.vector_store_idx %scatter3A_748[%shift_right_arithmetic3A_676, %and3A_679, %add3A_700], %gather3A_706 : memref<8x8x128xf32, #tpu.memory_space<vmem>>[vector<16xi32>, vector<16xi32>, vector<16xi32>], vector<16xf32>,
        %scatter3A_749 = arith.constant 0 : i32
        %scatter3A_750 = arith.constant 0 : i32
        %scatter3A_751 = arith.constant 0 : i32
        %scatter3A_752 = tpu.memref_slice %arg6[%and3A_165, %scatter3A_749, %scatter3A_750, %scatter3A_751] : memref<4x8x8x128xf32, #tpu.memory_space<vmem>> -> memref<1x8x8x128xf32, #tpu.memory_space<vmem>>
        %scatter3A_753 = tpu.memref_squeeze %scatter3A_752 : memref<1x8x8x128xf32, #tpu.memory_space<vmem>> -> memref<8x8x128xf32, #tpu.memory_space<vmem>>
        tpu.vector_store_idx %scatter3A_753[%shift_right_arithmetic3A_676, %and3A_679, %add3A_707], %gather3A_713 : memref<8x8x128xf32, #tpu.memory_space<vmem>>[vector<16xi32>, vector<16xi32>, vector<16xi32>], vector<16xf32>,
        %mul3A_754 = arith.constant 2 : i32
        %mul3A_755 = arith.muli %mul3A_754, %scan3A_219 : i32
        %add3A_756 = arith.constant 1 : i32
        %add3A_757 = arith.addi %mul3A_755, %add3A_756 : i32
        %add3A_758 = vector.broadcast %add3A_757 : i32 to vector<16xi32>
        %add3A_759 = arith.addi %iota3A, %add3A_758 : vector<16xi32>
        %and3A_760 = arith.constant 15 : i32
        %and3A_761 = vector.broadcast %and3A_760 : i32 to vector<16xi32>
        %and3A_762 = arith.andi %add3A_759, %and3A_761 : vector<16xi32>
        %add3A_763 = arith.constant 0 : i32
        %add3A_764 = vector.broadcast %add3A_763 : i32 to vector<16xi32>
        %add3A_765 = arith.addi %add3A_764, %and3A_762 : vector<16xi32>
        %shift_right_arithmetic3A_766 = arith.constant 1 : i32
        %shift_right_arithmetic3A_767 = vector.broadcast %shift_right_arithmetic3A_766 : i32 to vector<16xi32>
        %shift_right_arithmetic3A_768 = arith.shrsi %add3A_765, %shift_right_arithmetic3A_767 : vector<16xi32>
        %shift_right_arithmetic3A_769 = arith.constant 3 : i32
        %shift_right_arithmetic3A_770 = vector.broadcast %shift_right_arithmetic3A_769 : i32 to vector<16xi32>
        %shift_right_arithmetic3A_771 = arith.shrsi %shift_right_arithmetic3A_768, %shift_right_arithmetic3A_770 : vector<16xi32>
        %and3A_772 = arith.constant 7 : i32
        %and3A_773 = vector.broadcast %and3A_772 : i32 to vector<16xi32>
        %and3A_774 = arith.andi %shift_right_arithmetic3A_768, %and3A_773 : vector<16xi32>
        %and3A_775 = arith.constant 1 : i32
        %and3A_776 = vector.broadcast %and3A_775 : i32 to vector<16xi32>
        %and3A_777 = arith.andi %add3A_765, %and3A_776 : vector<16xi32>
        %shift_left3A_778 = arith.constant 6 : i32
        %shift_left3A_779 = vector.broadcast %shift_left3A_778 : i32 to vector<16xi32>
        %shift_left3A_780 = arith.shli %and3A_777, %shift_left3A_779 : vector<16xi32>
        %add3A_781 = arith.addi %shift_left3A_780, %add3A_19 : vector<16xi32>
        %gather3A_782 = arith.constant 0 : i32
        %gather3A_783 = arith.constant 0 : i32
        %gather3A_784 = arith.constant 0 : i32
        %gather3A_785 = tpu.memref_slice %arg5[%and3A_165, %gather3A_782, %gather3A_783, %gather3A_784] : memref<4x8x8x128xf32, #tpu.memory_space<vmem>> -> memref<1x8x8x128xf32, #tpu.memory_space<vmem>>
        %gather3A_786 = tpu.memref_squeeze %gather3A_785 : memref<1x8x8x128xf32, #tpu.memory_space<vmem>> -> memref<8x8x128xf32, #tpu.memory_space<vmem>>
        %gather3A_787 = tpu.vector_load_idx %gather3A_786[%add3A_7, %and3A_4, %add3A_765] : memref<8x8x128xf32, #tpu.memory_space<vmem>>[vector<16xi32>, vector<16xi32>, vector<16xi32>], vector<16xf32>,
        %add3A_788 = arith.addi %shift_left3A_780, %add3A_22 : vector<16xi32>
        %gather3A_789 = arith.constant 0 : i32
        %gather3A_790 = arith.constant 0 : i32
        %gather3A_791 = arith.constant 0 : i32
        %gather3A_792 = tpu.memref_slice %arg5[%and3A_165, %gather3A_789, %gather3A_790, %gather3A_791] : memref<4x8x8x128xf32, #tpu.memory_space<vmem>> -> memref<1x8x8x128xf32, #tpu.memory_space<vmem>>
        %gather3A_793 = tpu.memref_squeeze %gather3A_792 : memref<1x8x8x128xf32, #tpu.memory_space<vmem>> -> memref<8x8x128xf32, #tpu.memory_space<vmem>>
        %gather3A_794 = tpu.vector_load_idx %gather3A_793[%add3A_10, %and3A_4, %add3A_765] : memref<8x8x128xf32, #tpu.memory_space<vmem>>[vector<16xi32>, vector<16xi32>, vector<16xi32>], vector<16xf32>,
        %add3A_795 = arith.addi %shift_left3A_780, %add3A_25 : vector<16xi32>
        %gather3A_796 = arith.constant 0 : i32
        %gather3A_797 = arith.constant 0 : i32
        %gather3A_798 = arith.constant 0 : i32
        %gather3A_799 = tpu.memref_slice %arg5[%and3A_165, %gather3A_796, %gather3A_797, %gather3A_798] : memref<4x8x8x128xf32, #tpu.memory_space<vmem>> -> memref<1x8x8x128xf32, #tpu.memory_space<vmem>>
        %gather3A_800 = tpu.memref_squeeze %gather3A_799 : memref<1x8x8x128xf32, #tpu.memory_space<vmem>> -> memref<8x8x128xf32, #tpu.memory_space<vmem>>
        %gather3A_801 = tpu.vector_load_idx %gather3A_800[%add3A_13, %and3A_4, %add3A_765] : memref<8x8x128xf32, #tpu.memory_space<vmem>>[vector<16xi32>, vector<16xi32>, vector<16xi32>], vector<16xf32>,
        %add3A_802 = arith.addi %shift_left3A_780, %add3A_28 : vector<16xi32>
        %gather3A_803 = arith.constant 0 : i32
        %gather3A_804 = arith.constant 0 : i32
        %gather3A_805 = arith.constant 0 : i32
        %gather3A_806 = tpu.memref_slice %arg5[%and3A_165, %gather3A_803, %gather3A_804, %gather3A_805] : memref<4x8x8x128xf32, #tpu.memory_space<vmem>> -> memref<1x8x8x128xf32, #tpu.memory_space<vmem>>
        %gather3A_807 = tpu.memref_squeeze %gather3A_806 : memref<1x8x8x128xf32, #tpu.memory_space<vmem>> -> memref<8x8x128xf32, #tpu.memory_space<vmem>>
        %gather3A_808 = tpu.vector_load_idx %gather3A_807[%add3A_16, %and3A_4, %add3A_765] : memref<8x8x128xf32, #tpu.memory_space<vmem>>[vector<16xi32>, vector<16xi32>, vector<16xi32>], vector<16xf32>,
        %add3A_809 = arith.constant 16 : i32
        %add3A_810 = vector.broadcast %add3A_809 : i32 to vector<16xi32>
        %add3A_811 = arith.addi %add3A_810, %and3A_762 : vector<16xi32>
        %shift_right_arithmetic3A_812 = arith.constant 1 : i32
        %shift_right_arithmetic3A_813 = vector.broadcast %shift_right_arithmetic3A_812 : i32 to vector<16xi32>
        %shift_right_arithmetic3A_814 = arith.shrsi %add3A_811, %shift_right_arithmetic3A_813 : vector<16xi32>
        %shift_right_arithmetic3A_815 = arith.constant 3 : i32
        %shift_right_arithmetic3A_816 = vector.broadcast %shift_right_arithmetic3A_815 : i32 to vector<16xi32>
        %shift_right_arithmetic3A_817 = arith.shrsi %shift_right_arithmetic3A_814, %shift_right_arithmetic3A_816 : vector<16xi32>
        %and3A_818 = arith.constant 7 : i32
        %and3A_819 = vector.broadcast %and3A_818 : i32 to vector<16xi32>
        %and3A_820 = arith.andi %shift_right_arithmetic3A_814, %and3A_819 : vector<16xi32>
        %and3A_821 = arith.constant 1 : i32
        %and3A_822 = vector.broadcast %and3A_821 : i32 to vector<16xi32>
        %and3A_823 = arith.andi %add3A_811, %and3A_822 : vector<16xi32>
        %shift_left3A_824 = arith.constant 6 : i32
        %shift_left3A_825 = vector.broadcast %shift_left3A_824 : i32 to vector<16xi32>
        %shift_left3A_826 = arith.shli %and3A_823, %shift_left3A_825 : vector<16xi32>
        %add3A_827 = arith.addi %shift_left3A_826, %add3A_19 : vector<16xi32>
        %gather3A_828 = arith.constant 0 : i32
        %gather3A_829 = arith.constant 0 : i32
        %gather3A_830 = arith.constant 0 : i32
        %gather3A_831 = tpu.memref_slice %arg5[%and3A_165, %gather3A_828, %gather3A_829, %gather3A_830] : memref<4x8x8x128xf32, #tpu.memory_space<vmem>> -> memref<1x8x8x128xf32, #tpu.memory_space<vmem>>
        %gather3A_832 = tpu.memref_squeeze %gather3A_831 : memref<1x8x8x128xf32, #tpu.memory_space<vmem>> -> memref<8x8x128xf32, #tpu.memory_space<vmem>>
        %gather3A_833 = tpu.vector_load_idx %gather3A_832[%add3A_7, %and3A_4, %add3A_811] : memref<8x8x128xf32, #tpu.memory_space<vmem>>[vector<16xi32>, vector<16xi32>, vector<16xi32>], vector<16xf32>,
        %add3A_834 = arith.addi %shift_left3A_826, %add3A_22 : vector<16xi32>
        %gather3A_835 = arith.constant 0 : i32
        %gather3A_836 = arith.constant 0 : i32
        %gather3A_837 = arith.constant 0 : i32
        %gather3A_838 = tpu.memref_slice %arg5[%and3A_165, %gather3A_835, %gather3A_836, %gather3A_837] : memref<4x8x8x128xf32, #tpu.memory_space<vmem>> -> memref<1x8x8x128xf32, #tpu.memory_space<vmem>>
        %gather3A_839 = tpu.memref_squeeze %gather3A_838 : memref<1x8x8x128xf32, #tpu.memory_space<vmem>> -> memref<8x8x128xf32, #tpu.memory_space<vmem>>
        %gather3A_840 = tpu.vector_load_idx %gather3A_839[%add3A_10, %and3A_4, %add3A_811] : memref<8x8x128xf32, #tpu.memory_space<vmem>>[vector<16xi32>, vector<16xi32>, vector<16xi32>], vector<16xf32>,
        %add3A_841 = arith.addi %shift_left3A_826, %add3A_25 : vector<16xi32>
        %gather3A_842 = arith.constant 0 : i32
        %gather3A_843 = arith.constant 0 : i32
        %gather3A_844 = arith.constant 0 : i32
        %gather3A_845 = tpu.memref_slice %arg5[%and3A_165, %gather3A_842, %gather3A_843, %gather3A_844] : memref<4x8x8x128xf32, #tpu.memory_space<vmem>> -> memref<1x8x8x128xf32, #tpu.memory_space<vmem>>
        %gather3A_846 = tpu.memref_squeeze %gather3A_845 : memref<1x8x8x128xf32, #tpu.memory_space<vmem>> -> memref<8x8x128xf32, #tpu.memory_space<vmem>>
        %gather3A_847 = tpu.vector_load_idx %gather3A_846[%add3A_13, %and3A_4, %add3A_811] : memref<8x8x128xf32, #tpu.memory_space<vmem>>[vector<16xi32>, vector<16xi32>, vector<16xi32>], vector<16xf32>,
        %add3A_848 = arith.addi %shift_left3A_826, %add3A_28 : vector<16xi32>
        %gather3A_849 = arith.constant 0 : i32
        %gather3A_850 = arith.constant 0 : i32
        %gather3A_851 = arith.constant 0 : i32
        %gather3A_852 = tpu.memref_slice %arg5[%and3A_165, %gather3A_849, %gather3A_850, %gather3A_851] : memref<4x8x8x128xf32, #tpu.memory_space<vmem>> -> memref<1x8x8x128xf32, #tpu.memory_space<vmem>>
        %gather3A_853 = tpu.memref_squeeze %gather3A_852 : memref<1x8x8x128xf32, #tpu.memory_space<vmem>> -> memref<8x8x128xf32, #tpu.memory_space<vmem>>
        %gather3A_854 = tpu.vector_load_idx %gather3A_853[%add3A_16, %and3A_4, %add3A_811] : memref<8x8x128xf32, #tpu.memory_space<vmem>>[vector<16xi32>, vector<16xi32>, vector<16xi32>], vector<16xf32>,
        %scatter3A_855 = arith.constant 0 : i32
        %scatter3A_856 = arith.constant 0 : i32
        %scatter3A_857 = arith.constant 0 : i32
        %scatter3A_858 = tpu.memref_slice %arg6[%and3A_165, %scatter3A_855, %scatter3A_856, %scatter3A_857] : memref<4x8x8x128xf32, #tpu.memory_space<vmem>> -> memref<1x8x8x128xf32, #tpu.memory_space<vmem>>
        %scatter3A_859 = tpu.memref_squeeze %scatter3A_858 : memref<1x8x8x128xf32, #tpu.memory_space<vmem>> -> memref<8x8x128xf32, #tpu.memory_space<vmem>>
        tpu.vector_store_idx %scatter3A_859[%shift_right_arithmetic3A_771, %and3A_774, %add3A_781], %gather3A_787 : memref<8x8x128xf32, #tpu.memory_space<vmem>>[vector<16xi32>, vector<16xi32>, vector<16xi32>], vector<16xf32>,
        %scatter3A_860 = arith.constant 0 : i32
        %scatter3A_861 = arith.constant 0 : i32
        %scatter3A_862 = arith.constant 0 : i32
        %scatter3A_863 = tpu.memref_slice %arg6[%and3A_165, %scatter3A_860, %scatter3A_861, %scatter3A_862] : memref<4x8x8x128xf32, #tpu.memory_space<vmem>> -> memref<1x8x8x128xf32, #tpu.memory_space<vmem>>
        %scatter3A_864 = tpu.memref_squeeze %scatter3A_863 : memref<1x8x8x128xf32, #tpu.memory_space<vmem>> -> memref<8x8x128xf32, #tpu.memory_space<vmem>>
        tpu.vector_store_idx %scatter3A_864[%shift_right_arithmetic3A_771, %and3A_774, %add3A_788], %gather3A_794 : memref<8x8x128xf32, #tpu.memory_space<vmem>>[vector<16xi32>, vector<16xi32>, vector<16xi32>], vector<16xf32>,
        %scatter3A_865 = arith.constant 0 : i32
        %scatter3A_866 = arith.constant 0 : i32
        %scatter3A_867 = arith.constant 0 : i32
        %scatter3A_868 = tpu.memref_slice %arg6[%and3A_165, %scatter3A_865, %scatter3A_866, %scatter3A_867] : memref<4x8x8x128xf32, #tpu.memory_space<vmem>> -> memref<1x8x8x128xf32, #tpu.memory_space<vmem>>
        %scatter3A_869 = tpu.memref_squeeze %scatter3A_868 : memref<1x8x8x128xf32, #tpu.memory_space<vmem>> -> memref<8x8x128xf32, #tpu.memory_space<vmem>>
        tpu.vector_store_idx %scatter3A_869[%shift_right_arithmetic3A_771, %and3A_774, %add3A_795], %gather3A_801 : memref<8x8x128xf32, #tpu.memory_space<vmem>>[vector<16xi32>, vector<16xi32>, vector<16xi32>], vector<16xf32>,
        %scatter3A_870 = arith.constant 0 : i32
        %scatter3A_871 = arith.constant 0 : i32
        %scatter3A_872 = arith.constant 0 : i32
        %scatter3A_873 = tpu.memref_slice %arg6[%and3A_165, %scatter3A_870, %scatter3A_871, %scatter3A_872] : memref<4x8x8x128xf32, #tpu.memory_space<vmem>> -> memref<1x8x8x128xf32, #tpu.memory_space<vmem>>
        %scatter3A_874 = tpu.memref_squeeze %scatter3A_873 : memref<1x8x8x128xf32, #tpu.memory_space<vmem>> -> memref<8x8x128xf32, #tpu.memory_space<vmem>>
        tpu.vector_store_idx %scatter3A_874[%shift_right_arithmetic3A_771, %and3A_774, %add3A_802], %gather3A_808 : memref<8x8x128xf32, #tpu.memory_space<vmem>>[vector<16xi32>, vector<16xi32>, vector<16xi32>], vector<16xf32>,
        %scatter3A_875 = arith.constant 0 : i32
        %scatter3A_876 = arith.constant 0 : i32
        %scatter3A_877 = arith.constant 0 : i32
        %scatter3A_878 = tpu.memref_slice %arg6[%and3A_165, %scatter3A_875, %scatter3A_876, %scatter3A_877] : memref<4x8x8x128xf32, #tpu.memory_space<vmem>> -> memref<1x8x8x128xf32, #tpu.memory_space<vmem>>
        %scatter3A_879 = tpu.memref_squeeze %scatter3A_878 : memref<1x8x8x128xf32, #tpu.memory_space<vmem>> -> memref<8x8x128xf32, #tpu.memory_space<vmem>>
        tpu.vector_store_idx %scatter3A_879[%shift_right_arithmetic3A_817, %and3A_820, %add3A_827], %gather3A_833 : memref<8x8x128xf32, #tpu.memory_space<vmem>>[vector<16xi32>, vector<16xi32>, vector<16xi32>], vector<16xf32>,
        %scatter3A_880 = arith.constant 0 : i32
        %scatter3A_881 = arith.constant 0 : i32
        %scatter3A_882 = arith.constant 0 : i32
        %scatter3A_883 = tpu.memref_slice %arg6[%and3A_165, %scatter3A_880, %scatter3A_881, %scatter3A_882] : memref<4x8x8x128xf32, #tpu.memory_space<vmem>> -> memref<1x8x8x128xf32, #tpu.memory_space<vmem>>
        %scatter3A_884 = tpu.memref_squeeze %scatter3A_883 : memref<1x8x8x128xf32, #tpu.memory_space<vmem>> -> memref<8x8x128xf32, #tpu.memory_space<vmem>>
        tpu.vector_store_idx %scatter3A_884[%shift_right_arithmetic3A_817, %and3A_820, %add3A_834], %gather3A_840 : memref<8x8x128xf32, #tpu.memory_space<vmem>>[vector<16xi32>, vector<16xi32>, vector<16xi32>], vector<16xf32>,
        %scatter3A_885 = arith.constant 0 : i32
        %scatter3A_886 = arith.constant 0 : i32
        %scatter3A_887 = arith.constant 0 : i32
        %scatter3A_888 = tpu.memref_slice %arg6[%and3A_165, %scatter3A_885, %scatter3A_886, %scatter3A_887] : memref<4x8x8x128xf32, #tpu.memory_space<vmem>> -> memref<1x8x8x128xf32, #tpu.memory_space<vmem>>
        %scatter3A_889 = tpu.memref_squeeze %scatter3A_888 : memref<1x8x8x128xf32, #tpu.memory_space<vmem>> -> memref<8x8x128xf32, #tpu.memory_space<vmem>>
        tpu.vector_store_idx %scatter3A_889[%shift_right_arithmetic3A_817, %and3A_820, %add3A_841], %gather3A_847 : memref<8x8x128xf32, #tpu.memory_space<vmem>>[vector<16xi32>, vector<16xi32>, vector<16xi32>], vector<16xf32>,
        %scatter3A_890 = arith.constant 0 : i32
        %scatter3A_891 = arith.constant 0 : i32
        %scatter3A_892 = arith.constant 0 : i32
        %scatter3A_893 = tpu.memref_slice %arg6[%and3A_165, %scatter3A_890, %scatter3A_891, %scatter3A_892] : memref<4x8x8x128xf32, #tpu.memory_space<vmem>> -> memref<1x8x8x128xf32, #tpu.memory_space<vmem>>
        %scatter3A_894 = tpu.memref_squeeze %scatter3A_893 : memref<1x8x8x128xf32, #tpu.memory_space<vmem>> -> memref<8x8x128xf32, #tpu.memory_space<vmem>>
        tpu.vector_store_idx %scatter3A_894[%shift_right_arithmetic3A_817, %and3A_820, %add3A_848], %gather3A_854 : memref<8x8x128xf32, #tpu.memory_space<vmem>>[vector<16xi32>, vector<16xi32>, vector<16xi32>], vector<16xf32>,
        %add3A_895 = arith.constant 32 : i32
        %add3A_896 = vector.broadcast %add3A_895 : i32 to vector<16xi32>
        %add3A_897 = arith.addi %add3A_896, %and3A_762 : vector<16xi32>
        %shift_right_arithmetic3A_898 = arith.constant 1 : i32
        %shift_right_arithmetic3A_899 = vector.broadcast %shift_right_arithmetic3A_898 : i32 to vector<16xi32>
        %shift_right_arithmetic3A_900 = arith.shrsi %add3A_897, %shift_right_arithmetic3A_899 : vector<16xi32>
        %shift_right_arithmetic3A_901 = arith.constant 3 : i32
        %shift_right_arithmetic3A_902 = vector.broadcast %shift_right_arithmetic3A_901 : i32 to vector<16xi32>
        %shift_right_arithmetic3A_903 = arith.shrsi %shift_right_arithmetic3A_900, %shift_right_arithmetic3A_902 : vector<16xi32>
        %and3A_904 = arith.constant 7 : i32
        %and3A_905 = vector.broadcast %and3A_904 : i32 to vector<16xi32>
        %and3A_906 = arith.andi %shift_right_arithmetic3A_900, %and3A_905 : vector<16xi32>
        %and3A_907 = arith.constant 1 : i32
        %and3A_908 = vector.broadcast %and3A_907 : i32 to vector<16xi32>
        %and3A_909 = arith.andi %add3A_897, %and3A_908 : vector<16xi32>
        %shift_left3A_910 = arith.constant 6 : i32
        %shift_left3A_911 = vector.broadcast %shift_left3A_910 : i32 to vector<16xi32>
        %shift_left3A_912 = arith.shli %and3A_909, %shift_left3A_911 : vector<16xi32>
        %add3A_913 = arith.addi %shift_left3A_912, %add3A_19 : vector<16xi32>
        %gather3A_914 = arith.constant 0 : i32
        %gather3A_915 = arith.constant 0 : i32
        %gather3A_916 = arith.constant 0 : i32
        %gather3A_917 = tpu.memref_slice %arg5[%and3A_165, %gather3A_914, %gather3A_915, %gather3A_916] : memref<4x8x8x128xf32, #tpu.memory_space<vmem>> -> memref<1x8x8x128xf32, #tpu.memory_space<vmem>>
        %gather3A_918 = tpu.memref_squeeze %gather3A_917 : memref<1x8x8x128xf32, #tpu.memory_space<vmem>> -> memref<8x8x128xf32, #tpu.memory_space<vmem>>
        %gather3A_919 = tpu.vector_load_idx %gather3A_918[%add3A_7, %and3A_4, %add3A_897] : memref<8x8x128xf32, #tpu.memory_space<vmem>>[vector<16xi32>, vector<16xi32>, vector<16xi32>], vector<16xf32>,
        %add3A_920 = arith.addi %shift_left3A_912, %add3A_22 : vector<16xi32>
        %gather3A_921 = arith.constant 0 : i32
        %gather3A_922 = arith.constant 0 : i32
        %gather3A_923 = arith.constant 0 : i32
        %gather3A_924 = tpu.memref_slice %arg5[%and3A_165, %gather3A_921, %gather3A_922, %gather3A_923] : memref<4x8x8x128xf32, #tpu.memory_space<vmem>> -> memref<1x8x8x128xf32, #tpu.memory_space<vmem>>
        %gather3A_925 = tpu.memref_squeeze %gather3A_924 : memref<1x8x8x128xf32, #tpu.memory_space<vmem>> -> memref<8x8x128xf32, #tpu.memory_space<vmem>>
        %gather3A_926 = tpu.vector_load_idx %gather3A_925[%add3A_10, %and3A_4, %add3A_897] : memref<8x8x128xf32, #tpu.memory_space<vmem>>[vector<16xi32>, vector<16xi32>, vector<16xi32>], vector<16xf32>,
        %add3A_927 = arith.addi %shift_left3A_912, %add3A_25 : vector<16xi32>
        %gather3A_928 = arith.constant 0 : i32
        %gather3A_929 = arith.constant 0 : i32
        %gather3A_930 = arith.constant 0 : i32
        %gather3A_931 = tpu.memref_slice %arg5[%and3A_165, %gather3A_928, %gather3A_929, %gather3A_930] : memref<4x8x8x128xf32, #tpu.memory_space<vmem>> -> memref<1x8x8x128xf32, #tpu.memory_space<vmem>>
        %gather3A_932 = tpu.memref_squeeze %gather3A_931 : memref<1x8x8x128xf32, #tpu.memory_space<vmem>> -> memref<8x8x128xf32, #tpu.memory_space<vmem>>
        %gather3A_933 = tpu.vector_load_idx %gather3A_932[%add3A_13, %and3A_4, %add3A_897] : memref<8x8x128xf32, #tpu.memory_space<vmem>>[vector<16xi32>, vector<16xi32>, vector<16xi32>], vector<16xf32>,
        %add3A_934 = arith.addi %shift_left3A_912, %add3A_28 : vector<16xi32>
        %gather3A_935 = arith.constant 0 : i32
        %gather3A_936 = arith.constant 0 : i32
        %gather3A_937 = arith.constant 0 : i32
        %gather3A_938 = tpu.memref_slice %arg5[%and3A_165, %gather3A_935, %gather3A_936, %gather3A_937] : memref<4x8x8x128xf32, #tpu.memory_space<vmem>> -> memref<1x8x8x128xf32, #tpu.memory_space<vmem>>
        %gather3A_939 = tpu.memref_squeeze %gather3A_938 : memref<1x8x8x128xf32, #tpu.memory_space<vmem>> -> memref<8x8x128xf32, #tpu.memory_space<vmem>>
        %gather3A_940 = tpu.vector_load_idx %gather3A_939[%add3A_16, %and3A_4, %add3A_897] : memref<8x8x128xf32, #tpu.memory_space<vmem>>[vector<16xi32>, vector<16xi32>, vector<16xi32>], vector<16xf32>,
        %add3A_941 = arith.constant 48 : i32
        %add3A_942 = vector.broadcast %add3A_941 : i32 to vector<16xi32>
        %add3A_943 = arith.addi %add3A_942, %and3A_762 : vector<16xi32>
        %shift_right_arithmetic3A_944 = arith.constant 1 : i32
        %shift_right_arithmetic3A_945 = vector.broadcast %shift_right_arithmetic3A_944 : i32 to vector<16xi32>
        %shift_right_arithmetic3A_946 = arith.shrsi %add3A_943, %shift_right_arithmetic3A_945 : vector<16xi32>
        %shift_right_arithmetic3A_947 = arith.constant 3 : i32
        %shift_right_arithmetic3A_948 = vector.broadcast %shift_right_arithmetic3A_947 : i32 to vector<16xi32>
        %shift_right_arithmetic3A_949 = arith.shrsi %shift_right_arithmetic3A_946, %shift_right_arithmetic3A_948 : vector<16xi32>
        %and3A_950 = arith.constant 7 : i32
        %and3A_951 = vector.broadcast %and3A_950 : i32 to vector<16xi32>
        %and3A_952 = arith.andi %shift_right_arithmetic3A_946, %and3A_951 : vector<16xi32>
        %and3A_953 = arith.constant 1 : i32
        %and3A_954 = vector.broadcast %and3A_953 : i32 to vector<16xi32>
        %and3A_955 = arith.andi %add3A_943, %and3A_954 : vector<16xi32>
        %shift_left3A_956 = arith.constant 6 : i32
        %shift_left3A_957 = vector.broadcast %shift_left3A_956 : i32 to vector<16xi32>
        %shift_left3A_958 = arith.shli %and3A_955, %shift_left3A_957 : vector<16xi32>
        %add3A_959 = arith.addi %shift_left3A_958, %add3A_19 : vector<16xi32>
        %gather3A_960 = arith.constant 0 : i32
        %gather3A_961 = arith.constant 0 : i32
        %gather3A_962 = arith.constant 0 : i32
        %gather3A_963 = tpu.memref_slice %arg5[%and3A_165, %gather3A_960, %gather3A_961, %gather3A_962] : memref<4x8x8x128xf32, #tpu.memory_space<vmem>> -> memref<1x8x8x128xf32, #tpu.memory_space<vmem>>
        %gather3A_964 = tpu.memref_squeeze %gather3A_963 : memref<1x8x8x128xf32, #tpu.memory_space<vmem>> -> memref<8x8x128xf32, #tpu.memory_space<vmem>>
        %gather3A_965 = tpu.vector_load_idx %gather3A_964[%add3A_7, %and3A_4, %add3A_943] : memref<8x8x128xf32, #tpu.memory_space<vmem>>[vector<16xi32>, vector<16xi32>, vector<16xi32>], vector<16xf32>,
        %add3A_966 = arith.addi %shift_left3A_958, %add3A_22 : vector<16xi32>
        %gather3A_967 = arith.constant 0 : i32
        %gather3A_968 = arith.constant 0 : i32
        %gather3A_969 = arith.constant 0 : i32
        %gather3A_970 = tpu.memref_slice %arg5[%and3A_165, %gather3A_967, %gather3A_968, %gather3A_969] : memref<4x8x8x128xf32, #tpu.memory_space<vmem>> -> memref<1x8x8x128xf32, #tpu.memory_space<vmem>>
        %gather3A_971 = tpu.memref_squeeze %gather3A_970 : memref<1x8x8x128xf32, #tpu.memory_space<vmem>> -> memref<8x8x128xf32, #tpu.memory_space<vmem>>
        %gather3A_972 = tpu.vector_load_idx %gather3A_971[%add3A_10, %and3A_4, %add3A_943] : memref<8x8x128xf32, #tpu.memory_space<vmem>>[vector<16xi32>, vector<16xi32>, vector<16xi32>], vector<16xf32>,
        %add3A_973 = arith.addi %shift_left3A_958, %add3A_25 : vector<16xi32>
        %gather3A_974 = arith.constant 0 : i32
        %gather3A_975 = arith.constant 0 : i32
        %gather3A_976 = arith.constant 0 : i32
        %gather3A_977 = tpu.memref_slice %arg5[%and3A_165, %gather3A_974, %gather3A_975, %gather3A_976] : memref<4x8x8x128xf32, #tpu.memory_space<vmem>> -> memref<1x8x8x128xf32, #tpu.memory_space<vmem>>
        %gather3A_978 = tpu.memref_squeeze %gather3A_977 : memref<1x8x8x128xf32, #tpu.memory_space<vmem>> -> memref<8x8x128xf32, #tpu.memory_space<vmem>>
        %gather3A_979 = tpu.vector_load_idx %gather3A_978[%add3A_13, %and3A_4, %add3A_943] : memref<8x8x128xf32, #tpu.memory_space<vmem>>[vector<16xi32>, vector<16xi32>, vector<16xi32>], vector<16xf32>,
        %add3A_980 = arith.addi %shift_left3A_958, %add3A_28 : vector<16xi32>
        %gather3A_981 = arith.constant 0 : i32
        %gather3A_982 = arith.constant 0 : i32
        %gather3A_983 = arith.constant 0 : i32
        %gather3A_984 = tpu.memref_slice %arg5[%and3A_165, %gather3A_981, %gather3A_982, %gather3A_983] : memref<4x8x8x128xf32, #tpu.memory_space<vmem>> -> memref<1x8x8x128xf32, #tpu.memory_space<vmem>>
        %gather3A_985 = tpu.memref_squeeze %gather3A_984 : memref<1x8x8x128xf32, #tpu.memory_space<vmem>> -> memref<8x8x128xf32, #tpu.memory_space<vmem>>
        %gather3A_986 = tpu.vector_load_idx %gather3A_985[%add3A_16, %and3A_4, %add3A_943] : memref<8x8x128xf32, #tpu.memory_space<vmem>>[vector<16xi32>, vector<16xi32>, vector<16xi32>], vector<16xf32>,
        %scatter3A_987 = arith.constant 0 : i32
        %scatter3A_988 = arith.constant 0 : i32
        %scatter3A_989 = arith.constant 0 : i32
        %scatter3A_990 = tpu.memref_slice %arg6[%and3A_165, %scatter3A_987, %scatter3A_988, %scatter3A_989] : memref<4x8x8x128xf32, #tpu.memory_space<vmem>> -> memref<1x8x8x128xf32, #tpu.memory_space<vmem>>
        %scatter3A_991 = tpu.memref_squeeze %scatter3A_990 : memref<1x8x8x128xf32, #tpu.memory_space<vmem>> -> memref<8x8x128xf32, #tpu.memory_space<vmem>>
        tpu.vector_store_idx %scatter3A_991[%shift_right_arithmetic3A_903, %and3A_906, %add3A_913], %gather3A_919 : memref<8x8x128xf32, #tpu.memory_space<vmem>>[vector<16xi32>, vector<16xi32>, vector<16xi32>], vector<16xf32>,
        %scatter3A_992 = arith.constant 0 : i32
        %scatter3A_993 = arith.constant 0 : i32
        %scatter3A_994 = arith.constant 0 : i32
        %scatter3A_995 = tpu.memref_slice %arg6[%and3A_165, %scatter3A_992, %scatter3A_993, %scatter3A_994] : memref<4x8x8x128xf32, #tpu.memory_space<vmem>> -> memref<1x8x8x128xf32, #tpu.memory_space<vmem>>
        %scatter3A_996 = tpu.memref_squeeze %scatter3A_995 : memref<1x8x8x128xf32, #tpu.memory_space<vmem>> -> memref<8x8x128xf32, #tpu.memory_space<vmem>>
        tpu.vector_store_idx %scatter3A_996[%shift_right_arithmetic3A_903, %and3A_906, %add3A_920], %gather3A_926 : memref<8x8x128xf32, #tpu.memory_space<vmem>>[vector<16xi32>, vector<16xi32>, vector<16xi32>], vector<16xf32>,
        %scatter3A_997 = arith.constant 0 : i32
        %scatter3A_998 = arith.constant 0 : i32
        %scatter3A_999 = arith.constant 0 : i32
        %scatter3A_1000 = tpu.memref_slice %arg6[%and3A_165, %scatter3A_997, %scatter3A_998, %scatter3A_999] : memref<4x8x8x128xf32, #tpu.memory_space<vmem>> -> memref<1x8x8x128xf32, #tpu.memory_space<vmem>>
        %scatter3A_1001 = tpu.memref_squeeze %scatter3A_1000 : memref<1x8x8x128xf32, #tpu.memory_space<vmem>> -> memref<8x8x128xf32, #tpu.memory_space<vmem>>
        tpu.vector_store_idx %scatter3A_1001[%shift_right_arithmetic3A_903, %and3A_906, %add3A_927], %gather3A_933 : memref<8x8x128xf32, #tpu.memory_space<vmem>>[vector<16xi32>, vector<16xi32>, vector<16xi32>], vector<16xf32>,
        %scatter3A_1002 = arith.constant 0 : i32
        %scatter3A_1003 = arith.constant 0 : i32
        %scatter3A_1004 = arith.constant 0 : i32
        %scatter3A_1005 = tpu.memref_slice %arg6[%and3A_165, %scatter3A_1002, %scatter3A_1003, %scatter3A_1004] : memref<4x8x8x128xf32, #tpu.memory_space<vmem>> -> memref<1x8x8x128xf32, #tpu.memory_space<vmem>>
        %scatter3A_1006 = tpu.memref_squeeze %scatter3A_1005 : memref<1x8x8x128xf32, #tpu.memory_space<vmem>> -> memref<8x8x128xf32, #tpu.memory_space<vmem>>
        tpu.vector_store_idx %scatter3A_1006[%shift_right_arithmetic3A_903, %and3A_906, %add3A_934], %gather3A_940 : memref<8x8x128xf32, #tpu.memory_space<vmem>>[vector<16xi32>, vector<16xi32>, vector<16xi32>], vector<16xf32>,
        %scatter3A_1007 = arith.constant 0 : i32
        %scatter3A_1008 = arith.constant 0 : i32
        %scatter3A_1009 = arith.constant 0 : i32
        %scatter3A_1010 = tpu.memref_slice %arg6[%and3A_165, %scatter3A_1007, %scatter3A_1008, %scatter3A_1009] : memref<4x8x8x128xf32, #tpu.memory_space<vmem>> -> memref<1x8x8x128xf32, #tpu.memory_space<vmem>>
        %scatter3A_1011 = tpu.memref_squeeze %scatter3A_1010 : memref<1x8x8x128xf32, #tpu.memory_space<vmem>> -> memref<8x8x128xf32, #tpu.memory_space<vmem>>
        tpu.vector_store_idx %scatter3A_1011[%shift_right_arithmetic3A_949, %and3A_952, %add3A_959], %gather3A_965 : memref<8x8x128xf32, #tpu.memory_space<vmem>>[vector<16xi32>, vector<16xi32>, vector<16xi32>], vector<16xf32>,
        %scatter3A_1012 = arith.constant 0 : i32
        %scatter3A_1013 = arith.constant 0 : i32
        %scatter3A_1014 = arith.constant 0 : i32
        %scatter3A_1015 = tpu.memref_slice %arg6[%and3A_165, %scatter3A_1012, %scatter3A_1013, %scatter3A_1014] : memref<4x8x8x128xf32, #tpu.memory_space<vmem>> -> memref<1x8x8x128xf32, #tpu.memory_space<vmem>>
        %scatter3A_1016 = tpu.memref_squeeze %scatter3A_1015 : memref<1x8x8x128xf32, #tpu.memory_space<vmem>> -> memref<8x8x128xf32, #tpu.memory_space<vmem>>
        tpu.vector_store_idx %scatter3A_1016[%shift_right_arithmetic3A_949, %and3A_952, %add3A_966], %gather3A_972 : memref<8x8x128xf32, #tpu.memory_space<vmem>>[vector<16xi32>, vector<16xi32>, vector<16xi32>], vector<16xf32>,
        %scatter3A_1017 = arith.constant 0 : i32
        %scatter3A_1018 = arith.constant 0 : i32
        %scatter3A_1019 = arith.constant 0 : i32
        %scatter3A_1020 = tpu.memref_slice %arg6[%and3A_165, %scatter3A_1017, %scatter3A_1018, %scatter3A_1019] : memref<4x8x8x128xf32, #tpu.memory_space<vmem>> -> memref<1x8x8x128xf32, #tpu.memory_space<vmem>>
        %scatter3A_1021 = tpu.memref_squeeze %scatter3A_1020 : memref<1x8x8x128xf32, #tpu.memory_space<vmem>> -> memref<8x8x128xf32, #tpu.memory_space<vmem>>
        tpu.vector_store_idx %scatter3A_1021[%shift_right_arithmetic3A_949, %and3A_952, %add3A_973], %gather3A_979 : memref<8x8x128xf32, #tpu.memory_space<vmem>>[vector<16xi32>, vector<16xi32>, vector<16xi32>], vector<16xf32>,
        %scatter3A_1022 = arith.constant 0 : i32
        %scatter3A_1023 = arith.constant 0 : i32
        %scatter3A_1024 = arith.constant 0 : i32
        %scatter3A_1025 = tpu.memref_slice %arg6[%and3A_165, %scatter3A_1022, %scatter3A_1023, %scatter3A_1024] : memref<4x8x8x128xf32, #tpu.memory_space<vmem>> -> memref<1x8x8x128xf32, #tpu.memory_space<vmem>>
        %scatter3A_1026 = tpu.memref_squeeze %scatter3A_1025 : memref<1x8x8x128xf32, #tpu.memory_space<vmem>> -> memref<8x8x128xf32, #tpu.memory_space<vmem>>
        tpu.vector_store_idx %scatter3A_1026[%shift_right_arithmetic3A_949, %and3A_952, %add3A_980], %gather3A_986 : memref<8x8x128xf32, #tpu.memory_space<vmem>>[vector<16xi32>, vector<16xi32>, vector<16xi32>], vector<16xf32>,
        %add3A_1027 = arith.constant 64 : i32
        %add3A_1028 = vector.broadcast %add3A_1027 : i32 to vector<16xi32>
        %add3A_1029 = arith.addi %add3A_1028, %and3A_762 : vector<16xi32>
        %shift_right_arithmetic3A_1030 = arith.constant 1 : i32
        %shift_right_arithmetic3A_1031 = vector.broadcast %shift_right_arithmetic3A_1030 : i32 to vector<16xi32>
        %shift_right_arithmetic3A_1032 = arith.shrsi %add3A_1029, %shift_right_arithmetic3A_1031 : vector<16xi32>
        %shift_right_arithmetic3A_1033 = arith.constant 3 : i32
        %shift_right_arithmetic3A_1034 = vector.broadcast %shift_right_arithmetic3A_1033 : i32 to vector<16xi32>
        %shift_right_arithmetic3A_1035 = arith.shrsi %shift_right_arithmetic3A_1032, %shift_right_arithmetic3A_1034 : vector<16xi32>
        %and3A_1036 = arith.constant 7 : i32
        %and3A_1037 = vector.broadcast %and3A_1036 : i32 to vector<16xi32>
        %and3A_1038 = arith.andi %shift_right_arithmetic3A_1032, %and3A_1037 : vector<16xi32>
        %and3A_1039 = arith.constant 1 : i32
        %and3A_1040 = vector.broadcast %and3A_1039 : i32 to vector<16xi32>
        %and3A_1041 = arith.andi %add3A_1029, %and3A_1040 : vector<16xi32>
        %shift_left3A_1042 = arith.constant 6 : i32
        %shift_left3A_1043 = vector.broadcast %shift_left3A_1042 : i32 to vector<16xi32>
        %shift_left3A_1044 = arith.shli %and3A_1041, %shift_left3A_1043 : vector<16xi32>
        %add3A_1045 = arith.addi %shift_left3A_1044, %add3A_19 : vector<16xi32>
        %gather3A_1046 = arith.constant 0 : i32
        %gather3A_1047 = arith.constant 0 : i32
        %gather3A_1048 = arith.constant 0 : i32
        %gather3A_1049 = tpu.memref_slice %arg5[%and3A_165, %gather3A_1046, %gather3A_1047, %gather3A_1048] : memref<4x8x8x128xf32, #tpu.memory_space<vmem>> -> memref<1x8x8x128xf32, #tpu.memory_space<vmem>>
        %gather3A_1050 = tpu.memref_squeeze %gather3A_1049 : memref<1x8x8x128xf32, #tpu.memory_space<vmem>> -> memref<8x8x128xf32, #tpu.memory_space<vmem>>
        %gather3A_1051 = tpu.vector_load_idx %gather3A_1050[%add3A_7, %and3A_4, %add3A_1029] : memref<8x8x128xf32, #tpu.memory_space<vmem>>[vector<16xi32>, vector<16xi32>, vector<16xi32>], vector<16xf32>,
        %add3A_1052 = arith.addi %shift_left3A_1044, %add3A_22 : vector<16xi32>
        %gather3A_1053 = arith.constant 0 : i32
        %gather3A_1054 = arith.constant 0 : i32
        %gather3A_1055 = arith.constant 0 : i32
        %gather3A_1056 = tpu.memref_slice %arg5[%and3A_165, %gather3A_1053, %gather3A_1054, %gather3A_1055] : memref<4x8x8x128xf32, #tpu.memory_space<vmem>> -> memref<1x8x8x128xf32, #tpu.memory_space<vmem>>
        %gather3A_1057 = tpu.memref_squeeze %gather3A_1056 : memref<1x8x8x128xf32, #tpu.memory_space<vmem>> -> memref<8x8x128xf32, #tpu.memory_space<vmem>>
        %gather3A_1058 = tpu.vector_load_idx %gather3A_1057[%add3A_10, %and3A_4, %add3A_1029] : memref<8x8x128xf32, #tpu.memory_space<vmem>>[vector<16xi32>, vector<16xi32>, vector<16xi32>], vector<16xf32>,
        %add3A_1059 = arith.addi %shift_left3A_1044, %add3A_25 : vector<16xi32>
        %gather3A_1060 = arith.constant 0 : i32
        %gather3A_1061 = arith.constant 0 : i32
        %gather3A_1062 = arith.constant 0 : i32
        %gather3A_1063 = tpu.memref_slice %arg5[%and3A_165, %gather3A_1060, %gather3A_1061, %gather3A_1062] : memref<4x8x8x128xf32, #tpu.memory_space<vmem>> -> memref<1x8x8x128xf32, #tpu.memory_space<vmem>>
        %gather3A_1064 = tpu.memref_squeeze %gather3A_1063 : memref<1x8x8x128xf32, #tpu.memory_space<vmem>> -> memref<8x8x128xf32, #tpu.memory_space<vmem>>
        %gather3A_1065 = tpu.vector_load_idx %gather3A_1064[%add3A_13, %and3A_4, %add3A_1029] : memref<8x8x128xf32, #tpu.memory_space<vmem>>[vector<16xi32>, vector<16xi32>, vector<16xi32>], vector<16xf32>,
        %add3A_1066 = arith.addi %shift_left3A_1044, %add3A_28 : vector<16xi32>
        %gather3A_1067 = arith.constant 0 : i32
        %gather3A_1068 = arith.constant 0 : i32
        %gather3A_1069 = arith.constant 0 : i32
        %gather3A_1070 = tpu.memref_slice %arg5[%and3A_165, %gather3A_1067, %gather3A_1068, %gather3A_1069] : memref<4x8x8x128xf32, #tpu.memory_space<vmem>> -> memref<1x8x8x128xf32, #tpu.memory_space<vmem>>
        %gather3A_1071 = tpu.memref_squeeze %gather3A_1070 : memref<1x8x8x128xf32, #tpu.memory_space<vmem>> -> memref<8x8x128xf32, #tpu.memory_space<vmem>>
        %gather3A_1072 = tpu.vector_load_idx %gather3A_1071[%add3A_16, %and3A_4, %add3A_1029] : memref<8x8x128xf32, #tpu.memory_space<vmem>>[vector<16xi32>, vector<16xi32>, vector<16xi32>], vector<16xf32>,
        %add3A_1073 = arith.constant 80 : i32
        %add3A_1074 = vector.broadcast %add3A_1073 : i32 to vector<16xi32>
        %add3A_1075 = arith.addi %add3A_1074, %and3A_762 : vector<16xi32>
        %shift_right_arithmetic3A_1076 = arith.constant 1 : i32
        %shift_right_arithmetic3A_1077 = vector.broadcast %shift_right_arithmetic3A_1076 : i32 to vector<16xi32>
        %shift_right_arithmetic3A_1078 = arith.shrsi %add3A_1075, %shift_right_arithmetic3A_1077 : vector<16xi32>
        %shift_right_arithmetic3A_1079 = arith.constant 3 : i32
        %shift_right_arithmetic3A_1080 = vector.broadcast %shift_right_arithmetic3A_1079 : i32 to vector<16xi32>
        %shift_right_arithmetic3A_1081 = arith.shrsi %shift_right_arithmetic3A_1078, %shift_right_arithmetic3A_1080 : vector<16xi32>
        %and3A_1082 = arith.constant 7 : i32
        %and3A_1083 = vector.broadcast %and3A_1082 : i32 to vector<16xi32>
        %and3A_1084 = arith.andi %shift_right_arithmetic3A_1078, %and3A_1083 : vector<16xi32>
        %and3A_1085 = arith.constant 1 : i32
        %and3A_1086 = vector.broadcast %and3A_1085 : i32 to vector<16xi32>
        %and3A_1087 = arith.andi %add3A_1075, %and3A_1086 : vector<16xi32>
        %shift_left3A_1088 = arith.constant 6 : i32
        %shift_left3A_1089 = vector.broadcast %shift_left3A_1088 : i32 to vector<16xi32>
        %shift_left3A_1090 = arith.shli %and3A_1087, %shift_left3A_1089 : vector<16xi32>
        %add3A_1091 = arith.addi %shift_left3A_1090, %add3A_19 : vector<16xi32>
        %gather3A_1092 = arith.constant 0 : i32
        %gather3A_1093 = arith.constant 0 : i32
        %gather3A_1094 = arith.constant 0 : i32
        %gather3A_1095 = tpu.memref_slice %arg5[%and3A_165, %gather3A_1092, %gather3A_1093, %gather3A_1094] : memref<4x8x8x128xf32, #tpu.memory_space<vmem>> -> memref<1x8x8x128xf32, #tpu.memory_space<vmem>>
        %gather3A_1096 = tpu.memref_squeeze %gather3A_1095 : memref<1x8x8x128xf32, #tpu.memory_space<vmem>> -> memref<8x8x128xf32, #tpu.memory_space<vmem>>
        %gather3A_1097 = tpu.vector_load_idx %gather3A_1096[%add3A_7, %and3A_4, %add3A_1075] : memref<8x8x128xf32, #tpu.memory_space<vmem>>[vector<16xi32>, vector<16xi32>, vector<16xi32>], vector<16xf32>,
        %add3A_1098 = arith.addi %shift_left3A_1090, %add3A_22 : vector<16xi32>
        %gather3A_1099 = arith.constant 0 : i32
        %gather3A_1100 = arith.constant 0 : i32
        %gather3A_1101 = arith.constant 0 : i32
        %gather3A_1102 = tpu.memref_slice %arg5[%and3A_165, %gather3A_1099, %gather3A_1100, %gather3A_1101] : memref<4x8x8x128xf32, #tpu.memory_space<vmem>> -> memref<1x8x8x128xf32, #tpu.memory_space<vmem>>
        %gather3A_1103 = tpu.memref_squeeze %gather3A_1102 : memref<1x8x8x128xf32, #tpu.memory_space<vmem>> -> memref<8x8x128xf32, #tpu.memory_space<vmem>>
        %gather3A_1104 = tpu.vector_load_idx %gather3A_1103[%add3A_10, %and3A_4, %add3A_1075] : memref<8x8x128xf32, #tpu.memory_space<vmem>>[vector<16xi32>, vector<16xi32>, vector<16xi32>], vector<16xf32>,
        %add3A_1105 = arith.addi %shift_left3A_1090, %add3A_25 : vector<16xi32>
        %gather3A_1106 = arith.constant 0 : i32
        %gather3A_1107 = arith.constant 0 : i32
        %gather3A_1108 = arith.constant 0 : i32
        %gather3A_1109 = tpu.memref_slice %arg5[%and3A_165, %gather3A_1106, %gather3A_1107, %gather3A_1108] : memref<4x8x8x128xf32, #tpu.memory_space<vmem>> -> memref<1x8x8x128xf32, #tpu.memory_space<vmem>>
        %gather3A_1110 = tpu.memref_squeeze %gather3A_1109 : memref<1x8x8x128xf32, #tpu.memory_space<vmem>> -> memref<8x8x128xf32, #tpu.memory_space<vmem>>
        %gather3A_1111 = tpu.vector_load_idx %gather3A_1110[%add3A_13, %and3A_4, %add3A_1075] : memref<8x8x128xf32, #tpu.memory_space<vmem>>[vector<16xi32>, vector<16xi32>, vector<16xi32>], vector<16xf32>,
        %add3A_1112 = arith.addi %shift_left3A_1090, %add3A_28 : vector<16xi32>
        %gather3A_1113 = arith.constant 0 : i32
        %gather3A_1114 = arith.constant 0 : i32
        %gather3A_1115 = arith.constant 0 : i32
        %gather3A_1116 = tpu.memref_slice %arg5[%and3A_165, %gather3A_1113, %gather3A_1114, %gather3A_1115] : memref<4x8x8x128xf32, #tpu.memory_space<vmem>> -> memref<1x8x8x128xf32, #tpu.memory_space<vmem>>
        %gather3A_1117 = tpu.memref_squeeze %gather3A_1116 : memref<1x8x8x128xf32, #tpu.memory_space<vmem>> -> memref<8x8x128xf32, #tpu.memory_space<vmem>>
        %gather3A_1118 = tpu.vector_load_idx %gather3A_1117[%add3A_16, %and3A_4, %add3A_1075] : memref<8x8x128xf32, #tpu.memory_space<vmem>>[vector<16xi32>, vector<16xi32>, vector<16xi32>], vector<16xf32>,
        %scatter3A_1119 = arith.constant 0 : i32
        %scatter3A_1120 = arith.constant 0 : i32
        %scatter3A_1121 = arith.constant 0 : i32
        %scatter3A_1122 = tpu.memref_slice %arg6[%and3A_165, %scatter3A_1119, %scatter3A_1120, %scatter3A_1121] : memref<4x8x8x128xf32, #tpu.memory_space<vmem>> -> memref<1x8x8x128xf32, #tpu.memory_space<vmem>>
        %scatter3A_1123 = tpu.memref_squeeze %scatter3A_1122 : memref<1x8x8x128xf32, #tpu.memory_space<vmem>> -> memref<8x8x128xf32, #tpu.memory_space<vmem>>
        tpu.vector_store_idx %scatter3A_1123[%shift_right_arithmetic3A_1035, %and3A_1038, %add3A_1045], %gather3A_1051 : memref<8x8x128xf32, #tpu.memory_space<vmem>>[vector<16xi32>, vector<16xi32>, vector<16xi32>], vector<16xf32>,
        %scatter3A_1124 = arith.constant 0 : i32
        %scatter3A_1125 = arith.constant 0 : i32
        %scatter3A_1126 = arith.constant 0 : i32
        %scatter3A_1127 = tpu.memref_slice %arg6[%and3A_165, %scatter3A_1124, %scatter3A_1125, %scatter3A_1126] : memref<4x8x8x128xf32, #tpu.memory_space<vmem>> -> memref<1x8x8x128xf32, #tpu.memory_space<vmem>>
        %scatter3A_1128 = tpu.memref_squeeze %scatter3A_1127 : memref<1x8x8x128xf32, #tpu.memory_space<vmem>> -> memref<8x8x128xf32, #tpu.memory_space<vmem>>
        tpu.vector_store_idx %scatter3A_1128[%shift_right_arithmetic3A_1035, %and3A_1038, %add3A_1052], %gather3A_1058 : memref<8x8x128xf32, #tpu.memory_space<vmem>>[vector<16xi32>, vector<16xi32>, vector<16xi32>], vector<16xf32>,
        %scatter3A_1129 = arith.constant 0 : i32
        %scatter3A_1130 = arith.constant 0 : i32
        %scatter3A_1131 = arith.constant 0 : i32
        %scatter3A_1132 = tpu.memref_slice %arg6[%and3A_165, %scatter3A_1129, %scatter3A_1130, %scatter3A_1131] : memref<4x8x8x128xf32, #tpu.memory_space<vmem>> -> memref<1x8x8x128xf32, #tpu.memory_space<vmem>>
        %scatter3A_1133 = tpu.memref_squeeze %scatter3A_1132 : memref<1x8x8x128xf32, #tpu.memory_space<vmem>> -> memref<8x8x128xf32, #tpu.memory_space<vmem>>
        tpu.vector_store_idx %scatter3A_1133[%shift_right_arithmetic3A_1035, %and3A_1038, %add3A_1059], %gather3A_1065 : memref<8x8x128xf32, #tpu.memory_space<vmem>>[vector<16xi32>, vector<16xi32>, vector<16xi32>], vector<16xf32>,
        %scatter3A_1134 = arith.constant 0 : i32
        %scatter3A_1135 = arith.constant 0 : i32
        %scatter3A_1136 = arith.constant 0 : i32
        %scatter3A_1137 = tpu.memref_slice %arg6[%and3A_165, %scatter3A_1134, %scatter3A_1135, %scatter3A_1136] : memref<4x8x8x128xf32, #tpu.memory_space<vmem>> -> memref<1x8x8x128xf32, #tpu.memory_space<vmem>>
        %scatter3A_1138 = tpu.memref_squeeze %scatter3A_1137 : memref<1x8x8x128xf32, #tpu.memory_space<vmem>> -> memref<8x8x128xf32, #tpu.memory_space<vmem>>
        tpu.vector_store_idx %scatter3A_1138[%shift_right_arithmetic3A_1035, %and3A_1038, %add3A_1066], %gather3A_1072 : memref<8x8x128xf32, #tpu.memory_space<vmem>>[vector<16xi32>, vector<16xi32>, vector<16xi32>], vector<16xf32>,
        %scatter3A_1139 = arith.constant 0 : i32
        %scatter3A_1140 = arith.constant 0 : i32
        %scatter3A_1141 = arith.constant 0 : i32
        %scatter3A_1142 = tpu.memref_slice %arg6[%and3A_165, %scatter3A_1139, %scatter3A_1140, %scatter3A_1141] : memref<4x8x8x128xf32, #tpu.memory_space<vmem>> -> memref<1x8x8x128xf32, #tpu.memory_space<vmem>>
        %scatter3A_1143 = tpu.memref_squeeze %scatter3A_1142 : memref<1x8x8x128xf32, #tpu.memory_space<vmem>> -> memref<8x8x128xf32, #tpu.memory_space<vmem>>
        tpu.vector_store_idx %scatter3A_1143[%shift_right_arithmetic3A_1081, %and3A_1084, %add3A_1091], %gather3A_1097 : memref<8x8x128xf32, #tpu.memory_space<vmem>>[vector<16xi32>, vector<16xi32>, vector<16xi32>], vector<16xf32>,
        %scatter3A_1144 = arith.constant 0 : i32
        %scatter3A_1145 = arith.constant 0 : i32
        %scatter3A_1146 = arith.constant 0 : i32
        %scatter3A_1147 = tpu.memref_slice %arg6[%and3A_165, %scatter3A_1144, %scatter3A_1145, %scatter3A_1146] : memref<4x8x8x128xf32, #tpu.memory_space<vmem>> -> memref<1x8x8x128xf32, #tpu.memory_space<vmem>>
        %scatter3A_1148 = tpu.memref_squeeze %scatter3A_1147 : memref<1x8x8x128xf32, #tpu.memory_space<vmem>> -> memref<8x8x128xf32, #tpu.memory_space<vmem>>
        tpu.vector_store_idx %scatter3A_1148[%shift_right_arithmetic3A_1081, %and3A_1084, %add3A_1098], %gather3A_1104 : memref<8x8x128xf32, #tpu.memory_space<vmem>>[vector<16xi32>, vector<16xi32>, vector<16xi32>], vector<16xf32>,
        %scatter3A_1149 = arith.constant 0 : i32
        %scatter3A_1150 = arith.constant 0 : i32
        %scatter3A_1151 = arith.constant 0 : i32
        %scatter3A_1152 = tpu.memref_slice %arg6[%and3A_165, %scatter3A_1149, %scatter3A_1150, %scatter3A_1151] : memref<4x8x8x128xf32, #tpu.memory_space<vmem>> -> memref<1x8x8x128xf32, #tpu.memory_space<vmem>>
        %scatter3A_1153 = tpu.memref_squeeze %scatter3A_1152 : memref<1x8x8x128xf32, #tpu.memory_space<vmem>> -> memref<8x8x128xf32, #tpu.memory_space<vmem>>
        tpu.vector_store_idx %scatter3A_1153[%shift_right_arithmetic3A_1081, %and3A_1084, %add3A_1105], %gather3A_1111 : memref<8x8x128xf32, #tpu.memory_space<vmem>>[vector<16xi32>, vector<16xi32>, vector<16xi32>], vector<16xf32>,
        %scatter3A_1154 = arith.constant 0 : i32
        %scatter3A_1155 = arith.constant 0 : i32
        %scatter3A_1156 = arith.constant 0 : i32
        %scatter3A_1157 = tpu.memref_slice %arg6[%and3A_165, %scatter3A_1154, %scatter3A_1155, %scatter3A_1156] : memref<4x8x8x128xf32, #tpu.memory_space<vmem>> -> memref<1x8x8x128xf32, #tpu.memory_space<vmem>>
        %scatter3A_1158 = tpu.memref_squeeze %scatter3A_1157 : memref<1x8x8x128xf32, #tpu.memory_space<vmem>> -> memref<8x8x128xf32, #tpu.memory_space<vmem>>
        tpu.vector_store_idx %scatter3A_1158[%shift_right_arithmetic3A_1081, %and3A_1084, %add3A_1112], %gather3A_1118 : memref<8x8x128xf32, #tpu.memory_space<vmem>>[vector<16xi32>, vector<16xi32>, vector<16xi32>], vector<16xf32>,
        %add3A_1159 = arith.constant 96 : i32
        %add3A_1160 = vector.broadcast %add3A_1159 : i32 to vector<16xi32>
        %add3A_1161 = arith.addi %add3A_1160, %and3A_762 : vector<16xi32>
        %shift_right_arithmetic3A_1162 = arith.constant 1 : i32
        %shift_right_arithmetic3A_1163 = vector.broadcast %shift_right_arithmetic3A_1162 : i32 to vector<16xi32>
        %shift_right_arithmetic3A_1164 = arith.shrsi %add3A_1161, %shift_right_arithmetic3A_1163 : vector<16xi32>
        %shift_right_arithmetic3A_1165 = arith.constant 3 : i32
        %shift_right_arithmetic3A_1166 = vector.broadcast %shift_right_arithmetic3A_1165 : i32 to vector<16xi32>
        %shift_right_arithmetic3A_1167 = arith.shrsi %shift_right_arithmetic3A_1164, %shift_right_arithmetic3A_1166 : vector<16xi32>
        %and3A_1168 = arith.constant 7 : i32
        %and3A_1169 = vector.broadcast %and3A_1168 : i32 to vector<16xi32>
        %and3A_1170 = arith.andi %shift_right_arithmetic3A_1164, %and3A_1169 : vector<16xi32>
        %and3A_1171 = arith.constant 1 : i32
        %and3A_1172 = vector.broadcast %and3A_1171 : i32 to vector<16xi32>
        %and3A_1173 = arith.andi %add3A_1161, %and3A_1172 : vector<16xi32>
        %shift_left3A_1174 = arith.constant 6 : i32
        %shift_left3A_1175 = vector.broadcast %shift_left3A_1174 : i32 to vector<16xi32>
        %shift_left3A_1176 = arith.shli %and3A_1173, %shift_left3A_1175 : vector<16xi32>
        %add3A_1177 = arith.addi %shift_left3A_1176, %add3A_19 : vector<16xi32>
        %gather3A_1178 = arith.constant 0 : i32
        %gather3A_1179 = arith.constant 0 : i32
        %gather3A_1180 = arith.constant 0 : i32
        %gather3A_1181 = tpu.memref_slice %arg5[%and3A_165, %gather3A_1178, %gather3A_1179, %gather3A_1180] : memref<4x8x8x128xf32, #tpu.memory_space<vmem>> -> memref<1x8x8x128xf32, #tpu.memory_space<vmem>>
        %gather3A_1182 = tpu.memref_squeeze %gather3A_1181 : memref<1x8x8x128xf32, #tpu.memory_space<vmem>> -> memref<8x8x128xf32, #tpu.memory_space<vmem>>
        %gather3A_1183 = tpu.vector_load_idx %gather3A_1182[%add3A_7, %and3A_4, %add3A_1161] : memref<8x8x128xf32, #tpu.memory_space<vmem>>[vector<16xi32>, vector<16xi32>, vector<16xi32>], vector<16xf32>,
        %add3A_1184 = arith.addi %shift_left3A_1176, %add3A_22 : vector<16xi32>
        %gather3A_1185 = arith.constant 0 : i32
        %gather3A_1186 = arith.constant 0 : i32
        %gather3A_1187 = arith.constant 0 : i32
        %gather3A_1188 = tpu.memref_slice %arg5[%and3A_165, %gather3A_1185, %gather3A_1186, %gather3A_1187] : memref<4x8x8x128xf32, #tpu.memory_space<vmem>> -> memref<1x8x8x128xf32, #tpu.memory_space<vmem>>
        %gather3A_1189 = tpu.memref_squeeze %gather3A_1188 : memref<1x8x8x128xf32, #tpu.memory_space<vmem>> -> memref<8x8x128xf32, #tpu.memory_space<vmem>>
        %gather3A_1190 = tpu.vector_load_idx %gather3A_1189[%add3A_10, %and3A_4, %add3A_1161] : memref<8x8x128xf32, #tpu.memory_space<vmem>>[vector<16xi32>, vector<16xi32>, vector<16xi32>], vector<16xf32>,
        %add3A_1191 = arith.addi %shift_left3A_1176, %add3A_25 : vector<16xi32>
        %gather3A_1192 = arith.constant 0 : i32
        %gather3A_1193 = arith.constant 0 : i32
        %gather3A_1194 = arith.constant 0 : i32
        %gather3A_1195 = tpu.memref_slice %arg5[%and3A_165, %gather3A_1192, %gather3A_1193, %gather3A_1194] : memref<4x8x8x128xf32, #tpu.memory_space<vmem>> -> memref<1x8x8x128xf32, #tpu.memory_space<vmem>>
        %gather3A_1196 = tpu.memref_squeeze %gather3A_1195 : memref<1x8x8x128xf32, #tpu.memory_space<vmem>> -> memref<8x8x128xf32, #tpu.memory_space<vmem>>
        %gather3A_1197 = tpu.vector_load_idx %gather3A_1196[%add3A_13, %and3A_4, %add3A_1161] : memref<8x8x128xf32, #tpu.memory_space<vmem>>[vector<16xi32>, vector<16xi32>, vector<16xi32>], vector<16xf32>,
        %add3A_1198 = arith.addi %shift_left3A_1176, %add3A_28 : vector<16xi32>
        %gather3A_1199 = arith.constant 0 : i32
        %gather3A_1200 = arith.constant 0 : i32
        %gather3A_1201 = arith.constant 0 : i32
        %gather3A_1202 = tpu.memref_slice %arg5[%and3A_165, %gather3A_1199, %gather3A_1200, %gather3A_1201] : memref<4x8x8x128xf32, #tpu.memory_space<vmem>> -> memref<1x8x8x128xf32, #tpu.memory_space<vmem>>
        %gather3A_1203 = tpu.memref_squeeze %gather3A_1202 : memref<1x8x8x128xf32, #tpu.memory_space<vmem>> -> memref<8x8x128xf32, #tpu.memory_space<vmem>>
        %gather3A_1204 = tpu.vector_load_idx %gather3A_1203[%add3A_16, %and3A_4, %add3A_1161] : memref<8x8x128xf32, #tpu.memory_space<vmem>>[vector<16xi32>, vector<16xi32>, vector<16xi32>], vector<16xf32>,
        %add3A_1205 = arith.constant 112 : i32
        %add3A_1206 = vector.broadcast %add3A_1205 : i32 to vector<16xi32>
        %add3A_1207 = arith.addi %add3A_1206, %and3A_762 : vector<16xi32>
        %shift_right_arithmetic3A_1208 = arith.constant 1 : i32
        %shift_right_arithmetic3A_1209 = vector.broadcast %shift_right_arithmetic3A_1208 : i32 to vector<16xi32>
        %shift_right_arithmetic3A_1210 = arith.shrsi %add3A_1207, %shift_right_arithmetic3A_1209 : vector<16xi32>
        %shift_right_arithmetic3A_1211 = arith.constant 3 : i32
        %shift_right_arithmetic3A_1212 = vector.broadcast %shift_right_arithmetic3A_1211 : i32 to vector<16xi32>
        %shift_right_arithmetic3A_1213 = arith.shrsi %shift_right_arithmetic3A_1210, %shift_right_arithmetic3A_1212 : vector<16xi32>
        %and3A_1214 = arith.constant 7 : i32
        %and3A_1215 = vector.broadcast %and3A_1214 : i32 to vector<16xi32>
        %and3A_1216 = arith.andi %shift_right_arithmetic3A_1210, %and3A_1215 : vector<16xi32>
        %and3A_1217 = arith.constant 1 : i32
        %and3A_1218 = vector.broadcast %and3A_1217 : i32 to vector<16xi32>
        %and3A_1219 = arith.andi %add3A_1207, %and3A_1218 : vector<16xi32>
        %shift_left3A_1220 = arith.constant 6 : i32
        %shift_left3A_1221 = vector.broadcast %shift_left3A_1220 : i32 to vector<16xi32>
        %shift_left3A_1222 = arith.shli %and3A_1219, %shift_left3A_1221 : vector<16xi32>
        %add3A_1223 = arith.addi %shift_left3A_1222, %add3A_19 : vector<16xi32>
        %gather3A_1224 = arith.constant 0 : i32
        %gather3A_1225 = arith.constant 0 : i32
        %gather3A_1226 = arith.constant 0 : i32
        %gather3A_1227 = tpu.memref_slice %arg5[%and3A_165, %gather3A_1224, %gather3A_1225, %gather3A_1226] : memref<4x8x8x128xf32, #tpu.memory_space<vmem>> -> memref<1x8x8x128xf32, #tpu.memory_space<vmem>>
        %gather3A_1228 = tpu.memref_squeeze %gather3A_1227 : memref<1x8x8x128xf32, #tpu.memory_space<vmem>> -> memref<8x8x128xf32, #tpu.memory_space<vmem>>
        %gather3A_1229 = tpu.vector_load_idx %gather3A_1228[%add3A_7, %and3A_4, %add3A_1207] : memref<8x8x128xf32, #tpu.memory_space<vmem>>[vector<16xi32>, vector<16xi32>, vector<16xi32>], vector<16xf32>,
        %add3A_1230 = arith.addi %shift_left3A_1222, %add3A_22 : vector<16xi32>
        %gather3A_1231 = arith.constant 0 : i32
        %gather3A_1232 = arith.constant 0 : i32
        %gather3A_1233 = arith.constant 0 : i32
        %gather3A_1234 = tpu.memref_slice %arg5[%and3A_165, %gather3A_1231, %gather3A_1232, %gather3A_1233] : memref<4x8x8x128xf32, #tpu.memory_space<vmem>> -> memref<1x8x8x128xf32, #tpu.memory_space<vmem>>
        %gather3A_1235 = tpu.memref_squeeze %gather3A_1234 : memref<1x8x8x128xf32, #tpu.memory_space<vmem>> -> memref<8x8x128xf32, #tpu.memory_space<vmem>>
        %gather3A_1236 = tpu.vector_load_idx %gather3A_1235[%add3A_10, %and3A_4, %add3A_1207] : memref<8x8x128xf32, #tpu.memory_space<vmem>>[vector<16xi32>, vector<16xi32>, vector<16xi32>], vector<16xf32>,
        %add3A_1237 = arith.addi %shift_left3A_1222, %add3A_25 : vector<16xi32>
        %gather3A_1238 = arith.constant 0 : i32
        %gather3A_1239 = arith.constant 0 : i32
        %gather3A_1240 = arith.constant 0 : i32
        %gather3A_1241 = tpu.memref_slice %arg5[%and3A_165, %gather3A_1238, %gather3A_1239, %gather3A_1240] : memref<4x8x8x128xf32, #tpu.memory_space<vmem>> -> memref<1x8x8x128xf32, #tpu.memory_space<vmem>>
        %gather3A_1242 = tpu.memref_squeeze %gather3A_1241 : memref<1x8x8x128xf32, #tpu.memory_space<vmem>> -> memref<8x8x128xf32, #tpu.memory_space<vmem>>
        %gather3A_1243 = tpu.vector_load_idx %gather3A_1242[%add3A_13, %and3A_4, %add3A_1207] : memref<8x8x128xf32, #tpu.memory_space<vmem>>[vector<16xi32>, vector<16xi32>, vector<16xi32>], vector<16xf32>,
        %add3A_1244 = arith.addi %shift_left3A_1222, %add3A_28 : vector<16xi32>
        %gather3A_1245 = arith.constant 0 : i32
        %gather3A_1246 = arith.constant 0 : i32
        %gather3A_1247 = arith.constant 0 : i32
        %gather3A_1248 = tpu.memref_slice %arg5[%and3A_165, %gather3A_1245, %gather3A_1246, %gather3A_1247] : memref<4x8x8x128xf32, #tpu.memory_space<vmem>> -> memref<1x8x8x128xf32, #tpu.memory_space<vmem>>
        %gather3A_1249 = tpu.memref_squeeze %gather3A_1248 : memref<1x8x8x128xf32, #tpu.memory_space<vmem>> -> memref<8x8x128xf32, #tpu.memory_space<vmem>>
        %gather3A_1250 = tpu.vector_load_idx %gather3A_1249[%add3A_16, %and3A_4, %add3A_1207] : memref<8x8x128xf32, #tpu.memory_space<vmem>>[vector<16xi32>, vector<16xi32>, vector<16xi32>], vector<16xf32>,
        %scatter3A_1251 = arith.constant 0 : i32
        %scatter3A_1252 = arith.constant 0 : i32
        %scatter3A_1253 = arith.constant 0 : i32
        %scatter3A_1254 = tpu.memref_slice %arg6[%and3A_165, %scatter3A_1251, %scatter3A_1252, %scatter3A_1253] : memref<4x8x8x128xf32, #tpu.memory_space<vmem>> -> memref<1x8x8x128xf32, #tpu.memory_space<vmem>>
        %scatter3A_1255 = tpu.memref_squeeze %scatter3A_1254 : memref<1x8x8x128xf32, #tpu.memory_space<vmem>> -> memref<8x8x128xf32, #tpu.memory_space<vmem>>
        tpu.vector_store_idx %scatter3A_1255[%shift_right_arithmetic3A_1167, %and3A_1170, %add3A_1177], %gather3A_1183 : memref<8x8x128xf32, #tpu.memory_space<vmem>>[vector<16xi32>, vector<16xi32>, vector<16xi32>], vector<16xf32>,
        %scatter3A_1256 = arith.constant 0 : i32
        %scatter3A_1257 = arith.constant 0 : i32
        %scatter3A_1258 = arith.constant 0 : i32
        %scatter3A_1259 = tpu.memref_slice %arg6[%and3A_165, %scatter3A_1256, %scatter3A_1257, %scatter3A_1258] : memref<4x8x8x128xf32, #tpu.memory_space<vmem>> -> memref<1x8x8x128xf32, #tpu.memory_space<vmem>>
        %scatter3A_1260 = tpu.memref_squeeze %scatter3A_1259 : memref<1x8x8x128xf32, #tpu.memory_space<vmem>> -> memref<8x8x128xf32, #tpu.memory_space<vmem>>
        tpu.vector_store_idx %scatter3A_1260[%shift_right_arithmetic3A_1167, %and3A_1170, %add3A_1184], %gather3A_1190 : memref<8x8x128xf32, #tpu.memory_space<vmem>>[vector<16xi32>, vector<16xi32>, vector<16xi32>], vector<16xf32>,
        %scatter3A_1261 = arith.constant 0 : i32
        %scatter3A_1262 = arith.constant 0 : i32
        %scatter3A_1263 = arith.constant 0 : i32
        %scatter3A_1264 = tpu.memref_slice %arg6[%and3A_165, %scatter3A_1261, %scatter3A_1262, %scatter3A_1263] : memref<4x8x8x128xf32, #tpu.memory_space<vmem>> -> memref<1x8x8x128xf32, #tpu.memory_space<vmem>>
        %scatter3A_1265 = tpu.memref_squeeze %scatter3A_1264 : memref<1x8x8x128xf32, #tpu.memory_space<vmem>> -> memref<8x8x128xf32, #tpu.memory_space<vmem>>
        tpu.vector_store_idx %scatter3A_1265[%shift_right_arithmetic3A_1167, %and3A_1170, %add3A_1191], %gather3A_1197 : memref<8x8x128xf32, #tpu.memory_space<vmem>>[vector<16xi32>, vector<16xi32>, vector<16xi32>], vector<16xf32>,
        %scatter3A_1266 = arith.constant 0 : i32
        %scatter3A_1267 = arith.constant 0 : i32
        %scatter3A_1268 = arith.constant 0 : i32
        %scatter3A_1269 = tpu.memref_slice %arg6[%and3A_165, %scatter3A_1266, %scatter3A_1267, %scatter3A_1268] : memref<4x8x8x128xf32, #tpu.memory_space<vmem>> -> memref<1x8x8x128xf32, #tpu.memory_space<vmem>>
        %scatter3A_1270 = tpu.memref_squeeze %scatter3A_1269 : memref<1x8x8x128xf32, #tpu.memory_space<vmem>> -> memref<8x8x128xf32, #tpu.memory_space<vmem>>
        tpu.vector_store_idx %scatter3A_1270[%shift_right_arithmetic3A_1167, %and3A_1170, %add3A_1198], %gather3A_1204 : memref<8x8x128xf32, #tpu.memory_space<vmem>>[vector<16xi32>, vector<16xi32>, vector<16xi32>], vector<16xf32>,
        %scatter3A_1271 = arith.constant 0 : i32
        %scatter3A_1272 = arith.constant 0 : i32
        %scatter3A_1273 = arith.constant 0 : i32
        %scatter3A_1274 = tpu.memref_slice %arg6[%and3A_165, %scatter3A_1271, %scatter3A_1272, %scatter3A_1273] : memref<4x8x8x128xf32, #tpu.memory_space<vmem>> -> memref<1x8x8x128xf32, #tpu.memory_space<vmem>>
        %scatter3A_1275 = tpu.memref_squeeze %scatter3A_1274 : memref<1x8x8x128xf32, #tpu.memory_space<vmem>> -> memref<8x8x128xf32, #tpu.memory_space<vmem>>
        tpu.vector_store_idx %scatter3A_1275[%shift_right_arithmetic3A_1213, %and3A_1216, %add3A_1223], %gather3A_1229 : memref<8x8x128xf32, #tpu.memory_space<vmem>>[vector<16xi32>, vector<16xi32>, vector<16xi32>], vector<16xf32>,
        %scatter3A_1276 = arith.constant 0 : i32
        %scatter3A_1277 = arith.constant 0 : i32
        %scatter3A_1278 = arith.constant 0 : i32
        %scatter3A_1279 = tpu.memref_slice %arg6[%and3A_165, %scatter3A_1276, %scatter3A_1277, %scatter3A_1278] : memref<4x8x8x128xf32, #tpu.memory_space<vmem>> -> memref<1x8x8x128xf32, #tpu.memory_space<vmem>>
        %scatter3A_1280 = tpu.memref_squeeze %scatter3A_1279 : memref<1x8x8x128xf32, #tpu.memory_space<vmem>> -> memref<8x8x128xf32, #tpu.memory_space<vmem>>
        tpu.vector_store_idx %scatter3A_1280[%shift_right_arithmetic3A_1213, %and3A_1216, %add3A_1230], %gather3A_1236 : memref<8x8x128xf32, #tpu.memory_space<vmem>>[vector<16xi32>, vector<16xi32>, vector<16xi32>], vector<16xf32>,
        %scatter3A_1281 = arith.constant 0 : i32
        %scatter3A_1282 = arith.constant 0 : i32
        %scatter3A_1283 = arith.constant 0 : i32
        %scatter3A_1284 = tpu.memref_slice %arg6[%and3A_165, %scatter3A_1281, %scatter3A_1282, %scatter3A_1283] : memref<4x8x8x128xf32, #tpu.memory_space<vmem>> -> memref<1x8x8x128xf32, #tpu.memory_space<vmem>>
        %scatter3A_1285 = tpu.memref_squeeze %scatter3A_1284 : memref<1x8x8x128xf32, #tpu.memory_space<vmem>> -> memref<8x8x128xf32, #tpu.memory_space<vmem>>
        tpu.vector_store_idx %scatter3A_1285[%shift_right_arithmetic3A_1213, %and3A_1216, %add3A_1237], %gather3A_1243 : memref<8x8x128xf32, #tpu.memory_space<vmem>>[vector<16xi32>, vector<16xi32>, vector<16xi32>], vector<16xf32>,
        %scatter3A_1286 = arith.constant 0 : i32
        %scatter3A_1287 = arith.constant 0 : i32
        %scatter3A_1288 = arith.constant 0 : i32
        %scatter3A_1289 = tpu.memref_slice %arg6[%and3A_165, %scatter3A_1286, %scatter3A_1287, %scatter3A_1288] : memref<4x8x8x128xf32, #tpu.memory_space<vmem>> -> memref<1x8x8x128xf32, #tpu.memory_space<vmem>>
        %scatter3A_1290 = tpu.memref_squeeze %scatter3A_1289 : memref<1x8x8x128xf32, #tpu.memory_space<vmem>> -> memref<8x8x128xf32, #tpu.memory_space<vmem>>
        tpu.vector_store_idx %scatter3A_1290[%shift_right_arithmetic3A_1213, %and3A_1216, %add3A_1244], %gather3A_1250 : memref<8x8x128xf32, #tpu.memory_space<vmem>>[vector<16xi32>, vector<16xi32>, vector<16xi32>], vector<16xf32>,
      }
      %scan3A_195 = arith.constant 8 : i32
      %mul3A_196 = arith.constant 8 : i32
      %mul3A_197 = arith.muli %mul3A_196, %add3A_168 : i32
      %dma_start3A_198 = arith.constant 0 : i32
      %dma_start3A_199 = arith.constant 0 : i32
      %dma_start3A_200 = arith.constant 0 : i32
      %dma_start3A_201 = tpu.memref_slice %arg6[%and3A_165, %dma_start3A_198, %dma_start3A_199, %dma_start3A_200] : memref<4x8x8x128xf32, #tpu.memory_space<vmem>> -> memref<1x8x8x128xf32, #tpu.memory_space<vmem>>
      %dma_start3A_202 = tpu.memref_squeeze %dma_start3A_201 : memref<1x8x8x128xf32, #tpu.memory_space<vmem>> -> memref<8x8x128xf32, #tpu.memory_space<vmem>>
      %dma_start3A_203 = arith.constant 0 : i32
      %dma_start3A_204 = arith.constant 0 : i32
      %dma_start3A_205 = tpu.memref_slice %arg4[%mul3A_197, %dma_start3A_203, %dma_start3A_204] : memref<62500x8x128xf32, #tpu.memory_space<hbm>> -> memref<8x8x128xf32, #tpu.memory_space<hbm>>
      %dma_start3A_206 = arith.constant 0 : i32
      %dma_start3A_207 = arith.constant 0 : i32
      %dma_start3A_208 = tpu.memref_slice %arg4[%mul3A_197, %dma_start3A_206, %dma_start3A_207] : memref<62500x8x128xf32, #tpu.memory_space<hbm>> -> memref<8x8x128xf32, #tpu.memory_space<hbm>>
      %dma_start3A_209 = arith.constant 0 : i32
      %dma_start3A_210 = arith.constant 0 : i32
      %dma_start3A_211 = arith.constant 0 : i32
      %dma_start3A_212 = tpu.memref_slice %arg6[%and3A_165, %dma_start3A_209, %dma_start3A_210, %dma_start3A_211] : memref<4x8x8x128xf32, #tpu.memory_space<vmem>> -> memref<1x8x8x128xf32, #tpu.memory_space<vmem>>
      %dma_start3A_213 = tpu.memref_squeeze %dma_start3A_212 : memref<1x8x8x128xf32, #tpu.memory_space<vmem>> -> memref<8x8x128xf32, #tpu.memory_space<vmem>>
      tpu.enqueue_dma source(%dma_start3A_213 : memref<8x8x128xf32, #tpu.memory_space<vmem>>) target(%dma_start3A_208 : memref<8x8x128xf32, #tpu.memory_space<hbm>>) target_semaphore(%arg9 : memref<!tpu.dma_semaphore, #tpu.memory_space<semaphore_mem>>)
      %add3A_214 = arith.constant 4 : i32
      %add3A_215 = arith.addi %while3A_163, %add3A_214 : i32
      %lt3A = arith.cmpi slt, %add3A_215, %add3A_49 : i32
      %convert_element_type3A_216 = arith.extui %lt3A : i1 to i32
      %cond3A_217 = arith.constant 0 : i32
      %cond3A_218 = arith.cmpi ne, %convert_element_type3A_216, %cond3A_217 : i32
      scf.if %cond3A_218 {
        %add3A_219 = arith.constant 128 : i32
        %add3A_220 = arith.addi %add3A_168, %add3A_219 : i32
        %mul3A_221 = arith.constant 128 : i32
        %mul3A_222 = arith.muli %mul3A_221, %add3A_220 : i32
        %dma_start3A_223 = arith.constant 0 : i32
        %dma_start3A_224 = arith.constant 0 : i32
        %dma_start3A_225 = arith.constant 0 : i32
        %dma_start3A_226 = tpu.memref_slice %arg5[%and3A_165, %dma_start3A_223, %dma_start3A_224, %dma_start3A_225] : memref<4x8x8x128xf32, #tpu.memory_space<vmem>> -> memref<1x8x8x128xf32, #tpu.memory_space<vmem>>
        %dma_start3A_227 = tpu.memref_squeeze %dma_start3A_226 : memref<1x8x8x128xf32, #tpu.memory_space<vmem>> -> memref<8x8x128xf32, #tpu.memory_space<vmem>>
        %dma_start3A_228 = arith.constant 0 : i32
        %dma_start3A_229 = arith.constant 0 : i32
        %dma_start3A_230 = tpu.memref_slice %arg2[%dma_start3A_228, %dma_start3A_229, %mul3A_222] : memref<8x8x1000000xf32, #tpu.memory_space<hbm>> -> memref<8x8x128xf32, #tpu.memory_space<hbm>>
        %dma_start3A_231 = arith.constant 0 : i32
        %dma_start3A_232 = arith.constant 0 : i32
        %dma_start3A_233 = arith.constant 0 : i32
        %dma_start3A_234 = tpu.memref_slice %arg5[%and3A_165, %dma_start3A_231, %dma_start3A_232, %dma_start3A_233] : memref<4x8x8x128xf32, #tpu.memory_space<vmem>> -> memref<1x8x8x128xf32, #tpu.memory_space<vmem>>
        %dma_start3A_235 = tpu.memref_squeeze %dma_start3A_234 : memref<1x8x8x128xf32, #tpu.memory_space<vmem>> -> memref<8x8x128xf32, #tpu.memory_space<vmem>>
        %dma_start3A_236 = arith.constant 0 : i32
        %dma_start3A_237 = arith.constant 0 : i32
        %dma_start3A_238 = tpu.memref_slice %arg2[%dma_start3A_236, %dma_start3A_237, %mul3A_222] : memref<8x8x1000000xf32, #tpu.memory_space<hbm>> -> memref<8x8x128xf32, #tpu.memory_space<hbm>>
        tpu.enqueue_dma source(%dma_start3A_238 : memref<8x8x128xf32, #tpu.memory_space<hbm>>) target(%dma_start3A_235 : memref<8x8x128xf32, #tpu.memory_space<vmem>>) target_semaphore(%arg8 : memref<!tpu.dma_semaphore, #tpu.memory_space<semaphore_mem>>)
      } else {
      }
    }
    %while3A_141 = arith.constant 1 : i32
    scf.for %while3A_163 = %while3A_139 to %while3A_135 step %while3A_141  : i32 {
      %and3A_164 = arith.constant 3 : i32
      %and3A_165 = arith.andi %while3A_163, %and3A_164 : i32
      %mul3A_166 = arith.constant 32 : i32
      %mul3A_167 = arith.muli %while3A_163, %mul3A_166 : i32
      %add3A_168 = arith.addi %add3A, %mul3A_167 : i32
      %dma_wait3A = arith.constant 0 : i32
      %dma_wait3A_169 = arith.constant 0 : i32
      %dma_wait3A_170 = arith.constant 0 : i32
      %dma_wait3A_171 = tpu.memref_slice %arg5[%and3A_165, %dma_wait3A, %dma_wait3A_169, %dma_wait3A_170] : memref<4x8x8x128xf32, #tpu.memory_space<vmem>> -> memref<1x8x8x128xf32, #tpu.memory_space<vmem>>
      %dma_wait3A_172 = tpu.memref_squeeze %dma_wait3A_171 : memref<1x8x8x128xf32, #tpu.memory_space<vmem>> -> memref<8x8x128xf32, #tpu.memory_space<vmem>>
      %dma_wait3A_173 = arith.constant 0 : i32
      %dma_wait3A_174 = arith.constant 0 : i32
      %dma_wait3A_175 = arith.constant 0 : i32
      %dma_wait3A_176 = tpu.memref_slice %arg2[%dma_wait3A_173, %dma_wait3A_174, %dma_wait3A_175] : memref<8x8x1000000xf32, #tpu.memory_space<hbm>> -> memref<8x8x128xf32, #tpu.memory_space<hbm>>
      %dma_wait3A_177 = arith.constant 0 : i32
      %dma_wait3A_178 = arith.constant 0 : i32
      %dma_wait3A_179 = arith.constant 0 : i32
      %dma_wait3A_180 = tpu.memref_slice %arg5[%and3A_165, %dma_wait3A_177, %dma_wait3A_178, %dma_wait3A_179] : memref<4x8x8x128xf32, #tpu.memory_space<vmem>> -> memref<1x8x8x128xf32, #tpu.memory_space<vmem>>
      %dma_wait3A_181 = tpu.memref_squeeze %dma_wait3A_180 : memref<1x8x8x128xf32, #tpu.memory_space<vmem>> -> memref<8x8x128xf32, #tpu.memory_space<vmem>>
      %dma_wait3A_182 = arith.constant 0 : i32
      %dma_wait3A_183 = arith.constant 0 : i32
      %dma_wait3A_184 = arith.constant 0 : i32
      %dma_wait3A_185 = tpu.memref_slice %arg2[%dma_wait3A_182, %dma_wait3A_183, %dma_wait3A_184] : memref<8x8x1000000xf32, #tpu.memory_space<hbm>> -> memref<8x8x128xf32, #tpu.memory_space<hbm>>
      tpu.wait_dma2 semaphore(%arg8 : memref<!tpu.dma_semaphore, #tpu.memory_space<semaphore_mem>>) src(%dma_wait3A_185 : memref<8x8x128xf32, #tpu.memory_space<hbm>>) dst(%dma_wait3A_181 : memref<8x8x128xf32, #tpu.memory_space<vmem>>)
      %ge3A_186 = arith.constant 4 : i32
      %ge3A_187 = arith.cmpi sge, %while3A_163, %ge3A_186 : i32
      %convert_element_type3A_188 = arith.extui %ge3A_187 : i1 to i32
      %cond3A_189 = arith.constant 0 : i32
      %cond3A_190 = arith.cmpi ne, %convert_element_type3A_188, %cond3A_189 : i32
      scf.if %cond3A_190 {
        %dma_wait3A_219 = arith.constant 0 : i32
        %dma_wait3A_220 = arith.constant 0 : i32
        %dma_wait3A_221 = arith.constant 0 : i32
        %dma_wait3A_222 = tpu.memref_slice %arg6[%and3A_165, %dma_wait3A_219, %dma_wait3A_220, %dma_wait3A_221] : memref<4x8x8x128xf32, #tpu.memory_space<vmem>> -> memref<1x8x8x128xf32, #tpu.memory_space<vmem>>
        %dma_wait3A_223 = tpu.memref_squeeze %dma_wait3A_222 : memref<1x8x8x128xf32, #tpu.memory_space<vmem>> -> memref<8x8x128xf32, #tpu.memory_space<vmem>>
        %dma_wait3A_224 = arith.constant 0 : i32
        %dma_wait3A_225 = arith.constant 0 : i32
        %dma_wait3A_226 = arith.constant 0 : i32
        %dma_wait3A_227 = tpu.memref_slice %arg4[%dma_wait3A_224, %dma_wait3A_225, %dma_wait3A_226] : memref<62500x8x128xf32, #tpu.memory_space<hbm>> -> memref<8x8x128xf32, #tpu.memory_space<hbm>>
        %dma_wait3A_228 = arith.constant 0 : i32
        %dma_wait3A_229 = arith.constant 0 : i32
        %dma_wait3A_230 = arith.constant 0 : i32
        %dma_wait3A_231 = tpu.memref_slice %arg4[%dma_wait3A_228, %dma_wait3A_229, %dma_wait3A_230] : memref<62500x8x128xf32, #tpu.memory_space<hbm>> -> memref<8x8x128xf32, #tpu.memory_space<hbm>>
        %dma_wait3A_232 = arith.constant 0 : i32
        %dma_wait3A_233 = arith.constant 0 : i32
        %dma_wait3A_234 = arith.constant 0 : i32
        %dma_wait3A_235 = tpu.memref_slice %arg6[%and3A_165, %dma_wait3A_232, %dma_wait3A_233, %dma_wait3A_234] : memref<4x8x8x128xf32, #tpu.memory_space<vmem>> -> memref<1x8x8x128xf32, #tpu.memory_space<vmem>>
        %dma_wait3A_236 = tpu.memref_squeeze %dma_wait3A_235 : memref<1x8x8x128xf32, #tpu.memory_space<vmem>> -> memref<8x8x128xf32, #tpu.memory_space<vmem>>
        tpu.wait_dma2 semaphore(%arg9 : memref<!tpu.dma_semaphore, #tpu.memory_space<semaphore_mem>>) src(%dma_wait3A_236 : memref<8x8x128xf32, #tpu.memory_space<vmem>>) dst(%dma_wait3A_231 : memref<8x8x128xf32, #tpu.memory_space<hbm>>)
      } else {
      }
      %scan3A = arith.constant 0 : i32
      %scan3A_191 = arith.constant 0 : i32
      %scan3A_192 = arith.constant 8 : i32
      %scan3A_193 = arith.addi %scan3A_191, %scan3A_192 : i32
      %scan3A_194 = arith.constant 1 : i32
      scf.for %scan3A_219 = %scan3A_191 to %scan3A_193 step %scan3A_194  : i32 {
        %mul3A_220 = arith.constant 2 : i32
        %mul3A_221 = arith.muli %mul3A_220, %scan3A_219 : i32
        %add3A_222 = arith.constant 0 : i32
        %add3A_223 = arith.addi %mul3A_221, %add3A_222 : i32
        %add3A_224 = vector.broadcast %add3A_223 : i32 to vector<16xi32>
        %add3A_225 = arith.addi %iota3A, %add3A_224 : vector<16xi32>
        %and3A_226 = arith.constant 15 : i32
        %and3A_227 = vector.broadcast %and3A_226 : i32 to vector<16xi32>
        %and3A_228 = arith.andi %add3A_225, %and3A_227 : vector<16xi32>
        %add3A_229 = arith.constant 0 : i32
        %add3A_230 = vector.broadcast %add3A_229 : i32 to vector<16xi32>
        %add3A_231 = arith.addi %add3A_230, %and3A_228 : vector<16xi32>
        %shift_right_arithmetic3A_232 = arith.constant 1 : i32
        %shift_right_arithmetic3A_233 = vector.broadcast %shift_right_arithmetic3A_232 : i32 to vector<16xi32>
        %shift_right_arithmetic3A_234 = arith.shrsi %add3A_231, %shift_right_arithmetic3A_233 : vector<16xi32>
        %shift_right_arithmetic3A_235 = arith.constant 3 : i32
        %shift_right_arithmetic3A_236 = vector.broadcast %shift_right_arithmetic3A_235 : i32 to vector<16xi32>
        %shift_right_arithmetic3A_237 = arith.shrsi %shift_right_arithmetic3A_234, %shift_right_arithmetic3A_236 : vector<16xi32>
        %and3A_238 = arith.constant 7 : i32
        %and3A_239 = vector.broadcast %and3A_238 : i32 to vector<16xi32>
        %and3A_240 = arith.andi %shift_right_arithmetic3A_234, %and3A_239 : vector<16xi32>
        %and3A_241 = arith.constant 1 : i32
        %and3A_242 = vector.broadcast %and3A_241 : i32 to vector<16xi32>
        %and3A_243 = arith.andi %add3A_231, %and3A_242 : vector<16xi32>
        %shift_left3A = arith.constant 6 : i32
        %shift_left3A_244 = vector.broadcast %shift_left3A : i32 to vector<16xi32>
        %shift_left3A_245 = arith.shli %and3A_243, %shift_left3A_244 : vector<16xi32>
        %add3A_246 = arith.addi %shift_left3A_245, %add3A_19 : vector<16xi32>
        %gather3A = arith.constant 0 : i32
        %gather3A_247 = arith.constant 0 : i32
        %gather3A_248 = arith.constant 0 : i32
        %gather3A_249 = tpu.memref_slice %arg5[%and3A_165, %gather3A, %gather3A_247, %gather3A_248] : memref<4x8x8x128xf32, #tpu.memory_space<vmem>> -> memref<1x8x8x128xf32, #tpu.memory_space<vmem>>
        %gather3A_250 = tpu.memref_squeeze %gather3A_249 : memref<1x8x8x128xf32, #tpu.memory_space<vmem>> -> memref<8x8x128xf32, #tpu.memory_space<vmem>>
        %gather3A_251 = tpu.vector_load_idx %gather3A_250[%add3A_7, %and3A_4, %add3A_231] : memref<8x8x128xf32, #tpu.memory_space<vmem>>[vector<16xi32>, vector<16xi32>, vector<16xi32>], vector<16xf32>,
        %add3A_252 = arith.addi %shift_left3A_245, %add3A_22 : vector<16xi32>
        %gather3A_253 = arith.constant 0 : i32
        %gather3A_254 = arith.constant 0 : i32
        %gather3A_255 = arith.constant 0 : i32
        %gather3A_256 = tpu.memref_slice %arg5[%and3A_165, %gather3A_253, %gather3A_254, %gather3A_255] : memref<4x8x8x128xf32, #tpu.memory_space<vmem>> -> memref<1x8x8x128xf32, #tpu.memory_space<vmem>>
        %gather3A_257 = tpu.memref_squeeze %gather3A_256 : memref<1x8x8x128xf32, #tpu.memory_space<vmem>> -> memref<8x8x128xf32, #tpu.memory_space<vmem>>
        %gather3A_258 = tpu.vector_load_idx %gather3A_257[%add3A_10, %and3A_4, %add3A_231] : memref<8x8x128xf32, #tpu.memory_space<vmem>>[vector<16xi32>, vector<16xi32>, vector<16xi32>], vector<16xf32>,
        %add3A_259 = arith.addi %shift_left3A_245, %add3A_25 : vector<16xi32>
        %gather3A_260 = arith.constant 0 : i32
        %gather3A_261 = arith.constant 0 : i32
        %gather3A_262 = arith.constant 0 : i32
        %gather3A_263 = tpu.memref_slice %arg5[%and3A_165, %gather3A_260, %gather3A_261, %gather3A_262] : memref<4x8x8x128xf32, #tpu.memory_space<vmem>> -> memref<1x8x8x128xf32, #tpu.memory_space<vmem>>
        %gather3A_264 = tpu.memref_squeeze %gather3A_263 : memref<1x8x8x128xf32, #tpu.memory_space<vmem>> -> memref<8x8x128xf32, #tpu.memory_space<vmem>>
        %gather3A_265 = tpu.vector_load_idx %gather3A_264[%add3A_13, %and3A_4, %add3A_231] : memref<8x8x128xf32, #tpu.memory_space<vmem>>[vector<16xi32>, vector<16xi32>, vector<16xi32>], vector<16xf32>,
        %add3A_266 = arith.addi %shift_left3A_245, %add3A_28 : vector<16xi32>
        %gather3A_267 = arith.constant 0 : i32
        %gather3A_268 = arith.constant 0 : i32
        %gather3A_269 = arith.constant 0 : i32
        %gather3A_270 = tpu.memref_slice %arg5[%and3A_165, %gather3A_267, %gather3A_268, %gather3A_269] : memref<4x8x8x128xf32, #tpu.memory_space<vmem>> -> memref<1x8x8x128xf32, #tpu.memory_space<vmem>>
        %gather3A_271 = tpu.memref_squeeze %gather3A_270 : memref<1x8x8x128xf32, #tpu.memory_space<vmem>> -> memref<8x8x128xf32, #tpu.memory_space<vmem>>
        %gather3A_272 = tpu.vector_load_idx %gather3A_271[%add3A_16, %and3A_4, %add3A_231] : memref<8x8x128xf32, #tpu.memory_space<vmem>>[vector<16xi32>, vector<16xi32>, vector<16xi32>], vector<16xf32>,
        %add3A_273 = arith.constant 16 : i32
        %add3A_274 = vector.broadcast %add3A_273 : i32 to vector<16xi32>
        %add3A_275 = arith.addi %add3A_274, %and3A_228 : vector<16xi32>
        %shift_right_arithmetic3A_276 = arith.constant 1 : i32
        %shift_right_arithmetic3A_277 = vector.broadcast %shift_right_arithmetic3A_276 : i32 to vector<16xi32>
        %shift_right_arithmetic3A_278 = arith.shrsi %add3A_275, %shift_right_arithmetic3A_277 : vector<16xi32>
        %shift_right_arithmetic3A_279 = arith.constant 3 : i32
        %shift_right_arithmetic3A_280 = vector.broadcast %shift_right_arithmetic3A_279 : i32 to vector<16xi32>
        %shift_right_arithmetic3A_281 = arith.shrsi %shift_right_arithmetic3A_278, %shift_right_arithmetic3A_280 : vector<16xi32>
        %and3A_282 = arith.constant 7 : i32
        %and3A_283 = vector.broadcast %and3A_282 : i32 to vector<16xi32>
        %and3A_284 = arith.andi %shift_right_arithmetic3A_278, %and3A_283 : vector<16xi32>
        %and3A_285 = arith.constant 1 : i32
        %and3A_286 = vector.broadcast %and3A_285 : i32 to vector<16xi32>
        %and3A_287 = arith.andi %add3A_275, %and3A_286 : vector<16xi32>
        %shift_left3A_288 = arith.constant 6 : i32
        %shift_left3A_289 = vector.broadcast %shift_left3A_288 : i32 to vector<16xi32>
        %shift_left3A_290 = arith.shli %and3A_287, %shift_left3A_289 : vector<16xi32>
        %add3A_291 = arith.addi %shift_left3A_290, %add3A_19 : vector<16xi32>
        %gather3A_292 = arith.constant 0 : i32
        %gather3A_293 = arith.constant 0 : i32
        %gather3A_294 = arith.constant 0 : i32
        %gather3A_295 = tpu.memref_slice %arg5[%and3A_165, %gather3A_292, %gather3A_293, %gather3A_294] : memref<4x8x8x128xf32, #tpu.memory_space<vmem>> -> memref<1x8x8x128xf32, #tpu.memory_space<vmem>>
        %gather3A_296 = tpu.memref_squeeze %gather3A_295 : memref<1x8x8x128xf32, #tpu.memory_space<vmem>> -> memref<8x8x128xf32, #tpu.memory_space<vmem>>
        %gather3A_297 = tpu.vector_load_idx %gather3A_296[%add3A_7, %and3A_4, %add3A_275] : memref<8x8x128xf32, #tpu.memory_space<vmem>>[vector<16xi32>, vector<16xi32>, vector<16xi32>], vector<16xf32>,
        %add3A_298 = arith.addi %shift_left3A_290, %add3A_22 : vector<16xi32>
        %gather3A_299 = arith.constant 0 : i32
        %gather3A_300 = arith.constant 0 : i32
        %gather3A_301 = arith.constant 0 : i32
        %gather3A_302 = tpu.memref_slice %arg5[%and3A_165, %gather3A_299, %gather3A_300, %gather3A_301] : memref<4x8x8x128xf32, #tpu.memory_space<vmem>> -> memref<1x8x8x128xf32, #tpu.memory_space<vmem>>
        %gather3A_303 = tpu.memref_squeeze %gather3A_302 : memref<1x8x8x128xf32, #tpu.memory_space<vmem>> -> memref<8x8x128xf32, #tpu.memory_space<vmem>>
        %gather3A_304 = tpu.vector_load_idx %gather3A_303[%add3A_10, %and3A_4, %add3A_275] : memref<8x8x128xf32, #tpu.memory_space<vmem>>[vector<16xi32>, vector<16xi32>, vector<16xi32>], vector<16xf32>,
        %add3A_305 = arith.addi %shift_left3A_290, %add3A_25 : vector<16xi32>
        %gather3A_306 = arith.constant 0 : i32
        %gather3A_307 = arith.constant 0 : i32
        %gather3A_308 = arith.constant 0 : i32
        %gather3A_309 = tpu.memref_slice %arg5[%and3A_165, %gather3A_306, %gather3A_307, %gather3A_308] : memref<4x8x8x128xf32, #tpu.memory_space<vmem>> -> memref<1x8x8x128xf32, #tpu.memory_space<vmem>>
        %gather3A_310 = tpu.memref_squeeze %gather3A_309 : memref<1x8x8x128xf32, #tpu.memory_space<vmem>> -> memref<8x8x128xf32, #tpu.memory_space<vmem>>
        %gather3A_311 = tpu.vector_load_idx %gather3A_310[%add3A_13, %and3A_4, %add3A_275] : memref<8x8x128xf32, #tpu.memory_space<vmem>>[vector<16xi32>, vector<16xi32>, vector<16xi32>], vector<16xf32>,
        %add3A_312 = arith.addi %shift_left3A_290, %add3A_28 : vector<16xi32>
        %gather3A_313 = arith.constant 0 : i32
        %gather3A_314 = arith.constant 0 : i32
        %gather3A_315 = arith.constant 0 : i32
        %gather3A_316 = tpu.memref_slice %arg5[%and3A_165, %gather3A_313, %gather3A_314, %gather3A_315] : memref<4x8x8x128xf32, #tpu.memory_space<vmem>> -> memref<1x8x8x128xf32, #tpu.memory_space<vmem>>
        %gather3A_317 = tpu.memref_squeeze %gather3A_316 : memref<1x8x8x128xf32, #tpu.memory_space<vmem>> -> memref<8x8x128xf32, #tpu.memory_space<vmem>>
        %gather3A_318 = tpu.vector_load_idx %gather3A_317[%add3A_16, %and3A_4, %add3A_275] : memref<8x8x128xf32, #tpu.memory_space<vmem>>[vector<16xi32>, vector<16xi32>, vector<16xi32>], vector<16xf32>,
        %scatter3A = arith.constant 0 : i32
        %scatter3A_319 = arith.constant 0 : i32
        %scatter3A_320 = arith.constant 0 : i32
        %scatter3A_321 = tpu.memref_slice %arg6[%and3A_165, %scatter3A, %scatter3A_319, %scatter3A_320] : memref<4x8x8x128xf32, #tpu.memory_space<vmem>> -> memref<1x8x8x128xf32, #tpu.memory_space<vmem>>
        %scatter3A_322 = tpu.memref_squeeze %scatter3A_321 : memref<1x8x8x128xf32, #tpu.memory_space<vmem>> -> memref<8x8x128xf32, #tpu.memory_space<vmem>>
        tpu.vector_store_idx %scatter3A_322[%shift_right_arithmetic3A_237, %and3A_240, %add3A_246], %gather3A_251 : memref<8x8x128xf32, #tpu.memory_space<vmem>>[vector<16xi32>, vector<16xi32>, vector<16xi32>], vector<16xf32>,
        %scatter3A_323 = arith.constant 0 : i32
        %scatter3A_324 = arith.constant 0 : i32
        %scatter3A_325 = arith.constant 0 : i32
        %scatter3A_326 = tpu.memref_slice %arg6[%and3A_165, %scatter3A_323, %scatter3A_324, %scatter3A_325] : memref<4x8x8x128xf32, #tpu.memory_space<vmem>> -> memref<1x8x8x128xf32, #tpu.memory_space<vmem>>
        %scatter3A_327 = tpu.memref_squeeze %scatter3A_326 : memref<1x8x8x128xf32, #tpu.memory_space<vmem>> -> memref<8x8x128xf32, #tpu.memory_space<vmem>>
        tpu.vector_store_idx %scatter3A_327[%shift_right_arithmetic3A_237, %and3A_240, %add3A_252], %gather3A_258 : memref<8x8x128xf32, #tpu.memory_space<vmem>>[vector<16xi32>, vector<16xi32>, vector<16xi32>], vector<16xf32>,
        %scatter3A_328 = arith.constant 0 : i32
        %scatter3A_329 = arith.constant 0 : i32
        %scatter3A_330 = arith.constant 0 : i32
        %scatter3A_331 = tpu.memref_slice %arg6[%and3A_165, %scatter3A_328, %scatter3A_329, %scatter3A_330] : memref<4x8x8x128xf32, #tpu.memory_space<vmem>> -> memref<1x8x8x128xf32, #tpu.memory_space<vmem>>
        %scatter3A_332 = tpu.memref_squeeze %scatter3A_331 : memref<1x8x8x128xf32, #tpu.memory_space<vmem>> -> memref<8x8x128xf32, #tpu.memory_space<vmem>>
        tpu.vector_store_idx %scatter3A_332[%shift_right_arithmetic3A_237, %and3A_240, %add3A_259], %gather3A_265 : memref<8x8x128xf32, #tpu.memory_space<vmem>>[vector<16xi32>, vector<16xi32>, vector<16xi32>], vector<16xf32>,
        %scatter3A_333 = arith.constant 0 : i32
        %scatter3A_334 = arith.constant 0 : i32
        %scatter3A_335 = arith.constant 0 : i32
        %scatter3A_336 = tpu.memref_slice %arg6[%and3A_165, %scatter3A_333, %scatter3A_334, %scatter3A_335] : memref<4x8x8x128xf32, #tpu.memory_space<vmem>> -> memref<1x8x8x128xf32, #tpu.memory_space<vmem>>
        %scatter3A_337 = tpu.memref_squeeze %scatter3A_336 : memref<1x8x8x128xf32, #tpu.memory_space<vmem>> -> memref<8x8x128xf32, #tpu.memory_space<vmem>>
        tpu.vector_store_idx %scatter3A_337[%shift_right_arithmetic3A_237, %and3A_240, %add3A_266], %gather3A_272 : memref<8x8x128xf32, #tpu.memory_space<vmem>>[vector<16xi32>, vector<16xi32>, vector<16xi32>], vector<16xf32>,
        %scatter3A_338 = arith.constant 0 : i32
        %scatter3A_339 = arith.constant 0 : i32
        %scatter3A_340 = arith.constant 0 : i32
        %scatter3A_341 = tpu.memref_slice %arg6[%and3A_165, %scatter3A_338, %scatter3A_339, %scatter3A_340] : memref<4x8x8x128xf32, #tpu.memory_space<vmem>> -> memref<1x8x8x128xf32, #tpu.memory_space<vmem>>
        %scatter3A_342 = tpu.memref_squeeze %scatter3A_341 : memref<1x8x8x128xf32, #tpu.memory_space<vmem>> -> memref<8x8x128xf32, #tpu.memory_space<vmem>>
        tpu.vector_store_idx %scatter3A_342[%shift_right_arithmetic3A_281, %and3A_284, %add3A_291], %gather3A_297 : memref<8x8x128xf32, #tpu.memory_space<vmem>>[vector<16xi32>, vector<16xi32>, vector<16xi32>], vector<16xf32>,
        %scatter3A_343 = arith.constant 0 : i32
        %scatter3A_344 = arith.constant 0 : i32
        %scatter3A_345 = arith.constant 0 : i32
        %scatter3A_346 = tpu.memref_slice %arg6[%and3A_165, %scatter3A_343, %scatter3A_344, %scatter3A_345] : memref<4x8x8x128xf32, #tpu.memory_space<vmem>> -> memref<1x8x8x128xf32, #tpu.memory_space<vmem>>
        %scatter3A_347 = tpu.memref_squeeze %scatter3A_346 : memref<1x8x8x128xf32, #tpu.memory_space<vmem>> -> memref<8x8x128xf32, #tpu.memory_space<vmem>>
        tpu.vector_store_idx %scatter3A_347[%shift_right_arithmetic3A_281, %and3A_284, %add3A_298], %gather3A_304 : memref<8x8x128xf32, #tpu.memory_space<vmem>>[vector<16xi32>, vector<16xi32>, vector<16xi32>], vector<16xf32>,
        %scatter3A_348 = arith.constant 0 : i32
        %scatter3A_349 = arith.constant 0 : i32
        %scatter3A_350 = arith.constant 0 : i32
        %scatter3A_351 = tpu.memref_slice %arg6[%and3A_165, %scatter3A_348, %scatter3A_349, %scatter3A_350] : memref<4x8x8x128xf32, #tpu.memory_space<vmem>> -> memref<1x8x8x128xf32, #tpu.memory_space<vmem>>
        %scatter3A_352 = tpu.memref_squeeze %scatter3A_351 : memref<1x8x8x128xf32, #tpu.memory_space<vmem>> -> memref<8x8x128xf32, #tpu.memory_space<vmem>>
        tpu.vector_store_idx %scatter3A_352[%shift_right_arithmetic3A_281, %and3A_284, %add3A_305], %gather3A_311 : memref<8x8x128xf32, #tpu.memory_space<vmem>>[vector<16xi32>, vector<16xi32>, vector<16xi32>], vector<16xf32>,
        %scatter3A_353 = arith.constant 0 : i32
        %scatter3A_354 = arith.constant 0 : i32
        %scatter3A_355 = arith.constant 0 : i32
        %scatter3A_356 = tpu.memref_slice %arg6[%and3A_165, %scatter3A_353, %scatter3A_354, %scatter3A_355] : memref<4x8x8x128xf32, #tpu.memory_space<vmem>> -> memref<1x8x8x128xf32, #tpu.memory_space<vmem>>
        %scatter3A_357 = tpu.memref_squeeze %scatter3A_356 : memref<1x8x8x128xf32, #tpu.memory_space<vmem>> -> memref<8x8x128xf32, #tpu.memory_space<vmem>>
        tpu.vector_store_idx %scatter3A_357[%shift_right_arithmetic3A_281, %and3A_284, %add3A_312], %gather3A_318 : memref<8x8x128xf32, #tpu.memory_space<vmem>>[vector<16xi32>, vector<16xi32>, vector<16xi32>], vector<16xf32>,
        %add3A_358 = arith.constant 32 : i32
        %add3A_359 = vector.broadcast %add3A_358 : i32 to vector<16xi32>
        %add3A_360 = arith.addi %add3A_359, %and3A_228 : vector<16xi32>
        %shift_right_arithmetic3A_361 = arith.constant 1 : i32
        %shift_right_arithmetic3A_362 = vector.broadcast %shift_right_arithmetic3A_361 : i32 to vector<16xi32>
        %shift_right_arithmetic3A_363 = arith.shrsi %add3A_360, %shift_right_arithmetic3A_362 : vector<16xi32>
        %shift_right_arithmetic3A_364 = arith.constant 3 : i32
        %shift_right_arithmetic3A_365 = vector.broadcast %shift_right_arithmetic3A_364 : i32 to vector<16xi32>
        %shift_right_arithmetic3A_366 = arith.shrsi %shift_right_arithmetic3A_363, %shift_right_arithmetic3A_365 : vector<16xi32>
        %and3A_367 = arith.constant 7 : i32
        %and3A_368 = vector.broadcast %and3A_367 : i32 to vector<16xi32>
        %and3A_369 = arith.andi %shift_right_arithmetic3A_363, %and3A_368 : vector<16xi32>
        %and3A_370 = arith.constant 1 : i32
        %and3A_371 = vector.broadcast %and3A_370 : i32 to vector<16xi32>
        %and3A_372 = arith.andi %add3A_360, %and3A_371 : vector<16xi32>
        %shift_left3A_373 = arith.constant 6 : i32
        %shift_left3A_374 = vector.broadcast %shift_left3A_373 : i32 to vector<16xi32>
        %shift_left3A_375 = arith.shli %and3A_372, %shift_left3A_374 : vector<16xi32>
        %add3A_376 = arith.addi %shift_left3A_375, %add3A_19 : vector<16xi32>
        %gather3A_377 = arith.constant 0 : i32
        %gather3A_378 = arith.constant 0 : i32
        %gather3A_379 = arith.constant 0 : i32
        %gather3A_380 = tpu.memref_slice %arg5[%and3A_165, %gather3A_377, %gather3A_378, %gather3A_379] : memref<4x8x8x128xf32, #tpu.memory_space<vmem>> -> memref<1x8x8x128xf32, #tpu.memory_space<vmem>>
        %gather3A_381 = tpu.memref_squeeze %gather3A_380 : memref<1x8x8x128xf32, #tpu.memory_space<vmem>> -> memref<8x8x128xf32, #tpu.memory_space<vmem>>
        %gather3A_382 = tpu.vector_load_idx %gather3A_381[%add3A_7, %and3A_4, %add3A_360] : memref<8x8x128xf32, #tpu.memory_space<vmem>>[vector<16xi32>, vector<16xi32>, vector<16xi32>], vector<16xf32>,
        %add3A_383 = arith.addi %shift_left3A_375, %add3A_22 : vector<16xi32>
        %gather3A_384 = arith.constant 0 : i32
        %gather3A_385 = arith.constant 0 : i32
        %gather3A_386 = arith.constant 0 : i32
        %gather3A_387 = tpu.memref_slice %arg5[%and3A_165, %gather3A_384, %gather3A_385, %gather3A_386] : memref<4x8x8x128xf32, #tpu.memory_space<vmem>> -> memref<1x8x8x128xf32, #tpu.memory_space<vmem>>
        %gather3A_388 = tpu.memref_squeeze %gather3A_387 : memref<1x8x8x128xf32, #tpu.memory_space<vmem>> -> memref<8x8x128xf32, #tpu.memory_space<vmem>>
        %gather3A_389 = tpu.vector_load_idx %gather3A_388[%add3A_10, %and3A_4, %add3A_360] : memref<8x8x128xf32, #tpu.memory_space<vmem>>[vector<16xi32>, vector<16xi32>, vector<16xi32>], vector<16xf32>,
        %add3A_390 = arith.addi %shift_left3A_375, %add3A_25 : vector<16xi32>
        %gather3A_391 = arith.constant 0 : i32
        %gather3A_392 = arith.constant 0 : i32
        %gather3A_393 = arith.constant 0 : i32
        %gather3A_394 = tpu.memref_slice %arg5[%and3A_165, %gather3A_391, %gather3A_392, %gather3A_393] : memref<4x8x8x128xf32, #tpu.memory_space<vmem>> -> memref<1x8x8x128xf32, #tpu.memory_space<vmem>>
        %gather3A_395 = tpu.memref_squeeze %gather3A_394 : memref<1x8x8x128xf32, #tpu.memory_space<vmem>> -> memref<8x8x128xf32, #tpu.memory_space<vmem>>
        %gather3A_396 = tpu.vector_load_idx %gather3A_395[%add3A_13, %and3A_4, %add3A_360] : memref<8x8x128xf32, #tpu.memory_space<vmem>>[vector<16xi32>, vector<16xi32>, vector<16xi32>], vector<16xf32>,
        %add3A_397 = arith.addi %shift_left3A_375, %add3A_28 : vector<16xi32>
        %gather3A_398 = arith.constant 0 : i32
        %gather3A_399 = arith.constant 0 : i32
        %gather3A_400 = arith.constant 0 : i32
        %gather3A_401 = tpu.memref_slice %arg5[%and3A_165, %gather3A_398, %gather3A_399, %gather3A_400] : memref<4x8x8x128xf32, #tpu.memory_space<vmem>> -> memref<1x8x8x128xf32, #tpu.memory_space<vmem>>
        %gather3A_402 = tpu.memref_squeeze %gather3A_401 : memref<1x8x8x128xf32, #tpu.memory_space<vmem>> -> memref<8x8x128xf32, #tpu.memory_space<vmem>>
        %gather3A_403 = tpu.vector_load_idx %gather3A_402[%add3A_16, %and3A_4, %add3A_360] : memref<8x8x128xf32, #tpu.memory_space<vmem>>[vector<16xi32>, vector<16xi32>, vector<16xi32>], vector<16xf32>,
        %add3A_404 = arith.constant 48 : i32
        %add3A_405 = vector.broadcast %add3A_404 : i32 to vector<16xi32>
        %add3A_406 = arith.addi %add3A_405, %and3A_228 : vector<16xi32>
        %shift_right_arithmetic3A_407 = arith.constant 1 : i32
        %shift_right_arithmetic3A_408 = vector.broadcast %shift_right_arithmetic3A_407 : i32 to vector<16xi32>
        %shift_right_arithmetic3A_409 = arith.shrsi %add3A_406, %shift_right_arithmetic3A_408 : vector<16xi32>
        %shift_right_arithmetic3A_410 = arith.constant 3 : i32
        %shift_right_arithmetic3A_411 = vector.broadcast %shift_right_arithmetic3A_410 : i32 to vector<16xi32>
        %shift_right_arithmetic3A_412 = arith.shrsi %shift_right_arithmetic3A_409, %shift_right_arithmetic3A_411 : vector<16xi32>
        %and3A_413 = arith.constant 7 : i32
        %and3A_414 = vector.broadcast %and3A_413 : i32 to vector<16xi32>
        %and3A_415 = arith.andi %shift_right_arithmetic3A_409, %and3A_414 : vector<16xi32>
        %and3A_416 = arith.constant 1 : i32
        %and3A_417 = vector.broadcast %and3A_416 : i32 to vector<16xi32>
        %and3A_418 = arith.andi %add3A_406, %and3A_417 : vector<16xi32>
        %shift_left3A_419 = arith.constant 6 : i32
        %shift_left3A_420 = vector.broadcast %shift_left3A_419 : i32 to vector<16xi32>
        %shift_left3A_421 = arith.shli %and3A_418, %shift_left3A_420 : vector<16xi32>
        %add3A_422 = arith.addi %shift_left3A_421, %add3A_19 : vector<16xi32>
        %gather3A_423 = arith.constant 0 : i32
        %gather3A_424 = arith.constant 0 : i32
        %gather3A_425 = arith.constant 0 : i32
        %gather3A_426 = tpu.memref_slice %arg5[%and3A_165, %gather3A_423, %gather3A_424, %gather3A_425] : memref<4x8x8x128xf32, #tpu.memory_space<vmem>> -> memref<1x8x8x128xf32, #tpu.memory_space<vmem>>
        %gather3A_427 = tpu.memref_squeeze %gather3A_426 : memref<1x8x8x128xf32, #tpu.memory_space<vmem>> -> memref<8x8x128xf32, #tpu.memory_space<vmem>>
        %gather3A_428 = tpu.vector_load_idx %gather3A_427[%add3A_7, %and3A_4, %add3A_406] : memref<8x8x128xf32, #tpu.memory_space<vmem>>[vector<16xi32>, vector<16xi32>, vector<16xi32>], vector<16xf32>,
        %add3A_429 = arith.addi %shift_left3A_421, %add3A_22 : vector<16xi32>
        %gather3A_430 = arith.constant 0 : i32
        %gather3A_431 = arith.constant 0 : i32
        %gather3A_432 = arith.constant 0 : i32
        %gather3A_433 = tpu.memref_slice %arg5[%and3A_165, %gather3A_430, %gather3A_431, %gather3A_432] : memref<4x8x8x128xf32, #tpu.memory_space<vmem>> -> memref<1x8x8x128xf32, #tpu.memory_space<vmem>>
        %gather3A_434 = tpu.memref_squeeze %gather3A_433 : memref<1x8x8x128xf32, #tpu.memory_space<vmem>> -> memref<8x8x128xf32, #tpu.memory_space<vmem>>
        %gather3A_435 = tpu.vector_load_idx %gather3A_434[%add3A_10, %and3A_4, %add3A_406] : memref<8x8x128xf32, #tpu.memory_space<vmem>>[vector<16xi32>, vector<16xi32>, vector<16xi32>], vector<16xf32>,
        %add3A_436 = arith.addi %shift_left3A_421, %add3A_25 : vector<16xi32>
        %gather3A_437 = arith.constant 0 : i32
        %gather3A_438 = arith.constant 0 : i32
        %gather3A_439 = arith.constant 0 : i32
        %gather3A_440 = tpu.memref_slice %arg5[%and3A_165, %gather3A_437, %gather3A_438, %gather3A_439] : memref<4x8x8x128xf32, #tpu.memory_space<vmem>> -> memref<1x8x8x128xf32, #tpu.memory_space<vmem>>
        %gather3A_441 = tpu.memref_squeeze %gather3A_440 : memref<1x8x8x128xf32, #tpu.memory_space<vmem>> -> memref<8x8x128xf32, #tpu.memory_space<vmem>>
        %gather3A_442 = tpu.vector_load_idx %gather3A_441[%add3A_13, %and3A_4, %add3A_406] : memref<8x8x128xf32, #tpu.memory_space<vmem>>[vector<16xi32>, vector<16xi32>, vector<16xi32>], vector<16xf32>,
        %add3A_443 = arith.addi %shift_left3A_421, %add3A_28 : vector<16xi32>
        %gather3A_444 = arith.constant 0 : i32
        %gather3A_445 = arith.constant 0 : i32
        %gather3A_446 = arith.constant 0 : i32
        %gather3A_447 = tpu.memref_slice %arg5[%and3A_165, %gather3A_444, %gather3A_445, %gather3A_446] : memref<4x8x8x128xf32, #tpu.memory_space<vmem>> -> memref<1x8x8x128xf32, #tpu.memory_space<vmem>>
        %gather3A_448 = tpu.memref_squeeze %gather3A_447 : memref<1x8x8x128xf32, #tpu.memory_space<vmem>> -> memref<8x8x128xf32, #tpu.memory_space<vmem>>
        %gather3A_449 = tpu.vector_load_idx %gather3A_448[%add3A_16, %and3A_4, %add3A_406] : memref<8x8x128xf32, #tpu.memory_space<vmem>>[vector<16xi32>, vector<16xi32>, vector<16xi32>], vector<16xf32>,
        %scatter3A_450 = arith.constant 0 : i32
        %scatter3A_451 = arith.constant 0 : i32
        %scatter3A_452 = arith.constant 0 : i32
        %scatter3A_453 = tpu.memref_slice %arg6[%and3A_165, %scatter3A_450, %scatter3A_451, %scatter3A_452] : memref<4x8x8x128xf32, #tpu.memory_space<vmem>> -> memref<1x8x8x128xf32, #tpu.memory_space<vmem>>
        %scatter3A_454 = tpu.memref_squeeze %scatter3A_453 : memref<1x8x8x128xf32, #tpu.memory_space<vmem>> -> memref<8x8x128xf32, #tpu.memory_space<vmem>>
        tpu.vector_store_idx %scatter3A_454[%shift_right_arithmetic3A_366, %and3A_369, %add3A_376], %gather3A_382 : memref<8x8x128xf32, #tpu.memory_space<vmem>>[vector<16xi32>, vector<16xi32>, vector<16xi32>], vector<16xf32>,
        %scatter3A_455 = arith.constant 0 : i32
        %scatter3A_456 = arith.constant 0 : i32
        %scatter3A_457 = arith.constant 0 : i32
        %scatter3A_458 = tpu.memref_slice %arg6[%and3A_165, %scatter3A_455, %scatter3A_456, %scatter3A_457] : memref<4x8x8x128xf32, #tpu.memory_space<vmem>> -> memref<1x8x8x128xf32, #tpu.memory_space<vmem>>
        %scatter3A_459 = tpu.memref_squeeze %scatter3A_458 : memref<1x8x8x128xf32, #tpu.memory_space<vmem>> -> memref<8x8x128xf32, #tpu.memory_space<vmem>>
        tpu.vector_store_idx %scatter3A_459[%shift_right_arithmetic3A_366, %and3A_369, %add3A_383], %gather3A_389 : memref<8x8x128xf32, #tpu.memory_space<vmem>>[vector<16xi32>, vector<16xi32>, vector<16xi32>], vector<16xf32>,
        %scatter3A_460 = arith.constant 0 : i32
        %scatter3A_461 = arith.constant 0 : i32
        %scatter3A_462 = arith.constant 0 : i32
        %scatter3A_463 = tpu.memref_slice %arg6[%and3A_165, %scatter3A_460, %scatter3A_461, %scatter3A_462] : memref<4x8x8x128xf32, #tpu.memory_space<vmem>> -> memref<1x8x8x128xf32, #tpu.memory_space<vmem>>
        %scatter3A_464 = tpu.memref_squeeze %scatter3A_463 : memref<1x8x8x128xf32, #tpu.memory_space<vmem>> -> memref<8x8x128xf32, #tpu.memory_space<vmem>>
        tpu.vector_store_idx %scatter3A_464[%shift_right_arithmetic3A_366, %and3A_369, %add3A_390], %gather3A_396 : memref<8x8x128xf32, #tpu.memory_space<vmem>>[vector<16xi32>, vector<16xi32>, vector<16xi32>], vector<16xf32>,
        %scatter3A_465 = arith.constant 0 : i32
        %scatter3A_466 = arith.constant 0 : i32
        %scatter3A_467 = arith.constant 0 : i32
        %scatter3A_468 = tpu.memref_slice %arg6[%and3A_165, %scatter3A_465, %scatter3A_466, %scatter3A_467] : memref<4x8x8x128xf32, #tpu.memory_space<vmem>> -> memref<1x8x8x128xf32, #tpu.memory_space<vmem>>
        %scatter3A_469 = tpu.memref_squeeze %scatter3A_468 : memref<1x8x8x128xf32, #tpu.memory_space<vmem>> -> memref<8x8x128xf32, #tpu.memory_space<vmem>>
        tpu.vector_store_idx %scatter3A_469[%shift_right_arithmetic3A_366, %and3A_369, %add3A_397], %gather3A_403 : memref<8x8x128xf32, #tpu.memory_space<vmem>>[vector<16xi32>, vector<16xi32>, vector<16xi32>], vector<16xf32>,
        %scatter3A_470 = arith.constant 0 : i32
        %scatter3A_471 = arith.constant 0 : i32
        %scatter3A_472 = arith.constant 0 : i32
        %scatter3A_473 = tpu.memref_slice %arg6[%and3A_165, %scatter3A_470, %scatter3A_471, %scatter3A_472] : memref<4x8x8x128xf32, #tpu.memory_space<vmem>> -> memref<1x8x8x128xf32, #tpu.memory_space<vmem>>
        %scatter3A_474 = tpu.memref_squeeze %scatter3A_473 : memref<1x8x8x128xf32, #tpu.memory_space<vmem>> -> memref<8x8x128xf32, #tpu.memory_space<vmem>>
        tpu.vector_store_idx %scatter3A_474[%shift_right_arithmetic3A_412, %and3A_415, %add3A_422], %gather3A_428 : memref<8x8x128xf32, #tpu.memory_space<vmem>>[vector<16xi32>, vector<16xi32>, vector<16xi32>], vector<16xf32>,
        %scatter3A_475 = arith.constant 0 : i32
        %scatter3A_476 = arith.constant 0 : i32
        %scatter3A_477 = arith.constant 0 : i32
        %scatter3A_478 = tpu.memref_slice %arg6[%and3A_165, %scatter3A_475, %scatter3A_476, %scatter3A_477] : memref<4x8x8x128xf32, #tpu.memory_space<vmem>> -> memref<1x8x8x128xf32, #tpu.memory_space<vmem>>
        %scatter3A_479 = tpu.memref_squeeze %scatter3A_478 : memref<1x8x8x128xf32, #tpu.memory_space<vmem>> -> memref<8x8x128xf32, #tpu.memory_space<vmem>>
        tpu.vector_store_idx %scatter3A_479[%shift_right_arithmetic3A_412, %and3A_415, %add3A_429], %gather3A_435 : memref<8x8x128xf32, #tpu.memory_space<vmem>>[vector<16xi32>, vector<16xi32>, vector<16xi32>], vector<16xf32>,
        %scatter3A_480 = arith.constant 0 : i32
        %scatter3A_481 = arith.constant 0 : i32
        %scatter3A_482 = arith.constant 0 : i32
        %scatter3A_483 = tpu.memref_slice %arg6[%and3A_165, %scatter3A_480, %scatter3A_481, %scatter3A_482] : memref<4x8x8x128xf32, #tpu.memory_space<vmem>> -> memref<1x8x8x128xf32, #tpu.memory_space<vmem>>
        %scatter3A_484 = tpu.memref_squeeze %scatter3A_483 : memref<1x8x8x128xf32, #tpu.memory_space<vmem>> -> memref<8x8x128xf32, #tpu.memory_space<vmem>>
        tpu.vector_store_idx %scatter3A_484[%shift_right_arithmetic3A_412, %and3A_415, %add3A_436], %gather3A_442 : memref<8x8x128xf32, #tpu.memory_space<vmem>>[vector<16xi32>, vector<16xi32>, vector<16xi32>], vector<16xf32>,
        %scatter3A_485 = arith.constant 0 : i32
        %scatter3A_486 = arith.constant 0 : i32
        %scatter3A_487 = arith.constant 0 : i32
        %scatter3A_488 = tpu.memref_slice %arg6[%and3A_165, %scatter3A_485, %scatter3A_486, %scatter3A_487] : memref<4x8x8x128xf32, #tpu.memory_space<vmem>> -> memref<1x8x8x128xf32, #tpu.memory_space<vmem>>
        %scatter3A_489 = tpu.memref_squeeze %scatter3A_488 : memref<1x8x8x128xf32, #tpu.memory_space<vmem>> -> memref<8x8x128xf32, #tpu.memory_space<vmem>>
        tpu.vector_store_idx %scatter3A_489[%shift_right_arithmetic3A_412, %and3A_415, %add3A_443], %gather3A_449 : memref<8x8x128xf32, #tpu.memory_space<vmem>>[vector<16xi32>, vector<16xi32>, vector<16xi32>], vector<16xf32>,
        %add3A_490 = arith.constant 64 : i32
        %add3A_491 = vector.broadcast %add3A_490 : i32 to vector<16xi32>
        %add3A_492 = arith.addi %add3A_491, %and3A_228 : vector<16xi32>
        %shift_right_arithmetic3A_493 = arith.constant 1 : i32
        %shift_right_arithmetic3A_494 = vector.broadcast %shift_right_arithmetic3A_493 : i32 to vector<16xi32>
        %shift_right_arithmetic3A_495 = arith.shrsi %add3A_492, %shift_right_arithmetic3A_494 : vector<16xi32>
        %shift_right_arithmetic3A_496 = arith.constant 3 : i32
        %shift_right_arithmetic3A_497 = vector.broadcast %shift_right_arithmetic3A_496 : i32 to vector<16xi32>
        %shift_right_arithmetic3A_498 = arith.shrsi %shift_right_arithmetic3A_495, %shift_right_arithmetic3A_497 : vector<16xi32>
        %and3A_499 = arith.constant 7 : i32
        %and3A_500 = vector.broadcast %and3A_499 : i32 to vector<16xi32>
        %and3A_501 = arith.andi %shift_right_arithmetic3A_495, %and3A_500 : vector<16xi32>
        %and3A_502 = arith.constant 1 : i32
        %and3A_503 = vector.broadcast %and3A_502 : i32 to vector<16xi32>
        %and3A_504 = arith.andi %add3A_492, %and3A_503 : vector<16xi32>
        %shift_left3A_505 = arith.constant 6 : i32
        %shift_left3A_506 = vector.broadcast %shift_left3A_505 : i32 to vector<16xi32>
        %shift_left3A_507 = arith.shli %and3A_504, %shift_left3A_506 : vector<16xi32>
        %add3A_508 = arith.addi %shift_left3A_507, %add3A_19 : vector<16xi32>
        %gather3A_509 = arith.constant 0 : i32
        %gather3A_510 = arith.constant 0 : i32
        %gather3A_511 = arith.constant 0 : i32
        %gather3A_512 = tpu.memref_slice %arg5[%and3A_165, %gather3A_509, %gather3A_510, %gather3A_511] : memref<4x8x8x128xf32, #tpu.memory_space<vmem>> -> memref<1x8x8x128xf32, #tpu.memory_space<vmem>>
        %gather3A_513 = tpu.memref_squeeze %gather3A_512 : memref<1x8x8x128xf32, #tpu.memory_space<vmem>> -> memref<8x8x128xf32, #tpu.memory_space<vmem>>
        %gather3A_514 = tpu.vector_load_idx %gather3A_513[%add3A_7, %and3A_4, %add3A_492] : memref<8x8x128xf32, #tpu.memory_space<vmem>>[vector<16xi32>, vector<16xi32>, vector<16xi32>], vector<16xf32>,
        %add3A_515 = arith.addi %shift_left3A_507, %add3A_22 : vector<16xi32>
        %gather3A_516 = arith.constant 0 : i32
        %gather3A_517 = arith.constant 0 : i32
        %gather3A_518 = arith.constant 0 : i32
        %gather3A_519 = tpu.memref_slice %arg5[%and3A_165, %gather3A_516, %gather3A_517, %gather3A_518] : memref<4x8x8x128xf32, #tpu.memory_space<vmem>> -> memref<1x8x8x128xf32, #tpu.memory_space<vmem>>
        %gather3A_520 = tpu.memref_squeeze %gather3A_519 : memref<1x8x8x128xf32, #tpu.memory_space<vmem>> -> memref<8x8x128xf32, #tpu.memory_space<vmem>>
        %gather3A_521 = tpu.vector_load_idx %gather3A_520[%add3A_10, %and3A_4, %add3A_492] : memref<8x8x128xf32, #tpu.memory_space<vmem>>[vector<16xi32>, vector<16xi32>, vector<16xi32>], vector<16xf32>,
        %add3A_522 = arith.addi %shift_left3A_507, %add3A_25 : vector<16xi32>
        %gather3A_523 = arith.constant 0 : i32
        %gather3A_524 = arith.constant 0 : i32
        %gather3A_525 = arith.constant 0 : i32
        %gather3A_526 = tpu.memref_slice %arg5[%and3A_165, %gather3A_523, %gather3A_524, %gather3A_525] : memref<4x8x8x128xf32, #tpu.memory_space<vmem>> -> memref<1x8x8x128xf32, #tpu.memory_space<vmem>>
        %gather3A_527 = tpu.memref_squeeze %gather3A_526 : memref<1x8x8x128xf32, #tpu.memory_space<vmem>> -> memref<8x8x128xf32, #tpu.memory_space<vmem>>
        %gather3A_528 = tpu.vector_load_idx %gather3A_527[%add3A_13, %and3A_4, %add3A_492] : memref<8x8x128xf32, #tpu.memory_space<vmem>>[vector<16xi32>, vector<16xi32>, vector<16xi32>], vector<16xf32>,
        %add3A_529 = arith.addi %shift_left3A_507, %add3A_28 : vector<16xi32>
        %gather3A_530 = arith.constant 0 : i32
        %gather3A_531 = arith.constant 0 : i32
        %gather3A_532 = arith.constant 0 : i32
        %gather3A_533 = tpu.memref_slice %arg5[%and3A_165, %gather3A_530, %gather3A_531, %gather3A_532] : memref<4x8x8x128xf32, #tpu.memory_space<vmem>> -> memref<1x8x8x128xf32, #tpu.memory_space<vmem>>
        %gather3A_534 = tpu.memref_squeeze %gather3A_533 : memref<1x8x8x128xf32, #tpu.memory_space<vmem>> -> memref<8x8x128xf32, #tpu.memory_space<vmem>>
        %gather3A_535 = tpu.vector_load_idx %gather3A_534[%add3A_16, %and3A_4, %add3A_492] : memref<8x8x128xf32, #tpu.memory_space<vmem>>[vector<16xi32>, vector<16xi32>, vector<16xi32>], vector<16xf32>,
        %add3A_536 = arith.constant 80 : i32
        %add3A_537 = vector.broadcast %add3A_536 : i32 to vector<16xi32>
        %add3A_538 = arith.addi %add3A_537, %and3A_228 : vector<16xi32>
        %shift_right_arithmetic3A_539 = arith.constant 1 : i32
        %shift_right_arithmetic3A_540 = vector.broadcast %shift_right_arithmetic3A_539 : i32 to vector<16xi32>
        %shift_right_arithmetic3A_541 = arith.shrsi %add3A_538, %shift_right_arithmetic3A_540 : vector<16xi32>
        %shift_right_arithmetic3A_542 = arith.constant 3 : i32
        %shift_right_arithmetic3A_543 = vector.broadcast %shift_right_arithmetic3A_542 : i32 to vector<16xi32>
        %shift_right_arithmetic3A_544 = arith.shrsi %shift_right_arithmetic3A_541, %shift_right_arithmetic3A_543 : vector<16xi32>
        %and3A_545 = arith.constant 7 : i32
        %and3A_546 = vector.broadcast %and3A_545 : i32 to vector<16xi32>
        %and3A_547 = arith.andi %shift_right_arithmetic3A_541, %and3A_546 : vector<16xi32>
        %and3A_548 = arith.constant 1 : i32
        %and3A_549 = vector.broadcast %and3A_548 : i32 to vector<16xi32>
        %and3A_550 = arith.andi %add3A_538, %and3A_549 : vector<16xi32>
        %shift_left3A_551 = arith.constant 6 : i32
        %shift_left3A_552 = vector.broadcast %shift_left3A_551 : i32 to vector<16xi32>
        %shift_left3A_553 = arith.shli %and3A_550, %shift_left3A_552 : vector<16xi32>
        %add3A_554 = arith.addi %shift_left3A_553, %add3A_19 : vector<16xi32>
        %gather3A_555 = arith.constant 0 : i32
        %gather3A_556 = arith.constant 0 : i32
        %gather3A_557 = arith.constant 0 : i32
        %gather3A_558 = tpu.memref_slice %arg5[%and3A_165, %gather3A_555, %gather3A_556, %gather3A_557] : memref<4x8x8x128xf32, #tpu.memory_space<vmem>> -> memref<1x8x8x128xf32, #tpu.memory_space<vmem>>
        %gather3A_559 = tpu.memref_squeeze %gather3A_558 : memref<1x8x8x128xf32, #tpu.memory_space<vmem>> -> memref<8x8x128xf32, #tpu.memory_space<vmem>>
        %gather3A_560 = tpu.vector_load_idx %gather3A_559[%add3A_7, %and3A_4, %add3A_538] : memref<8x8x128xf32, #tpu.memory_space<vmem>>[vector<16xi32>, vector<16xi32>, vector<16xi32>], vector<16xf32>,
        %add3A_561 = arith.addi %shift_left3A_553, %add3A_22 : vector<16xi32>
        %gather3A_562 = arith.constant 0 : i32
        %gather3A_563 = arith.constant 0 : i32
        %gather3A_564 = arith.constant 0 : i32
        %gather3A_565 = tpu.memref_slice %arg5[%and3A_165, %gather3A_562, %gather3A_563, %gather3A_564] : memref<4x8x8x128xf32, #tpu.memory_space<vmem>> -> memref<1x8x8x128xf32, #tpu.memory_space<vmem>>
        %gather3A_566 = tpu.memref_squeeze %gather3A_565 : memref<1x8x8x128xf32, #tpu.memory_space<vmem>> -> memref<8x8x128xf32, #tpu.memory_space<vmem>>
        %gather3A_567 = tpu.vector_load_idx %gather3A_566[%add3A_10, %and3A_4, %add3A_538] : memref<8x8x128xf32, #tpu.memory_space<vmem>>[vector<16xi32>, vector<16xi32>, vector<16xi32>], vector<16xf32>,
        %add3A_568 = arith.addi %shift_left3A_553, %add3A_25 : vector<16xi32>
        %gather3A_569 = arith.constant 0 : i32
        %gather3A_570 = arith.constant 0 : i32
        %gather3A_571 = arith.constant 0 : i32
        %gather3A_572 = tpu.memref_slice %arg5[%and3A_165, %gather3A_569, %gather3A_570, %gather3A_571] : memref<4x8x8x128xf32, #tpu.memory_space<vmem>> -> memref<1x8x8x128xf32, #tpu.memory_space<vmem>>
        %gather3A_573 = tpu.memref_squeeze %gather3A_572 : memref<1x8x8x128xf32, #tpu.memory_space<vmem>> -> memref<8x8x128xf32, #tpu.memory_space<vmem>>
        %gather3A_574 = tpu.vector_load_idx %gather3A_573[%add3A_13, %and3A_4, %add3A_538] : memref<8x8x128xf32, #tpu.memory_space<vmem>>[vector<16xi32>, vector<16xi32>, vector<16xi32>], vector<16xf32>,
        %add3A_575 = arith.addi %shift_left3A_553, %add3A_28 : vector<16xi32>
        %gather3A_576 = arith.constant 0 : i32
        %gather3A_577 = arith.constant 0 : i32
        %gather3A_578 = arith.constant 0 : i32
        %gather3A_579 = tpu.memref_slice %arg5[%and3A_165, %gather3A_576, %gather3A_577, %gather3A_578] : memref<4x8x8x128xf32, #tpu.memory_space<vmem>> -> memref<1x8x8x128xf32, #tpu.memory_space<vmem>>
        %gather3A_580 = tpu.memref_squeeze %gather3A_579 : memref<1x8x8x128xf32, #tpu.memory_space<vmem>> -> memref<8x8x128xf32, #tpu.memory_space<vmem>>
        %gather3A_581 = tpu.vector_load_idx %gather3A_580[%add3A_16, %and3A_4, %add3A_538] : memref<8x8x128xf32, #tpu.memory_space<vmem>>[vector<16xi32>, vector<16xi32>, vector<16xi32>], vector<16xf32>,
        %scatter3A_582 = arith.constant 0 : i32
        %scatter3A_583 = arith.constant 0 : i32
        %scatter3A_584 = arith.constant 0 : i32
        %scatter3A_585 = tpu.memref_slice %arg6[%and3A_165, %scatter3A_582, %scatter3A_583, %scatter3A_584] : memref<4x8x8x128xf32, #tpu.memory_space<vmem>> -> memref<1x8x8x128xf32, #tpu.memory_space<vmem>>
        %scatter3A_586 = tpu.memref_squeeze %scatter3A_585 : memref<1x8x8x128xf32, #tpu.memory_space<vmem>> -> memref<8x8x128xf32, #tpu.memory_space<vmem>>
        tpu.vector_store_idx %scatter3A_586[%shift_right_arithmetic3A_498, %and3A_501, %add3A_508], %gather3A_514 : memref<8x8x128xf32, #tpu.memory_space<vmem>>[vector<16xi32>, vector<16xi32>, vector<16xi32>], vector<16xf32>,
        %scatter3A_587 = arith.constant 0 : i32
        %scatter3A_588 = arith.constant 0 : i32
        %scatter3A_589 = arith.constant 0 : i32
        %scatter3A_590 = tpu.memref_slice %arg6[%and3A_165, %scatter3A_587, %scatter3A_588, %scatter3A_589] : memref<4x8x8x128xf32, #tpu.memory_space<vmem>> -> memref<1x8x8x128xf32, #tpu.memory_space<vmem>>
        %scatter3A_591 = tpu.memref_squeeze %scatter3A_590 : memref<1x8x8x128xf32, #tpu.memory_space<vmem>> -> memref<8x8x128xf32, #tpu.memory_space<vmem>>
        tpu.vector_store_idx %scatter3A_591[%shift_right_arithmetic3A_498, %and3A_501, %add3A_515], %gather3A_521 : memref<8x8x128xf32, #tpu.memory_space<vmem>>[vector<16xi32>, vector<16xi32>, vector<16xi32>], vector<16xf32>,
        %scatter3A_592 = arith.constant 0 : i32
        %scatter3A_593 = arith.constant 0 : i32
        %scatter3A_594 = arith.constant 0 : i32
        %scatter3A_595 = tpu.memref_slice %arg6[%and3A_165, %scatter3A_592, %scatter3A_593, %scatter3A_594] : memref<4x8x8x128xf32, #tpu.memory_space<vmem>> -> memref<1x8x8x128xf32, #tpu.memory_space<vmem>>
        %scatter3A_596 = tpu.memref_squeeze %scatter3A_595 : memref<1x8x8x128xf32, #tpu.memory_space<vmem>> -> memref<8x8x128xf32, #tpu.memory_space<vmem>>
        tpu.vector_store_idx %scatter3A_596[%shift_right_arithmetic3A_498, %and3A_501, %add3A_522], %gather3A_528 : memref<8x8x128xf32, #tpu.memory_space<vmem>>[vector<16xi32>, vector<16xi32>, vector<16xi32>], vector<16xf32>,
        %scatter3A_597 = arith.constant 0 : i32
        %scatter3A_598 = arith.constant 0 : i32
        %scatter3A_599 = arith.constant 0 : i32
        %scatter3A_600 = tpu.memref_slice %arg6[%and3A_165, %scatter3A_597, %scatter3A_598, %scatter3A_599] : memref<4x8x8x128xf32, #tpu.memory_space<vmem>> -> memref<1x8x8x128xf32, #tpu.memory_space<vmem>>
        %scatter3A_601 = tpu.memref_squeeze %scatter3A_600 : memref<1x8x8x128xf32, #tpu.memory_space<vmem>> -> memref<8x8x128xf32, #tpu.memory_space<vmem>>
        tpu.vector_store_idx %scatter3A_601[%shift_right_arithmetic3A_498, %and3A_501, %add3A_529], %gather3A_535 : memref<8x8x128xf32, #tpu.memory_space<vmem>>[vector<16xi32>, vector<16xi32>, vector<16xi32>], vector<16xf32>,
        %scatter3A_602 = arith.constant 0 : i32
        %scatter3A_603 = arith.constant 0 : i32
        %scatter3A_604 = arith.constant 0 : i32
        %scatter3A_605 = tpu.memref_slice %arg6[%and3A_165, %scatter3A_602, %scatter3A_603, %scatter3A_604] : memref<4x8x8x128xf32, #tpu.memory_space<vmem>> -> memref<1x8x8x128xf32, #tpu.memory_space<vmem>>
        %scatter3A_606 = tpu.memref_squeeze %scatter3A_605 : memref<1x8x8x128xf32, #tpu.memory_space<vmem>> -> memref<8x8x128xf32, #tpu.memory_space<vmem>>
        tpu.vector_store_idx %scatter3A_606[%shift_right_arithmetic3A_544, %and3A_547, %add3A_554], %gather3A_560 : memref<8x8x128xf32, #tpu.memory_space<vmem>>[vector<16xi32>, vector<16xi32>, vector<16xi32>], vector<16xf32>,
        %scatter3A_607 = arith.constant 0 : i32
        %scatter3A_608 = arith.constant 0 : i32
        %scatter3A_609 = arith.constant 0 : i32
        %scatter3A_610 = tpu.memref_slice %arg6[%and3A_165, %scatter3A_607, %scatter3A_608, %scatter3A_609] : memref<4x8x8x128xf32, #tpu.memory_space<vmem>> -> memref<1x8x8x128xf32, #tpu.memory_space<vmem>>
        %scatter3A_611 = tpu.memref_squeeze %scatter3A_610 : memref<1x8x8x128xf32, #tpu.memory_space<vmem>> -> memref<8x8x128xf32, #tpu.memory_space<vmem>>
        tpu.vector_store_idx %scatter3A_611[%shift_right_arithmetic3A_544, %and3A_547, %add3A_561], %gather3A_567 : memref<8x8x128xf32, #tpu.memory_space<vmem>>[vector<16xi32>, vector<16xi32>, vector<16xi32>], vector<16xf32>,
        %scatter3A_612 = arith.constant 0 : i32
        %scatter3A_613 = arith.constant 0 : i32
        %scatter3A_614 = arith.constant 0 : i32
        %scatter3A_615 = tpu.memref_slice %arg6[%and3A_165, %scatter3A_612, %scatter3A_613, %scatter3A_614] : memref<4x8x8x128xf32, #tpu.memory_space<vmem>> -> memref<1x8x8x128xf32, #tpu.memory_space<vmem>>
        %scatter3A_616 = tpu.memref_squeeze %scatter3A_615 : memref<1x8x8x128xf32, #tpu.memory_space<vmem>> -> memref<8x8x128xf32, #tpu.memory_space<vmem>>
        tpu.vector_store_idx %scatter3A_616[%shift_right_arithmetic3A_544, %and3A_547, %add3A_568], %gather3A_574 : memref<8x8x128xf32, #tpu.memory_space<vmem>>[vector<16xi32>, vector<16xi32>, vector<16xi32>], vector<16xf32>,
        %scatter3A_617 = arith.constant 0 : i32
        %scatter3A_618 = arith.constant 0 : i32
        %scatter3A_619 = arith.constant 0 : i32
        %scatter3A_620 = tpu.memref_slice %arg6[%and3A_165, %scatter3A_617, %scatter3A_618, %scatter3A_619] : memref<4x8x8x128xf32, #tpu.memory_space<vmem>> -> memref<1x8x8x128xf32, #tpu.memory_space<vmem>>
        %scatter3A_621 = tpu.memref_squeeze %scatter3A_620 : memref<1x8x8x128xf32, #tpu.memory_space<vmem>> -> memref<8x8x128xf32, #tpu.memory_space<vmem>>
        tpu.vector_store_idx %scatter3A_621[%shift_right_arithmetic3A_544, %and3A_547, %add3A_575], %gather3A_581 : memref<8x8x128xf32, #tpu.memory_space<vmem>>[vector<16xi32>, vector<16xi32>, vector<16xi32>], vector<16xf32>,
        %add3A_622 = arith.constant 96 : i32
        %add3A_623 = vector.broadcast %add3A_622 : i32 to vector<16xi32>
        %add3A_624 = arith.addi %add3A_623, %and3A_228 : vector<16xi32>
        %shift_right_arithmetic3A_625 = arith.constant 1 : i32
        %shift_right_arithmetic3A_626 = vector.broadcast %shift_right_arithmetic3A_625 : i32 to vector<16xi32>
        %shift_right_arithmetic3A_627 = arith.shrsi %add3A_624, %shift_right_arithmetic3A_626 : vector<16xi32>
        %shift_right_arithmetic3A_628 = arith.constant 3 : i32
        %shift_right_arithmetic3A_629 = vector.broadcast %shift_right_arithmetic3A_628 : i32 to vector<16xi32>
        %shift_right_arithmetic3A_630 = arith.shrsi %shift_right_arithmetic3A_627, %shift_right_arithmetic3A_629 : vector<16xi32>
        %and3A_631 = arith.constant 7 : i32
        %and3A_632 = vector.broadcast %and3A_631 : i32 to vector<16xi32>
        %and3A_633 = arith.andi %shift_right_arithmetic3A_627, %and3A_632 : vector<16xi32>
        %and3A_634 = arith.constant 1 : i32
        %and3A_635 = vector.broadcast %and3A_634 : i32 to vector<16xi32>
        %and3A_636 = arith.andi %add3A_624, %and3A_635 : vector<16xi32>
        %shift_left3A_637 = arith.constant 6 : i32
        %shift_left3A_638 = vector.broadcast %shift_left3A_637 : i32 to vector<16xi32>
        %shift_left3A_639 = arith.shli %and3A_636, %shift_left3A_638 : vector<16xi32>
        %add3A_640 = arith.addi %shift_left3A_639, %add3A_19 : vector<16xi32>
        %gather3A_641 = arith.constant 0 : i32
        %gather3A_642 = arith.constant 0 : i32
        %gather3A_643 = arith.constant 0 : i32
        %gather3A_644 = tpu.memref_slice %arg5[%and3A_165, %gather3A_641, %gather3A_642, %gather3A_643] : memref<4x8x8x128xf32, #tpu.memory_space<vmem>> -> memref<1x8x8x128xf32, #tpu.memory_space<vmem>>
        %gather3A_645 = tpu.memref_squeeze %gather3A_644 : memref<1x8x8x128xf32, #tpu.memory_space<vmem>> -> memref<8x8x128xf32, #tpu.memory_space<vmem>>
        %gather3A_646 = tpu.vector_load_idx %gather3A_645[%add3A_7, %and3A_4, %add3A_624] : memref<8x8x128xf32, #tpu.memory_space<vmem>>[vector<16xi32>, vector<16xi32>, vector<16xi32>], vector<16xf32>,
        %add3A_647 = arith.addi %shift_left3A_639, %add3A_22 : vector<16xi32>
        %gather3A_648 = arith.constant 0 : i32
        %gather3A_649 = arith.constant 0 : i32
        %gather3A_650 = arith.constant 0 : i32
        %gather3A_651 = tpu.memref_slice %arg5[%and3A_165, %gather3A_648, %gather3A_649, %gather3A_650] : memref<4x8x8x128xf32, #tpu.memory_space<vmem>> -> memref<1x8x8x128xf32, #tpu.memory_space<vmem>>
        %gather3A_652 = tpu.memref_squeeze %gather3A_651 : memref<1x8x8x128xf32, #tpu.memory_space<vmem>> -> memref<8x8x128xf32, #tpu.memory_space<vmem>>
        %gather3A_653 = tpu.vector_load_idx %gather3A_652[%add3A_10, %and3A_4, %add3A_624] : memref<8x8x128xf32, #tpu.memory_space<vmem>>[vector<16xi32>, vector<16xi32>, vector<16xi32>], vector<16xf32>,
        %add3A_654 = arith.addi %shift_left3A_639, %add3A_25 : vector<16xi32>
        %gather3A_655 = arith.constant 0 : i32
        %gather3A_656 = arith.constant 0 : i32
        %gather3A_657 = arith.constant 0 : i32
        %gather3A_658 = tpu.memref_slice %arg5[%and3A_165, %gather3A_655, %gather3A_656, %gather3A_657] : memref<4x8x8x128xf32, #tpu.memory_space<vmem>> -> memref<1x8x8x128xf32, #tpu.memory_space<vmem>>
        %gather3A_659 = tpu.memref_squeeze %gather3A_658 : memref<1x8x8x128xf32, #tpu.memory_space<vmem>> -> memref<8x8x128xf32, #tpu.memory_space<vmem>>
        %gather3A_660 = tpu.vector_load_idx %gather3A_659[%add3A_13, %and3A_4, %add3A_624] : memref<8x8x128xf32, #tpu.memory_space<vmem>>[vector<16xi32>, vector<16xi32>, vector<16xi32>], vector<16xf32>,
        %add3A_661 = arith.addi %shift_left3A_639, %add3A_28 : vector<16xi32>
        %gather3A_662 = arith.constant 0 : i32
        %gather3A_663 = arith.constant 0 : i32
        %gather3A_664 = arith.constant 0 : i32
        %gather3A_665 = tpu.memref_slice %arg5[%and3A_165, %gather3A_662, %gather3A_663, %gather3A_664] : memref<4x8x8x128xf32, #tpu.memory_space<vmem>> -> memref<1x8x8x128xf32, #tpu.memory_space<vmem>>
        %gather3A_666 = tpu.memref_squeeze %gather3A_665 : memref<1x8x8x128xf32, #tpu.memory_space<vmem>> -> memref<8x8x128xf32, #tpu.memory_space<vmem>>
        %gather3A_667 = tpu.vector_load_idx %gather3A_666[%add3A_16, %and3A_4, %add3A_624] : memref<8x8x128xf32, #tpu.memory_space<vmem>>[vector<16xi32>, vector<16xi32>, vector<16xi32>], vector<16xf32>,
        %add3A_668 = arith.constant 112 : i32
        %add3A_669 = vector.broadcast %add3A_668 : i32 to vector<16xi32>
        %add3A_670 = arith.addi %add3A_669, %and3A_228 : vector<16xi32>
        %shift_right_arithmetic3A_671 = arith.constant 1 : i32
        %shift_right_arithmetic3A_672 = vector.broadcast %shift_right_arithmetic3A_671 : i32 to vector<16xi32>
        %shift_right_arithmetic3A_673 = arith.shrsi %add3A_670, %shift_right_arithmetic3A_672 : vector<16xi32>
        %shift_right_arithmetic3A_674 = arith.constant 3 : i32
        %shift_right_arithmetic3A_675 = vector.broadcast %shift_right_arithmetic3A_674 : i32 to vector<16xi32>
        %shift_right_arithmetic3A_676 = arith.shrsi %shift_right_arithmetic3A_673, %shift_right_arithmetic3A_675 : vector<16xi32>
        %and3A_677 = arith.constant 7 : i32
        %and3A_678 = vector.broadcast %and3A_677 : i32 to vector<16xi32>
        %and3A_679 = arith.andi %shift_right_arithmetic3A_673, %and3A_678 : vector<16xi32>
        %and3A_680 = arith.constant 1 : i32
        %and3A_681 = vector.broadcast %and3A_680 : i32 to vector<16xi32>
        %and3A_682 = arith.andi %add3A_670, %and3A_681 : vector<16xi32>
        %shift_left3A_683 = arith.constant 6 : i32
        %shift_left3A_684 = vector.broadcast %shift_left3A_683 : i32 to vector<16xi32>
        %shift_left3A_685 = arith.shli %and3A_682, %shift_left3A_684 : vector<16xi32>
        %add3A_686 = arith.addi %shift_left3A_685, %add3A_19 : vector<16xi32>
        %gather3A_687 = arith.constant 0 : i32
        %gather3A_688 = arith.constant 0 : i32
        %gather3A_689 = arith.constant 0 : i32
        %gather3A_690 = tpu.memref_slice %arg5[%and3A_165, %gather3A_687, %gather3A_688, %gather3A_689] : memref<4x8x8x128xf32, #tpu.memory_space<vmem>> -> memref<1x8x8x128xf32, #tpu.memory_space<vmem>>
        %gather3A_691 = tpu.memref_squeeze %gather3A_690 : memref<1x8x8x128xf32, #tpu.memory_space<vmem>> -> memref<8x8x128xf32, #tpu.memory_space<vmem>>
        %gather3A_692 = tpu.vector_load_idx %gather3A_691[%add3A_7, %and3A_4, %add3A_670] : memref<8x8x128xf32, #tpu.memory_space<vmem>>[vector<16xi32>, vector<16xi32>, vector<16xi32>], vector<16xf32>,
        %add3A_693 = arith.addi %shift_left3A_685, %add3A_22 : vector<16xi32>
        %gather3A_694 = arith.constant 0 : i32
        %gather3A_695 = arith.constant 0 : i32
        %gather3A_696 = arith.constant 0 : i32
        %gather3A_697 = tpu.memref_slice %arg5[%and3A_165, %gather3A_694, %gather3A_695, %gather3A_696] : memref<4x8x8x128xf32, #tpu.memory_space<vmem>> -> memref<1x8x8x128xf32, #tpu.memory_space<vmem>>
        %gather3A_698 = tpu.memref_squeeze %gather3A_697 : memref<1x8x8x128xf32, #tpu.memory_space<vmem>> -> memref<8x8x128xf32, #tpu.memory_space<vmem>>
        %gather3A_699 = tpu.vector_load_idx %gather3A_698[%add3A_10, %and3A_4, %add3A_670] : memref<8x8x128xf32, #tpu.memory_space<vmem>>[vector<16xi32>, vector<16xi32>, vector<16xi32>], vector<16xf32>,
        %add3A_700 = arith.addi %shift_left3A_685, %add3A_25 : vector<16xi32>
        %gather3A_701 = arith.constant 0 : i32
        %gather3A_702 = arith.constant 0 : i32
        %gather3A_703 = arith.constant 0 : i32
        %gather3A_704 = tpu.memref_slice %arg5[%and3A_165, %gather3A_701, %gather3A_702, %gather3A_703] : memref<4x8x8x128xf32, #tpu.memory_space<vmem>> -> memref<1x8x8x128xf32, #tpu.memory_space<vmem>>
        %gather3A_705 = tpu.memref_squeeze %gather3A_704 : memref<1x8x8x128xf32, #tpu.memory_space<vmem>> -> memref<8x8x128xf32, #tpu.memory_space<vmem>>
        %gather3A_706 = tpu.vector_load_idx %gather3A_705[%add3A_13, %and3A_4, %add3A_670] : memref<8x8x128xf32, #tpu.memory_space<vmem>>[vector<16xi32>, vector<16xi32>, vector<16xi32>], vector<16xf32>,
        %add3A_707 = arith.addi %shift_left3A_685, %add3A_28 : vector<16xi32>
        %gather3A_708 = arith.constant 0 : i32
        %gather3A_709 = arith.constant 0 : i32
        %gather3A_710 = arith.constant 0 : i32
        %gather3A_711 = tpu.memref_slice %arg5[%and3A_165, %gather3A_708, %gather3A_709, %gather3A_710] : memref<4x8x8x128xf32, #tpu.memory_space<vmem>> -> memref<1x8x8x128xf32, #tpu.memory_space<vmem>>
        %gather3A_712 = tpu.memref_squeeze %gather3A_711 : memref<1x8x8x128xf32, #tpu.memory_space<vmem>> -> memref<8x8x128xf32, #tpu.memory_space<vmem>>
        %gather3A_713 = tpu.vector_load_idx %gather3A_712[%add3A_16, %and3A_4, %add3A_670] : memref<8x8x128xf32, #tpu.memory_space<vmem>>[vector<16xi32>, vector<16xi32>, vector<16xi32>], vector<16xf32>,
        %scatter3A_714 = arith.constant 0 : i32
        %scatter3A_715 = arith.constant 0 : i32
        %scatter3A_716 = arith.constant 0 : i32
        %scatter3A_717 = tpu.memref_slice %arg6[%and3A_165, %scatter3A_714, %scatter3A_715, %scatter3A_716] : memref<4x8x8x128xf32, #tpu.memory_space<vmem>> -> memref<1x8x8x128xf32, #tpu.memory_space<vmem>>
        %scatter3A_718 = tpu.memref_squeeze %scatter3A_717 : memref<1x8x8x128xf32, #tpu.memory_space<vmem>> -> memref<8x8x128xf32, #tpu.memory_space<vmem>>
        tpu.vector_store_idx %scatter3A_718[%shift_right_arithmetic3A_630, %and3A_633, %add3A_640], %gather3A_646 : memref<8x8x128xf32, #tpu.memory_space<vmem>>[vector<16xi32>, vector<16xi32>, vector<16xi32>], vector<16xf32>,
        %scatter3A_719 = arith.constant 0 : i32
        %scatter3A_720 = arith.constant 0 : i32
        %scatter3A_721 = arith.constant 0 : i32
        %scatter3A_722 = tpu.memref_slice %arg6[%and3A_165, %scatter3A_719, %scatter3A_720, %scatter3A_721] : memref<4x8x8x128xf32, #tpu.memory_space<vmem>> -> memref<1x8x8x128xf32, #tpu.memory_space<vmem>>
        %scatter3A_723 = tpu.memref_squeeze %scatter3A_722 : memref<1x8x8x128xf32, #tpu.memory_space<vmem>> -> memref<8x8x128xf32, #tpu.memory_space<vmem>>
        tpu.vector_store_idx %scatter3A_723[%shift_right_arithmetic3A_630, %and3A_633, %add3A_647], %gather3A_653 : memref<8x8x128xf32, #tpu.memory_space<vmem>>[vector<16xi32>, vector<16xi32>, vector<16xi32>], vector<16xf32>,
        %scatter3A_724 = arith.constant 0 : i32
        %scatter3A_725 = arith.constant 0 : i32
        %scatter3A_726 = arith.constant 0 : i32
        %scatter3A_727 = tpu.memref_slice %arg6[%and3A_165, %scatter3A_724, %scatter3A_725, %scatter3A_726] : memref<4x8x8x128xf32, #tpu.memory_space<vmem>> -> memref<1x8x8x128xf32, #tpu.memory_space<vmem>>
        %scatter3A_728 = tpu.memref_squeeze %scatter3A_727 : memref<1x8x8x128xf32, #tpu.memory_space<vmem>> -> memref<8x8x128xf32, #tpu.memory_space<vmem>>
        tpu.vector_store_idx %scatter3A_728[%shift_right_arithmetic3A_630, %and3A_633, %add3A_654], %gather3A_660 : memref<8x8x128xf32, #tpu.memory_space<vmem>>[vector<16xi32>, vector<16xi32>, vector<16xi32>], vector<16xf32>,
        %scatter3A_729 = arith.constant 0 : i32
        %scatter3A_730 = arith.constant 0 : i32
        %scatter3A_731 = arith.constant 0 : i32
        %scatter3A_732 = tpu.memref_slice %arg6[%and3A_165, %scatter3A_729, %scatter3A_730, %scatter3A_731] : memref<4x8x8x128xf32, #tpu.memory_space<vmem>> -> memref<1x8x8x128xf32, #tpu.memory_space<vmem>>
        %scatter3A_733 = tpu.memref_squeeze %scatter3A_732 : memref<1x8x8x128xf32, #tpu.memory_space<vmem>> -> memref<8x8x128xf32, #tpu.memory_space<vmem>>
        tpu.vector_store_idx %scatter3A_733[%shift_right_arithmetic3A_630, %and3A_633, %add3A_661], %gather3A_667 : memref<8x8x128xf32, #tpu.memory_space<vmem>>[vector<16xi32>, vector<16xi32>, vector<16xi32>], vector<16xf32>,
        %scatter3A_734 = arith.constant 0 : i32
        %scatter3A_735 = arith.constant 0 : i32
        %scatter3A_736 = arith.constant 0 : i32
        %scatter3A_737 = tpu.memref_slice %arg6[%and3A_165, %scatter3A_734, %scatter3A_735, %scatter3A_736] : memref<4x8x8x128xf32, #tpu.memory_space<vmem>> -> memref<1x8x8x128xf32, #tpu.memory_space<vmem>>
        %scatter3A_738 = tpu.memref_squeeze %scatter3A_737 : memref<1x8x8x128xf32, #tpu.memory_space<vmem>> -> memref<8x8x128xf32, #tpu.memory_space<vmem>>
        tpu.vector_store_idx %scatter3A_738[%shift_right_arithmetic3A_676, %and3A_679, %add3A_686], %gather3A_692 : memref<8x8x128xf32, #tpu.memory_space<vmem>>[vector<16xi32>, vector<16xi32>, vector<16xi32>], vector<16xf32>,
        %scatter3A_739 = arith.constant 0 : i32
        %scatter3A_740 = arith.constant 0 : i32
        %scatter3A_741 = arith.constant 0 : i32
        %scatter3A_742 = tpu.memref_slice %arg6[%and3A_165, %scatter3A_739, %scatter3A_740, %scatter3A_741] : memref<4x8x8x128xf32, #tpu.memory_space<vmem>> -> memref<1x8x8x128xf32, #tpu.memory_space<vmem>>
        %scatter3A_743 = tpu.memref_squeeze %scatter3A_742 : memref<1x8x8x128xf32, #tpu.memory_space<vmem>> -> memref<8x8x128xf32, #tpu.memory_space<vmem>>
        tpu.vector_store_idx %scatter3A_743[%shift_right_arithmetic3A_676, %and3A_679, %add3A_693], %gather3A_699 : memref<8x8x128xf32, #tpu.memory_space<vmem>>[vector<16xi32>, vector<16xi32>, vector<16xi32>], vector<16xf32>,
        %scatter3A_744 = arith.constant 0 : i32
        %scatter3A_745 = arith.constant 0 : i32
        %scatter3A_746 = arith.constant 0 : i32
        %scatter3A_747 = tpu.memref_slice %arg6[%and3A_165, %scatter3A_744, %scatter3A_745, %scatter3A_746] : memref<4x8x8x128xf32, #tpu.memory_space<vmem>> -> memref<1x8x8x128xf32, #tpu.memory_space<vmem>>
        %scatter3A_748 = tpu.memref_squeeze %scatter3A_747 : memref<1x8x8x128xf32, #tpu.memory_space<vmem>> -> memref<8x8x128xf32, #tpu.memory_space<vmem>>
        tpu.vector_store_idx %scatter3A_748[%shift_right_arithmetic3A_676, %and3A_679, %add3A_700], %gather3A_706 : memref<8x8x128xf32, #tpu.memory_space<vmem>>[vector<16xi32>, vector<16xi32>, vector<16xi32>], vector<16xf32>,
        %scatter3A_749 = arith.constant 0 : i32
        %scatter3A_750 = arith.constant 0 : i32
        %scatter3A_751 = arith.constant 0 : i32
        %scatter3A_752 = tpu.memref_slice %arg6[%and3A_165, %scatter3A_749, %scatter3A_750, %scatter3A_751] : memref<4x8x8x128xf32, #tpu.memory_space<vmem>> -> memref<1x8x8x128xf32, #tpu.memory_space<vmem>>
        %scatter3A_753 = tpu.memref_squeeze %scatter3A_752 : memref<1x8x8x128xf32, #tpu.memory_space<vmem>> -> memref<8x8x128xf32, #tpu.memory_space<vmem>>
        tpu.vector_store_idx %scatter3A_753[%shift_right_arithmetic3A_676, %and3A_679, %add3A_707], %gather3A_713 : memref<8x8x128xf32, #tpu.memory_space<vmem>>[vector<16xi32>, vector<16xi32>, vector<16xi32>], vector<16xf32>,
        %mul3A_754 = arith.constant 2 : i32
        %mul3A_755 = arith.muli %mul3A_754, %scan3A_219 : i32
        %add3A_756 = arith.constant 1 : i32
        %add3A_757 = arith.addi %mul3A_755, %add3A_756 : i32
        %add3A_758 = vector.broadcast %add3A_757 : i32 to vector<16xi32>
        %add3A_759 = arith.addi %iota3A, %add3A_758 : vector<16xi32>
        %and3A_760 = arith.constant 15 : i32
        %and3A_761 = vector.broadcast %and3A_760 : i32 to vector<16xi32>
        %and3A_762 = arith.andi %add3A_759, %and3A_761 : vector<16xi32>
        %add3A_763 = arith.constant 0 : i32
        %add3A_764 = vector.broadcast %add3A_763 : i32 to vector<16xi32>
        %add3A_765 = arith.addi %add3A_764, %and3A_762 : vector<16xi32>
        %shift_right_arithmetic3A_766 = arith.constant 1 : i32
        %shift_right_arithmetic3A_767 = vector.broadcast %shift_right_arithmetic3A_766 : i32 to vector<16xi32>
        %shift_right_arithmetic3A_768 = arith.shrsi %add3A_765, %shift_right_arithmetic3A_767 : vector<16xi32>
        %shift_right_arithmetic3A_769 = arith.constant 3 : i32
        %shift_right_arithmetic3A_770 = vector.broadcast %shift_right_arithmetic3A_769 : i32 to vector<16xi32>
        %shift_right_arithmetic3A_771 = arith.shrsi %shift_right_arithmetic3A_768, %shift_right_arithmetic3A_770 : vector<16xi32>
        %and3A_772 = arith.constant 7 : i32
        %and3A_773 = vector.broadcast %and3A_772 : i32 to vector<16xi32>
        %and3A_774 = arith.andi %shift_right_arithmetic3A_768, %and3A_773 : vector<16xi32>
        %and3A_775 = arith.constant 1 : i32
        %and3A_776 = vector.broadcast %and3A_775 : i32 to vector<16xi32>
        %and3A_777 = arith.andi %add3A_765, %and3A_776 : vector<16xi32>
        %shift_left3A_778 = arith.constant 6 : i32
        %shift_left3A_779 = vector.broadcast %shift_left3A_778 : i32 to vector<16xi32>
        %shift_left3A_780 = arith.shli %and3A_777, %shift_left3A_779 : vector<16xi32>
        %add3A_781 = arith.addi %shift_left3A_780, %add3A_19 : vector<16xi32>
        %gather3A_782 = arith.constant 0 : i32
        %gather3A_783 = arith.constant 0 : i32
        %gather3A_784 = arith.constant 0 : i32
        %gather3A_785 = tpu.memref_slice %arg5[%and3A_165, %gather3A_782, %gather3A_783, %gather3A_784] : memref<4x8x8x128xf32, #tpu.memory_space<vmem>> -> memref<1x8x8x128xf32, #tpu.memory_space<vmem>>
        %gather3A_786 = tpu.memref_squeeze %gather3A_785 : memref<1x8x8x128xf32, #tpu.memory_space<vmem>> -> memref<8x8x128xf32, #tpu.memory_space<vmem>>
        %gather3A_787 = tpu.vector_load_idx %gather3A_786[%add3A_7, %and3A_4, %add3A_765] : memref<8x8x128xf32, #tpu.memory_space<vmem>>[vector<16xi32>, vector<16xi32>, vector<16xi32>], vector<16xf32>,
        %add3A_788 = arith.addi %shift_left3A_780, %add3A_22 : vector<16xi32>
        %gather3A_789 = arith.constant 0 : i32
        %gather3A_790 = arith.constant 0 : i32
        %gather3A_791 = arith.constant 0 : i32
        %gather3A_792 = tpu.memref_slice %arg5[%and3A_165, %gather3A_789, %gather3A_790, %gather3A_791] : memref<4x8x8x128xf32, #tpu.memory_space<vmem>> -> memref<1x8x8x128xf32, #tpu.memory_space<vmem>>
        %gather3A_793 = tpu.memref_squeeze %gather3A_792 : memref<1x8x8x128xf32, #tpu.memory_space<vmem>> -> memref<8x8x128xf32, #tpu.memory_space<vmem>>
        %gather3A_794 = tpu.vector_load_idx %gather3A_793[%add3A_10, %and3A_4, %add3A_765] : memref<8x8x128xf32, #tpu.memory_space<vmem>>[vector<16xi32>, vector<16xi32>, vector<16xi32>], vector<16xf32>,
        %add3A_795 = arith.addi %shift_left3A_780, %add3A_25 : vector<16xi32>
        %gather3A_796 = arith.constant 0 : i32
        %gather3A_797 = arith.constant 0 : i32
        %gather3A_798 = arith.constant 0 : i32
        %gather3A_799 = tpu.memref_slice %arg5[%and3A_165, %gather3A_796, %gather3A_797, %gather3A_798] : memref<4x8x8x128xf32, #tpu.memory_space<vmem>> -> memref<1x8x8x128xf32, #tpu.memory_space<vmem>>
        %gather3A_800 = tpu.memref_squeeze %gather3A_799 : memref<1x8x8x128xf32, #tpu.memory_space<vmem>> -> memref<8x8x128xf32, #tpu.memory_space<vmem>>
        %gather3A_801 = tpu.vector_load_idx %gather3A_800[%add3A_13, %and3A_4, %add3A_765] : memref<8x8x128xf32, #tpu.memory_space<vmem>>[vector<16xi32>, vector<16xi32>, vector<16xi32>], vector<16xf32>,
        %add3A_802 = arith.addi %shift_left3A_780, %add3A_28 : vector<16xi32>
        %gather3A_803 = arith.constant 0 : i32
        %gather3A_804 = arith.constant 0 : i32
        %gather3A_805 = arith.constant 0 : i32
        %gather3A_806 = tpu.memref_slice %arg5[%and3A_165, %gather3A_803, %gather3A_804, %gather3A_805] : memref<4x8x8x128xf32, #tpu.memory_space<vmem>> -> memref<1x8x8x128xf32, #tpu.memory_space<vmem>>
        %gather3A_807 = tpu.memref_squeeze %gather3A_806 : memref<1x8x8x128xf32, #tpu.memory_space<vmem>> -> memref<8x8x128xf32, #tpu.memory_space<vmem>>
        %gather3A_808 = tpu.vector_load_idx %gather3A_807[%add3A_16, %and3A_4, %add3A_765] : memref<8x8x128xf32, #tpu.memory_space<vmem>>[vector<16xi32>, vector<16xi32>, vector<16xi32>], vector<16xf32>,
        %add3A_809 = arith.constant 16 : i32
        %add3A_810 = vector.broadcast %add3A_809 : i32 to vector<16xi32>
        %add3A_811 = arith.addi %add3A_810, %and3A_762 : vector<16xi32>
        %shift_right_arithmetic3A_812 = arith.constant 1 : i32
        %shift_right_arithmetic3A_813 = vector.broadcast %shift_right_arithmetic3A_812 : i32 to vector<16xi32>
        %shift_right_arithmetic3A_814 = arith.shrsi %add3A_811, %shift_right_arithmetic3A_813 : vector<16xi32>
        %shift_right_arithmetic3A_815 = arith.constant 3 : i32
        %shift_right_arithmetic3A_816 = vector.broadcast %shift_right_arithmetic3A_815 : i32 to vector<16xi32>
        %shift_right_arithmetic3A_817 = arith.shrsi %shift_right_arithmetic3A_814, %shift_right_arithmetic3A_816 : vector<16xi32>
        %and3A_818 = arith.constant 7 : i32
        %and3A_819 = vector.broadcast %and3A_818 : i32 to vector<16xi32>
        %and3A_820 = arith.andi %shift_right_arithmetic3A_814, %and3A_819 : vector<16xi32>
        %and3A_821 = arith.constant 1 : i32
        %and3A_822 = vector.broadcast %and3A_821 : i32 to vector<16xi32>
        %and3A_823 = arith.andi %add3A_811, %and3A_822 : vector<16xi32>
        %shift_left3A_824 = arith.constant 6 : i32
        %shift_left3A_825 = vector.broadcast %shift_left3A_824 : i32 to vector<16xi32>
        %shift_left3A_826 = arith.shli %and3A_823, %shift_left3A_825 : vector<16xi32>
        %add3A_827 = arith.addi %shift_left3A_826, %add3A_19 : vector<16xi32>
        %gather3A_828 = arith.constant 0 : i32
        %gather3A_829 = arith.constant 0 : i32
        %gather3A_830 = arith.constant 0 : i32
        %gather3A_831 = tpu.memref_slice %arg5[%and3A_165, %gather3A_828, %gather3A_829, %gather3A_830] : memref<4x8x8x128xf32, #tpu.memory_space<vmem>> -> memref<1x8x8x128xf32, #tpu.memory_space<vmem>>
        %gather3A_832 = tpu.memref_squeeze %gather3A_831 : memref<1x8x8x128xf32, #tpu.memory_space<vmem>> -> memref<8x8x128xf32, #tpu.memory_space<vmem>>
        %gather3A_833 = tpu.vector_load_idx %gather3A_832[%add3A_7, %and3A_4, %add3A_811] : memref<8x8x128xf32, #tpu.memory_space<vmem>>[vector<16xi32>, vector<16xi32>, vector<16xi32>], vector<16xf32>,
        %add3A_834 = arith.addi %shift_left3A_826, %add3A_22 : vector<16xi32>
        %gather3A_835 = arith.constant 0 : i32
        %gather3A_836 = arith.constant 0 : i32
        %gather3A_837 = arith.constant 0 : i32
        %gather3A_838 = tpu.memref_slice %arg5[%and3A_165, %gather3A_835, %gather3A_836, %gather3A_837] : memref<4x8x8x128xf32, #tpu.memory_space<vmem>> -> memref<1x8x8x128xf32, #tpu.memory_space<vmem>>
        %gather3A_839 = tpu.memref_squeeze %gather3A_838 : memref<1x8x8x128xf32, #tpu.memory_space<vmem>> -> memref<8x8x128xf32, #tpu.memory_space<vmem>>
        %gather3A_840 = tpu.vector_load_idx %gather3A_839[%add3A_10, %and3A_4, %add3A_811] : memref<8x8x128xf32, #tpu.memory_space<vmem>>[vector<16xi32>, vector<16xi32>, vector<16xi32>], vector<16xf32>,
        %add3A_841 = arith.addi %shift_left3A_826, %add3A_25 : vector<16xi32>
        %gather3A_842 = arith.constant 0 : i32
        %gather3A_843 = arith.constant 0 : i32
        %gather3A_844 = arith.constant 0 : i32
        %gather3A_845 = tpu.memref_slice %arg5[%and3A_165, %gather3A_842, %gather3A_843, %gather3A_844] : memref<4x8x8x128xf32, #tpu.memory_space<vmem>> -> memref<1x8x8x128xf32, #tpu.memory_space<vmem>>
        %gather3A_846 = tpu.memref_squeeze %gather3A_845 : memref<1x8x8x128xf32, #tpu.memory_space<vmem>> -> memref<8x8x128xf32, #tpu.memory_space<vmem>>
        %gather3A_847 = tpu.vector_load_idx %gather3A_846[%add3A_13, %and3A_4, %add3A_811] : memref<8x8x128xf32, #tpu.memory_space<vmem>>[vector<16xi32>, vector<16xi32>, vector<16xi32>], vector<16xf32>,
        %add3A_848 = arith.addi %shift_left3A_826, %add3A_28 : vector<16xi32>
        %gather3A_849 = arith.constant 0 : i32
        %gather3A_850 = arith.constant 0 : i32
        %gather3A_851 = arith.constant 0 : i32
        %gather3A_852 = tpu.memref_slice %arg5[%and3A_165, %gather3A_849, %gather3A_850, %gather3A_851] : memref<4x8x8x128xf32, #tpu.memory_space<vmem>> -> memref<1x8x8x128xf32, #tpu.memory_space<vmem>>
        %gather3A_853 = tpu.memref_squeeze %gather3A_852 : memref<1x8x8x128xf32, #tpu.memory_space<vmem>> -> memref<8x8x128xf32, #tpu.memory_space<vmem>>
        %gather3A_854 = tpu.vector_load_idx %gather3A_853[%add3A_16, %and3A_4, %add3A_811] : memref<8x8x128xf32, #tpu.memory_space<vmem>>[vector<16xi32>, vector<16xi32>, vector<16xi32>], vector<16xf32>,
        %scatter3A_855 = arith.constant 0 : i32
        %scatter3A_856 = arith.constant 0 : i32
        %scatter3A_857 = arith.constant 0 : i32
        %scatter3A_858 = tpu.memref_slice %arg6[%and3A_165, %scatter3A_855, %scatter3A_856, %scatter3A_857] : memref<4x8x8x128xf32, #tpu.memory_space<vmem>> -> memref<1x8x8x128xf32, #tpu.memory_space<vmem>>
        %scatter3A_859 = tpu.memref_squeeze %scatter3A_858 : memref<1x8x8x128xf32, #tpu.memory_space<vmem>> -> memref<8x8x128xf32, #tpu.memory_space<vmem>>
        tpu.vector_store_idx %scatter3A_859[%shift_right_arithmetic3A_771, %and3A_774, %add3A_781], %gather3A_787 : memref<8x8x128xf32, #tpu.memory_space<vmem>>[vector<16xi32>, vector<16xi32>, vector<16xi32>], vector<16xf32>,
        %scatter3A_860 = arith.constant 0 : i32
        %scatter3A_861 = arith.constant 0 : i32
        %scatter3A_862 = arith.constant 0 : i32
        %scatter3A_863 = tpu.memref_slice %arg6[%and3A_165, %scatter3A_860, %scatter3A_861, %scatter3A_862] : memref<4x8x8x128xf32, #tpu.memory_space<vmem>> -> memref<1x8x8x128xf32, #tpu.memory_space<vmem>>
        %scatter3A_864 = tpu.memref_squeeze %scatter3A_863 : memref<1x8x8x128xf32, #tpu.memory_space<vmem>> -> memref<8x8x128xf32, #tpu.memory_space<vmem>>
        tpu.vector_store_idx %scatter3A_864[%shift_right_arithmetic3A_771, %and3A_774, %add3A_788], %gather3A_794 : memref<8x8x128xf32, #tpu.memory_space<vmem>>[vector<16xi32>, vector<16xi32>, vector<16xi32>], vector<16xf32>,
        %scatter3A_865 = arith.constant 0 : i32
        %scatter3A_866 = arith.constant 0 : i32
        %scatter3A_867 = arith.constant 0 : i32
        %scatter3A_868 = tpu.memref_slice %arg6[%and3A_165, %scatter3A_865, %scatter3A_866, %scatter3A_867] : memref<4x8x8x128xf32, #tpu.memory_space<vmem>> -> memref<1x8x8x128xf32, #tpu.memory_space<vmem>>
        %scatter3A_869 = tpu.memref_squeeze %scatter3A_868 : memref<1x8x8x128xf32, #tpu.memory_space<vmem>> -> memref<8x8x128xf32, #tpu.memory_space<vmem>>
        tpu.vector_store_idx %scatter3A_869[%shift_right_arithmetic3A_771, %and3A_774, %add3A_795], %gather3A_801 : memref<8x8x128xf32, #tpu.memory_space<vmem>>[vector<16xi32>, vector<16xi32>, vector<16xi32>], vector<16xf32>,
        %scatter3A_870 = arith.constant 0 : i32
        %scatter3A_871 = arith.constant 0 : i32
        %scatter3A_872 = arith.constant 0 : i32
        %scatter3A_873 = tpu.memref_slice %arg6[%and3A_165, %scatter3A_870, %scatter3A_871, %scatter3A_872] : memref<4x8x8x128xf32, #tpu.memory_space<vmem>> -> memref<1x8x8x128xf32, #tpu.memory_space<vmem>>
        %scatter3A_874 = tpu.memref_squeeze %scatter3A_873 : memref<1x8x8x128xf32, #tpu.memory_space<vmem>> -> memref<8x8x128xf32, #tpu.memory_space<vmem>>
        tpu.vector_store_idx %scatter3A_874[%shift_right_arithmetic3A_771, %and3A_774, %add3A_802], %gather3A_808 : memref<8x8x128xf32, #tpu.memory_space<vmem>>[vector<16xi32>, vector<16xi32>, vector<16xi32>], vector<16xf32>,
        %scatter3A_875 = arith.constant 0 : i32
        %scatter3A_876 = arith.constant 0 : i32
        %scatter3A_877 = arith.constant 0 : i32
        %scatter3A_878 = tpu.memref_slice %arg6[%and3A_165, %scatter3A_875, %scatter3A_876, %scatter3A_877] : memref<4x8x8x128xf32, #tpu.memory_space<vmem>> -> memref<1x8x8x128xf32, #tpu.memory_space<vmem>>
        %scatter3A_879 = tpu.memref_squeeze %scatter3A_878 : memref<1x8x8x128xf32, #tpu.memory_space<vmem>> -> memref<8x8x128xf32, #tpu.memory_space<vmem>>
        tpu.vector_store_idx %scatter3A_879[%shift_right_arithmetic3A_817, %and3A_820, %add3A_827], %gather3A_833 : memref<8x8x128xf32, #tpu.memory_space<vmem>>[vector<16xi32>, vector<16xi32>, vector<16xi32>], vector<16xf32>,
        %scatter3A_880 = arith.constant 0 : i32
        %scatter3A_881 = arith.constant 0 : i32
        %scatter3A_882 = arith.constant 0 : i32
        %scatter3A_883 = tpu.memref_slice %arg6[%and3A_165, %scatter3A_880, %scatter3A_881, %scatter3A_882] : memref<4x8x8x128xf32, #tpu.memory_space<vmem>> -> memref<1x8x8x128xf32, #tpu.memory_space<vmem>>
        %scatter3A_884 = tpu.memref_squeeze %scatter3A_883 : memref<1x8x8x128xf32, #tpu.memory_space<vmem>> -> memref<8x8x128xf32, #tpu.memory_space<vmem>>
        tpu.vector_store_idx %scatter3A_884[%shift_right_arithmetic3A_817, %and3A_820, %add3A_834], %gather3A_840 : memref<8x8x128xf32, #tpu.memory_space<vmem>>[vector<16xi32>, vector<16xi32>, vector<16xi32>], vector<16xf32>,
        %scatter3A_885 = arith.constant 0 : i32
        %scatter3A_886 = arith.constant 0 : i32
        %scatter3A_887 = arith.constant 0 : i32
        %scatter3A_888 = tpu.memref_slice %arg6[%and3A_165, %scatter3A_885, %scatter3A_886, %scatter3A_887] : memref<4x8x8x128xf32, #tpu.memory_space<vmem>> -> memref<1x8x8x128xf32, #tpu.memory_space<vmem>>
        %scatter3A_889 = tpu.memref_squeeze %scatter3A_888 : memref<1x8x8x128xf32, #tpu.memory_space<vmem>> -> memref<8x8x128xf32, #tpu.memory_space<vmem>>
        tpu.vector_store_idx %scatter3A_889[%shift_right_arithmetic3A_817, %and3A_820, %add3A_841], %gather3A_847 : memref<8x8x128xf32, #tpu.memory_space<vmem>>[vector<16xi32>, vector<16xi32>, vector<16xi32>], vector<16xf32>,
        %scatter3A_890 = arith.constant 0 : i32
        %scatter3A_891 = arith.constant 0 : i32
        %scatter3A_892 = arith.constant 0 : i32
        %scatter3A_893 = tpu.memref_slice %arg6[%and3A_165, %scatter3A_890, %scatter3A_891, %scatter3A_892] : memref<4x8x8x128xf32, #tpu.memory_space<vmem>> -> memref<1x8x8x128xf32, #tpu.memory_space<vmem>>
        %scatter3A_894 = tpu.memref_squeeze %scatter3A_893 : memref<1x8x8x128xf32, #tpu.memory_space<vmem>> -> memref<8x8x128xf32, #tpu.memory_space<vmem>>
        tpu.vector_store_idx %scatter3A_894[%shift_right_arithmetic3A_817, %and3A_820, %add3A_848], %gather3A_854 : memref<8x8x128xf32, #tpu.memory_space<vmem>>[vector<16xi32>, vector<16xi32>, vector<16xi32>], vector<16xf32>,
        %add3A_895 = arith.constant 32 : i32
        %add3A_896 = vector.broadcast %add3A_895 : i32 to vector<16xi32>
        %add3A_897 = arith.addi %add3A_896, %and3A_762 : vector<16xi32>
        %shift_right_arithmetic3A_898 = arith.constant 1 : i32
        %shift_right_arithmetic3A_899 = vector.broadcast %shift_right_arithmetic3A_898 : i32 to vector<16xi32>
        %shift_right_arithmetic3A_900 = arith.shrsi %add3A_897, %shift_right_arithmetic3A_899 : vector<16xi32>
        %shift_right_arithmetic3A_901 = arith.constant 3 : i32
        %shift_right_arithmetic3A_902 = vector.broadcast %shift_right_arithmetic3A_901 : i32 to vector<16xi32>
        %shift_right_arithmetic3A_903 = arith.shrsi %shift_right_arithmetic3A_900, %shift_right_arithmetic3A_902 : vector<16xi32>
        %and3A_904 = arith.constant 7 : i32
        %and3A_905 = vector.broadcast %and3A_904 : i32 to vector<16xi32>
        %and3A_906 = arith.andi %shift_right_arithmetic3A_900, %and3A_905 : vector<16xi32>
        %and3A_907 = arith.constant 1 : i32
        %and3A_908 = vector.broadcast %and3A_907 : i32 to vector<16xi32>
        %and3A_909 = arith.andi %add3A_897, %and3A_908 : vector<16xi32>
        %shift_left3A_910 = arith.constant 6 : i32
        %shift_left3A_911 = vector.broadcast %shift_left3A_910 : i32 to vector<16xi32>
        %shift_left3A_912 = arith.shli %and3A_909, %shift_left3A_911 : vector<16xi32>
        %add3A_913 = arith.addi %shift_left3A_912, %add3A_19 : vector<16xi32>
        %gather3A_914 = arith.constant 0 : i32
        %gather3A_915 = arith.constant 0 : i32
        %gather3A_916 = arith.constant 0 : i32
        %gather3A_917 = tpu.memref_slice %arg5[%and3A_165, %gather3A_914, %gather3A_915, %gather3A_916] : memref<4x8x8x128xf32, #tpu.memory_space<vmem>> -> memref<1x8x8x128xf32, #tpu.memory_space<vmem>>
        %gather3A_918 = tpu.memref_squeeze %gather3A_917 : memref<1x8x8x128xf32, #tpu.memory_space<vmem>> -> memref<8x8x128xf32, #tpu.memory_space<vmem>>
        %gather3A_919 = tpu.vector_load_idx %gather3A_918[%add3A_7, %and3A_4, %add3A_897] : memref<8x8x128xf32, #tpu.memory_space<vmem>>[vector<16xi32>, vector<16xi32>, vector<16xi32>], vector<16xf32>,
        %add3A_920 = arith.addi %shift_left3A_912, %add3A_22 : vector<16xi32>
        %gather3A_921 = arith.constant 0 : i32
        %gather3A_922 = arith.constant 0 : i32
        %gather3A_923 = arith.constant 0 : i32
        %gather3A_924 = tpu.memref_slice %arg5[%and3A_165, %gather3A_921, %gather3A_922, %gather3A_923] : memref<4x8x8x128xf32, #tpu.memory_space<vmem>> -> memref<1x8x8x128xf32, #tpu.memory_space<vmem>>
        %gather3A_925 = tpu.memref_squeeze %gather3A_924 : memref<1x8x8x128xf32, #tpu.memory_space<vmem>> -> memref<8x8x128xf32, #tpu.memory_space<vmem>>
        %gather3A_926 = tpu.vector_load_idx %gather3A_925[%add3A_10, %and3A_4, %add3A_897] : memref<8x8x128xf32, #tpu.memory_space<vmem>>[vector<16xi32>, vector<16xi32>, vector<16xi32>], vector<16xf32>,
        %add3A_927 = arith.addi %shift_left3A_912, %add3A_25 : vector<16xi32>
        %gather3A_928 = arith.constant 0 : i32
        %gather3A_929 = arith.constant 0 : i32
        %gather3A_930 = arith.constant 0 : i32
        %gather3A_931 = tpu.memref_slice %arg5[%and3A_165, %gather3A_928, %gather3A_929, %gather3A_930] : memref<4x8x8x128xf32, #tpu.memory_space<vmem>> -> memref<1x8x8x128xf32, #tpu.memory_space<vmem>>
        %gather3A_932 = tpu.memref_squeeze %gather3A_931 : memref<1x8x8x128xf32, #tpu.memory_space<vmem>> -> memref<8x8x128xf32, #tpu.memory_space<vmem>>
        %gather3A_933 = tpu.vector_load_idx %gather3A_932[%add3A_13, %and3A_4, %add3A_897] : memref<8x8x128xf32, #tpu.memory_space<vmem>>[vector<16xi32>, vector<16xi32>, vector<16xi32>], vector<16xf32>,
        %add3A_934 = arith.addi %shift_left3A_912, %add3A_28 : vector<16xi32>
        %gather3A_935 = arith.constant 0 : i32
        %gather3A_936 = arith.constant 0 : i32
        %gather3A_937 = arith.constant 0 : i32
        %gather3A_938 = tpu.memref_slice %arg5[%and3A_165, %gather3A_935, %gather3A_936, %gather3A_937] : memref<4x8x8x128xf32, #tpu.memory_space<vmem>> -> memref<1x8x8x128xf32, #tpu.memory_space<vmem>>
        %gather3A_939 = tpu.memref_squeeze %gather3A_938 : memref<1x8x8x128xf32, #tpu.memory_space<vmem>> -> memref<8x8x128xf32, #tpu.memory_space<vmem>>
        %gather3A_940 = tpu.vector_load_idx %gather3A_939[%add3A_16, %and3A_4, %add3A_897] : memref<8x8x128xf32, #tpu.memory_space<vmem>>[vector<16xi32>, vector<16xi32>, vector<16xi32>], vector<16xf32>,
        %add3A_941 = arith.constant 48 : i32
        %add3A_942 = vector.broadcast %add3A_941 : i32 to vector<16xi32>
        %add3A_943 = arith.addi %add3A_942, %and3A_762 : vector<16xi32>
        %shift_right_arithmetic3A_944 = arith.constant 1 : i32
        %shift_right_arithmetic3A_945 = vector.broadcast %shift_right_arithmetic3A_944 : i32 to vector<16xi32>
        %shift_right_arithmetic3A_946 = arith.shrsi %add3A_943, %shift_right_arithmetic3A_945 : vector<16xi32>
        %shift_right_arithmetic3A_947 = arith.constant 3 : i32
        %shift_right_arithmetic3A_948 = vector.broadcast %shift_right_arithmetic3A_947 : i32 to vector<16xi32>
        %shift_right_arithmetic3A_949 = arith.shrsi %shift_right_arithmetic3A_946, %shift_right_arithmetic3A_948 : vector<16xi32>
        %and3A_950 = arith.constant 7 : i32
        %and3A_951 = vector.broadcast %and3A_950 : i32 to vector<16xi32>
        %and3A_952 = arith.andi %shift_right_arithmetic3A_946, %and3A_951 : vector<16xi32>
        %and3A_953 = arith.constant 1 : i32
        %and3A_954 = vector.broadcast %and3A_953 : i32 to vector<16xi32>
        %and3A_955 = arith.andi %add3A_943, %and3A_954 : vector<16xi32>
        %shift_left3A_956 = arith.constant 6 : i32
        %shift_left3A_957 = vector.broadcast %shift_left3A_956 : i32 to vector<16xi32>
        %shift_left3A_958 = arith.shli %and3A_955, %shift_left3A_957 : vector<16xi32>
        %add3A_959 = arith.addi %shift_left3A_958, %add3A_19 : vector<16xi32>
        %gather3A_960 = arith.constant 0 : i32
        %gather3A_961 = arith.constant 0 : i32
        %gather3A_962 = arith.constant 0 : i32
        %gather3A_963 = tpu.memref_slice %arg5[%and3A_165, %gather3A_960, %gather3A_961, %gather3A_962] : memref<4x8x8x128xf32, #tpu.memory_space<vmem>> -> memref<1x8x8x128xf32, #tpu.memory_space<vmem>>
        %gather3A_964 = tpu.memref_squeeze %gather3A_963 : memref<1x8x8x128xf32, #tpu.memory_space<vmem>> -> memref<8x8x128xf32, #tpu.memory_space<vmem>>
        %gather3A_965 = tpu.vector_load_idx %gather3A_964[%add3A_7, %and3A_4, %add3A_943] : memref<8x8x128xf32, #tpu.memory_space<vmem>>[vector<16xi32>, vector<16xi32>, vector<16xi32>], vector<16xf32>,
        %add3A_966 = arith.addi %shift_left3A_958, %add3A_22 : vector<16xi32>
        %gather3A_967 = arith.constant 0 : i32
        %gather3A_968 = arith.constant 0 : i32
        %gather3A_969 = arith.constant 0 : i32
        %gather3A_970 = tpu.memref_slice %arg5[%and3A_165, %gather3A_967, %gather3A_968, %gather3A_969] : memref<4x8x8x128xf32, #tpu.memory_space<vmem>> -> memref<1x8x8x128xf32, #tpu.memory_space<vmem>>
        %gather3A_971 = tpu.memref_squeeze %gather3A_970 : memref<1x8x8x128xf32, #tpu.memory_space<vmem>> -> memref<8x8x128xf32, #tpu.memory_space<vmem>>
        %gather3A_972 = tpu.vector_load_idx %gather3A_971[%add3A_10, %and3A_4, %add3A_943] : memref<8x8x128xf32, #tpu.memory_space<vmem>>[vector<16xi32>, vector<16xi32>, vector<16xi32>], vector<16xf32>,
        %add3A_973 = arith.addi %shift_left3A_958, %add3A_25 : vector<16xi32>
        %gather3A_974 = arith.constant 0 : i32
        %gather3A_975 = arith.constant 0 : i32
        %gather3A_976 = arith.constant 0 : i32
        %gather3A_977 = tpu.memref_slice %arg5[%and3A_165, %gather3A_974, %gather3A_975, %gather3A_976] : memref<4x8x8x128xf32, #tpu.memory_space<vmem>> -> memref<1x8x8x128xf32, #tpu.memory_space<vmem>>
        %gather3A_978 = tpu.memref_squeeze %gather3A_977 : memref<1x8x8x128xf32, #tpu.memory_space<vmem>> -> memref<8x8x128xf32, #tpu.memory_space<vmem>>
        %gather3A_979 = tpu.vector_load_idx %gather3A_978[%add3A_13, %and3A_4, %add3A_943] : memref<8x8x128xf32, #tpu.memory_space<vmem>>[vector<16xi32>, vector<16xi32>, vector<16xi32>], vector<16xf32>,
        %add3A_980 = arith.addi %shift_left3A_958, %add3A_28 : vector<16xi32>
        %gather3A_981 = arith.constant 0 : i32
        %gather3A_982 = arith.constant 0 : i32
        %gather3A_983 = arith.constant 0 : i32
        %gather3A_984 = tpu.memref_slice %arg5[%and3A_165, %gather3A_981, %gather3A_982, %gather3A_983] : memref<4x8x8x128xf32, #tpu.memory_space<vmem>> -> memref<1x8x8x128xf32, #tpu.memory_space<vmem>>
        %gather3A_985 = tpu.memref_squeeze %gather3A_984 : memref<1x8x8x128xf32, #tpu.memory_space<vmem>> -> memref<8x8x128xf32, #tpu.memory_space<vmem>>
        %gather3A_986 = tpu.vector_load_idx %gather3A_985[%add3A_16, %and3A_4, %add3A_943] : memref<8x8x128xf32, #tpu.memory_space<vmem>>[vector<16xi32>, vector<16xi32>, vector<16xi32>], vector<16xf32>,
        %scatter3A_987 = arith.constant 0 : i32
        %scatter3A_988 = arith.constant 0 : i32
        %scatter3A_989 = arith.constant 0 : i32
        %scatter3A_990 = tpu.memref_slice %arg6[%and3A_165, %scatter3A_987, %scatter3A_988, %scatter3A_989] : memref<4x8x8x128xf32, #tpu.memory_space<vmem>> -> memref<1x8x8x128xf32, #tpu.memory_space<vmem>>
        %scatter3A_991 = tpu.memref_squeeze %scatter3A_990 : memref<1x8x8x128xf32, #tpu.memory_space<vmem>> -> memref<8x8x128xf32, #tpu.memory_space<vmem>>
        tpu.vector_store_idx %scatter3A_991[%shift_right_arithmetic3A_903, %and3A_906, %add3A_913], %gather3A_919 : memref<8x8x128xf32, #tpu.memory_space<vmem>>[vector<16xi32>, vector<16xi32>, vector<16xi32>], vector<16xf32>,
        %scatter3A_992 = arith.constant 0 : i32
        %scatter3A_993 = arith.constant 0 : i32
        %scatter3A_994 = arith.constant 0 : i32
        %scatter3A_995 = tpu.memref_slice %arg6[%and3A_165, %scatter3A_992, %scatter3A_993, %scatter3A_994] : memref<4x8x8x128xf32, #tpu.memory_space<vmem>> -> memref<1x8x8x128xf32, #tpu.memory_space<vmem>>
        %scatter3A_996 = tpu.memref_squeeze %scatter3A_995 : memref<1x8x8x128xf32, #tpu.memory_space<vmem>> -> memref<8x8x128xf32, #tpu.memory_space<vmem>>
        tpu.vector_store_idx %scatter3A_996[%shift_right_arithmetic3A_903, %and3A_906, %add3A_920], %gather3A_926 : memref<8x8x128xf32, #tpu.memory_space<vmem>>[vector<16xi32>, vector<16xi32>, vector<16xi32>], vector<16xf32>,
        %scatter3A_997 = arith.constant 0 : i32
        %scatter3A_998 = arith.constant 0 : i32
        %scatter3A_999 = arith.constant 0 : i32
        %scatter3A_1000 = tpu.memref_slice %arg6[%and3A_165, %scatter3A_997, %scatter3A_998, %scatter3A_999] : memref<4x8x8x128xf32, #tpu.memory_space<vmem>> -> memref<1x8x8x128xf32, #tpu.memory_space<vmem>>
        %scatter3A_1001 = tpu.memref_squeeze %scatter3A_1000 : memref<1x8x8x128xf32, #tpu.memory_space<vmem>> -> memref<8x8x128xf32, #tpu.memory_space<vmem>>
        tpu.vector_store_idx %scatter3A_1001[%shift_right_arithmetic3A_903, %and3A_906, %add3A_927], %gather3A_933 : memref<8x8x128xf32, #tpu.memory_space<vmem>>[vector<16xi32>, vector<16xi32>, vector<16xi32>], vector<16xf32>,
        %scatter3A_1002 = arith.constant 0 : i32
        %scatter3A_1003 = arith.constant 0 : i32
        %scatter3A_1004 = arith.constant 0 : i32
        %scatter3A_1005 = tpu.memref_slice %arg6[%and3A_165, %scatter3A_1002, %scatter3A_1003, %scatter3A_1004] : memref<4x8x8x128xf32, #tpu.memory_space<vmem>> -> memref<1x8x8x128xf32, #tpu.memory_space<vmem>>
        %scatter3A_1006 = tpu.memref_squeeze %scatter3A_1005 : memref<1x8x8x128xf32, #tpu.memory_space<vmem>> -> memref<8x8x128xf32, #tpu.memory_space<vmem>>
        tpu.vector_store_idx %scatter3A_1006[%shift_right_arithmetic3A_903, %and3A_906, %add3A_934], %gather3A_940 : memref<8x8x128xf32, #tpu.memory_space<vmem>>[vector<16xi32>, vector<16xi32>, vector<16xi32>], vector<16xf32>,
        %scatter3A_1007 = arith.constant 0 : i32
        %scatter3A_1008 = arith.constant 0 : i32
        %scatter3A_1009 = arith.constant 0 : i32
        %scatter3A_1010 = tpu.memref_slice %arg6[%and3A_165, %scatter3A_1007, %scatter3A_1008, %scatter3A_1009] : memref<4x8x8x128xf32, #tpu.memory_space<vmem>> -> memref<1x8x8x128xf32, #tpu.memory_space<vmem>>
        %scatter3A_1011 = tpu.memref_squeeze %scatter3A_1010 : memref<1x8x8x128xf32, #tpu.memory_space<vmem>> -> memref<8x8x128xf32, #tpu.memory_space<vmem>>
        tpu.vector_store_idx %scatter3A_1011[%shift_right_arithmetic3A_949, %and3A_952, %add3A_959], %gather3A_965 : memref<8x8x128xf32, #tpu.memory_space<vmem>>[vector<16xi32>, vector<16xi32>, vector<16xi32>], vector<16xf32>,
        %scatter3A_1012 = arith.constant 0 : i32
        %scatter3A_1013 = arith.constant 0 : i32
        %scatter3A_1014 = arith.constant 0 : i32
        %scatter3A_1015 = tpu.memref_slice %arg6[%and3A_165, %scatter3A_1012, %scatter3A_1013, %scatter3A_1014] : memref<4x8x8x128xf32, #tpu.memory_space<vmem>> -> memref<1x8x8x128xf32, #tpu.memory_space<vmem>>
        %scatter3A_1016 = tpu.memref_squeeze %scatter3A_1015 : memref<1x8x8x128xf32, #tpu.memory_space<vmem>> -> memref<8x8x128xf32, #tpu.memory_space<vmem>>
        tpu.vector_store_idx %scatter3A_1016[%shift_right_arithmetic3A_949, %and3A_952, %add3A_966], %gather3A_972 : memref<8x8x128xf32, #tpu.memory_space<vmem>>[vector<16xi32>, vector<16xi32>, vector<16xi32>], vector<16xf32>,
        %scatter3A_1017 = arith.constant 0 : i32
        %scatter3A_1018 = arith.constant 0 : i32
        %scatter3A_1019 = arith.constant 0 : i32
        %scatter3A_1020 = tpu.memref_slice %arg6[%and3A_165, %scatter3A_1017, %scatter3A_1018, %scatter3A_1019] : memref<4x8x8x128xf32, #tpu.memory_space<vmem>> -> memref<1x8x8x128xf32, #tpu.memory_space<vmem>>
        %scatter3A_1021 = tpu.memref_squeeze %scatter3A_1020 : memref<1x8x8x128xf32, #tpu.memory_space<vmem>> -> memref<8x8x128xf32, #tpu.memory_space<vmem>>
        tpu.vector_store_idx %scatter3A_1021[%shift_right_arithmetic3A_949, %and3A_952, %add3A_973], %gather3A_979 : memref<8x8x128xf32, #tpu.memory_space<vmem>>[vector<16xi32>, vector<16xi32>, vector<16xi32>], vector<16xf32>,
        %scatter3A_1022 = arith.constant 0 : i32
        %scatter3A_1023 = arith.constant 0 : i32
        %scatter3A_1024 = arith.constant 0 : i32
        %scatter3A_1025 = tpu.memref_slice %arg6[%and3A_165, %scatter3A_1022, %scatter3A_1023, %scatter3A_1024] : memref<4x8x8x128xf32, #tpu.memory_space<vmem>> -> memref<1x8x8x128xf32, #tpu.memory_space<vmem>>
        %scatter3A_1026 = tpu.memref_squeeze %scatter3A_1025 : memref<1x8x8x128xf32, #tpu.memory_space<vmem>> -> memref<8x8x128xf32, #tpu.memory_space<vmem>>
        tpu.vector_store_idx %scatter3A_1026[%shift_right_arithmetic3A_949, %and3A_952, %add3A_980], %gather3A_986 : memref<8x8x128xf32, #tpu.memory_space<vmem>>[vector<16xi32>, vector<16xi32>, vector<16xi32>], vector<16xf32>,
        %add3A_1027 = arith.constant 64 : i32
        %add3A_1028 = vector.broadcast %add3A_1027 : i32 to vector<16xi32>
        %add3A_1029 = arith.addi %add3A_1028, %and3A_762 : vector<16xi32>
        %shift_right_arithmetic3A_1030 = arith.constant 1 : i32
        %shift_right_arithmetic3A_1031 = vector.broadcast %shift_right_arithmetic3A_1030 : i32 to vector<16xi32>
        %shift_right_arithmetic3A_1032 = arith.shrsi %add3A_1029, %shift_right_arithmetic3A_1031 : vector<16xi32>
        %shift_right_arithmetic3A_1033 = arith.constant 3 : i32
        %shift_right_arithmetic3A_1034 = vector.broadcast %shift_right_arithmetic3A_1033 : i32 to vector<16xi32>
        %shift_right_arithmetic3A_1035 = arith.shrsi %shift_right_arithmetic3A_1032, %shift_right_arithmetic3A_1034 : vector<16xi32>
        %and3A_1036 = arith.constant 7 : i32
        %and3A_1037 = vector.broadcast %and3A_1036 : i32 to vector<16xi32>
        %and3A_1038 = arith.andi %shift_right_arithmetic3A_1032, %and3A_1037 : vector<16xi32>
        %and3A_1039 = arith.constant 1 : i32
        %and3A_1040 = vector.broadcast %and3A_1039 : i32 to vector<16xi32>
        %and3A_1041 = arith.andi %add3A_1029, %and3A_1040 : vector<16xi32>
        %shift_left3A_1042 = arith.constant 6 : i32
        %shift_left3A_1043 = vector.broadcast %shift_left3A_1042 : i32 to vector<16xi32>
        %shift_left3A_1044 = arith.shli %and3A_1041, %shift_left3A_1043 : vector<16xi32>
        %add3A_1045 = arith.addi %shift_left3A_1044, %add3A_19 : vector<16xi32>
        %gather3A_1046 = arith.constant 0 : i32
        %gather3A_1047 = arith.constant 0 : i32
        %gather3A_1048 = arith.constant 0 : i32
        %gather3A_1049 = tpu.memref_slice %arg5[%and3A_165, %gather3A_1046, %gather3A_1047, %gather3A_1048] : memref<4x8x8x128xf32, #tpu.memory_space<vmem>> -> memref<1x8x8x128xf32, #tpu.memory_space<vmem>>
        %gather3A_1050 = tpu.memref_squeeze %gather3A_1049 : memref<1x8x8x128xf32, #tpu.memory_space<vmem>> -> memref<8x8x128xf32, #tpu.memory_space<vmem>>
        %gather3A_1051 = tpu.vector_load_idx %gather3A_1050[%add3A_7, %and3A_4, %add3A_1029] : memref<8x8x128xf32, #tpu.memory_space<vmem>>[vector<16xi32>, vector<16xi32>, vector<16xi32>], vector<16xf32>,
        %add3A_1052 = arith.addi %shift_left3A_1044, %add3A_22 : vector<16xi32>
        %gather3A_1053 = arith.constant 0 : i32
        %gather3A_1054 = arith.constant 0 : i32
        %gather3A_1055 = arith.constant 0 : i32
        %gather3A_1056 = tpu.memref_slice %arg5[%and3A_165, %gather3A_1053, %gather3A_1054, %gather3A_1055] : memref<4x8x8x128xf32, #tpu.memory_space<vmem>> -> memref<1x8x8x128xf32, #tpu.memory_space<vmem>>
        %gather3A_1057 = tpu.memref_squeeze %gather3A_1056 : memref<1x8x8x128xf32, #tpu.memory_space<vmem>> -> memref<8x8x128xf32, #tpu.memory_space<vmem>>
        %gather3A_1058 = tpu.vector_load_idx %gather3A_1057[%add3A_10, %and3A_4, %add3A_1029] : memref<8x8x128xf32, #tpu.memory_space<vmem>>[vector<16xi32>, vector<16xi32>, vector<16xi32>], vector<16xf32>,
        %add3A_1059 = arith.addi %shift_left3A_1044, %add3A_25 : vector<16xi32>
        %gather3A_1060 = arith.constant 0 : i32
        %gather3A_1061 = arith.constant 0 : i32
        %gather3A_1062 = arith.constant 0 : i32
        %gather3A_1063 = tpu.memref_slice %arg5[%and3A_165, %gather3A_1060, %gather3A_1061, %gather3A_1062] : memref<4x8x8x128xf32, #tpu.memory_space<vmem>> -> memref<1x8x8x128xf32, #tpu.memory_space<vmem>>
        %gather3A_1064 = tpu.memref_squeeze %gather3A_1063 : memref<1x8x8x128xf32, #tpu.memory_space<vmem>> -> memref<8x8x128xf32, #tpu.memory_space<vmem>>
        %gather3A_1065 = tpu.vector_load_idx %gather3A_1064[%add3A_13, %and3A_4, %add3A_1029] : memref<8x8x128xf32, #tpu.memory_space<vmem>>[vector<16xi32>, vector<16xi32>, vector<16xi32>], vector<16xf32>,
        %add3A_1066 = arith.addi %shift_left3A_1044, %add3A_28 : vector<16xi32>
        %gather3A_1067 = arith.constant 0 : i32
        %gather3A_1068 = arith.constant 0 : i32
        %gather3A_1069 = arith.constant 0 : i32
        %gather3A_1070 = tpu.memref_slice %arg5[%and3A_165, %gather3A_1067, %gather3A_1068, %gather3A_1069] : memref<4x8x8x128xf32, #tpu.memory_space<vmem>> -> memref<1x8x8x128xf32, #tpu.memory_space<vmem>>
        %gather3A_1071 = tpu.memref_squeeze %gather3A_1070 : memref<1x8x8x128xf32, #tpu.memory_space<vmem>> -> memref<8x8x128xf32, #tpu.memory_space<vmem>>
        %gather3A_1072 = tpu.vector_load_idx %gather3A_1071[%add3A_16, %and3A_4, %add3A_1029] : memref<8x8x128xf32, #tpu.memory_space<vmem>>[vector<16xi32>, vector<16xi32>, vector<16xi32>], vector<16xf32>,
        %add3A_1073 = arith.constant 80 : i32
        %add3A_1074 = vector.broadcast %add3A_1073 : i32 to vector<16xi32>
        %add3A_1075 = arith.addi %add3A_1074, %and3A_762 : vector<16xi32>
        %shift_right_arithmetic3A_1076 = arith.constant 1 : i32
        %shift_right_arithmetic3A_1077 = vector.broadcast %shift_right_arithmetic3A_1076 : i32 to vector<16xi32>
        %shift_right_arithmetic3A_1078 = arith.shrsi %add3A_1075, %shift_right_arithmetic3A_1077 : vector<16xi32>
        %shift_right_arithmetic3A_1079 = arith.constant 3 : i32
        %shift_right_arithmetic3A_1080 = vector.broadcast %shift_right_arithmetic3A_1079 : i32 to vector<16xi32>
        %shift_right_arithmetic3A_1081 = arith.shrsi %shift_right_arithmetic3A_1078, %shift_right_arithmetic3A_1080 : vector<16xi32>
        %and3A_1082 = arith.constant 7 : i32
        %and3A_1083 = vector.broadcast %and3A_1082 : i32 to vector<16xi32>
        %and3A_1084 = arith.andi %shift_right_arithmetic3A_1078, %and3A_1083 : vector<16xi32>
        %and3A_1085 = arith.constant 1 : i32
        %and3A_1086 = vector.broadcast %and3A_1085 : i32 to vector<16xi32>
        %and3A_1087 = arith.andi %add3A_1075, %and3A_1086 : vector<16xi32>
        %shift_left3A_1088 = arith.constant 6 : i32
        %shift_left3A_1089 = vector.broadcast %shift_left3A_1088 : i32 to vector<16xi32>
        %shift_left3A_1090 = arith.shli %and3A_1087, %shift_left3A_1089 : vector<16xi32>
        %add3A_1091 = arith.addi %shift_left3A_1090, %add3A_19 : vector<16xi32>
        %gather3A_1092 = arith.constant 0 : i32
        %gather3A_1093 = arith.constant 0 : i32
        %gather3A_1094 = arith.constant 0 : i32
        %gather3A_1095 = tpu.memref_slice %arg5[%and3A_165, %gather3A_1092, %gather3A_1093, %gather3A_1094] : memref<4x8x8x128xf32, #tpu.memory_space<vmem>> -> memref<1x8x8x128xf32, #tpu.memory_space<vmem>>
        %gather3A_1096 = tpu.memref_squeeze %gather3A_1095 : memref<1x8x8x128xf32, #tpu.memory_space<vmem>> -> memref<8x8x128xf32, #tpu.memory_space<vmem>>
        %gather3A_1097 = tpu.vector_load_idx %gather3A_1096[%add3A_7, %and3A_4, %add3A_1075] : memref<8x8x128xf32, #tpu.memory_space<vmem>>[vector<16xi32>, vector<16xi32>, vector<16xi32>], vector<16xf32>,
        %add3A_1098 = arith.addi %shift_left3A_1090, %add3A_22 : vector<16xi32>
        %gather3A_1099 = arith.constant 0 : i32
        %gather3A_1100 = arith.constant 0 : i32
        %gather3A_1101 = arith.constant 0 : i32
        %gather3A_1102 = tpu.memref_slice %arg5[%and3A_165, %gather3A_1099, %gather3A_1100, %gather3A_1101] : memref<4x8x8x128xf32, #tpu.memory_space<vmem>> -> memref<1x8x8x128xf32, #tpu.memory_space<vmem>>
        %gather3A_1103 = tpu.memref_squeeze %gather3A_1102 : memref<1x8x8x128xf32, #tpu.memory_space<vmem>> -> memref<8x8x128xf32, #tpu.memory_space<vmem>>
        %gather3A_1104 = tpu.vector_load_idx %gather3A_1103[%add3A_10, %and3A_4, %add3A_1075] : memref<8x8x128xf32, #tpu.memory_space<vmem>>[vector<16xi32>, vector<16xi32>, vector<16xi32>], vector<16xf32>,
        %add3A_1105 = arith.addi %shift_left3A_1090, %add3A_25 : vector<16xi32>
        %gather3A_1106 = arith.constant 0 : i32
        %gather3A_1107 = arith.constant 0 : i32
        %gather3A_1108 = arith.constant 0 : i32
        %gather3A_1109 = tpu.memref_slice %arg5[%and3A_165, %gather3A_1106, %gather3A_1107, %gather3A_1108] : memref<4x8x8x128xf32, #tpu.memory_space<vmem>> -> memref<1x8x8x128xf32, #tpu.memory_space<vmem>>
        %gather3A_1110 = tpu.memref_squeeze %gather3A_1109 : memref<1x8x8x128xf32, #tpu.memory_space<vmem>> -> memref<8x8x128xf32, #tpu.memory_space<vmem>>
        %gather3A_1111 = tpu.vector_load_idx %gather3A_1110[%add3A_13, %and3A_4, %add3A_1075] : memref<8x8x128xf32, #tpu.memory_space<vmem>>[vector<16xi32>, vector<16xi32>, vector<16xi32>], vector<16xf32>,
        %add3A_1112 = arith.addi %shift_left3A_1090, %add3A_28 : vector<16xi32>
        %gather3A_1113 = arith.constant 0 : i32
        %gather3A_1114 = arith.constant 0 : i32
        %gather3A_1115 = arith.constant 0 : i32
        %gather3A_1116 = tpu.memref_slice %arg5[%and3A_165, %gather3A_1113, %gather3A_1114, %gather3A_1115] : memref<4x8x8x128xf32, #tpu.memory_space<vmem>> -> memref<1x8x8x128xf32, #tpu.memory_space<vmem>>
        %gather3A_1117 = tpu.memref_squeeze %gather3A_1116 : memref<1x8x8x128xf32, #tpu.memory_space<vmem>> -> memref<8x8x128xf32, #tpu.memory_space<vmem>>
        %gather3A_1118 = tpu.vector_load_idx %gather3A_1117[%add3A_16, %and3A_4, %add3A_1075] : memref<8x8x128xf32, #tpu.memory_space<vmem>>[vector<16xi32>, vector<16xi32>, vector<16xi32>], vector<16xf32>,
        %scatter3A_1119 = arith.constant 0 : i32
        %scatter3A_1120 = arith.constant 0 : i32
        %scatter3A_1121 = arith.constant 0 : i32
        %scatter3A_1122 = tpu.memref_slice %arg6[%and3A_165, %scatter3A_1119, %scatter3A_1120, %scatter3A_1121] : memref<4x8x8x128xf32, #tpu.memory_space<vmem>> -> memref<1x8x8x128xf32, #tpu.memory_space<vmem>>
        %scatter3A_1123 = tpu.memref_squeeze %scatter3A_1122 : memref<1x8x8x128xf32, #tpu.memory_space<vmem>> -> memref<8x8x128xf32, #tpu.memory_space<vmem>>
        tpu.vector_store_idx %scatter3A_1123[%shift_right_arithmetic3A_1035, %and3A_1038, %add3A_1045], %gather3A_1051 : memref<8x8x128xf32, #tpu.memory_space<vmem>>[vector<16xi32>, vector<16xi32>, vector<16xi32>], vector<16xf32>,
        %scatter3A_1124 = arith.constant 0 : i32
        %scatter3A_1125 = arith.constant 0 : i32
        %scatter3A_1126 = arith.constant 0 : i32
        %scatter3A_1127 = tpu.memref_slice %arg6[%and3A_165, %scatter3A_1124, %scatter3A_1125, %scatter3A_1126] : memref<4x8x8x128xf32, #tpu.memory_space<vmem>> -> memref<1x8x8x128xf32, #tpu.memory_space<vmem>>
        %scatter3A_1128 = tpu.memref_squeeze %scatter3A_1127 : memref<1x8x8x128xf32, #tpu.memory_space<vmem>> -> memref<8x8x128xf32, #tpu.memory_space<vmem>>
        tpu.vector_store_idx %scatter3A_1128[%shift_right_arithmetic3A_1035, %and3A_1038, %add3A_1052], %gather3A_1058 : memref<8x8x128xf32, #tpu.memory_space<vmem>>[vector<16xi32>, vector<16xi32>, vector<16xi32>], vector<16xf32>,
        %scatter3A_1129 = arith.constant 0 : i32
        %scatter3A_1130 = arith.constant 0 : i32
        %scatter3A_1131 = arith.constant 0 : i32
        %scatter3A_1132 = tpu.memref_slice %arg6[%and3A_165, %scatter3A_1129, %scatter3A_1130, %scatter3A_1131] : memref<4x8x8x128xf32, #tpu.memory_space<vmem>> -> memref<1x8x8x128xf32, #tpu.memory_space<vmem>>
        %scatter3A_1133 = tpu.memref_squeeze %scatter3A_1132 : memref<1x8x8x128xf32, #tpu.memory_space<vmem>> -> memref<8x8x128xf32, #tpu.memory_space<vmem>>
        tpu.vector_store_idx %scatter3A_1133[%shift_right_arithmetic3A_1035, %and3A_1038, %add3A_1059], %gather3A_1065 : memref<8x8x128xf32, #tpu.memory_space<vmem>>[vector<16xi32>, vector<16xi32>, vector<16xi32>], vector<16xf32>,
        %scatter3A_1134 = arith.constant 0 : i32
        %scatter3A_1135 = arith.constant 0 : i32
        %scatter3A_1136 = arith.constant 0 : i32
        %scatter3A_1137 = tpu.memref_slice %arg6[%and3A_165, %scatter3A_1134, %scatter3A_1135, %scatter3A_1136] : memref<4x8x8x128xf32, #tpu.memory_space<vmem>> -> memref<1x8x8x128xf32, #tpu.memory_space<vmem>>
        %scatter3A_1138 = tpu.memref_squeeze %scatter3A_1137 : memref<1x8x8x128xf32, #tpu.memory_space<vmem>> -> memref<8x8x128xf32, #tpu.memory_space<vmem>>
        tpu.vector_store_idx %scatter3A_1138[%shift_right_arithmetic3A_1035, %and3A_1038, %add3A_1066], %gather3A_1072 : memref<8x8x128xf32, #tpu.memory_space<vmem>>[vector<16xi32>, vector<16xi32>, vector<16xi32>], vector<16xf32>,
        %scatter3A_1139 = arith.constant 0 : i32
        %scatter3A_1140 = arith.constant 0 : i32
        %scatter3A_1141 = arith.constant 0 : i32
        %scatter3A_1142 = tpu.memref_slice %arg6[%and3A_165, %scatter3A_1139, %scatter3A_1140, %scatter3A_1141] : memref<4x8x8x128xf32, #tpu.memory_space<vmem>> -> memref<1x8x8x128xf32, #tpu.memory_space<vmem>>
        %scatter3A_1143 = tpu.memref_squeeze %scatter3A_1142 : memref<1x8x8x128xf32, #tpu.memory_space<vmem>> -> memref<8x8x128xf32, #tpu.memory_space<vmem>>
        tpu.vector_store_idx %scatter3A_1143[%shift_right_arithmetic3A_1081, %and3A_1084, %add3A_1091], %gather3A_1097 : memref<8x8x128xf32, #tpu.memory_space<vmem>>[vector<16xi32>, vector<16xi32>, vector<16xi32>], vector<16xf32>,
        %scatter3A_1144 = arith.constant 0 : i32
        %scatter3A_1145 = arith.constant 0 : i32
        %scatter3A_1146 = arith.constant 0 : i32
        %scatter3A_1147 = tpu.memref_slice %arg6[%and3A_165, %scatter3A_1144, %scatter3A_1145, %scatter3A_1146] : memref<4x8x8x128xf32, #tpu.memory_space<vmem>> -> memref<1x8x8x128xf32, #tpu.memory_space<vmem>>
        %scatter3A_1148 = tpu.memref_squeeze %scatter3A_1147 : memref<1x8x8x128xf32, #tpu.memory_space<vmem>> -> memref<8x8x128xf32, #tpu.memory_space<vmem>>
        tpu.vector_store_idx %scatter3A_1148[%shift_right_arithmetic3A_1081, %and3A_1084, %add3A_1098], %gather3A_1104 : memref<8x8x128xf32, #tpu.memory_space<vmem>>[vector<16xi32>, vector<16xi32>, vector<16xi32>], vector<16xf32>,
        %scatter3A_1149 = arith.constant 0 : i32
        %scatter3A_1150 = arith.constant 0 : i32
        %scatter3A_1151 = arith.constant 0 : i32
        %scatter3A_1152 = tpu.memref_slice %arg6[%and3A_165, %scatter3A_1149, %scatter3A_1150, %scatter3A_1151] : memref<4x8x8x128xf32, #tpu.memory_space<vmem>> -> memref<1x8x8x128xf32, #tpu.memory_space<vmem>>
        %scatter3A_1153 = tpu.memref_squeeze %scatter3A_1152 : memref<1x8x8x128xf32, #tpu.memory_space<vmem>> -> memref<8x8x128xf32, #tpu.memory_space<vmem>>
        tpu.vector_store_idx %scatter3A_1153[%shift_right_arithmetic3A_1081, %and3A_1084, %add3A_1105], %gather3A_1111 : memref<8x8x128xf32, #tpu.memory_space<vmem>>[vector<16xi32>, vector<16xi32>, vector<16xi32>], vector<16xf32>,
        %scatter3A_1154 = arith.constant 0 : i32
        %scatter3A_1155 = arith.constant 0 : i32
        %scatter3A_1156 = arith.constant 0 : i32
        %scatter3A_1157 = tpu.memref_slice %arg6[%and3A_165, %scatter3A_1154, %scatter3A_1155, %scatter3A_1156] : memref<4x8x8x128xf32, #tpu.memory_space<vmem>> -> memref<1x8x8x128xf32, #tpu.memory_space<vmem>>
        %scatter3A_1158 = tpu.memref_squeeze %scatter3A_1157 : memref<1x8x8x128xf32, #tpu.memory_space<vmem>> -> memref<8x8x128xf32, #tpu.memory_space<vmem>>
        tpu.vector_store_idx %scatter3A_1158[%shift_right_arithmetic3A_1081, %and3A_1084, %add3A_1112], %gather3A_1118 : memref<8x8x128xf32, #tpu.memory_space<vmem>>[vector<16xi32>, vector<16xi32>, vector<16xi32>], vector<16xf32>,
        %add3A_1159 = arith.constant 96 : i32
        %add3A_1160 = vector.broadcast %add3A_1159 : i32 to vector<16xi32>
        %add3A_1161 = arith.addi %add3A_1160, %and3A_762 : vector<16xi32>
        %shift_right_arithmetic3A_1162 = arith.constant 1 : i32
        %shift_right_arithmetic3A_1163 = vector.broadcast %shift_right_arithmetic3A_1162 : i32 to vector<16xi32>
        %shift_right_arithmetic3A_1164 = arith.shrsi %add3A_1161, %shift_right_arithmetic3A_1163 : vector<16xi32>
        %shift_right_arithmetic3A_1165 = arith.constant 3 : i32
        %shift_right_arithmetic3A_1166 = vector.broadcast %shift_right_arithmetic3A_1165 : i32 to vector<16xi32>
        %shift_right_arithmetic3A_1167 = arith.shrsi %shift_right_arithmetic3A_1164, %shift_right_arithmetic3A_1166 : vector<16xi32>
        %and3A_1168 = arith.constant 7 : i32
        %and3A_1169 = vector.broadcast %and3A_1168 : i32 to vector<16xi32>
        %and3A_1170 = arith.andi %shift_right_arithmetic3A_1164, %and3A_1169 : vector<16xi32>
        %and3A_1171 = arith.constant 1 : i32
        %and3A_1172 = vector.broadcast %and3A_1171 : i32 to vector<16xi32>
        %and3A_1173 = arith.andi %add3A_1161, %and3A_1172 : vector<16xi32>
        %shift_left3A_1174 = arith.constant 6 : i32
        %shift_left3A_1175 = vector.broadcast %shift_left3A_1174 : i32 to vector<16xi32>
        %shift_left3A_1176 = arith.shli %and3A_1173, %shift_left3A_1175 : vector<16xi32>
        %add3A_1177 = arith.addi %shift_left3A_1176, %add3A_19 : vector<16xi32>
        %gather3A_1178 = arith.constant 0 : i32
        %gather3A_1179 = arith.constant 0 : i32
        %gather3A_1180 = arith.constant 0 : i32
        %gather3A_1181 = tpu.memref_slice %arg5[%and3A_165, %gather3A_1178, %gather3A_1179, %gather3A_1180] : memref<4x8x8x128xf32, #tpu.memory_space<vmem>> -> memref<1x8x8x128xf32, #tpu.memory_space<vmem>>
        %gather3A_1182 = tpu.memref_squeeze %gather3A_1181 : memref<1x8x8x128xf32, #tpu.memory_space<vmem>> -> memref<8x8x128xf32, #tpu.memory_space<vmem>>
        %gather3A_1183 = tpu.vector_load_idx %gather3A_1182[%add3A_7, %and3A_4, %add3A_1161] : memref<8x8x128xf32, #tpu.memory_space<vmem>>[vector<16xi32>, vector<16xi32>, vector<16xi32>], vector<16xf32>,
        %add3A_1184 = arith.addi %shift_left3A_1176, %add3A_22 : vector<16xi32>
        %gather3A_1185 = arith.constant 0 : i32
        %gather3A_1186 = arith.constant 0 : i32
        %gather3A_1187 = arith.constant 0 : i32
        %gather3A_1188 = tpu.memref_slice %arg5[%and3A_165, %gather3A_1185, %gather3A_1186, %gather3A_1187] : memref<4x8x8x128xf32, #tpu.memory_space<vmem>> -> memref<1x8x8x128xf32, #tpu.memory_space<vmem>>
        %gather3A_1189 = tpu.memref_squeeze %gather3A_1188 : memref<1x8x8x128xf32, #tpu.memory_space<vmem>> -> memref<8x8x128xf32, #tpu.memory_space<vmem>>
        %gather3A_1190 = tpu.vector_load_idx %gather3A_1189[%add3A_10, %and3A_4, %add3A_1161] : memref<8x8x128xf32, #tpu.memory_space<vmem>>[vector<16xi32>, vector<16xi32>, vector<16xi32>], vector<16xf32>,
        %add3A_1191 = arith.addi %shift_left3A_1176, %add3A_25 : vector<16xi32>
        %gather3A_1192 = arith.constant 0 : i32
        %gather3A_1193 = arith.constant 0 : i32
        %gather3A_1194 = arith.constant 0 : i32
        %gather3A_1195 = tpu.memref_slice %arg5[%and3A_165, %gather3A_1192, %gather3A_1193, %gather3A_1194] : memref<4x8x8x128xf32, #tpu.memory_space<vmem>> -> memref<1x8x8x128xf32, #tpu.memory_space<vmem>>
        %gather3A_1196 = tpu.memref_squeeze %gather3A_1195 : memref<1x8x8x128xf32, #tpu.memory_space<vmem>> -> memref<8x8x128xf32, #tpu.memory_space<vmem>>
        %gather3A_1197 = tpu.vector_load_idx %gather3A_1196[%add3A_13, %and3A_4, %add3A_1161] : memref<8x8x128xf32, #tpu.memory_space<vmem>>[vector<16xi32>, vector<16xi32>, vector<16xi32>], vector<16xf32>,
        %add3A_1198 = arith.addi %shift_left3A_1176, %add3A_28 : vector<16xi32>
        %gather3A_1199 = arith.constant 0 : i32
        %gather3A_1200 = arith.constant 0 : i32
        %gather3A_1201 = arith.constant 0 : i32
        %gather3A_1202 = tpu.memref_slice %arg5[%and3A_165, %gather3A_1199, %gather3A_1200, %gather3A_1201] : memref<4x8x8x128xf32, #tpu.memory_space<vmem>> -> memref<1x8x8x128xf32, #tpu.memory_space<vmem>>
        %gather3A_1203 = tpu.memref_squeeze %gather3A_1202 : memref<1x8x8x128xf32, #tpu.memory_space<vmem>> -> memref<8x8x128xf32, #tpu.memory_space<vmem>>
        %gather3A_1204 = tpu.vector_load_idx %gather3A_1203[%add3A_16, %and3A_4, %add3A_1161] : memref<8x8x128xf32, #tpu.memory_space<vmem>>[vector<16xi32>, vector<16xi32>, vector<16xi32>], vector<16xf32>,
        %add3A_1205 = arith.constant 112 : i32
        %add3A_1206 = vector.broadcast %add3A_1205 : i32 to vector<16xi32>
        %add3A_1207 = arith.addi %add3A_1206, %and3A_762 : vector<16xi32>
        %shift_right_arithmetic3A_1208 = arith.constant 1 : i32
        %shift_right_arithmetic3A_1209 = vector.broadcast %shift_right_arithmetic3A_1208 : i32 to vector<16xi32>
        %shift_right_arithmetic3A_1210 = arith.shrsi %add3A_1207, %shift_right_arithmetic3A_1209 : vector<16xi32>
        %shift_right_arithmetic3A_1211 = arith.constant 3 : i32
        %shift_right_arithmetic3A_1212 = vector.broadcast %shift_right_arithmetic3A_1211 : i32 to vector<16xi32>
        %shift_right_arithmetic3A_1213 = arith.shrsi %shift_right_arithmetic3A_1210, %shift_right_arithmetic3A_1212 : vector<16xi32>
        %and3A_1214 = arith.constant 7 : i32
        %and3A_1215 = vector.broadcast %and3A_1214 : i32 to vector<16xi32>
        %and3A_1216 = arith.andi %shift_right_arithmetic3A_1210, %and3A_1215 : vector<16xi32>
        %and3A_1217 = arith.constant 1 : i32
        %and3A_1218 = vector.broadcast %and3A_1217 : i32 to vector<16xi32>
        %and3A_1219 = arith.andi %add3A_1207, %and3A_1218 : vector<16xi32>
        %shift_left3A_1220 = arith.constant 6 : i32
        %shift_left3A_1221 = vector.broadcast %shift_left3A_1220 : i32 to vector<16xi32>
        %shift_left3A_1222 = arith.shli %and3A_1219, %shift_left3A_1221 : vector<16xi32>
        %add3A_1223 = arith.addi %shift_left3A_1222, %add3A_19 : vector<16xi32>
        %gather3A_1224 = arith.constant 0 : i32
        %gather3A_1225 = arith.constant 0 : i32
        %gather3A_1226 = arith.constant 0 : i32
        %gather3A_1227 = tpu.memref_slice %arg5[%and3A_165, %gather3A_1224, %gather3A_1225, %gather3A_1226] : memref<4x8x8x128xf32, #tpu.memory_space<vmem>> -> memref<1x8x8x128xf32, #tpu.memory_space<vmem>>
        %gather3A_1228 = tpu.memref_squeeze %gather3A_1227 : memref<1x8x8x128xf32, #tpu.memory_space<vmem>> -> memref<8x8x128xf32, #tpu.memory_space<vmem>>
        %gather3A_1229 = tpu.vector_load_idx %gather3A_1228[%add3A_7, %and3A_4, %add3A_1207] : memref<8x8x128xf32, #tpu.memory_space<vmem>>[vector<16xi32>, vector<16xi32>, vector<16xi32>], vector<16xf32>,
        %add3A_1230 = arith.addi %shift_left3A_1222, %add3A_22 : vector<16xi32>
        %gather3A_1231 = arith.constant 0 : i32
        %gather3A_1232 = arith.constant 0 : i32
        %gather3A_1233 = arith.constant 0 : i32
        %gather3A_1234 = tpu.memref_slice %arg5[%and3A_165, %gather3A_1231, %gather3A_1232, %gather3A_1233] : memref<4x8x8x128xf32, #tpu.memory_space<vmem>> -> memref<1x8x8x128xf32, #tpu.memory_space<vmem>>
        %gather3A_1235 = tpu.memref_squeeze %gather3A_1234 : memref<1x8x8x128xf32, #tpu.memory_space<vmem>> -> memref<8x8x128xf32, #tpu.memory_space<vmem>>
        %gather3A_1236 = tpu.vector_load_idx %gather3A_1235[%add3A_10, %and3A_4, %add3A_1207] : memref<8x8x128xf32, #tpu.memory_space<vmem>>[vector<16xi32>, vector<16xi32>, vector<16xi32>], vector<16xf32>,
        %add3A_1237 = arith.addi %shift_left3A_1222, %add3A_25 : vector<16xi32>
        %gather3A_1238 = arith.constant 0 : i32
        %gather3A_1239 = arith.constant 0 : i32
        %gather3A_1240 = arith.constant 0 : i32
        %gather3A_1241 = tpu.memref_slice %arg5[%and3A_165, %gather3A_1238, %gather3A_1239, %gather3A_1240] : memref<4x8x8x128xf32, #tpu.memory_space<vmem>> -> memref<1x8x8x128xf32, #tpu.memory_space<vmem>>
        %gather3A_1242 = tpu.memref_squeeze %gather3A_1241 : memref<1x8x8x128xf32, #tpu.memory_space<vmem>> -> memref<8x8x128xf32, #tpu.memory_space<vmem>>
        %gather3A_1243 = tpu.vector_load_idx %gather3A_1242[%add3A_13, %and3A_4, %add3A_1207] : memref<8x8x128xf32, #tpu.memory_space<vmem>>[vector<16xi32>, vector<16xi32>, vector<16xi32>], vector<16xf32>,
        %add3A_1244 = arith.addi %shift_left3A_1222, %add3A_28 : vector<16xi32>
        %gather3A_1245 = arith.constant 0 : i32
        %gather3A_1246 = arith.constant 0 : i32
        %gather3A_1247 = arith.constant 0 : i32
        %gather3A_1248 = tpu.memref_slice %arg5[%and3A_165, %gather3A_1245, %gather3A_1246, %gather3A_1247] : memref<4x8x8x128xf32, #tpu.memory_space<vmem>> -> memref<1x8x8x128xf32, #tpu.memory_space<vmem>>
        %gather3A_1249 = tpu.memref_squeeze %gather3A_1248 : memref<1x8x8x128xf32, #tpu.memory_space<vmem>> -> memref<8x8x128xf32, #tpu.memory_space<vmem>>
        %gather3A_1250 = tpu.vector_load_idx %gather3A_1249[%add3A_16, %and3A_4, %add3A_1207] : memref<8x8x128xf32, #tpu.memory_space<vmem>>[vector<16xi32>, vector<16xi32>, vector<16xi32>], vector<16xf32>,
        %scatter3A_1251 = arith.constant 0 : i32
        %scatter3A_1252 = arith.constant 0 : i32
        %scatter3A_1253 = arith.constant 0 : i32
        %scatter3A_1254 = tpu.memref_slice %arg6[%and3A_165, %scatter3A_1251, %scatter3A_1252, %scatter3A_1253] : memref<4x8x8x128xf32, #tpu.memory_space<vmem>> -> memref<1x8x8x128xf32, #tpu.memory_space<vmem>>
        %scatter3A_1255 = tpu.memref_squeeze %scatter3A_1254 : memref<1x8x8x128xf32, #tpu.memory_space<vmem>> -> memref<8x8x128xf32, #tpu.memory_space<vmem>>
        tpu.vector_store_idx %scatter3A_1255[%shift_right_arithmetic3A_1167, %and3A_1170, %add3A_1177], %gather3A_1183 : memref<8x8x128xf32, #tpu.memory_space<vmem>>[vector<16xi32>, vector<16xi32>, vector<16xi32>], vector<16xf32>,
        %scatter3A_1256 = arith.constant 0 : i32
        %scatter3A_1257 = arith.constant 0 : i32
        %scatter3A_1258 = arith.constant 0 : i32
        %scatter3A_1259 = tpu.memref_slice %arg6[%and3A_165, %scatter3A_1256, %scatter3A_1257, %scatter3A_1258] : memref<4x8x8x128xf32, #tpu.memory_space<vmem>> -> memref<1x8x8x128xf32, #tpu.memory_space<vmem>>
        %scatter3A_1260 = tpu.memref_squeeze %scatter3A_1259 : memref<1x8x8x128xf32, #tpu.memory_space<vmem>> -> memref<8x8x128xf32, #tpu.memory_space<vmem>>
        tpu.vector_store_idx %scatter3A_1260[%shift_right_arithmetic3A_1167, %and3A_1170, %add3A_1184], %gather3A_1190 : memref<8x8x128xf32, #tpu.memory_space<vmem>>[vector<16xi32>, vector<16xi32>, vector<16xi32>], vector<16xf32>,
        %scatter3A_1261 = arith.constant 0 : i32
        %scatter3A_1262 = arith.constant 0 : i32
        %scatter3A_1263 = arith.constant 0 : i32
        %scatter3A_1264 = tpu.memref_slice %arg6[%and3A_165, %scatter3A_1261, %scatter3A_1262, %scatter3A_1263] : memref<4x8x8x128xf32, #tpu.memory_space<vmem>> -> memref<1x8x8x128xf32, #tpu.memory_space<vmem>>
        %scatter3A_1265 = tpu.memref_squeeze %scatter3A_1264 : memref<1x8x8x128xf32, #tpu.memory_space<vmem>> -> memref<8x8x128xf32, #tpu.memory_space<vmem>>
        tpu.vector_store_idx %scatter3A_1265[%shift_right_arithmetic3A_1167, %and3A_1170, %add3A_1191], %gather3A_1197 : memref<8x8x128xf32, #tpu.memory_space<vmem>>[vector<16xi32>, vector<16xi32>, vector<16xi32>], vector<16xf32>,
        %scatter3A_1266 = arith.constant 0 : i32
        %scatter3A_1267 = arith.constant 0 : i32
        %scatter3A_1268 = arith.constant 0 : i32
        %scatter3A_1269 = tpu.memref_slice %arg6[%and3A_165, %scatter3A_1266, %scatter3A_1267, %scatter3A_1268] : memref<4x8x8x128xf32, #tpu.memory_space<vmem>> -> memref<1x8x8x128xf32, #tpu.memory_space<vmem>>
        %scatter3A_1270 = tpu.memref_squeeze %scatter3A_1269 : memref<1x8x8x128xf32, #tpu.memory_space<vmem>> -> memref<8x8x128xf32, #tpu.memory_space<vmem>>
        tpu.vector_store_idx %scatter3A_1270[%shift_right_arithmetic3A_1167, %and3A_1170, %add3A_1198], %gather3A_1204 : memref<8x8x128xf32, #tpu.memory_space<vmem>>[vector<16xi32>, vector<16xi32>, vector<16xi32>], vector<16xf32>,
        %scatter3A_1271 = arith.constant 0 : i32
        %scatter3A_1272 = arith.constant 0 : i32
        %scatter3A_1273 = arith.constant 0 : i32
        %scatter3A_1274 = tpu.memref_slice %arg6[%and3A_165, %scatter3A_1271, %scatter3A_1272, %scatter3A_1273] : memref<4x8x8x128xf32, #tpu.memory_space<vmem>> -> memref<1x8x8x128xf32, #tpu.memory_space<vmem>>
        %scatter3A_1275 = tpu.memref_squeeze %scatter3A_1274 : memref<1x8x8x128xf32, #tpu.memory_space<vmem>> -> memref<8x8x128xf32, #tpu.memory_space<vmem>>
        tpu.vector_store_idx %scatter3A_1275[%shift_right_arithmetic3A_1213, %and3A_1216, %add3A_1223], %gather3A_1229 : memref<8x8x128xf32, #tpu.memory_space<vmem>>[vector<16xi32>, vector<16xi32>, vector<16xi32>], vector<16xf32>,
        %scatter3A_1276 = arith.constant 0 : i32
        %scatter3A_1277 = arith.constant 0 : i32
        %scatter3A_1278 = arith.constant 0 : i32
        %scatter3A_1279 = tpu.memref_slice %arg6[%and3A_165, %scatter3A_1276, %scatter3A_1277, %scatter3A_1278] : memref<4x8x8x128xf32, #tpu.memory_space<vmem>> -> memref<1x8x8x128xf32, #tpu.memory_space<vmem>>
        %scatter3A_1280 = tpu.memref_squeeze %scatter3A_1279 : memref<1x8x8x128xf32, #tpu.memory_space<vmem>> -> memref<8x8x128xf32, #tpu.memory_space<vmem>>
        tpu.vector_store_idx %scatter3A_1280[%shift_right_arithmetic3A_1213, %and3A_1216, %add3A_1230], %gather3A_1236 : memref<8x8x128xf32, #tpu.memory_space<vmem>>[vector<16xi32>, vector<16xi32>, vector<16xi32>], vector<16xf32>,
        %scatter3A_1281 = arith.constant 0 : i32
        %scatter3A_1282 = arith.constant 0 : i32
        %scatter3A_1283 = arith.constant 0 : i32
        %scatter3A_1284 = tpu.memref_slice %arg6[%and3A_165, %scatter3A_1281, %scatter3A_1282, %scatter3A_1283] : memref<4x8x8x128xf32, #tpu.memory_space<vmem>> -> memref<1x8x8x128xf32, #tpu.memory_space<vmem>>
        %scatter3A_1285 = tpu.memref_squeeze %scatter3A_1284 : memref<1x8x8x128xf32, #tpu.memory_space<vmem>> -> memref<8x8x128xf32, #tpu.memory_space<vmem>>
        tpu.vector_store_idx %scatter3A_1285[%shift_right_arithmetic3A_1213, %and3A_1216, %add3A_1237], %gather3A_1243 : memref<8x8x128xf32, #tpu.memory_space<vmem>>[vector<16xi32>, vector<16xi32>, vector<16xi32>], vector<16xf32>,
        %scatter3A_1286 = arith.constant 0 : i32
        %scatter3A_1287 = arith.constant 0 : i32
        %scatter3A_1288 = arith.constant 0 : i32
        %scatter3A_1289 = tpu.memref_slice %arg6[%and3A_165, %scatter3A_1286, %scatter3A_1287, %scatter3A_1288] : memref<4x8x8x128xf32, #tpu.memory_space<vmem>> -> memref<1x8x8x128xf32, #tpu.memory_space<vmem>>
        %scatter3A_1290 = tpu.memref_squeeze %scatter3A_1289 : memref<1x8x8x128xf32, #tpu.memory_space<vmem>> -> memref<8x8x128xf32, #tpu.memory_space<vmem>>
        tpu.vector_store_idx %scatter3A_1290[%shift_right_arithmetic3A_1213, %and3A_1216, %add3A_1244], %gather3A_1250 : memref<8x8x128xf32, #tpu.memory_space<vmem>>[vector<16xi32>, vector<16xi32>, vector<16xi32>], vector<16xf32>,
      }
      %scan3A_195 = arith.constant 8 : i32
      %mul3A_196 = arith.constant 8 : i32
      %mul3A_197 = arith.muli %mul3A_196, %add3A_168 : i32
      %dma_start3A_198 = arith.constant 0 : i32
      %dma_start3A_199 = arith.constant 0 : i32
      %dma_start3A_200 = arith.constant 0 : i32
      %dma_start3A_201 = tpu.memref_slice %arg6[%and3A_165, %dma_start3A_198, %dma_start3A_199, %dma_start3A_200] : memref<4x8x8x128xf32, #tpu.memory_space<vmem>> -> memref<1x8x8x128xf32, #tpu.memory_space<vmem>>
      %dma_start3A_202 = tpu.memref_squeeze %dma_start3A_201 : memref<1x8x8x128xf32, #tpu.memory_space<vmem>> -> memref<8x8x128xf32, #tpu.memory_space<vmem>>
      %dma_start3A_203 = arith.constant 0 : i32
      %dma_start3A_204 = arith.constant 0 : i32
      %dma_start3A_205 = tpu.memref_slice %arg4[%mul3A_197, %dma_start3A_203, %dma_start3A_204] : memref<62500x8x128xf32, #tpu.memory_space<hbm>> -> memref<8x8x128xf32, #tpu.memory_space<hbm>>
      %dma_start3A_206 = arith.constant 0 : i32
      %dma_start3A_207 = arith.constant 0 : i32
      %dma_start3A_208 = tpu.memref_slice %arg4[%mul3A_197, %dma_start3A_206, %dma_start3A_207] : memref<62500x8x128xf32, #tpu.memory_space<hbm>> -> memref<8x8x128xf32, #tpu.memory_space<hbm>>
      %dma_start3A_209 = arith.constant 0 : i32
      %dma_start3A_210 = arith.constant 0 : i32
      %dma_start3A_211 = arith.constant 0 : i32
      %dma_start3A_212 = tpu.memref_slice %arg6[%and3A_165, %dma_start3A_209, %dma_start3A_210, %dma_start3A_211] : memref<4x8x8x128xf32, #tpu.memory_space<vmem>> -> memref<1x8x8x128xf32, #tpu.memory_space<vmem>>
      %dma_start3A_213 = tpu.memref_squeeze %dma_start3A_212 : memref<1x8x8x128xf32, #tpu.memory_space<vmem>> -> memref<8x8x128xf32, #tpu.memory_space<vmem>>
      tpu.enqueue_dma source(%dma_start3A_213 : memref<8x8x128xf32, #tpu.memory_space<vmem>>) target(%dma_start3A_208 : memref<8x8x128xf32, #tpu.memory_space<hbm>>) target_semaphore(%arg9 : memref<!tpu.dma_semaphore, #tpu.memory_space<semaphore_mem>>)
      %add3A_214 = arith.constant 4 : i32
      %add3A_215 = arith.addi %while3A_163, %add3A_214 : i32
      %lt3A = arith.cmpi slt, %add3A_215, %add3A_49 : i32
      %convert_element_type3A_216 = arith.extui %lt3A : i1 to i32
      %cond3A_217 = arith.constant 0 : i32
      %cond3A_218 = arith.cmpi ne, %convert_element_type3A_216, %cond3A_217 : i32
      scf.if %cond3A_218 {
        %add3A_219 = arith.constant 128 : i32
        %add3A_220 = arith.addi %add3A_168, %add3A_219 : i32
        %mul3A_221 = arith.constant 128 : i32
        %mul3A_222 = arith.muli %mul3A_221, %add3A_220 : i32
        %dma_start3A_223 = arith.constant 0 : i32
        %dma_start3A_224 = arith.constant 0 : i32
        %dma_start3A_225 = arith.constant 0 : i32
        %dma_start3A_226 = tpu.memref_slice %arg5[%and3A_165, %dma_start3A_223, %dma_start3A_224, %dma_start3A_225] : memref<4x8x8x128xf32, #tpu.memory_space<vmem>> -> memref<1x8x8x128xf32, #tpu.memory_space<vmem>>
        %dma_start3A_227 = tpu.memref_squeeze %dma_start3A_226 : memref<1x8x8x128xf32, #tpu.memory_space<vmem>> -> memref<8x8x128xf32, #tpu.memory_space<vmem>>
        %dma_start3A_228 = arith.constant 0 : i32
        %dma_start3A_229 = arith.constant 0 : i32
        %dma_start3A_230 = tpu.memref_slice %arg2[%dma_start3A_228, %dma_start3A_229, %mul3A_222] : memref<8x8x1000000xf32, #tpu.memory_space<hbm>> -> memref<8x8x128xf32, #tpu.memory_space<hbm>>
        %dma_start3A_231 = arith.constant 0 : i32
        %dma_start3A_232 = arith.constant 0 : i32
        %dma_start3A_233 = arith.constant 0 : i32
        %dma_start3A_234 = tpu.memref_slice %arg5[%and3A_165, %dma_start3A_231, %dma_start3A_232, %dma_start3A_233] : memref<4x8x8x128xf32, #tpu.memory_space<vmem>> -> memref<1x8x8x128xf32, #tpu.memory_space<vmem>>
        %dma_start3A_235 = tpu.memref_squeeze %dma_start3A_234 : memref<1x8x8x128xf32, #tpu.memory_space<vmem>> -> memref<8x8x128xf32, #tpu.memory_space<vmem>>
        %dma_start3A_236 = arith.constant 0 : i32
        %dma_start3A_237 = arith.constant 0 : i32
        %dma_start3A_238 = tpu.memref_slice %arg2[%dma_start3A_236, %dma_start3A_237, %mul3A_222] : memref<8x8x1000000xf32, #tpu.memory_space<hbm>> -> memref<8x8x128xf32, #tpu.memory_space<hbm>>
        tpu.enqueue_dma source(%dma_start3A_238 : memref<8x8x128xf32, #tpu.memory_space<hbm>>) target(%dma_start3A_235 : memref<8x8x128xf32, #tpu.memory_space<vmem>>) target_semaphore(%arg8 : memref<!tpu.dma_semaphore, #tpu.memory_space<semaphore_mem>>)
      } else {
      }
    }
    %ge3A = arith.constant 1 : i32
    %ge3A_142 = arith.cmpi sge, %add3A_49, %ge3A : i32
    %convert_element_type3A = arith.extui %ge3A_142 : i1 to i32
    %cond3A = arith.constant 0 : i32
    %cond3A_143 = arith.cmpi ne, %convert_element_type3A, %cond3A : i32
    scf.if %cond3A_143 {
      %sub3A_163 = arith.constant 1 : i32
      %sub3A_164 = arith.subi %add3A_49, %sub3A_163 : i32
      %sub3A_165 = arith.constant 0 : i32
      %sub3A_166 = arith.subi %sub3A_164, %sub3A_165 : i32
      %and3A_167 = arith.constant 3 : i32
      %and3A_168 = arith.andi %sub3A_166, %and3A_167 : i32
      %dma_wait3A = arith.constant 0 : i32
      %dma_wait3A_169 = arith.constant 0 : i32
      %dma_wait3A_170 = arith.constant 0 : i32
      %dma_wait3A_171 = tpu.memref_slice %arg6[%and3A_168, %dma_wait3A, %dma_wait3A_169, %dma_wait3A_170] : memref<4x8x8x128xf32, #tpu.memory_space<vmem>> -> memref<1x8x8x128xf32, #tpu.memory_space<vmem>>
      %dma_wait3A_172 = tpu.memref_squeeze %dma_wait3A_171 : memref<1x8x8x128xf32, #tpu.memory_space<vmem>> -> memref<8x8x128xf32, #tpu.memory_space<vmem>>
      %dma_wait3A_173 = arith.constant 0 : i32
      %dma_wait3A_174 = arith.constant 0 : i32
      %dma_wait3A_175 = arith.constant 0 : i32
      %dma_wait3A_176 = tpu.memref_slice %arg4[%dma_wait3A_173, %dma_wait3A_174, %dma_wait3A_175] : memref<62500x8x128xf32, #tpu.memory_space<hbm>> -> memref<8x8x128xf32, #tpu.memory_space<hbm>>
      %dma_wait3A_177 = arith.constant 0 : i32
      %dma_wait3A_178 = arith.constant 0 : i32
      %dma_wait3A_179 = arith.constant 0 : i32
      %dma_wait3A_180 = tpu.memref_slice %arg4[%dma_wait3A_177, %dma_wait3A_178, %dma_wait3A_179] : memref<62500x8x128xf32, #tpu.memory_space<hbm>> -> memref<8x8x128xf32, #tpu.memory_space<hbm>>
      %dma_wait3A_181 = arith.constant 0 : i32
      %dma_wait3A_182 = arith.constant 0 : i32
      %dma_wait3A_183 = arith.constant 0 : i32
      %dma_wait3A_184 = tpu.memref_slice %arg6[%and3A_168, %dma_wait3A_181, %dma_wait3A_182, %dma_wait3A_183] : memref<4x8x8x128xf32, #tpu.memory_space<vmem>> -> memref<1x8x8x128xf32, #tpu.memory_space<vmem>>
      %dma_wait3A_185 = tpu.memref_squeeze %dma_wait3A_184 : memref<1x8x8x128xf32, #tpu.memory_space<vmem>> -> memref<8x8x128xf32, #tpu.memory_space<vmem>>
      tpu.wait_dma2 semaphore(%arg9 : memref<!tpu.dma_semaphore, #tpu.memory_space<semaphore_mem>>) src(%dma_wait3A_185 : memref<8x8x128xf32, #tpu.memory_space<vmem>>) dst(%dma_wait3A_180 : memref<8x8x128xf32, #tpu.memory_space<hbm>>)
    } else {
    }
    %ge3A_144 = arith.constant 2 : i32
    %ge3A_145 = arith.cmpi sge, %add3A_49, %ge3A_144 : i32
    %convert_element_type3A_146 = arith.extui %ge3A_145 : i1 to i32
    %cond3A_147 = arith.constant 0 : i32
    %cond3A_148 = arith.cmpi ne, %convert_element_type3A_146, %cond3A_147 : i32
    scf.if %cond3A_148 {
      %sub3A_163 = arith.constant 1 : i32
      %sub3A_164 = arith.subi %add3A_49, %sub3A_163 : i32
      %sub3A_165 = arith.constant 1 : i32
      %sub3A_166 = arith.subi %sub3A_164, %sub3A_165 : i32
      %and3A_167 = arith.constant 3 : i32
      %and3A_168 = arith.andi %sub3A_166, %and3A_167 : i32
      %dma_wait3A = arith.constant 0 : i32
      %dma_wait3A_169 = arith.constant 0 : i32
      %dma_wait3A_170 = arith.constant 0 : i32
      %dma_wait3A_171 = tpu.memref_slice %arg6[%and3A_168, %dma_wait3A, %dma_wait3A_169, %dma_wait3A_170] : memref<4x8x8x128xf32, #tpu.memory_space<vmem>> -> memref<1x8x8x128xf32, #tpu.memory_space<vmem>>
      %dma_wait3A_172 = tpu.memref_squeeze %dma_wait3A_171 : memref<1x8x8x128xf32, #tpu.memory_space<vmem>> -> memref<8x8x128xf32, #tpu.memory_space<vmem>>
      %dma_wait3A_173 = arith.constant 0 : i32
      %dma_wait3A_174 = arith.constant 0 : i32
      %dma_wait3A_175 = arith.constant 0 : i32
      %dma_wait3A_176 = tpu.memref_slice %arg4[%dma_wait3A_173, %dma_wait3A_174, %dma_wait3A_175] : memref<62500x8x128xf32, #tpu.memory_space<hbm>> -> memref<8x8x128xf32, #tpu.memory_space<hbm>>
      %dma_wait3A_177 = arith.constant 0 : i32
      %dma_wait3A_178 = arith.constant 0 : i32
      %dma_wait3A_179 = arith.constant 0 : i32
      %dma_wait3A_180 = tpu.memref_slice %arg4[%dma_wait3A_177, %dma_wait3A_178, %dma_wait3A_179] : memref<62500x8x128xf32, #tpu.memory_space<hbm>> -> memref<8x8x128xf32, #tpu.memory_space<hbm>>
      %dma_wait3A_181 = arith.constant 0 : i32
      %dma_wait3A_182 = arith.constant 0 : i32
      %dma_wait3A_183 = arith.constant 0 : i32
      %dma_wait3A_184 = tpu.memref_slice %arg6[%and3A_168, %dma_wait3A_181, %dma_wait3A_182, %dma_wait3A_183] : memref<4x8x8x128xf32, #tpu.memory_space<vmem>> -> memref<1x8x8x128xf32, #tpu.memory_space<vmem>>
      %dma_wait3A_185 = tpu.memref_squeeze %dma_wait3A_184 : memref<1x8x8x128xf32, #tpu.memory_space<vmem>> -> memref<8x8x128xf32, #tpu.memory_space<vmem>>
      tpu.wait_dma2 semaphore(%arg9 : memref<!tpu.dma_semaphore, #tpu.memory_space<semaphore_mem>>) src(%dma_wait3A_185 : memref<8x8x128xf32, #tpu.memory_space<vmem>>) dst(%dma_wait3A_180 : memref<8x8x128xf32, #tpu.memory_space<hbm>>)
    } else {
    }
    %ge3A_149 = arith.constant 3 : i32
    %ge3A_150 = arith.cmpi sge, %add3A_49, %ge3A_149 : i32
    %convert_element_type3A_151 = arith.extui %ge3A_150 : i1 to i32
    %cond3A_152 = arith.constant 0 : i32
    %cond3A_153 = arith.cmpi ne, %convert_element_type3A_151, %cond3A_152 : i32
    scf.if %cond3A_153 {
      %sub3A_163 = arith.constant 1 : i32
      %sub3A_164 = arith.subi %add3A_49, %sub3A_163 : i32
      %sub3A_165 = arith.constant 2 : i32
      %sub3A_166 = arith.subi %sub3A_164, %sub3A_165 : i32
      %and3A_167 = arith.constant 3 : i32
      %and3A_168 = arith.andi %sub3A_166, %and3A_167 : i32
      %dma_wait3A = arith.constant 0 : i32
      %dma_wait3A_169 = arith.constant 0 : i32
      %dma_wait3A_170 = arith.constant 0 : i32
      %dma_wait3A_171 = tpu.memref_slice %arg6[%and3A_168, %dma_wait3A, %dma_wait3A_169, %dma_wait3A_170] : memref<4x8x8x128xf32, #tpu.memory_space<vmem>> -> memref<1x8x8x128xf32, #tpu.memory_space<vmem>>
      %dma_wait3A_172 = tpu.memref_squeeze %dma_wait3A_171 : memref<1x8x8x128xf32, #tpu.memory_space<vmem>> -> memref<8x8x128xf32, #tpu.memory_space<vmem>>
      %dma_wait3A_173 = arith.constant 0 : i32
      %dma_wait3A_174 = arith.constant 0 : i32
      %dma_wait3A_175 = arith.constant 0 : i32
      %dma_wait3A_176 = tpu.memref_slice %arg4[%dma_wait3A_173, %dma_wait3A_174, %dma_wait3A_175] : memref<62500x8x128xf32, #tpu.memory_space<hbm>> -> memref<8x8x128xf32, #tpu.memory_space<hbm>>
      %dma_wait3A_177 = arith.constant 0 : i32
      %dma_wait3A_178 = arith.constant 0 : i32
      %dma_wait3A_179 = arith.constant 0 : i32
      %dma_wait3A_180 = tpu.memref_slice %arg4[%dma_wait3A_177, %dma_wait3A_178, %dma_wait3A_179] : memref<62500x8x128xf32, #tpu.memory_space<hbm>> -> memref<8x8x128xf32, #tpu.memory_space<hbm>>
      %dma_wait3A_181 = arith.constant 0 : i32
      %dma_wait3A_182 = arith.constant 0 : i32
      %dma_wait3A_183 = arith.constant 0 : i32
      %dma_wait3A_184 = tpu.memref_slice %arg6[%and3A_168, %dma_wait3A_181, %dma_wait3A_182, %dma_wait3A_183] : memref<4x8x8x128xf32, #tpu.memory_space<vmem>> -> memref<1x8x8x128xf32, #tpu.memory_space<vmem>>
      %dma_wait3A_185 = tpu.memref_squeeze %dma_wait3A_184 : memref<1x8x8x128xf32, #tpu.memory_space<vmem>> -> memref<8x8x128xf32, #tpu.memory_space<vmem>>
      tpu.wait_dma2 semaphore(%arg9 : memref<!tpu.dma_semaphore, #tpu.memory_space<semaphore_mem>>) src(%dma_wait3A_185 : memref<8x8x128xf32, #tpu.memory_space<vmem>>) dst(%dma_wait3A_180 : memref<8x8x128xf32, #tpu.memory_space<hbm>>)
    } else {
    }
    %ge3A_154 = arith.constant 4 : i32
    %ge3A_155 = arith.cmpi sge, %add3A_49, %ge3A_154 : i32
    %convert_element_type3A_156 = arith.extui %ge3A_155 : i1 to i32
    %cond3A_157 = arith.constant 0 : i32
    %cond3A_158 = arith.cmpi ne, %convert_element_type3A_156, %cond3A_157 : i32
    scf.if %cond3A_158 {
      %sub3A_163 = arith.constant 1 : i32
      %sub3A_164 = arith.subi %add3A_49, %sub3A_163 : i32
      %sub3A_165 = arith.constant 3 : i32
      %sub3A_166 = arith.subi %sub3A_164, %sub3A_165 : i32
      %and3A_167 = arith.constant 3 : i32
      %and3A_168 = arith.andi %sub3A_166, %and3A_167 : i32
      %dma_wait3A = arith.constant 0 : i32
      %dma_wait3A_169 = arith.constant 0 : i32
      %dma_wait3A_170 = arith.constant 0 : i32
      %dma_wait3A_171 = tpu.memref_slice %arg6[%and3A_168, %dma_wait3A, %dma_wait3A_169, %dma_wait3A_170] : memref<4x8x8x128xf32, #tpu.memory_space<vmem>> -> memref<1x8x8x128xf32, #tpu.memory_space<vmem>>
      %dma_wait3A_172 = tpu.memref_squeeze %dma_wait3A_171 : memref<1x8x8x128xf32, #tpu.memory_space<vmem>> -> memref<8x8x128xf32, #tpu.memory_space<vmem>>
      %dma_wait3A_173 = arith.constant 0 : i32
      %dma_wait3A_174 = arith.constant 0 : i32
      %dma_wait3A_175 = arith.constant 0 : i32
      %dma_wait3A_176 = tpu.memref_slice %arg4[%dma_wait3A_173, %dma_wait3A_174, %dma_wait3A_175] : memref<62500x8x128xf32, #tpu.memory_space<hbm>> -> memref<8x8x128xf32, #tpu.memory_space<hbm>>
      %dma_wait3A_177 = arith.constant 0 : i32
      %dma_wait3A_178 = arith.constant 0 : i32
      %dma_wait3A_179 = arith.constant 0 : i32
      %dma_wait3A_180 = tpu.memref_slice %arg4[%dma_wait3A_177, %dma_wait3A_178, %dma_wait3A_179] : memref<62500x8x128xf32, #tpu.memory_space<hbm>> -> memref<8x8x128xf32, #tpu.memory_space<hbm>>
      %dma_wait3A_181 = arith.constant 0 : i32
      %dma_wait3A_182 = arith.constant 0 : i32
      %dma_wait3A_183 = arith.constant 0 : i32
      %dma_wait3A_184 = tpu.memref_slice %arg6[%and3A_168, %dma_wait3A_181, %dma_wait3A_182, %dma_wait3A_183] : memref<4x8x8x128xf32, #tpu.memory_space<vmem>> -> memref<1x8x8x128xf32, #tpu.memory_space<vmem>>
      %dma_wait3A_185 = tpu.memref_squeeze %dma_wait3A_184 : memref<1x8x8x128xf32, #tpu.memory_space<vmem>> -> memref<8x8x128xf32, #tpu.memory_space<vmem>>
      tpu.wait_dma2 semaphore(%arg9 : memref<!tpu.dma_semaphore, #tpu.memory_space<semaphore_mem>>) src(%dma_wait3A_185 : memref<8x8x128xf32, #tpu.memory_space<vmem>>) dst(%dma_wait3A_180 : memref<8x8x128xf32, #tpu.memory_space<hbm>>)
    } else {
    }
    %eq3A = arith.constant 0 : i32
    %eq3A_159 = arith.cmpi eq, %add3A, %eq3A : i32
    %convert_element_type3A_160 = arith.extui %eq3A_159 : i1 to i32
    %cond3A_161 = arith.constant 0 : i32
    %cond3A_162 = arith.cmpi ne, %convert_element_type3A_160, %cond3A_161 : i32
    scf.if %cond3A_162 {
      "tpu.region"() ({
        %run_scoped3A = tpu.sem_alloc : memref<!tpu.dma_semaphore, #tpu.memory_space<semaphore_mem>>
        tpu.enqueue_dma source(%arg3 : memref<4x8x128xf32, #tpu.memory_space<hbm>>) target(%arg7 : memref<4x8x128xf32, #tpu.memory_space<vmem>>) target_semaphore(%run_scoped3A : memref<!tpu.dma_semaphore, #tpu.memory_space<semaphore_mem>>)
        tpu.wait_dma2 semaphore(%run_scoped3A : memref<!tpu.dma_semaphore, #tpu.memory_space<semaphore_mem>>) src(%arg3 : memref<4x8x128xf32, #tpu.memory_space<hbm>>) dst(%arg7 : memref<4x8x128xf32, #tpu.memory_space<vmem>>)
        tpu.yield
      }) : () -> ()
      "tpu.region"() ({
        %run_scoped3A = tpu.sem_alloc : memref<!tpu.dma_semaphore, #tpu.memory_space<semaphore_mem>>
        %dma_start3A_163 = arith.constant 62496 : i32
        %dma_start3A_164 = arith.constant 0 : i32
        %dma_start3A_165 = arith.constant 0 : i32
        %dma_start3A_166 = tpu.memref_slice %arg4[%dma_start3A_163, %dma_start3A_164, %dma_start3A_165] : memref<62500x8x128xf32, #tpu.memory_space<hbm>> -> memref<4x8x128xf32, #tpu.memory_space<hbm>>
        %dma_start3A_167 = arith.constant 62496 : i32
        %dma_start3A_168 = arith.constant 0 : i32
        %dma_start3A_169 = arith.constant 0 : i32
        %dma_start3A_170 = tpu.memref_slice %arg4[%dma_start3A_167, %dma_start3A_168, %dma_start3A_169] : memref<62500x8x128xf32, #tpu.memory_space<hbm>> -> memref<4x8x128xf32, #tpu.memory_space<hbm>>
        tpu.enqueue_dma source(%arg7 : memref<4x8x128xf32, #tpu.memory_space<vmem>>) target(%dma_start3A_170 : memref<4x8x128xf32, #tpu.memory_space<hbm>>) target_semaphore(%run_scoped3A : memref<!tpu.dma_semaphore, #tpu.memory_space<semaphore_mem>>)
        %dma_wait3A = arith.constant 62496 : i32
        %dma_wait3A_171 = arith.constant 0 : i32
        %dma_wait3A_172 = arith.constant 0 : i32
        %dma_wait3A_173 = tpu.memref_slice %arg4[%dma_wait3A, %dma_wait3A_171, %dma_wait3A_172] : memref<62500x8x128xf32, #tpu.memory_space<hbm>> -> memref<4x8x128xf32, #tpu.memory_space<hbm>>
        %dma_wait3A_174 = arith.constant 62496 : i32
        %dma_wait3A_175 = arith.constant 0 : i32
        %dma_wait3A_176 = arith.constant 0 : i32
        %dma_wait3A_177 = tpu.memref_slice %arg4[%dma_wait3A_174, %dma_wait3A_175, %dma_wait3A_176] : memref<62500x8x128xf32, #tpu.memory_space<hbm>> -> memref<4x8x128xf32, #tpu.memory_space<hbm>>
        tpu.wait_dma2 semaphore(%run_scoped3A : memref<!tpu.dma_semaphore, #tpu.memory_space<semaphore_mem>>) src(%arg7 : memref<4x8x128xf32, #tpu.memory_space<vmem>>) dst(%dma_wait3A_177 : memref<4x8x128xf32, #tpu.memory_space<hbm>>)
        tpu.yield
      }) : () -> ()
    } else {
    }
    return
  }
}

module attributes {stable_mosaic.version = 14 : i64} {
  func.func @_linear_body(%arg0: i32, %arg1: memref<1024x64xf32, #tpu.memory_space<vmem>>, %arg2: memref<64x128xf32, #tpu.memory_space<vmem>>, %arg3: memref<1x128xf32, #tpu.memory_space<vmem>>, %arg4: memref<1024x128xf32, #tpu.memory_space<vmem>>) attributes {dimension_semantics = [#tpu.dimension_semantics<arbitrary>], iteration_bounds = array<i64: 4>, scalar_prefetch = 0 : i64, scratch_operands = 0 : i64, tpu.core_type = #tpu.core_type<tc>, window_params = [{transform_indices = @transform_0, window_bounds = array<i64: 1024, 64>}, {pipeline_mode = #tpu.pipeline_mode<synchronous>, transform_indices = @transform_1, window_bounds = array<i64: 64, 128>}, {pipeline_mode = #tpu.pipeline_mode<synchronous>, transform_indices = @transform_2, window_bounds = array<i64: 1, 128>}, {transform_indices = @transform_3, window_bounds = array<i64: 1024, 128>}]} {
    %get3A = arith.constant 0 : index
    %get3A_0 = arith.constant 0 : index
    %get3A_1 = vector.load %arg1[%get3A, %get3A_0] : memref<1024x64xf32, #tpu.memory_space<vmem>>, vector<1024x64xf32>
    %mul3A = arith.constant 5.000000e-03 : f32
    %mul3A_2 = vector.broadcast %mul3A : f32 to vector<1024x64xf32>
    %mul3A_3 = arith.mulf %get3A_1, %mul3A_2 : vector<1024x64xf32>
    %get3A_4 = arith.constant 0 : index
    %get3A_5 = arith.constant 0 : index
    %get3A_6 = vector.load %arg2[%get3A_4, %get3A_5] : memref<64x128xf32, #tpu.memory_space<vmem>>, vector<64x128xf32>
    %dot_general3A = arith.constant dense<0.000000e+00> : vector<1024x128xf32>
    %dot_general3A_7 = tpu.matmul %mul3A_3, %get3A_6, %dot_general3A {dimension_numbers = #tpu.dot_dimension_numbers<[1], [0], [0], [1], [0, 0, 1, 1], [], []>, transpose_lhs_hint = false} : vector<1024x64xf32>, vector<64x128xf32>, vector<1024x128xf32> -> vector<1024x128xf32>
    %get3A_8 = arith.constant 0 : index
    %get3A_9 = arith.constant 0 : index
    %get3A_10 = vector.load %arg3[%get3A_8, %get3A_9] : memref<1x128xf32, #tpu.memory_space<vmem>>, vector<1x128xf32>
    %add3A = vector.broadcast %get3A_10 : vector<1x128xf32> to vector<1024x128xf32>
    %add3A_11 = arith.addf %dot_general3A_7, %add3A : vector<1024x128xf32>
    %swap3A = arith.constant 0 : index
    %swap3A_12 = arith.constant 0 : index
    %swap3A_13 = vector.load %arg4[%swap3A, %swap3A_12] : memref<1024x128xf32, #tpu.memory_space<vmem>>, vector<1024x128xf32>
    tpu.vector_store %arg4[%swap3A, %swap3A_12], %add3A_11 {strides = array<i32>} : memref<1024x128xf32, #tpu.memory_space<vmem>>, vector<1024x128xf32>,
    return
  }
  func.func @transform_0(%arg0: i32) -> (i32, i32) {
    %c0_i32 = arith.constant 0 : i32
    %c0_i32_0 = arith.constant 0 : i32
    return %arg0, %c0_i32 : i32, i32
  }
  func.func @transform_1(%arg0: i32) -> (i32, i32) {
    %c0_i32 = arith.constant 0 : i32
    %c0_i32_0 = arith.constant 0 : i32
    %c0_i32_1 = arith.constant 0 : i32
    return %c0_i32, %c0_i32_0 : i32, i32
  }
  func.func @transform_2(%arg0: i32) -> (i32, i32) {
    %c0_i32 = arith.constant 0 : i32
    %c0_i32_0 = arith.constant 0 : i32
    %c0_i32_1 = arith.constant 0 : i32
    return %c0_i32, %c0_i32_0 : i32, i32
  }
  func.func @transform_3(%arg0: i32) -> (i32, i32) {
    %c0_i32 = arith.constant 0 : i32
    %c0_i32_0 = arith.constant 0 : i32
    return %arg0, %c0_i32 : i32, i32
  }
}

</mosaic_0001>

<sc_bundles>
// kernel: kernel.5.cloned.1.call-start
scs
__scs_entry_jumppad:
0x0: {  	(pc) =	sbr.rel $0x88, $3  }
0x1: {  	(tag) =	ssettag $0x0;
	lr =	simm.s32 $0x1  }
0x2: {  	[smem:$0x3F9D] =	sst lr;
	_ =	strace $0xD0000000  }
0x3: {  	_ = 	snop  }
0x4: {  	_ = 	snop  }
0x5: {  	_ = 	snop  }
0x6: {  	_ = 	snop  }
0x7: {  	_ = 	snop  }
__scs_overlays_trampoline_lowered:
0x8: {  	[smem:$0x3FAC] =	sst s0  }
0x9: {  	[smem:$0x3FAD] =	sst s1  }
0xa: {  	[smem:$0x3FAE] =	sst s2  }
0xb: {  	[smem:$0x3FAF] =	sst s3  }
0xc: {  	[smem:$0x3FB0] =	sst s4  }
0xd: {  	[smem:$0x3FB1] =	sst s5  }
0xe: {  	[smem:$0x3FB2] =	sst s6  }
0xf: {  	[smem:$0x3FB3] =	sst s7  }
0x10: {  	[smem:$0x3FB4] =	sst s8  }
0x11: {  	[smem:$0x3FB5] =	sst s9;
	s0 =	simm.s32 @!p0 $0x0  }
0x12: {  	s1 =	sld [smem:$0x3F9B];
	s0 =	simm.s32 @p0 $0x1  }
0x13: {  	[smem:$0x3FB6] =	sst s0;
	s0 =	simm.s32 @!p1 $0x0  }
0x14: {  	s2 =	sld [smem:$0x3F9A];
	s0 =	simm.s32 @p1 $0x1  }
0x15: {  	[smem:$0x3FB7] =	sst s0;
	s0 =	simm.s32 @!p2 $0x0  }
0x16: {  	s3 =	sld [smem:$0x3FDB];
	s0 =	simm.s32 @p2 $0x1  }
0x17: {  	s4 =	simm.s32 $0x1BF5;
	[smem:$0x3FB9] =	sst s0  }
0x18: {  	s0 =	sld [smem:$0x3F9C];
	_ =	swait.ge [sflag:s4], $0x0  }
0x19: {  	s7 =	sld [smem:$0x3F9D]  }
0x1a: {  	s8 =	sadd.s32 $0xFFFFE003, lr  }
0x1b: {  	s9 =	sadd.s32 $0xFFFFFEF7, lr;
	s5 =	simm.s32 $0xFFFFFFFF;
	p2 =	slt.u32 s8, $0xFFFFF086  }
0x1c: {  	p1 =	slt.u32 s9, $0xF7A;
	s5 =	simm.s32 @!p2 $0x0  }
0x1d: {  	s5 =	simm.s32 @p1 $0x1;
	p0 =	seq.s32 s7, s2  }
0x1e: {  	s7 =	smul.u32 @!p0 $0xF7A, s2;
	p2 =	seq.s32 @!p0 s5, $0x0  }
0x1f: {  	s9 =	smul.u32 $0xF7A, s1;
	s8 =	simm.s32 @!p0 $0x1BF5;
	p2 =	por !p2, p0  }
0x20: {  	[sflag:s8] =	ssyncset.s32 @!p0 $0xFFFFF086;
	s6 =	sadd.s32 @!p0 s3, s7;
	s7 =	simm.s32 @!p0 $0x108  }
0x21: {  	s3 =	sadd.s32 s3, s9;
	s6 =	sadd.s32 @!p0 $0x88, s6;
	s7 =	simm.s32 @p2 $0x1082  }
0x22: {  	[simem:s7], [sflag:s8] =	dma.local @!p0 [hbm:s6], $0xF7A  }
0x23: {  	s9 =	sor.u32 $0xD0000000, s2;
	s6 =	simm.s32 $0x108;
	_ =	swait.ge @!p0 [sflag:s8], $0x0  }
0x24: {  	s3 =	sadd.s32 $0x88, s3;
	s6 =	simm.s32 @!p1 $0x1082;
	[sflag:s4] =	ssyncset.s32 $0xFFFFF086  }
0x25: {  	[simem:s6], [sflag:s4] =	dma.local [hbm:s3], $0xF7A  }
0x26: {  	[smem:$0x3F9D] =	sst s1;
	(tag) =	ssettag s2;
	_ =	strace s9  }
0x27: {  	s1 =	sld [smem:$0x3FAD]  }
0x28: {  	s2 =	sld [smem:$0x3FAE]  }
0x29: {  	s4 =	sld [smem:$0x3FB0]  }
0x2a: {  	p0 =	seq.s32 s5, $0x0;
	s5 =	sld [smem:$0x3FB1]  }
0x2b: {  	s6 =	sld [smem:$0x3FB2]  }
0x2c: {  	s7 =	sld [smem:$0x3FB3]  }
0x2d: {  	s3 =	simm.s32 $0x108;
	s8 =	sld [smem:$0x3FB4]  }
0x2e: {  	s3 =	simm.s32 @!p0 $0x1082;
	s9 =	sld [smem:$0x3FB5]  }
0x2f: {  	lr =	sadd.s32 s0, s3;
	s0 =	sld [smem:$0x3FAC]  }
0x30: {  	s3 =	sld [smem:$0x3FAF]  }
0x31: {  	[smem:$0x3FB8] =	sst s10  }
0x32: {  	s10 =	sld [smem:$0x3FB6];
	_ =	sdelay $0x3  }
0x33: {  	p0 =	seq.s32 s10, $0x1;
	s10 =	sld [smem:$0x3FB8];
	_ =	sdelay $0x3  }
0x34: {  	[smem:$0x3FB8] =	sst s10  }
0x35: {  	s10 =	sld [smem:$0x3FB7];
	_ =	sdelay $0x3  }
0x36: {  	p1 =	seq.s32 s10, $0x1;
	s10 =	sld [smem:$0x3FB8];
	_ =	sdelay $0x3  }
0x37: {  	[smem:$0x3FB8] =	sst s10  }
0x38: {  	s10 =	sld [smem:$0x3FB9]  }
0x39: {  	_ = 	snop;
	(pc) =	sbr.ind lr, $3  }
0x3a: {  	_ = 	snop  }
0x3b: {  	_ = 	snop  }
0x3c: {  	p2 =	seq.s32 s10, $0x1;
	s10 =	sld [smem:$0x3FB8]  }
0x3d: {  	_ =	shalt  }
0x3e: {  	_ =	shalt  }
0x3f: {  	_ =	shalt  }
0x40: {  	_ =	shalt  }
0x41: {  	_ =	shalt  }
0x42: {  	_ =	shalt  }
0x43: {  	_ =	shalt  }
0x44: {  	_ =	shalt  }
0x45: {  	_ =	shalt  }
0x46: {  	_ =	shalt  }
0x47: {  	_ =	shalt  }
0x48: {  	_ =	shalt  }
0x49: {  	_ =	shalt  }
0x4a: {  	_ =	shalt  }
0x4b: {  	_ =	shalt  }
0x4c: {  	_ =	shalt  }
0x4d: {  	_ =	shalt  }
0x4e: {  	_ =	shalt  }
0x4f: {  	_ =	shalt  }
0x50: {  	_ =	shalt  }
0x51: {  	_ =	shalt  }
0x52: {  	_ =	shalt  }
0x53: {  	_ =	shalt  }
0x54: {  	_ =	shalt  }
0x55: {  	_ =	shalt  }
0x56: {  	_ =	shalt  }
0x57: {  	_ =	shalt  }
0x58: {  	_ =	shalt  }
0x59: {  	_ =	shalt  }
0x5a: {  	_ =	shalt  }
0x5b: {  	_ =	shalt  }
0x5c: {  	_ =	shalt  }
0x5d: {  	_ =	shalt  }
0x5e: {  	_ =	shalt  }
0x5f: {  	_ =	shalt  }
0x60: {  	_ =	shalt  }
0x61: {  	_ =	shalt  }
0x62: {  	_ =	shalt  }
0x63: {  	_ =	shalt  }
0x64: {  	_ =	shalt  }
0x65: {  	_ =	shalt  }
0x66: {  	_ =	shalt  }
0x67: {  	_ =	shalt  }
0x68: {  	_ =	shalt  }
0x69: {  	_ =	shalt  }
0x6a: {  	_ =	shalt  }
0x6b: {  	_ =	shalt  }
0x6c: {  	_ =	shalt  }
0x6d: {  	_ =	shalt  }
0x6e: {  	_ =	shalt  }
0x6f: {  	_ =	shalt  }
0x70: {  	_ =	shalt  }
0x71: {  	_ =	shalt  }
0x72: {  	_ =	shalt  }
0x73: {  	_ =	shalt  }
0x74: {  	_ =	shalt  }
0x75: {  	_ =	shalt  }
0x76: {  	_ =	shalt  }
0x77: {  	_ =	shalt  }
0x78: {  	_ =	shalt  }
0x79: {  	_ =	shalt  }
0x7a: {  	_ =	shalt  }
0x7b: {  	_ =	shalt  }
0x7c: {  	_ =	shalt  }
0x7d: {  	_ =	shalt  }
0x7e: {  	_ =	shalt  }
0x7f: {  	_ =	shalt  }
0x80: {  	_ =	shalt  }
0x81: {  	_ =	shalt  }
0x82: {  	_ =	shalt  }
0x83: {  	_ =	shalt  }
0x84: {  	_ =	shalt  }
0x85: {  	_ =	shalt  }
0x86: {  	_ =	shalt  }
0x87: {  	_ =	shalt  }
.Lfunc_end0:
.L_simem_size_0:
called_computation_lowered:
.L_overlay_start_0:
0x88: {  	s2 =	sld [smem:$0x3FD9]  }
0x89: {  	s3 =	sld [smem:$0x3FFE];
	_ =	sdelay $0x1  }
0x8a: {  	s1 =	srdreg.scid  }
0x8b: {  	s0 =	sand.u32 $0x1, s1  }
0x8c: {  	s17 =	sshll.u32 s0, $0xA;
	s2 =	sadd.s32 s3, s2  }
0x8d: {  	s2 =	sadd.s32 s2, s17  }
0x8e: {  	[smem:$0x3FC4] =	sst s2  }
0x8f: {  	_ = 	snop  }
0x90: {  	s2 =	sld [smem:$0x3FC8]  }
0x91: {  	s18 =	sld [smem:$0x3FD0];
	(tm) =	ssettm $0x1  }
0x92: {  	s4 =	sld [smem:$0x3FFB];
	_ =	sdelay $0x3  }
0x93: {  	_ =	strace s4  }
0x94: {  	s4 =	sld [smem:$0x3FFC];
	_ =	sdelay $0x3  }
0x95: {  	_ =	strace s4  }
0x96: {  	s4 =	sld [smem:$0x3FFD];
	_ =	sdelay $0x3  }
0x97: {  	_ =	strace s4  }
0x98: {  	_ =	strace $0x8FFFFFFF  }
0x99: {  	s19 =	sld [smem:$0x3FDB];
	_ =	sdelay $0x1  }
0x9a: {  	s5 =	simm.s32 $_scs_section_size  }
0x9b: {  	s6 =	simm.s32 $_size__tile_overlayer_lowered;
	s7 =	simm.s32 $_tile_overlayer_lowered  }
0x9c: {  	s22 =	simm.s32 $0x1BFF;
	s21 =	sshll.u32 s7, $0x1;
	s4 =	sadd.s32 s5, s19  }
0x9d: {  	s8 =	simm.s32 $0x0;
	s20 =	sshll.u32 s6, $0x1;
	s6 =	sadd.s32 s21, s4  }
0x9e: {  	[timem:s8], [sflag:s22] =	dma.local [hbm:s6], s20  }
0x9f: {  	_ =	swait.ge [sflag:s22], s20  }
0xa0: {  	s5 =	ssub.s32 $0x0, s20;
	[sflag:s22] =	ssyncset.done $0x0  }
0xa1: {  	[sflag:s22] =	ssyncadd.s32 s5;
	_ =	sdelay $0x1  }
0xa2: {  	s23 =	simm.s32 $0x1B8B  }
0xa3: {  	_ =	swait.ge [sflag:s23], $0x1  }
0xa4: {  	[sflag:s23] =	ssyncset.done $0x0  }
0xa5: {  	s25 =	simm.s32 $0x1B8E;
	s24 =	sld [smem:$0x3FFE];
	[sflag:s23] =	ssyncadd.s32 $0xFFFFFFFF  }
0xa6: {  	s26 =	simm.s32 $execute0_lowered;
	[smem:$0x3FD2] =	sst s25  }
0xa7: {  	s6 =	sshll.u32 s26, $0x1;
	_ =	strace $0x80000046;
	[dreg:$0x1] =	wrdreg $0xFFFFFFFF  }
0xa8: {  	s28 =	simm.s32 $_size_execute0_lowered;
	s4 =	sadd.s32 s4, s6;
	[dreg:$0x0] =	wrdreg $0x0  }
0xa9: {  	s6 =	sshll.u32 s28, $0x1;
	[dreg:$0x2] =	wrdreg s4  }
0xaa: {  	[dreg:$0x3] =	wrdreg s6  }
0xab: {  	[dreg:$0x4] =	wrdreg $0xC0  }
0xac: {  	_ =	task [dreg:s8], $0x5FFFF  }
0xad: {  	[dreg:$0x1] =	wrdreg $0xFFFFFFFF  }
0xae: {  	[dreg:$0x0] =	wrdreg $0x60  }
0xaf: {  	[dreg:$0x2] =	wrdreg s2  }
0xb0: {  	[dreg:$0x3] =	wrdreg s18  }
0xb1: {  	[dreg:$0x4] =	wrdreg s24  }
0xb2: {  	[dreg:$0x5] =	wrdreg $0x9  }
0xb3: {  	_ =	task.clear_ibuf [dreg:s8], $0x6FFFF;
	_ =	strace $0x90000046  }
0xb4: {  	s29 =	simm.s32 $0x9;
	_ =	strace $0x80000048  }
0xb5: {  	_ =	swait.ge [sflag:s29], $0x1  }
0xb6: {  	[sflag:s29] =	ssyncadd.s32 $0xFFFFFFFF  }
0xb7: {  	_ =	strace $0x90000048  }
0xb8: {  	_ =	sfence  }
0xb9: {  	s30 =	sld [smem:$0x0];
	_ =	sdelay $0x2  }
0xba: {  	s31 =	sshll.u32 s1, $0xD;
	s1 =	sshrl.u32 s1, $0x2  }
0xbb: {  	s3 =	sand.u32 $0x4000, s31;
	s1 =	sadd.s32 s1, s30  }
0xbc: {  	s0 =	sor.u32 s3, s0;
	s1 =	sshll.u32 s1, $0x11  }
0xbd: {  	s0 =	sor.u32 s1, s0  }
0xbe: {  	s0 =	sadd.s32 $0x8F2B, s0  }
0xbf: {  	[sflag:s0] =	ssyncadd.remote.s32 $0x1  }
0xc0: {  	_ =	sfence.sel $0xFFFF  }
0xc1: {  	[dreg:$0x0] =	wrdreg $0xFFFFFFFF;
	(pc) =	sbr.abs _section_cstart, $3  }
0xc2: {  	[dreg:$0x1] =	wrdreg $0xFFFFFFFF  }
0xc3: {  	_ =	task.clear_ibuf [dreg:s8], $0x2FFFF;
	_ =	strace $0x9FFFFFFF  }
0xc4: {  	(tm) =	ssettm $0x7FFFFFFF  }
0xc5: {  	_ =	shalt  }
tec
execute0_lowered:
.L_overlay_start_1:
0x0: {  	(tag) =	ssettag $0x1  }
0x1: {  	v0 =	vlaneseq.u32  }
0x2: {  	v8 =	vimm.s32 $0x4B0A4908;
	v9 =	vimm.s32 $0x4F0E4D0C;
	vm1 =	vcmask $0x1F10  }
0x3: {  	v11 =	vimm.s32 $0x47064504;
	v12 =	vimm.s32 $0x5B1A5918;
	v14 =	vimm.s32 $0x53125110  }
0x4: {  	v15 =	vimm.s32 $0x57165514;
	v35 =	vimm.s32 $0x63226120;
	v36 =	vimm.s32 $0x44F  }
0x5: {  	vm14 =	vcmask $0x300;
	v37 =	vimm.s32 $0x67266524;
	vm13 =	vcmask $0x704  }
0x6: {  	vm12 =	vcmask $0xB08;
	vm11 =	vcmask $0xF0C;
	vm10 =	vcmask $0x1310  }
0x7: {  	v38 =	vimm.s32 $0x7B3A7938;
	vm9 =	vcmask $0x1714;
	v10 =	vunpack.c.0.s8.s32 v8  }
0x8: {  	v9 =	vunpack.c.0.s8.s32 v9;
	v8 =	vimm.s32 $0x43024100;
	v11 =	vunpack.c.0.s8.s32 v11  }
0x9: {  	v12 =	vunpack.c.0.s8.s32 v12;
	v13 =	vunpack.c.0.s8.s32 v8;
	v8 =	vimm.s32 $0x5F1E5D1C  }
0xa: {  	v14 =	vunpack.c.0.s8.s32 v14;
	v15 =	vunpack.c.0.s8.s32 v15;
	v16 =	vunpack.c.0.s8.s32 v8  }
0xb: {  	vm8 =	vcmask $0x1B18;
	v9 =	vsel vm1, v9, v10;
	v10 =	vsel vm1, v11, v13  }
0xc: {  	v41 =	vcombine.low v10, v9;
	v9 =	vsel vm1, v16, v12;
	v10 =	vsel vm1, v15, v14  }
0xd: {  	v39 =	vimm.s32 $0x7F3E7D3C;
	vm7 =	vcmask $0x1F1C;
	v9 =	vcombine.low v10, v9  }
0xe: {  	vm6 =	vcmask $0x2320;
	vm5 =	vcmask $0x2724;
	vm4 =	vcmask $0x2B28  }
0xf: {  	vm3 =	vcmask $0x2F2C;
	v11 =	vimm.s32 $0x6F2E6D2C;
	[tilespmem:$0x1FDD0] =	vst v9;
	v9 =	vimm.s32 $0x6B2A6928  }
0x10: {  	v13 =	vsel vm14, $0x400, v36;
	v11 =	vunpack.c.0.s8.s32 v11;
	v9 =	vunpack.c.0.s8.s32 v9  }
0x11: {  	vm2 =	vcmask $0x3330;
	vm0 =	vcmask $0x3734;
	v13 =	vsel vm13, $0x441, v13  }
0x12: {  	vm15 =	vcmask $0x3B38;
	v9 =	vsel vm1, v11, v9;
	v11 =	vsel vm12, $0x402, v13  }
0x13: {  	v42 =	vimm.s32 $0x46F;
	v19 =	vimm.s32 $0x85F;
	v11 =	vsel vm11, $0x443, v11  }
0x14: {  	v26 =	vimm.s32 $0x86F;
	v43 =	vimm.s32 $0x87F;
	v11 =	vsel vm10, $0x404, v11  }
0x15: {  	v44 =	vimm.s32 $0xC4F;
	v12 =	vunpack.c.0.s8.s32 v35;
	v11 =	vsel vm9, $0x445, v11  }
0x16: {  	v14 =	vunpack.c.0.s8.s32 v37;
	v15 =	vimm.s32 $0x73327130;
	v11 =	vsel vm8, $0x406, v11  }
0x17: {  	v16 =	vimm.s32 $0x77367534;
	v15 =	vunpack.c.0.s8.s32 v15;
	v11 =	vsel vm7, $0x447, v11  }
0x18: {  	v16 =	vunpack.c.0.s8.s32 v16;
	v12 =	vsel vm1, v14, v12;
	v11 =	vsel vm6, $0x408, v11  }
0x19: {  	v14 =	vunpack.c.0.s8.s32 v39;
	v13 =	vunpack.c.0.s8.s32 v38;
	v11 =	vsel vm5, $0x449, v11  }
0x1a: {  	v46 =	vimm.s32 $0xC5F;
	v9 =	vcombine.low v12, v9;
	v11 =	vsel vm4, $0x40A, v11  }
0x1b: {  	v40 =	vsel vm1, v16, v15;
	v13 =	vsel vm1, v14, v13;
	v11 =	vsel vm3, $0x44B, v11  }
0x1c: {  	v47 =	vimm.s32 $0xC6F;
	[tilespmem:$0x1FDE0] =	vst v9;
	v9 =	vcombine.low v40, v13;
	v11 =	vsel vm2, $0x40C, v11  }
0x1d: {  	v48 =	vimm.s32 $0xC7F;
	v49 =	vimm.s32 $0x104F;
	v15 =	vsel vm0, $0x44D, v11  }
0x1e: {  	v50 =	vimm.s32 $0x106F;
	v51 =	vimm.s32 $0x144F;
	[tilespmem:$0x1FDF0] =	vst v9;
	v9 =	vsel vm15, $0x40E, v15  }
0x1f: {  	v45 =	vmul.u32 $0x80, v0;
	v20 =	vsel vm14, $0x810, v19;
	[tilespmem:$0x1FE00] =	vst v9;
	v9 =	vimm.s32 $0x45F  }
0x20: {  	v26 =	vsel vm14, $0x820, v26;
	v21 =	vsel vm13, $0x851, v20;
	v9 =	vsel vm14, $0x410, v9  }
0x21: {  	v26 =	vsel vm13, $0x861, v26;
	v1 =	vor.u32 $0x1810, v45;
	v9 =	vsel vm13, $0x451, v9  }
0x22: {  	v22 =	vsel vm12, $0x812, v21;
	v26 =	vsel vm12, $0x822, v26;
	v9 =	vsel vm12, $0x412, v9  }
0x23: {  	v23 =	vsel vm11, $0x853, v22;
	v26 =	vsel vm11, $0x863, v26;
	v9 =	vsel vm11, $0x453, v9  }
0x24: {  	v24 =	vsel vm10, $0x814, v23;
	v14 =	vsel vm14, $0x420, v42;
	v9 =	vsel vm10, $0x414, v9  }
0x25: {  	v14 =	vsel vm13, $0x461, v14;
	v15 =	vimm.s32 $0x47F;
	v9 =	vsel vm9, $0x455, v9  }
0x26: {  	v14 =	vsel vm12, $0x422, v14;
	v15 =	vsel vm14, $0x430, v15;
	v9 =	vsel vm8, $0x416, v9  }
0x27: {  	v14 =	vsel vm11, $0x463, v14;
	v15 =	vsel vm13, $0x471, v15;
	v9 =	vsel vm7, $0x457, v9  }
0x28: {  	v14 =	vsel vm10, $0x424, v14;
	v15 =	vsel vm12, $0x432, v15;
	v9 =	vsel vm6, $0x418, v9  }
0x29: {  	v14 =	vsel vm9, $0x465, v14;
	v15 =	vsel vm11, $0x473, v15;
	v9 =	vsel vm5, $0x459, v9  }
0x2a: {  	v14 =	vsel vm8, $0x426, v14;
	v15 =	vsel vm10, $0x434, v15;
	v9 =	vsel vm4, $0x41A, v9  }
0x2b: {  	v14 =	vsel vm7, $0x467, v14;
	v15 =	vsel vm9, $0x475, v15;
	v9 =	vsel vm3, $0x45B, v9  }
0x2c: {  	v14 =	vsel vm6, $0x428, v14;
	v15 =	vsel vm8, $0x436, v15;
	v9 =	vsel vm2, $0x41C, v9  }
0x2d: {  	v14 =	vsel vm5, $0x469, v14;
	v15 =	vsel vm7, $0x477, v15;
	v9 =	vsel vm0, $0x45D, v9  }
0x2e: {  	[tilespmem:$0x1FDC0] =	vst v1;
	v15 =	vsel vm6, $0x438, v15;
	v1 =	vsel vm15, $0x41E, v9;
	v9 =	vimm.s32 $0x84F  }
0x2f: {  	v14 =	vsel vm4, $0x42A, v14;
	v15 =	vsel vm5, $0x479, v15;
	v9 =	vsel vm14, $0x800, v9  }
0x30: {  	v14 =	vsel vm3, $0x46B, v14;
	v15 =	vsel vm4, $0x43A, v15;
	v9 =	vsel vm13, $0x841, v9  }
0x31: {  	v14 =	vsel vm2, $0x42C, v14;
	v15 =	vsel vm3, $0x47B, v15;
	v9 =	vsel vm12, $0x802, v9  }
0x32: {  	v16 =	vsel vm0, $0x46D, v14;
	v15 =	vsel vm2, $0x43C, v15;
	v9 =	vsel vm11, $0x843, v9  }
0x33: {  	v17 =	vsel vm0, $0x47D, v15;
	[tilespmem:$0x1FE10] =	vst v1;
	v1 =	vsel vm15, $0x42E, v16;
	v9 =	vsel vm10, $0x804, v9  }
0x34: {  	v26 =	vsel vm10, $0x824, v26;
	[tilespmem:$0x1FE20] =	vst v1;
	v1 =	vsel vm15, $0x43E, v17;
	v9 =	vsel vm9, $0x845, v9  }
0x35: {  	v25 =	vsel vm9, $0x855, v24;
	[tilespmem:$0x1FE30] =	vst v1;
	v1 =	vor.u32 $0x20, v45;
	v9 =	vsel vm8, $0x806, v9  }
0x36: {  	v28 =	vsel vm9, $0x865, v26;
	[tilespmem:$0x1FE40] =	vst v1;
	v1 =	vor.u32 $0x820, v45;
	v9 =	vsel vm7, $0x847, v9  }
0x37: {  	v25 =	vsel vm8, $0x816, v25;
	[tilespmem:$0x1FE50] =	vst v1;
	v1 =	vor.u32 $0x1020, v45;
	v9 =	vsel vm6, $0x808, v9  }
0x38: {  	v25 =	vsel vm7, $0x857, v25;
	[tilespmem:$0x1FE60] =	vst v1;
	v1 =	vor.u32 $0x1820, v45;
	v9 =	vsel vm5, $0x849, v9  }
0x39: {  	v25 =	vsel vm6, $0x818, v25;
	[tilespmem:$0x1FE70] =	vst v1;
	v1 =	vor.u32 $0x30, v45;
	v9 =	vsel vm4, $0x80A, v9  }
0x3a: {  	v25 =	vsel vm5, $0x859, v25;
	[tilespmem:$0x1FE80] =	vst v1;
	v1 =	vor.u32 $0x830, v45;
	v9 =	vsel vm3, $0x84B, v9  }
0x3b: {  	v25 =	vsel vm4, $0x81A, v25;
	[tilespmem:$0x1FE90] =	vst v1;
	v1 =	vor.u32 $0x1030, v45;
	v9 =	vsel vm2, $0x80C, v9  }
0x3c: {  	v25 =	vsel vm3, $0x85B, v25;
	[tilespmem:$0x1FEA0] =	vst v1;
	v1 =	vor.u32 $0x1830, v45;
	v9 =	vsel vm0, $0x84D, v9  }
0x3d: {  	v25 =	vsel vm2, $0x81C, v25;
	[tilespmem:$0x1FEB0] =	vst v1;
	v1 =	vsel vm15, $0x80E, v9;
	v9 =	vsel vm8, $0x826, v28  }
0x3e: {  	v53 =	vimm.s32 $0x145F;
	v27 =	vsel vm0, $0x85D, v25;
	v9 =	vsel vm7, $0x867, v9  }
0x3f: {  	[tilespmem:$0x1FEC0] =	vst v1;
	v1 =	vsel vm15, $0x81E, v27;
	v27 =	vsel vm14, $0x830, v43;
	v9 =	vsel vm6, $0x828, v9  }
0x40: {  	v54 =	vimm.s32 $0x146F;
	v27 =	vsel vm13, $0x871, v27;
	v9 =	vsel vm5, $0x869, v9  }
0x41: {  	v28 =	vsel vm14, $0xC00, v44;
	v27 =	vsel vm12, $0x832, v27;
	v9 =	vsel vm4, $0x82A, v9  }
0x42: {  	v28 =	vsel vm13, $0xC41, v28;
	v27 =	vsel vm11, $0x873, v27;
	v9 =	vsel vm3, $0x86B, v9  }
0x43: {  	v28 =	vsel vm12, $0xC02, v28;
	v27 =	vsel vm10, $0x834, v27;
	v9 =	vsel vm2, $0x82C, v9  }
0x44: {  	v28 =	vsel vm11, $0xC43, v28;
	v29 =	vsel vm9, $0x875, v27;
	v9 =	vsel vm0, $0x86D, v9  }
0x45: {  	[tilespmem:$0x1FED0] =	vst v1;
	v28 =	vsel vm10, $0xC04, v28;
	v1 =	vsel vm15, $0x82E, v9;
	v9 =	vsel vm8, $0x836, v29  }
0x46: {  	v55 =	vimm.s32 $0x147F;
	v28 =	vsel vm9, $0xC45, v28;
	v9 =	vsel vm7, $0x877, v9  }
0x47: {  	v28 =	vsel vm8, $0xC06, v28;
	v29 =	vsel vm14, $0xC10, v46;
	v9 =	vsel vm6, $0x838, v9  }
0x48: {  	v28 =	vsel vm7, $0xC47, v28;
	v29 =	vsel vm13, $0xC51, v29;
	v9 =	vsel vm5, $0x879, v9  }
0x49: {  	v28 =	vsel vm6, $0xC08, v28;
	v29 =	vsel vm12, $0xC12, v29;
	v9 =	vsel vm4, $0x83A, v9  }
0x4a: {  	v28 =	vsel vm5, $0xC49, v28;
	v29 =	vsel vm11, $0xC53, v29;
	v9 =	vsel vm3, $0x87B, v9  }
0x4b: {  	v28 =	vsel vm4, $0xC0A, v28;
	v29 =	vsel vm10, $0xC14, v29;
	v9 =	vsel vm2, $0x83C, v9  }
0x4c: {  	v28 =	vsel vm3, $0xC4B, v28;
	v31 =	vsel vm9, $0xC55, v29;
	v9 =	vsel vm0, $0x87D, v9  }
0x4d: {  	[tilespmem:$0x1FEE0] =	vst v1;
	v28 =	vsel vm2, $0xC0C, v28;
	v1 =	vsel vm15, $0x83E, v9;
	v9 =	vsel vm8, $0xC16, v31  }
0x4e: {  	v56 =	vimm.s32 $0x184F;
	v30 =	vsel vm0, $0xC4D, v28;
	v9 =	vsel vm7, $0xC57, v9  }
0x4f: {  	[tilespmem:$0x1FEF0] =	vst v1;
	v1 =	vsel vm15, $0xC0E, v30;
	v30 =	vsel vm14, $0xC20, v47;
	v9 =	vsel vm6, $0xC18, v9  }
0x50: {  	v63 =	vor.u32 $0x800, v45;
	v30 =	vsel vm13, $0xC61, v30;
	v9 =	vsel vm5, $0xC59, v9  }
0x51: {  	v3 =	vor.u32 $0x1000, v45;
	v30 =	vsel vm12, $0xC22, v30;
	v9 =	vsel vm4, $0xC1A, v9  }
0x52: {  	v4 =	vor.u32 $0x1800, v45;
	v30 =	vsel vm11, $0xC63, v30;
	v9 =	vsel vm3, $0xC5B, v9  }
0x53: {  	v5 =	vor.u32 $0x10, v45;
	v30 =	vsel vm10, $0xC24, v30;
	v9 =	vsel vm2, $0xC1C, v9  }
0x54: {  	v6 =	vor.u32 $0x810, v45;
	v32 =	vsel vm9, $0xC65, v30;
	v9 =	vsel vm0, $0xC5D, v9  }
0x55: {  	v0 =	vor.u32 $0x1840, v45;
	[tilespmem:$0x1FF00] =	vst v1;
	v1 =	vsel vm15, $0xC1E, v9;
	v9 =	vsel vm8, $0xC26, v32  }
0x56: {  	[tilespmem:$0x1FF70] =	vst v0;
	v0 =	vor.u32 $0x50, v45;
	v35 =	vimm.s32 $0x105F;
	v9 =	vsel vm7, $0xC67, v9  }
0x57: {  	[tilespmem:$0x1FF80] =	vst v0;
	v0 =	vor.u32 $0x850, v45;
	v32 =	vsel vm14, $0x1000, v49;
	v9 =	vsel vm6, $0xC28, v9  }
0x58: {  	v36 =	vsel vm14, $0x1010, v35;
	v32 =	vsel vm13, $0x1041, v32;
	v9 =	vsel vm5, $0xC69, v9  }
0x59: {  	v43 =	vimm.s32 $0x107F;
	v32 =	vsel vm12, $0x1002, v32;
	v9 =	vsel vm4, $0xC2A, v9  }
0x5a: {  	v43 =	vsel vm14, $0x1030, v43;
	v32 =	vsel vm11, $0x1043, v32;
	v9 =	vsel vm3, $0xC6B, v9  }
0x5b: {  	v43 =	vsel vm13, $0x1071, v43;
	v32 =	vsel vm10, $0x1004, v32;
	v9 =	vsel vm2, $0xC2C, v9  }
0x5c: {  	v43 =	vsel vm12, $0x1032, v43;
	v34 =	vsel vm9, $0x1045, v32;
	v9 =	vsel vm0, $0xC6D, v9  }
0x5d: {  	v43 =	vsel vm11, $0x1073, v43;
	[tilespmem:$0x1FF10] =	vst v1;
	v1 =	vsel vm15, $0xC2E, v9;
	v9 =	vsel vm8, $0x1006, v34  }
0x5e: {  	[tilespmem:$0x1FF90] =	vst v0;
	v0 =	vor.u32 $0x1050, v45;
	v43 =	vsel vm10, $0x1034, v43;
	v9 =	vsel vm7, $0x1047, v9  }
0x5f: {  	v37 =	vsel vm13, $0x1051, v36;
	v43 =	vsel vm9, $0x1075, v43;
	v9 =	vsel vm6, $0x1008, v9  }
0x60: {  	[tilespmem:$0x1FFA0] =	vst v0;
	v0 =	vor.u32 $0x1850, v45;
	v43 =	vsel vm8, $0x1036, v43;
	v9 =	vsel vm5, $0x1049, v9  }
0x61: {  	v38 =	vsel vm12, $0x1012, v37;
	v43 =	vsel vm7, $0x1077, v43;
	v9 =	vsel vm4, $0x100A, v9  }
0x62: {  	v39 =	vsel vm11, $0x1053, v38;
	v43 =	vsel vm6, $0x1038, v43;
	v9 =	vsel vm3, $0x104B, v9  }
0x63: {  	v40 =	vsel vm10, $0x1014, v39;
	v43 =	vsel vm5, $0x1079, v43;
	v9 =	vsel vm2, $0x100C, v9  }
0x64: {  	v42 =	vsel vm9, $0x1055, v40;
	v43 =	vsel vm4, $0x103A, v43;
	v9 =	vsel vm0, $0x104D, v9  }
0x65: {  	[tilespmem:$0x1FFB0] =	vst v0;
	v43 =	vsel vm3, $0x107B, v43;
	v0 =	vsel vm15, $0x100E, v9;
	v9 =	vsel vm8, $0x1016, v42  }
0x66: {  	v43 =	vsel vm2, $0x103C, v43;
	v31 =	vsel vm14, $0xC30, v48;
	v9 =	vsel vm7, $0x1057, v9  }
0x67: {  	v31 =	vsel vm13, $0xC71, v31;
	v42 =	vsel vm14, $0x1020, v50;
	v9 =	vsel vm6, $0x1018, v9  }
0x68: {  	v31 =	vsel vm12, $0xC32, v31;
	v42 =	vsel vm13, $0x1061, v42;
	v9 =	vsel vm5, $0x1059, v9  }
0x69: {  	v31 =	vsel vm11, $0xC73, v31;
	v42 =	vsel vm12, $0x1022, v42;
	v9 =	vsel vm4, $0x101A, v9  }
0x6a: {  	v31 =	vsel vm10, $0xC34, v31;
	v42 =	vsel vm11, $0x1063, v42;
	v9 =	vsel vm3, $0x105B, v9  }
0x6b: {  	v31 =	vsel vm9, $0xC75, v31;
	v42 =	vsel vm10, $0x1024, v42;
	v9 =	vsel vm2, $0x101C, v9  }
0x6c: {  	v31 =	vsel vm8, $0xC36, v31;
	v44 =	vsel vm9, $0x1065, v42;
	v9 =	vsel vm0, $0x105D, v9  }
0x6d: {  	v31 =	vsel vm7, $0xC77, v31;
	[tilespmem:$0x1FFC0] =	vst v0;
	v0 =	vsel vm15, $0x101E, v9;
	v9 =	vsel vm8, $0x1026, v44  }
0x6e: {  	v52 =	vsel vm0, $0x107D, v43;
	v31 =	vsel vm6, $0xC38, v31;
	v9 =	vsel vm7, $0x1067, v9  }
0x6f: {  	v31 =	vsel vm5, $0xC79, v31;
	v44 =	vsel vm14, $0x1400, v51;
	v9 =	vsel vm6, $0x1028, v9  }
0x70: {  	v31 =	vsel vm4, $0xC3A, v31;
	v44 =	vsel vm13, $0x1441, v44;
	v9 =	vsel vm5, $0x1069, v9  }
0x71: {  	v31 =	vsel vm3, $0xC7B, v31;
	v44 =	vsel vm12, $0x1402, v44;
	v9 =	vsel vm4, $0x102A, v9  }
0x72: {  	v31 =	vsel vm2, $0xC3C, v31;
	v44 =	vsel vm11, $0x1443, v44;
	v9 =	vsel vm3, $0x106B, v9  }
0x73: {  	v33 =	vsel vm0, $0xC7D, v31;
	v44 =	vsel vm10, $0x1404, v44;
	v9 =	vsel vm2, $0x102C, v9  }
0x74: {  	[tilespmem:$0x1FF20] =	vst v1;
	v1 =	vsel vm15, $0xC3E, v33;
	v46 =	vsel vm9, $0x1445, v44;
	v9 =	vsel vm0, $0x106D, v9  }
0x75: {  	[tilespmem:$0x1FF30] =	vst v1;
	v1 =	vor.u32 $0x40, v45;
	v43 =	vsel vm15, $0x102E, v9;
	v9 =	vsel vm8, $0x1406, v46  }
0x76: {  	v7 =	vor.u32 $0x1010, v45;
	[tilespmem:$0x1FF40] =	vst v1;
	v1 =	vor.u32 $0x840, v45;
	v9 =	vsel vm7, $0x1447, v9  }
0x77: {  	[tilespmem:$0x1FF50] =	vst v1;
	v1 =	vor.u32 $0x1040, v45;
	v42 =	vmovc v45;
	v45 =	vsel vm14, $0x1410, v53;
	v9 =	vsel vm6, $0x1408, v9  }
0x78: {  	v57 =	vimm.s32 $0x185F;
	v45 =	vsel vm13, $0x1451, v45;
	v9 =	vsel vm5, $0x1449, v9  }
0x79: {  	v45 =	vsel vm12, $0x1412, v45;
	v46 =	vsel vm14, $0x1420, v54;
	v9 =	vsel vm4, $0x140A, v9  }
0x7a: {  	v45 =	vsel vm11, $0x1453, v45;
	v46 =	vsel vm13, $0x1461, v46;
	v9 =	vsel vm3, $0x144B, v9  }
0x7b: {  	v45 =	vsel vm10, $0x1414, v45;
	v46 =	vsel vm12, $0x1422, v46;
	v9 =	vsel vm2, $0x140C, v9  }
0x7c: {  	v47 =	vsel vm9, $0x1455, v45;
	v46 =	vsel vm11, $0x1463, v46;
	v9 =	vsel vm0, $0x144D, v9  }
0x7d: {  	v46 =	vsel vm10, $0x1424, v46;
	v44 =	vsel vm15, $0x140E, v9;
	v9 =	vsel vm8, $0x1416, v47  }
0x7e: {  	v59 =	vimm.s32 $0x1C4F;
	v46 =	vsel vm9, $0x1465, v46;
	v9 =	vsel vm7, $0x1457, v9  }
0x7f: {  	v46 =	vsel vm8, $0x1426, v46;
	v47 =	vsel vm14, $0x1430, v55;
	v9 =	vsel vm6, $0x1418, v9  }
0x80: {  	v46 =	vsel vm7, $0x1467, v46;
	v47 =	vsel vm13, $0x1471, v47;
	v9 =	vsel vm5, $0x1459, v9  }
0x81: {  	v46 =	vsel vm6, $0x1428, v46;
	v47 =	vsel vm12, $0x1432, v47;
	v9 =	vsel vm4, $0x141A, v9  }
0x82: {  	v46 =	vsel vm5, $0x1469, v46;
	v47 =	vsel vm11, $0x1473, v47;
	v9 =	vsel vm3, $0x145B, v9  }
0x83: {  	v46 =	vsel vm4, $0x142A, v46;
	v47 =	vsel vm10, $0x1434, v47;
	v9 =	vsel vm2, $0x141C, v9  }
0x84: {  	v46 =	vsel vm3, $0x146B, v46;
	v49 =	vsel vm9, $0x1475, v47;
	v9 =	vsel vm0, $0x145D, v9  }
0x85: {  	v46 =	vsel vm2, $0x142C, v46;
	v45 =	vsel vm15, $0x141E, v9;
	v9 =	vsel vm8, $0x1436, v49  }
0x86: {  	v61 =	vimm.s32 $0x1C6F;
	v48 =	vsel vm0, $0x146D, v46;
	v9 =	vsel vm7, $0x1477, v9  }
0x87: {  	v33 =	vsel vm15, $0x142E, v48;
	v48 =	vsel vm14, $0x1800, v56;
	v9 =	vsel vm6, $0x1438, v9  }
0x88: {  	v62 =	vimm.s32 $0x1C7F;
	v48 =	vsel vm13, $0x1841, v48;
	v9 =	vsel vm5, $0x1479, v9  }
0x89: {  	v59 =	vsel vm14, $0x1C00, v59;
	v48 =	vsel vm12, $0x1802, v48;
	v9 =	vsel vm4, $0x143A, v9  }
0x8a: {  	v61 =	vsel vm14, $0x1C20, v61;
	v48 =	vsel vm11, $0x1843, v48;
	v9 =	vsel vm3, $0x147B, v9  }
0x8b: {  	v62 =	vsel vm14, $0x1C30, v62;
	v48 =	vsel vm10, $0x1804, v48;
	v9 =	vsel vm2, $0x143C, v9  }
0x8c: {  	v59 =	vsel vm13, $0x1C41, v59;
	v50 =	vsel vm9, $0x1845, v48;
	v9 =	vsel vm0, $0x147D, v9  }
0x8d: {  	v61 =	vsel vm13, $0x1C61, v61;
	v34 =	vsel vm15, $0x143E, v9;
	v9 =	vsel vm8, $0x1806, v50  }
0x8e: {  	v62 =	vsel vm13, $0x1C71, v62;
	v59 =	vsel vm12, $0x1C02, v59;
	v9 =	vsel vm7, $0x1847, v9  }
0x8f: {  	v61 =	vsel vm12, $0x1C22, v61;
	v49 =	vsel vm14, $0x1810, v57;
	v9 =	vsel vm6, $0x1808, v9  }
0x90: {  	v62 =	vsel vm12, $0x1C32, v62;
	v49 =	vsel vm13, $0x1851, v49;
	v9 =	vsel vm5, $0x1849, v9  }
0x91: {  	v59 =	vsel vm11, $0x1C43, v59;
	v49 =	vsel vm12, $0x1812, v49;
	v9 =	vsel vm4, $0x180A, v9  }
0x92: {  	v61 =	vsel vm11, $0x1C63, v61;
	v49 =	vsel vm11, $0x1853, v49;
	v9 =	vsel vm3, $0x184B, v9  }
0x93: {  	v62 =	vsel vm11, $0x1C73, v62;
	v49 =	vsel vm10, $0x1814, v49;
	v9 =	vsel vm2, $0x180C, v9  }
0x94: {  	v59 =	vsel vm10, $0x1C04, v59;
	v49 =	vsel vm9, $0x1855, v49;
	v9 =	vsel vm0, $0x184D, v9  }
0x95: {  	v58 =	vsel vm8, $0x1816, v49;
	v35 =	vsel vm15, $0x180E, v9;
	v9 =	vimm.s32 $0x186F  }
0x96: {  	v51 =	vsel vm7, $0x1857, v58;
	v58 =	vimm.s32 $0x187F;
	v9 =	vsel vm14, $0x1820, v9  }
0x97: {  	v61 =	vsel vm10, $0x1C24, v61;
	v58 =	vsel vm14, $0x1830, v58;
	v9 =	vsel vm13, $0x1861, v9  }
0x98: {  	v62 =	vsel vm10, $0x1C34, v62;
	v58 =	vsel vm13, $0x1871, v58;
	v9 =	vsel vm12, $0x1822, v9  }
0x99: {  	v59 =	vsel vm9, $0x1C45, v59;
	v58 =	vsel vm12, $0x1832, v58;
	v9 =	vsel vm11, $0x1863, v9  }
0x9a: {  	v61 =	vsel vm9, $0x1C65, v61;
	v58 =	vsel vm11, $0x1873, v58;
	v9 =	vsel vm10, $0x1824, v9  }
0x9b: {  	v62 =	vsel vm9, $0x1C75, v62;
	v58 =	vsel vm10, $0x1834, v58;
	v9 =	vsel vm9, $0x1865, v9  }
0x9c: {  	v59 =	vsel vm8, $0x1C06, v59;
	v58 =	vsel vm9, $0x1875, v58;
	v9 =	vsel vm8, $0x1826, v9  }
0x9d: {  	v61 =	vsel vm8, $0x1C26, v61;
	v58 =	vsel vm8, $0x1836, v58;
	v9 =	vsel vm7, $0x1867, v9  }
0x9e: {  	v62 =	vsel vm8, $0x1C36, v62;
	v58 =	vsel vm7, $0x1877, v58;
	v9 =	vsel vm6, $0x1828, v9  }
0x9f: {  	v59 =	vsel vm7, $0x1C47, v59;
	v58 =	vsel vm6, $0x1838, v58;
	v9 =	vsel vm5, $0x1869, v9  }
0xa0: {  	v61 =	vsel vm7, $0x1C67, v61;
	v58 =	vsel vm5, $0x1879, v58;
	v9 =	vsel vm4, $0x182A, v9  }
0xa1: {  	v62 =	vsel vm7, $0x1C77, v62;
	v58 =	vsel vm4, $0x183A, v58;
	v9 =	vsel vm3, $0x186B, v9  }
0xa2: {  	v59 =	vsel vm6, $0x1C08, v59;
	v58 =	vsel vm3, $0x187B, v58;
	v9 =	vsel vm2, $0x182C, v9  }
0xa3: {  	v61 =	vsel vm6, $0x1C28, v61;
	v60 =	vsel vm2, $0x183C, v58;
	v9 =	vsel vm0, $0x186D, v9  }
0xa4: {  	v62 =	vsel vm6, $0x1C38, v62;
	v37 =	vsel vm15, $0x182E, v9;
	v9 =	vsel vm0, $0x187D, v60  }
0xa5: {  	v59 =	vsel vm5, $0x1C49, v59;
	v8 =	vsel vm15, $0x183E, v9;
	v9 =	vimm.s32 $0x1C5F  }
0xa6: {  	v61 =	vsel vm5, $0x1C69, v61;
	v62 =	vsel vm5, $0x1C79, v62;
	v9 =	vsel vm14, $0x1C10, v9  }
0xa7: {  	v59 =	vsel vm4, $0x1C0A, v59;
	v61 =	vsel vm4, $0x1C2A, v61;
	v9 =	vsel vm13, $0x1C51, v9  }
0xa8: {  	s0 =	rddreg [dreg:$0x0];
	v62 =	vsel vm4, $0x1C3A, v62;
	v59 =	vsel vm3, $0x1C4B, v59;
	v9 =	vsel vm12, $0x1C12, v9  }
0xa9: {  	s1 =	rddreg [dreg:$0x1];
	v61 =	vsel vm3, $0x1C6B, v61;
	v62 =	vsel vm3, $0x1C7B, v62;
	v9 =	vsel vm11, $0x1C53, v9  }
0xaa: {  	s13 =	rddreg [dreg:$0x2];
	v59 =	vsel vm2, $0x1C0C, v59;
	v62 =	vsel vm2, $0x1C3C, v62;
	v9 =	vsel vm10, $0x1C14, v9  }
0xab: {  	s2 =	rddreg [dreg:$0x3];
	s4 =	simm.s32 $0x0;
	s16 =	simm.s32 $0x7A1400;
	v59 =	vsel vm0, $0x1C4D, v59;
	v17 =	vsel vm15, $0x103E, v52;
	v9 =	vsel vm9, $0x1C55, v9  }
0xac: {  	s5 =	srdreg.scid;
	s3 =	stileid.u32;
	s17 =	simm.s32 $0x2000;
	[tilespmem:$0x1FF60] =	vst v1;
	v1 =	vsel vm2, $0x1C2C, v61;
	v19 =	vor.u32 $0x1870, v42;
	v9 =	vsel vm8, $0x1C16, v9  }
0xad: {  	s18 =	simm.s32 $0x4000;
	s19 =	simm.s32 $0x6000;
	s20 =	simm.s32 $0x1;
	[tilespmem:$0x1FFD0] =	vst v0;
	v0 =	vor.u32 $0x60, v42;
	v52 =	vsel vm6, $0x1818, v51;
	v9 =	vsel vm7, $0x1C57, v9  }
0xae: {  	s22 =	simm.s32 $0x0;
	s6 =	sand.u32 $0x1, s5;
	s30 =	sshll.u32 s3, $0x1;
	v50 =	vor.u32 $0x860, v42;
	v53 =	vsel vm5, $0x1859, v52;
	v9 =	vsel vm6, $0x1C18, v9  }
0xaf: {  	[smem:$0x7FF] =	sst s4;
	s5 =	sadd.s32 $0xE00, s13;
	s21 =	sor.u32 s6, s30;
	v51 =	vor.u32 $0x1060, v42;
	v54 =	vsel vm4, $0x181A, v53;
	v9 =	vsel vm5, $0x1C59, v9  }
0xb0: {  	s13 =	sadd.s32 $0x7A1E00, s13;
	s14 =	ssub.s32 $0x2, s6;
	s31 =	sshll.u32 s21, $0x7;
	v52 =	vor.u32 $0x1860, v42;
	v55 =	vsel vm3, $0x185B, v54;
	v9 =	vsel vm4, $0x1C1A, v9  }
0xb1: {  	s15 =	sshrl.u32 s14, $0x1;
	s7 =	ssub.s32 $0x1E83, s21;
	s12 =	sshll.u32 s21, $0xA;
	v53 =	vor.u32 $0x70, v42;
	v56 =	vsel vm2, $0x181C, v55;
	v9 =	vsel vm3, $0x1C5B, v9  }
0xb2: {  	p0 =	sne.s32 s21, $0x0;
	s6 =	sadd.s32 s0, s31;
	s15 =	ssub.s32 s14, s15;
	v54 =	vor.u32 $0x870, v42;
	v57 =	vsel vm0, $0x185D, v56;
	v9 =	vsel vm2, $0x1C1C, v9  }
0xb3: {  	s14 =	simm.s32 $0x400;
	s8 =	sadd.s32 $0x1000, s6;
	s9 =	sadd.s32 $0x2000, s6;
	v55 =	vor.u32 $0x1070, v42;
	v36 =	vsel vm15, $0x181E, v57;
	v9 =	vsel vm0, $0x1C5D, v9  }
0xb4: {  	s21 =	simm.s32 $0x2;
	s7 =	sshrl.u32 s7, $0x5;
	_ =	strace $0x80000047;
	[tilespmem:$0x1FFE0] =	vst v41;
	v49 =	vsel vm15, $0x1C1E, v9;
	v9 =	vsel vm0, $0x1C6D, v1;
	v1 =	vsel vm0, $0x1C7D, v62  }
0xb5: {  	s10 =	sadd.s32 $0x3000, s6;
	s11 =	sadd.s32 $0xFFFFFFFC, s7;
	s15 =	smax.u32 s15, $0x1;
	v58 =	vsel vm15, $0x1C0E, v59;
	v62 =	vmovc v0;
	v9 =	vsel vm15, $0x1C2E, v9;
	v18 =	vsel vm15, $0x1C3E, v1;
	[tilespmem:$0x1FFF0] =	vst v49  }
.LBB2_1:
0xb6: {  	[tilespmem:s4], [sflag:$0x1] =	stream.strided.gather [hbm4b:s6+s14], $0x2000, s16, s14, $0x38;
	[tilespmem:$0x11000] =	vst v63  }
0xb7: {  	_ = 	snop  }
0xb8: {  	[tilespmem:s17], [sflag:$0x1] =	stream.strided.gather [hbm4b:s8+s14], $0x2000, s16, s14, $0x38;
	[tilespmem:$0x11000] =	vst v63  }
0xb9: {  	_ = 	snop  }
0xba: {  	[tilespmem:s18], [sflag:$0x1] =	stream.strided.gather [hbm4b:s9+s14], $0x2000, s16, s14, $0x38;
	[tilespmem:$0x11000] =	vst v63  }
0xbb: {  	s23 =	simm.s32 $0x0  }
0xbc: {  	[tilespmem:s19], [sflag:$0x1] =	stream.strided.gather [hbm4b:s10+s14], $0x2000, s16, s14, $0x38;
	[tilespmem:$0x11000] =	vst v63  }
.LBB2_2:
0xbd: {  	_ =	swait.ge [sflag:s20], $0x2000  }
0xbe: {  	p1 =	slt.u32 s23, $0x4;
	[sflag:s20] =	ssyncset.done $0x0  }
0xbf: {  	s25 =	simm.s32 @!p1 $0x2;
	[sflag:s20] =	ssyncadd.s32 $0xFFFFE000  }
0xc0: {  	s24 =	sshll.u32 s23, $0xD;
	_ =	swait.ge @!p1 [sflag:s25], $0x2000  }
0xc1: {  	s24 =	sand.u32 $0x6000, s24;
	[sflag:s25] =	ssyncset.done @!p1 $0x0  }
0xc2: {  	s26 =	simm.s32 $0x0;
	[sflag:s25] =	ssyncadd.s32 @!p1 $0xFFFFE000;
	s25 =	sor.u32 $0x8000, s24  }
.LBB2_3:
0xc3: {  	v20 =	vld [tilespmem:$0x1FDD0]  }
0xc4: {  	v60 =	vlaneseq.u32  }
0xc5: {  	v10 =	vadd.s32 s26, v60  }
0xc6: {  	v27 =	vshll.u32 v10, $0x6  }
0xc7: {  	v27 =	vand.u32 $0x380, v27  }
0xc8: {  	v30 =	vor.u32 v20, v27;
	v20 =	vld [tilespmem:$0x1FDE0];
	_ =	sdelay $0x1  }
0xc9: {  	v59 =	vld [tilespmem:$0x1FDC0]  }
0xca: {  	v38 =	vld [tilespmem:$0x1FE10];
	v16 =	vor.u32 v5, v10  }
0xcb: {  	v39 =	vld [tilespmem:$0x1FE20];
	v25 =	vor.u32 v6, v10  }
0xcc: {  	v11 =	vand.u32 $0xF, v10;
	v31 =	vor.u32 v20, v27;
	v20 =	vld [tilespmem:$0x1FDF0]  }
0xcd: {  	v40 =	vld [tilespmem:$0x1FE30];
	v12 =	vor.u32 v42, v11  }
0xce: {  	v23 =	vld [tilespmem:$0x1FE60];
	v13 =	vor.u32 v63, v11  }
0xcf: {  	v14 =	vor.u32 v3, v11;
	v16 =	vld.idx.msk [tilespmem:v16+s24+$0x0], $0xffff  }
0xd0: {  	v15 =	vor.u32 v4, v11;
	v25 =	vld.idx.msk [tilespmem:v25+s24+$0x0], $0xffff  }
0xd1: {  	v26 =	vor.u32 v7, v10;
	v32 =	vor.u32 v20, v27;
	v20 =	vld [tilespmem:$0x1FE00]  }
0xd2: {  	v29 =	vor.u32 v41, v27;
	v28 =	vor.u32 v59, v10;
	v12 =	vld.idx.msk [tilespmem:v12+s24+$0x0], $0xffff  }
0xd3: {  	v13 =	vld.idx.msk [tilespmem:v13+s24+$0x0], $0xffff  }
0xd4: {  	v14 =	vld.idx.msk [tilespmem:v14+s24+$0x0], $0xffff  }
0xd5: {  	v15 =	vld.idx.msk [tilespmem:v15+s24+$0x0], $0xffff  }
0xd6: {  	v26 =	vld.idx.msk [tilespmem:v26+s24+$0x0], $0xffff;
	v24 =	vor.u32 v20, v27  }
0xd7: {  	v28 =	vld.idx.msk [tilespmem:v28+s24+$0x0], $0xffff;
	[tilespmem:v29+s25+$0x0] =	vst.idx.msk $0xffff, v12  }
0xd8: {  	v12 =	vor.u32 v38, v27;
	[tilespmem:v30+s25+$0x0] =	vst.idx.msk $0xffff, v13  }
0xd9: {  	v13 =	vor.u32 v39, v27;
	[tilespmem:v31+s25+$0x0] =	vst.idx.msk $0xffff, v14  }
0xda: {  	v14 =	vor.u32 v40, v27;
	[tilespmem:v32+s25+$0x0] =	vst.idx.msk $0xffff, v15  }
0xdb: {  	v46 =	vor.u32 v23, v11;
	[tilespmem:v24+s25+$0x0] =	vst.idx.msk $0xffff, v16;
	v24 =	vld [tilespmem:$0x1FE70]  }
0xdc: {  	v20 =	vld [tilespmem:$0x1FEC0]  }
0xdd: {  	[tilespmem:v12+s25+$0x0] =	vst.idx.msk $0xffff, v25  }
0xde: {  	v21 =	vld [tilespmem:$0x1FE40];
	[tilespmem:v13+s25+$0x0] =	vst.idx.msk $0xffff, v26  }
0xdf: {  	v61 =	vld [tilespmem:$0x1FE80];
	[tilespmem:v14+s25+$0x0] =	vst.idx.msk $0xffff, v28  }
0xe0: {  	v12 =	vld.idx.msk [tilespmem:v46+s24+$0x0], $0xffff;
	v47 =	vor.u32 v24, v11  }
0xe1: {  	v46 =	vor.u32 v20, v27;
	v20 =	vld [tilespmem:$0x1FED0]  }
0xe2: {  	v22 =	vld [tilespmem:$0x1FE50]  }
0xe3: {  	v38 =	vld [tilespmem:$0x1FE90]  }
0xe4: {  	v39 =	vld [tilespmem:$0x1FEA0]  }
0xe5: {  	v48 =	vor.u32 v61, v10;
	v13 =	vld.idx.msk [tilespmem:v47+s24+$0x0], $0xffff  }
0xe6: {  	v47 =	vor.u32 v20, v27;
	v20 =	vld [tilespmem:$0x1FEE0]  }
0xe7: {  	v40 =	vld [tilespmem:$0x1FEB0];
	v15 =	vor.u32 v21, v11  }
0xe8: {  	v56 =	vor.u32 v38, v10  }
0xe9: {  	v0 =	vld [tilespmem:$0x1FF40];
	v16 =	vor.u32 v22, v11  }
0xea: {  	v57 =	vor.u32 v39, v10;
	v14 =	vld.idx.msk [tilespmem:v48+s24+$0x0], $0xffff  }
0xeb: {  	v48 =	vor.u32 v20, v27;
	v20 =	vld [tilespmem:$0x1FEF0]  }
0xec: {  	v41 =	vor.u32 v40, v10;
	v15 =	vld.idx.msk [tilespmem:v15+s24+$0x0], $0xffff  }
0xed: {  	v25 =	vld.idx.msk [tilespmem:v56+s24+$0x0], $0xffff  }
0xee: {  	v16 =	vld.idx.msk [tilespmem:v16+s24+$0x0], $0xffff  }
0xef: {  	v26 =	vld.idx.msk [tilespmem:v57+s24+$0x0], $0xffff  }
0xf0: {  	v56 =	vor.u32 v20, v27;
	v20 =	vld [tilespmem:$0x1FF00]  }
0xf1: {  	v28 =	vld.idx.msk [tilespmem:v41+s24+$0x0], $0xffff  }
0xf2: {  	[tilespmem:v46+s25+$0x0] =	vst.idx.msk $0xffff, v15;
	v15 =	vld [tilespmem:$0x1FF10]  }
0xf3: {  	[tilespmem:v47+s25+$0x0] =	vst.idx.msk $0xffff, v16;
	v16 =	vld [tilespmem:$0x1FF20]  }
0xf4: {  	v29 =	vld [tilespmem:$0x1FF30]  }
0xf5: {  	v1 =	vld [tilespmem:$0x1FF80];
	v57 =	vor.u32 v20, v27  }
0xf6: {  	[tilespmem:v48+s25+$0x0] =	vst.idx.msk $0xffff, v12;
	v48 =	vld [tilespmem:$0x1FF50]  }
0xf7: {  	v2 =	vld [tilespmem:$0x1FFB0];
	v15 =	vor.u32 v15, v27  }
0xf8: {  	v16 =	vor.u32 v16, v27;
	v20 =	vld [tilespmem:$0x1FFC0]  }
0xf9: {  	v12 =	vor.u32 v29, v27;
	[tilespmem:v56+s25+$0x0] =	vst.idx.msk $0xffff, v13;
	v56 =	vld [tilespmem:$0x1FF60]  }
0xfa: {  	v30 =	vor.u32 v0, v11;
	[tilespmem:v57+s25+$0x0] =	vst.idx.msk $0xffff, v14;
	v57 =	vld [tilespmem:$0x1FF70]  }
0xfb: {  	v47 =	vld [tilespmem:$0x1FF90];
	v31 =	vor.u32 v48, v11  }
0xfc: {  	v32 =	vor.u32 v1, v10;
	v46 =	vld [tilespmem:$0x1FFA0];
	[tilespmem:v15+s25+$0x0] =	vst.idx.msk $0xffff, v25  }
0xfd: {  	v41 =	vor.u32 v2, v10;
	v29 =	vor.u32 v20, v27;
	v20 =	vld [tilespmem:$0x1FFD0];
	[tilespmem:v16+s25+$0x0] =	vst.idx.msk $0xffff, v26  }
0xfe: {  	v15 =	vor.u32 v56, v11;
	[tilespmem:v12+s25+$0x0] =	vst.idx.msk $0xffff, v28  }
0xff: {  	v13 =	vld.idx.msk [tilespmem:v30+s24+$0x0], $0xffff;
	v16 =	vor.u32 v57, v11  }
0x100: {  	v25 =	vor.u32 v47, v10;
	v14 =	vld.idx.msk [tilespmem:v31+s24+$0x0], $0xffff  }
0x101: {  	v26 =	vor.u32 v46, v10;
	v12 =	vld.idx.msk [tilespmem:v32+s24+$0x0], $0xffff  }
0x102: {  	v28 =	vld.idx.msk [tilespmem:v41+s24+$0x0], $0xffff;
	v30 =	vor.u32 v20, v27  }
0x103: {  	v31 =	vor.u32 v43, v27;
	v15 =	vld.idx.msk [tilespmem:v15+s24+$0x0], $0xffff  }
0x104: {  	v32 =	vor.u32 v17, v27;
	v16 =	vld.idx.msk [tilespmem:v16+s24+$0x0], $0xffff  }
0x105: {  	v41 =	vor.u32 v44, v27;
	v25 =	vld.idx.msk [tilespmem:v25+s24+$0x0], $0xffff  }
0x106: {  	v26 =	vld.idx.msk [tilespmem:v26+s24+$0x0], $0xffff;
	[tilespmem:v29+s25+$0x0] =	vst.idx.msk $0xffff, v13;
	v13 =	vor.u32 v45, v27  }
0x107: {  	[tilespmem:v30+s25+$0x0] =	vst.idx.msk $0xffff, v14;
	v14 =	vor.u32 v33, v27  }
0x108: {  	[tilespmem:v31+s25+$0x0] =	vst.idx.msk $0xffff, v15;
	v15 =	vor.u32 v34, v27  }
0x109: {  	[tilespmem:v32+s25+$0x0] =	vst.idx.msk $0xffff, v16;
	v16 =	vor.u32 v62, v11  }
0x10a: {  	v29 =	vor.u32 v50, v11;
	[tilespmem:v41+s25+$0x0] =	vst.idx.msk $0xffff, v12  }
0x10b: {  	v30 =	vor.u32 v51, v11;
	[tilespmem:v13+s25+$0x0] =	vst.idx.msk $0xffff, v25  }
0x10c: {  	v11 =	vor.u32 v52, v11;
	[tilespmem:v14+s25+$0x0] =	vst.idx.msk $0xffff, v26  }
0x10d: {  	v31 =	vor.u32 v53, v10;
	[tilespmem:v15+s25+$0x0] =	vst.idx.msk $0xffff, v28  }
0x10e: {  	v32 =	vor.u32 v55, v10;
	v15 =	vld.idx.msk [tilespmem:v16+s24+$0x0], $0xffff  }
0x10f: {  	v16 =	vor.u32 v54, v10;
	v12 =	vld.idx.msk [tilespmem:v29+s24+$0x0], $0xffff  }
0x110: {  	v26 =	vor.u32 v35, v27;
	v13 =	vld.idx.msk [tilespmem:v30+s24+$0x0], $0xffff;
	v10 =	vor.u32 v19, v10  }
0x111: {  	v41 =	vor.u32 v36, v27;
	v11 =	vld.idx.msk [tilespmem:v11+s24+$0x0], $0xffff  }
0x112: {  	v14 =	vld.idx.msk [tilespmem:v31+s24+$0x0], $0xffff;
	v29 =	vor.u32 v37, v27  }
0x113: {  	v25 =	vld.idx.msk [tilespmem:v32+s24+$0x0], $0xffff;
	v30 =	vor.u32 v8, v27  }
0x114: {  	v31 =	vor.u32 v58, v27;
	v16 =	vld.idx.msk [tilespmem:v16+s24+$0x0], $0xffff  }
0x115: {  	s28 =	sadd.s32 $0x1, s26;
	v10 =	vld.idx.msk [tilespmem:v10+s24+$0x0], $0xffff;
	[tilespmem:v26+s25+$0x0] =	vst.idx.msk $0xffff, v15;
	v15 =	vor.u32 v49, v27  }
0x116: {  	v26 =	vadd.s32 s28, v60;
	[tilespmem:v41+s25+$0x0] =	vst.idx.msk $0xffff, v12;
	v41 =	vor.u32 v9, v27  }
0x117: {  	v49 =	vor.u32 v18, v27;
	v27 =	vand.u32 $0xF, v26;
	[tilespmem:v29+s25+$0x0] =	vst.idx.msk $0xffff, v13  }
0x118: {  	v20 =	vmovc v55;
	v55 =	vmov v54;
	v54 =	vmov v53;
	[tilespmem:v30+s25+$0x0] =	vst.idx.msk $0xffff, v11;
	v11 =	vor.u32 v42, v27  }
0x119: {  	v53 =	vmovc v52;
	v52 =	vmov v51;
	v51 =	vmov v50;
	v32 =	vor.u32 v63, v27;
	[tilespmem:v31+s25+$0x0] =	vst.idx.msk $0xffff, v14  }
0x11a: {  	v50 =	vmov v62;
	v13 =	vor.u32 v5, v27;
	v28 =	vor.u32 v7, v27;
	[tilespmem:v15+s25+$0x0] =	vst.idx.msk $0xffff, v16  }
0x11b: {  	v30 =	vor.u32 v59, v27;
	v59 =	vor.u32 $0x20, v60;
	v15 =	vor.u32 v3, v27;
	[tilespmem:v41+s25+$0x0] =	vst.idx.msk $0xffff, v25  }
0x11c: {  	v41 =	vor.u32 v4, v27;
	v25 =	vor.u32 v6, v27;
	[tilespmem:v49+s25+$0x0] =	vst.idx.msk $0xffff, v10;
	v10 =	vshll.u32 v26, $0x6  }
0x11d: {  	v62 =	vmovc v17;
	v17 =	vmovc v43;
	v49 =	vor.u32 $0x10, v60;
	v16 =	vand.u32 $0x40, v10;
	v11 =	vld.idx.msk [tilespmem:v11+s24+$0x0], $0xffff;
	v10 =	vand.u32 $0x380, v10  }
0x11e: {  	v14 =	vld.idx.msk [tilespmem:v32+s24+$0x0], $0xffff;
	v26 =	vor.u32 v60, v16;
	v29 =	vor.u32 v49, v16;
	v31 =	vor.u32 v59, v16  }
0x11f: {  	v13 =	vld.idx.msk [tilespmem:v13+s24+$0x0], $0xffff;
	v60 =	vor.u32 $0x30, v60;
	v59 =	vmovc v58;
	v58 =	vmovc v7;
	v7 =	vmov v5;
	v32 =	vor.u32 v10, v26  }
0x120: {  	v5 =	vmovc v3;
	v3 =	vmovc v42;
	v15 =	vld.idx.msk [tilespmem:v15+s24+$0x0], $0xffff;
	v49 =	vmov v6;
	v6 =	vmov v4;
	v42 =	vor.u32 v10, v29  }
0x121: {  	v4 =	vmovc v63;
	v16 =	vor.u32 v60, v16;
	v63 =	vmov v44;
	v12 =	vld.idx.msk [tilespmem:v41+s24+$0x0], $0xffff;
	v41 =	vor.u32 v10, v31  }
0x122: {  	v28 =	vld.idx.msk [tilespmem:v28+s24+$0x0], $0xffff;
	v44 =	vor.u32 $0x400, v10;
	v43 =	vor.u32 v10, v16;
	v60 =	vmovc v8;
	v8 =	vmovc v37;
	v37 =	vmov v36  }
0x123: {  	v30 =	vld.idx.msk [tilespmem:v30+s24+$0x0], $0xffff;
	v36 =	vmovc v35;
	v35 =	vmovc v34;
	v34 =	vmov v33;
	v33 =	vmov v45;
	v45 =	vor.u32 v26, v44  }
0x124: {  	v25 =	vld.idx.msk [tilespmem:v25+s24+$0x0], $0xffff;
	[tilespmem:v32+s25+$0x0] =	vst.idx.msk $0xffff, v11;
	v11 =	vor.u32 v29, v44  }
0x125: {  	[tilespmem:v42+s25+$0x0] =	vst.idx.msk $0xffff, v14;
	v42 =	vor.u32 v31, v44  }
0x126: {  	[tilespmem:v41+s25+$0x0] =	vst.idx.msk $0xffff, v15;
	v15 =	vor.u32 v16, v44  }
0x127: {  	v21 =	vor.u32 v21, v27;
	[tilespmem:v43+s25+$0x0] =	vst.idx.msk $0xffff, v12  }
0x128: {  	v22 =	vor.u32 v22, v27;
	[tilespmem:v45+s25+$0x0] =	vst.idx.msk $0xffff, v13  }
0x129: {  	v38 =	vor.u32 v38, v27;
	[tilespmem:v11+s25+$0x0] =	vst.idx.msk $0xffff, v25  }
0x12a: {  	v11 =	vor.u32 v23, v27;
	v23 =	vor.u32 v24, v27;
	[tilespmem:v42+s25+$0x0] =	vst.idx.msk $0xffff, v28  }
0x12b: {  	[tilespmem:v15+s25+$0x0] =	vst.idx.msk $0xffff, v30  }
0x12c: {  	v45 =	vor.u32 v39, v27;
	v12 =	vld.idx.msk [tilespmem:v21+s24+$0x0], $0xffff  }
0x12d: {  	v15 =	vor.u32 v61, v27;
	v13 =	vld.idx.msk [tilespmem:v22+s24+$0x0], $0xffff;
	v21 =	vor.u32 $0x800, v10  }
0x12e: {  	v61 =	vor.u32 v40, v27;
	v25 =	vld.idx.msk [tilespmem:v38+s24+$0x0], $0xffff;
	v22 =	vor.u32 v26, v21  }
0x12f: {  	v14 =	vld.idx.msk [tilespmem:v23+s24+$0x0], $0xffff;
	v23 =	vor.u32 v29, v21  }
0x130: {  	v24 =	vor.u32 v31, v21;
	v11 =	vld.idx.msk [tilespmem:v11+s24+$0x0], $0xffff  }
0x131: {  	v38 =	vor.u32 $0xC00, v10;
	v28 =	vld.idx.msk [tilespmem:v45+s24+$0x0], $0xffff;
	v32 =	vor.u32 v16, v21  }
0x132: {  	v39 =	vor.u32 v26, v38;
	v15 =	vld.idx.msk [tilespmem:v15+s24+$0x0], $0xffff  }
0x133: {  	v40 =	vor.u32 v29, v38;
	v30 =	vld.idx.msk [tilespmem:v61+s24+$0x0], $0xffff;
	[tilespmem:v22+s25+$0x0] =	vst.idx.msk $0xffff, v12  }
0x134: {  	v41 =	vor.u32 v31, v38;
	[tilespmem:v23+s25+$0x0] =	vst.idx.msk $0xffff, v13  }
0x135: {  	[tilespmem:v24+s25+$0x0] =	vst.idx.msk $0xffff, v11;
	v11 =	vor.u32 v16, v38  }
0x136: {  	v42 =	vor.u32 v0, v27;
	[tilespmem:v32+s25+$0x0] =	vst.idx.msk $0xffff, v14  }
0x137: {  	v43 =	vor.u32 v56, v27;
	[tilespmem:v39+s25+$0x0] =	vst.idx.msk $0xffff, v15  }
0x138: {  	v44 =	vor.u32 v57, v27;
	[tilespmem:v40+s25+$0x0] =	vst.idx.msk $0xffff, v25  }
0x139: {  	v15 =	vor.u32 v48, v27;
	[tilespmem:v41+s25+$0x0] =	vst.idx.msk $0xffff, v28  }
0x13a: {  	v45 =	vor.u32 v47, v27;
	[tilespmem:v11+s25+$0x0] =	vst.idx.msk $0xffff, v30  }
0x13b: {  	v47 =	vor.u32 v46, v27;
	v14 =	vld.idx.msk [tilespmem:v42+s24+$0x0], $0xffff  }
0x13c: {  	v56 =	vor.u32 $0x1000, v10;
	v11 =	vor.u32 v1, v27;
	v12 =	vld.idx.msk [tilespmem:v43+s24+$0x0], $0xffff  }
0x13d: {  	v57 =	vor.u32 v26, v56;
	v48 =	vor.u32 v2, v27;
	v13 =	vld.idx.msk [tilespmem:v44+s24+$0x0], $0xffff  }
0x13e: {  	v61 =	vor.u32 v29, v56;
	v15 =	vld.idx.msk [tilespmem:v15+s24+$0x0], $0xffff  }
0x13f: {  	v21 =	vor.u32 v31, v56;
	v25 =	vld.idx.msk [tilespmem:v45+s24+$0x0], $0xffff  }
0x140: {  	v22 =	vor.u32 $0x1400, v10;
	v32 =	vor.u32 v16, v56;
	v28 =	vld.idx.msk [tilespmem:v47+s24+$0x0], $0xffff  }
0x141: {  	v23 =	vor.u32 v26, v22;
	v11 =	vld.idx.msk [tilespmem:v11+s24+$0x0], $0xffff  }
0x142: {  	v24 =	vor.u32 v29, v22;
	v56 =	vor.u32 v16, v22;
	v30 =	vld.idx.msk [tilespmem:v48+s24+$0x0], $0xffff;
	[tilespmem:v57+s25+$0x0] =	vst.idx.msk $0xffff, v14  }
0x143: {  	v43 =	vmovc v17;
	v17 =	vmov v62;
	v62 =	vmov v50;
	[tilespmem:v61+s25+$0x0] =	vst.idx.msk $0xffff, v15;
	v15 =	vor.u32 v31, v22  }
0x144: {  	v50 =	vmovc v51;
	v51 =	vmovc v52;
	v52 =	vmov v53;
	v53 =	vmov v54;
	v45 =	vmov v33;
	[tilespmem:v21+s25+$0x0] =	vst.idx.msk $0xffff, v12  }
0x145: {  	v33 =	vmovc v34;
	v34 =	vmov v35;
	v35 =	vmov v36;
	v57 =	vor.u32 v62, v27;
	[tilespmem:v32+s25+$0x0] =	vst.idx.msk $0xffff, v13  }
0x146: {  	v36 =	vmovc v37;
	v37 =	vmov v8;
	v8 =	vmov v60;
	v60 =	vor.u32 v51, v27;
	[tilespmem:v23+s25+$0x0] =	vst.idx.msk $0xffff, v11  }
0x147: {  	v61 =	vor.u32 v53, v27;
	[tilespmem:v24+s25+$0x0] =	vst.idx.msk $0xffff, v25  }
0x148: {  	v54 =	vmov v55;
	v11 =	vor.u32 v50, v27;
	[tilespmem:v15+s25+$0x0] =	vst.idx.msk $0xffff, v28  }
0x149: {  	v44 =	vmov v63;
	v63 =	vor.u32 v54, v27;
	[tilespmem:v56+s25+$0x0] =	vst.idx.msk $0xffff, v30  }
0x14a: {  	v15 =	vor.u32 v52, v27;
	v13 =	vld.idx.msk [tilespmem:v57+s24+$0x0], $0xffff  }
0x14b: {  	v22 =	vor.u32 $0x1800, v10;
	v21 =	vor.u32 v20, v27;
	v14 =	vld.idx.msk [tilespmem:v60+s24+$0x0], $0xffff  }
0x14c: {  	v23 =	vor.u32 v26, v22;
	v27 =	vor.u32 v19, v27;
	v12 =	vld.idx.msk [tilespmem:v61+s24+$0x0], $0xffff  }
0x14d: {  	v38 =	vor.u32 v29, v22;
	v11 =	vld.idx.msk [tilespmem:v11+s24+$0x0], $0xffff  }
0x14e: {  	v46 =	vor.u32 v31, v22;
	v25 =	vld.idx.msk [tilespmem:v63+s24+$0x0], $0xffff  }
0x14f: {  	v10 =	vor.u32 $0x1C00, v10;
	v30 =	vor.u32 v16, v22;
	v15 =	vld.idx.msk [tilespmem:v15+s24+$0x0], $0xffff  }
0x150: {  	v26 =	vor.u32 v26, v10;
	v28 =	vld.idx.msk [tilespmem:v21+s24+$0x0], $0xffff  }
0x151: {  	v47 =	vor.u32 v29, v10;
	v27 =	vld.idx.msk [tilespmem:v27+s24+$0x0], $0xffff;
	[tilespmem:v23+s25+$0x0] =	vst.idx.msk $0xffff, v13  }
0x152: {  	[tilespmem:v38+s25+$0x0] =	vst.idx.msk $0xffff, v11;
	v11 =	vor.u32 v31, v10  }
0x153: {  	p1 =	sne.s32 s26, $0xE;
	v10 =	vor.u32 v16, v10;
	[tilespmem:v46+s25+$0x0] =	vst.idx.msk $0xffff, v14  }
.Ltmp0:
0x154: {  	[tilespmem:v30+s25+$0x0] =	vst.idx.msk $0xffff, v15;
	(pc) =	sbr.rel @p1 .LBB2_3-.Ltmp0, $4  }
0x155: {  	[tilespmem:v26+s25+$0x0] =	vst.idx.msk $0xffff, v12  }
0x156: {  	[tilespmem:v47+s25+$0x0] =	vst.idx.msk $0xffff, v25  }
0x157: {  	v41 =	vld [tilespmem:$0x1FFE0];
	v55 =	vmovc v20;
	v42 =	vmov v3;
	v3 =	vmov v5;
	v5 =	vmov v7;
	[tilespmem:v11+s25+$0x0] =	vst.idx.msk $0xffff, v28  }
0x158: {  	s26 =	sadd.s32 $0x2, s26;
	v7 =	vmovc v58;
	v58 =	vmovc v59;
	v63 =	vmov v4;
	v4 =	vmov v6;
	v6 =	vmov v49;
	v49 =	vld [tilespmem:$0x1FFF0];
	[tilespmem:v10+s25+$0x0] =	vst.idx.msk $0xffff, v27  }
0x159: {  	s26 =	sshll.u32 s23, $0xF  }
0x15a: {  	s26 =	sor.u32 s12, s26  }
0x15b: {  	s28 =	sand.u32 $0x1FFFFC00, s26  }
0x15c: {  	p1 =	sgt.u32 s23, s11;
	s28 =	sadd.s32 s5, s28  }
0x15d: {  	[hbm4b:s28+s4] =	stream.linear.scatter [tilespmem:s25], [sflag:$0x2], $0x2000, $0x38;
	[tilespmem:$0x11000] =	vst v63  }
0x15e: {  	s25 =	sadd.s32 @!p1 $0x20000, s26  }
0x15f: {  	s25 =	sshrl.u32 @!p1 s25, $0x3  }
0x160: {  	s26 =	simm.s32 @!p1 $0x400;
	s28 =	simm.s32 @!p1 $0x7A1400;
	s25 =	sadd.s32 @!p1 s0, s25  }
0x161: {  	[tilespmem:s24], [sflag:$0x1] =	stream.strided.gather @!p1 [hbm4b:s25+s26], $0x2000, s28, s26, $0x38;
	[tilespmem:$0x11000] =	vst v63  }
0x162: {  	p1 =	sne.s32 s23, s7  }
.Ltmp1:
0x163: {  	_ = 	snop;
	(pc) =	sbr.rel @p1 .LBB2_2-.Ltmp1, $3  }
0x164: {  	_ =	sdelay $0x1  }
0x165: {  	s31 =	sadd.s32 $0x1, s23  }
0x166: {  	s23 =	smov.u32 s31  }
0x167: {  	_ =	swait.ge [sflag:s21], $0x2000  }
0x168: {  	[sflag:s21] =	ssyncset.done $0x0  }
0x169: {  	[sflag:s21] =	ssyncadd.s32 $0xFFFFE000  }
0x16a: {  	_ =	swait.ge [sflag:s21], $0x2000  }
0x16b: {  	[sflag:s21] =	ssyncset.done $0x0  }
0x16c: {  	[sflag:s21] =	ssyncadd.s32 $0xFFFFE000  }
0x16d: {  	_ =	swait.ge [sflag:s21], $0x2000  }
0x16e: {  	[sflag:s21] =	ssyncset.done $0x0  }
0x16f: {  	[sflag:s21] =	ssyncadd.s32 $0xFFFFE000  }
0x170: {  	_ =	swait.ge [sflag:s21], $0x2000  }
0x171: {  	s23 =	simm.s32 @!p0 $0x0;
	[sflag:s21] =	ssyncset.done $0x0  }
0x172: {  	s24 =	simm.s32 @!p0 $0x10000;
	s25 =	simm.s32 @!p0 $0x3;
	[sflag:s21] =	ssyncadd.s32 $0xFFFFE000  }
0x173: {  	[tilespmem:s24], [sflag:$0x3] =	stream.linear.gather @!p0 [hbm4b:s1+s23], $0x1000, $0x38;
	[tilespmem:$0x11000] =	vst v63  }
0x174: {  	s22 =	sadd.s32 $0x1, s22;
	_ =	swait.ge @!p0 [sflag:s25], $0x1000  }
0x175: {  	p1 =	sne.s32 s22, s15;
	[sflag:s25] =	ssyncset.done @!p0 $0x0  }
.Ltmp2:
0x176: {  	[sflag:s25] =	ssyncadd.s32 @!p0 $0xFFFFF000;
	(pc) =	sbr.rel @p1 .LBB2_1-.Ltmp2, $4  }
0x177: {  	[hbm4b:s13+s23] =	stream.linear.scatter @!p0 [tilespmem:s24], [sflag:$0x3], $0x1000, $0x38;
	[tilespmem:$0x11000] =	vst v63  }
0x178: {  	_ =	swait.ge @!p0 [sflag:s25], $0x1000  }
0x179: {  	[sflag:s25] =	ssyncset.done @!p0 $0x0  }
0x17a: {  	[sflag:s25] =	ssyncadd.s32 @!p0 $0xFFFFF000  }
0x17b: {  	_ =	sfence.sel $0x180000  }
0x17c: {  	[bflag:$0x0] =	sbarrier.arrive $0xFFFF  }
0x17d: {  	p0 =	sne.s32 s3, $0x0;
	_ =	strace $0x90000047  }
0x17e: {  	s0 =	sadd.s32 @!p0 $0x100000, s2;
	[bflag:$0x2] =	sbarrier.arrive $0xFFFF  }
0x17f: {  	[sflag:s0] =	ssyncadd.tile.s32 @!p0 $0x1;
	_ =	shalt  }
.Lfunc_end2:
_tile_overlayer_lowered:
.L_overlay_start_2:
0x180: {  	(tag) =	ssettag $0x2  }
0x181: {  	s0 =	rddreg [dreg:$0x0];
	s2 =	stileid.u32  }
0x182: {  	s1 =	rddreg [dreg:$0x1];
	p0 =	sne.s32 s2, $0x0  }
0x183: {  	s3 =	rddreg [dreg:$0x2];
	[bflag:$0x3] =	sbarrier.arrive $0xFFFF;
	s2 =	simm.s32 @!p0 $0x1C03  }
0x184: {  	[timem:s3], [sflag:s2] =	dma.local @!p0 [hbm:s0], s1  }
0x185: {  	s0 =	simm.s32 @!p0 $0x3  }
0x186: {  	_ =	swait.ge @!p0 [sflag:s0], s1  }
0x187: {  	s1 =	ssub.s32 @!p0 $0x0, s1;
	[sflag:s0] =	ssyncset.done @!p0 $0x0  }
0x188: {  	[sflag:s0] =	ssyncadd.s32 @!p0 s1  }
0x189: {  	[bflag:$0x3] =	sbarrier.arrive $0xFFFF  }
0x18a: {  	_ =	shalt  }

// kernel: kernel.8.cloned.1.call-start
scs
__scs_entry_jumppad:
0x0: {  	(pc) =	sbr.rel $0x88, $3  }
0x1: {  	(tag) =	ssettag $0x0;
	lr =	simm.s32 $0x1  }
0x2: {  	[smem:$0x3F9D] =	sst lr;
	_ =	strace $0xD0000000  }
0x3: {  	_ = 	snop  }
0x4: {  	_ = 	snop  }
0x5: {  	_ = 	snop  }
0x6: {  	_ = 	snop  }
0x7: {  	_ = 	snop  }
__scs_overlays_trampoline_lowered:
0x8: {  	[smem:$0x3FAC] =	sst s0  }
0x9: {  	[smem:$0x3FAD] =	sst s1  }
0xa: {  	[smem:$0x3FAE] =	sst s2  }
0xb: {  	[smem:$0x3FAF] =	sst s3  }
0xc: {  	[smem:$0x3FB0] =	sst s4  }
0xd: {  	[smem:$0x3FB1] =	sst s5  }
0xe: {  	[smem:$0x3FB2] =	sst s6  }
0xf: {  	[smem:$0x3FB3] =	sst s7  }
0x10: {  	[smem:$0x3FB4] =	sst s8  }
0x11: {  	[smem:$0x3FB5] =	sst s9;
	s0 =	simm.s32 @!p0 $0x0  }
0x12: {  	s1 =	sld [smem:$0x3F9B];
	s0 =	simm.s32 @p0 $0x1  }
0x13: {  	[smem:$0x3FB6] =	sst s0;
	s0 =	simm.s32 @!p1 $0x0  }
0x14: {  	s2 =	sld [smem:$0x3F9A];
	s0 =	simm.s32 @p1 $0x1  }
0x15: {  	[smem:$0x3FB7] =	sst s0;
	s0 =	simm.s32 @!p2 $0x0  }
0x16: {  	s3 =	sld [smem:$0x3FDB];
	s0 =	simm.s32 @p2 $0x1  }
0x17: {  	s4 =	simm.s32 $0x1BF5;
	[smem:$0x3FB9] =	sst s0  }
0x18: {  	s0 =	sld [smem:$0x3F9C];
	_ =	swait.ge [sflag:s4], $0x0  }
0x19: {  	s7 =	sld [smem:$0x3F9D]  }
0x1a: {  	s8 =	sadd.s32 $0xFFFFE003, lr  }
0x1b: {  	s9 =	sadd.s32 $0xFFFFFEF7, lr;
	s5 =	simm.s32 $0xFFFFFFFF;
	p2 =	slt.u32 s8, $0xFFFFF086  }
0x1c: {  	p1 =	slt.u32 s9, $0xF7A;
	s5 =	simm.s32 @!p2 $0x0  }
0x1d: {  	s5 =	simm.s32 @p1 $0x1;
	p0 =	seq.s32 s7, s2  }
0x1e: {  	s7 =	smul.u32 @!p0 $0xF7A, s2;
	p2 =	seq.s32 @!p0 s5, $0x0  }
0x1f: {  	s9 =	smul.u32 $0xF7A, s1;
	s8 =	simm.s32 @!p0 $0x1BF5;
	p2 =	por !p2, p0  }
0x20: {  	[sflag:s8] =	ssyncset.s32 @!p0 $0xFFFFF086;
	s6 =	sadd.s32 @!p0 s3, s7;
	s7 =	simm.s32 @!p0 $0x108  }
0x21: {  	s3 =	sadd.s32 s3, s9;
	s6 =	sadd.s32 @!p0 $0x88, s6;
	s7 =	simm.s32 @p2 $0x1082  }
0x22: {  	[simem:s7], [sflag:s8] =	dma.local @!p0 [hbm:s6], $0xF7A  }
0x23: {  	s9 =	sor.u32 $0xD0000000, s2;
	s6 =	simm.s32 $0x108;
	_ =	swait.ge @!p0 [sflag:s8], $0x0  }
0x24: {  	s3 =	sadd.s32 $0x88, s3;
	s6 =	simm.s32 @!p1 $0x1082;
	[sflag:s4] =	ssyncset.s32 $0xFFFFF086  }
0x25: {  	[simem:s6], [sflag:s4] =	dma.local [hbm:s3], $0xF7A  }
0x26: {  	[smem:$0x3F9D] =	sst s1;
	(tag) =	ssettag s2;
	_ =	strace s9  }
0x27: {  	s1 =	sld [smem:$0x3FAD]  }
0x28: {  	s2 =	sld [smem:$0x3FAE]  }
0x29: {  	s4 =	sld [smem:$0x3FB0]  }
0x2a: {  	p0 =	seq.s32 s5, $0x0;
	s5 =	sld [smem:$0x3FB1]  }
0x2b: {  	s6 =	sld [smem:$0x3FB2]  }
0x2c: {  	s7 =	sld [smem:$0x3FB3]  }
0x2d: {  	s3 =	simm.s32 $0x108;
	s8 =	sld [smem:$0x3FB4]  }
0x2e: {  	s3 =	simm.s32 @!p0 $0x1082;
	s9 =	sld [smem:$0x3FB5]  }
0x2f: {  	lr =	sadd.s32 s0, s3;
	s0 =	sld [smem:$0x3FAC]  }
0x30: {  	s3 =	sld [smem:$0x3FAF]  }
0x31: {  	[smem:$0x3FB8] =	sst s10  }
0x32: {  	s10 =	sld [smem:$0x3FB6];
	_ =	sdelay $0x3  }
0x33: {  	p0 =	seq.s32 s10, $0x1;
	s10 =	sld [smem:$0x3FB8];
	_ =	sdelay $0x3  }
0x34: {  	[smem:$0x3FB8] =	sst s10  }
0x35: {  	s10 =	sld [smem:$0x3FB7];
	_ =	sdelay $0x3  }
0x36: {  	p1 =	seq.s32 s10, $0x1;
	s10 =	sld [smem:$0x3FB8];
	_ =	sdelay $0x3  }
0x37: {  	[smem:$0x3FB8] =	sst s10  }
0x38: {  	s10 =	sld [smem:$0x3FB9]  }
0x39: {  	_ = 	snop;
	(pc) =	sbr.ind lr, $3  }
0x3a: {  	_ = 	snop  }
0x3b: {  	_ = 	snop  }
0x3c: {  	p2 =	seq.s32 s10, $0x1;
	s10 =	sld [smem:$0x3FB8]  }
0x3d: {  	_ =	shalt  }
0x3e: {  	_ =	shalt  }
0x3f: {  	_ =	shalt  }
0x40: {  	_ =	shalt  }
0x41: {  	_ =	shalt  }
0x42: {  	_ =	shalt  }
0x43: {  	_ =	shalt  }
0x44: {  	_ =	shalt  }
0x45: {  	_ =	shalt  }
0x46: {  	_ =	shalt  }
0x47: {  	_ =	shalt  }
0x48: {  	_ =	shalt  }
0x49: {  	_ =	shalt  }
0x4a: {  	_ =	shalt  }
0x4b: {  	_ =	shalt  }
0x4c: {  	_ =	shalt  }
0x4d: {  	_ =	shalt  }
0x4e: {  	_ =	shalt  }
0x4f: {  	_ =	shalt  }
0x50: {  	_ =	shalt  }
0x51: {  	_ =	shalt  }
0x52: {  	_ =	shalt  }
0x53: {  	_ =	shalt  }
0x54: {  	_ =	shalt  }
0x55: {  	_ =	shalt  }
0x56: {  	_ =	shalt  }
0x57: {  	_ =	shalt  }
0x58: {  	_ =	shalt  }
0x59: {  	_ =	shalt  }
0x5a: {  	_ =	shalt  }
0x5b: {  	_ =	shalt  }
0x5c: {  	_ =	shalt  }
0x5d: {  	_ =	shalt  }
0x5e: {  	_ =	shalt  }
0x5f: {  	_ =	shalt  }
0x60: {  	_ =	shalt  }
0x61: {  	_ =	shalt  }
0x62: {  	_ =	shalt  }
0x63: {  	_ =	shalt  }
0x64: {  	_ =	shalt  }
0x65: {  	_ =	shalt  }
0x66: {  	_ =	shalt  }
0x67: {  	_ =	shalt  }
0x68: {  	_ =	shalt  }
0x69: {  	_ =	shalt  }
0x6a: {  	_ =	shalt  }
0x6b: {  	_ =	shalt  }
0x6c: {  	_ =	shalt  }
0x6d: {  	_ =	shalt  }
0x6e: {  	_ =	shalt  }
0x6f: {  	_ =	shalt  }
0x70: {  	_ =	shalt  }
0x71: {  	_ =	shalt  }
0x72: {  	_ =	shalt  }
0x73: {  	_ =	shalt  }
0x74: {  	_ =	shalt  }
0x75: {  	_ =	shalt  }
0x76: {  	_ =	shalt  }
0x77: {  	_ =	shalt  }
0x78: {  	_ =	shalt  }
0x79: {  	_ =	shalt  }
0x7a: {  	_ =	shalt  }
0x7b: {  	_ =	shalt  }
0x7c: {  	_ =	shalt  }
0x7d: {  	_ =	shalt  }
0x7e: {  	_ =	shalt  }
0x7f: {  	_ =	shalt  }
0x80: {  	_ =	shalt  }
0x81: {  	_ =	shalt  }
0x82: {  	_ =	shalt  }
0x83: {  	_ =	shalt  }
0x84: {  	_ =	shalt  }
0x85: {  	_ =	shalt  }
0x86: {  	_ =	shalt  }
0x87: {  	_ =	shalt  }
.Lfunc_end0:
.L_simem_size_0:
called_computation.1_lowered:
.L_overlay_start_0:
0x88: {  	s2 =	sld [smem:$0x3FD9]  }
0x89: {  	s3 =	sld [smem:$0x3FFE];
	_ =	sdelay $0x1  }
0x8a: {  	s1 =	srdreg.scid  }
0x8b: {  	s0 =	sand.u32 $0x1, s1  }
0x8c: {  	s17 =	sshll.u32 s0, $0xA;
	s2 =	sadd.s32 s3, s2  }
0x8d: {  	s2 =	sadd.s32 s2, s17  }
0x8e: {  	[smem:$0x3FC4] =	sst s2  }
0x8f: {  	_ = 	snop  }
0x90: {  	s2 =	sld [smem:$0x3FD0];
	(tm) =	ssettm $0x1  }
0x91: {  	s18 =	sld [smem:$0x3FFB];
	_ =	sdelay $0x3  }
0x92: {  	_ =	strace s18  }
0x93: {  	s3 =	sld [smem:$0x3FFC];
	_ =	sdelay $0x3  }
0x94: {  	_ =	strace s3  }
0x95: {  	s3 =	sld [smem:$0x3FFD];
	_ =	sdelay $0x3  }
0x96: {  	_ =	strace s3  }
0x97: {  	_ =	strace $0x8FFFFFFF  }
0x98: {  	s19 =	sld [smem:$0x3FDB];
	_ =	sdelay $0x1  }
0x99: {  	s4 =	simm.s32 $_scs_section_size  }
0x9a: {  	s5 =	simm.s32 $_size__tile_overlayer_lowered;
	s6 =	simm.s32 $_tile_overlayer_lowered  }
0x9b: {  	s22 =	simm.s32 $0x1BFF;
	s21 =	sshll.u32 s6, $0x1;
	s3 =	sadd.s32 s4, s19  }
0x9c: {  	s7 =	simm.s32 $0x0;
	s20 =	sshll.u32 s5, $0x1;
	s5 =	sadd.s32 s21, s3  }
0x9d: {  	[timem:s7], [sflag:s22] =	dma.local [hbm:s5], s20  }
0x9e: {  	_ =	swait.ge [sflag:s22], s20  }
0x9f: {  	s4 =	ssub.s32 $0x0, s20;
	[sflag:s22] =	ssyncset.done $0x0  }
0xa0: {  	[sflag:s22] =	ssyncadd.s32 s4;
	_ =	sdelay $0x1  }
0xa1: {  	s23 =	simm.s32 $0x1B8B  }
0xa2: {  	_ =	swait.ge [sflag:s23], $0x1  }
0xa3: {  	[sflag:s23] =	ssyncset.done $0x0  }
0xa4: {  	s25 =	simm.s32 $0x1B8E;
	s24 =	sld [smem:$0x3FFE];
	[sflag:s23] =	ssyncadd.s32 $0xFFFFFFFF  }
0xa5: {  	s26 =	simm.s32 $execute0_lowered;
	[smem:$0x3FD2] =	sst s25  }
0xa6: {  	s5 =	sshll.u32 s26, $0x1;
	_ =	strace $0x80000049;
	[dreg:$0x1] =	wrdreg $0xFFFFFFFF  }
0xa7: {  	s28 =	simm.s32 $_size_execute0_lowered;
	s3 =	sadd.s32 s3, s5;
	[dreg:$0x0] =	wrdreg $0x0  }
0xa8: {  	s5 =	sshll.u32 s28, $0x1;
	[dreg:$0x2] =	wrdreg s3  }
0xa9: {  	[dreg:$0x3] =	wrdreg s5  }
0xaa: {  	[dreg:$0x4] =	wrdreg $0xC0  }
0xab: {  	_ =	task [dreg:s7], $0x5FFFF  }
0xac: {  	[dreg:$0x1] =	wrdreg $0xFFFFFFFF  }
0xad: {  	[dreg:$0x0] =	wrdreg $0x60  }
0xae: {  	[dreg:$0x2] =	wrdreg s24  }
0xaf: {  	[dreg:$0x3] =	wrdreg s2  }
0xb0: {  	[dreg:$0x4] =	wrdreg $0x9  }
0xb1: {  	_ =	task.clear_ibuf [dreg:s7], $0x5FFFF;
	_ =	strace $0x90000049  }
0xb2: {  	s29 =	simm.s32 $0x9;
	_ =	strace $0x8000004B  }
0xb3: {  	_ =	swait.ge [sflag:s29], $0x1  }
0xb4: {  	[sflag:s29] =	ssyncadd.s32 $0xFFFFFFFF  }
0xb5: {  	_ =	strace $0x9000004B  }
0xb6: {  	_ =	sfence  }
0xb7: {  	s30 =	sld [smem:$0x0];
	_ =	sdelay $0x2  }
0xb8: {  	s31 =	sshll.u32 s1, $0xD;
	s1 =	sshrl.u32 s1, $0x2  }
0xb9: {  	s3 =	sand.u32 $0x4000, s31;
	s1 =	sadd.s32 s1, s30  }
0xba: {  	s0 =	sor.u32 s3, s0;
	s1 =	sshll.u32 s1, $0x11  }
0xbb: {  	s0 =	sor.u32 s1, s0  }
0xbc: {  	s0 =	sadd.s32 $0x8F2B, s0  }
0xbd: {  	[sflag:s0] =	ssyncadd.remote.s32 $0x1  }
0xbe: {  	_ =	sfence.sel $0xFFFF  }
0xbf: {  	[dreg:$0x0] =	wrdreg $0xFFFFFFFF;
	(pc) =	sbr.abs _section_cstart, $3  }
0xc0: {  	[dreg:$0x1] =	wrdreg $0xFFFFFFFF  }
0xc1: {  	_ =	task.clear_ibuf [dreg:s7], $0x2FFFF;
	_ =	strace $0x9FFFFFFF  }
0xc2: {  	(tm) =	ssettm $0x7FFFFFFF  }
0xc3: {  	_ =	shalt  }
tec
execute0_lowered:
.L_overlay_start_1:
0x0: {  	(tag) =	ssettag $0x1  }
0x1: {  	s1 =	srdreg.scid  }
0x2: {  	s0 =	stileid.u32;
	s3 =	rddreg [dreg:$0x0]  }
0x3: {  	s5 =	rddreg [dreg:$0x1];
	s9 =	simm.s32 $0x6400;
	s10 =	simm.s32 $0x60  }
0x4: {  	s11 =	simm.s32 $0x7E00;
	s12 =	simm.s32 $0xC8;
	s13 =	simm.s32 $0x9600  }
0x5: {  	s14 =	simm.s32 $0x130;
	s15 =	simm.s32 $0xB000;
	s16 =	simm.s32 $0x190  }
0x6: {  	s17 =	simm.s32 $0xC800;
	s18 =	simm.s32 $0x1F8;
	s19 =	simm.s32 $0xE200  }
0x7: {  	s20 =	simm.s32 $0x258;
	s21 =	simm.s32 $0xFA00;
	s22 =	simm.s32 $0x2C0  }
0x8: {  	s23 =	simm.s32 $0x11400;
	s24 =	simm.s32 $0x1;
	s1 =	sand.u32 $0x1, s1  }
0x9: {  	s25 =	simm.s32 $0x12C00;
	s2 =	sshll.u32 s0, $0x8;
	s4 =	sshll.u32 s1, $0x7  }
0xa: {  	s26 =	simm.s32 $0x0;
	s1 =	ssub.s32 $0x2, s1;
	s4 =	sor.u32 s4, s2  }
.Ltmp0:
0xb: {  	s2 =	simm.s32 $0x0;
	s7 =	sshrl.u32 s1, $0x1;
	(pc) =	sbr.rel .LBB2_1-.Ltmp0, $4  }
0xc: {  	s6 =	smul.u32 $0x19, s4;
	[smem:$0x7FF] =	sst s2;
	s8 =	sshll.u32 s4, $0x3  }
0xd: {  	s1 =	ssub.s32 s1, s7;
	s7 =	simm.s32 $0x2;
	_ =	strace $0x8000004A  }
0xe: {  	s5 =	sadd.s32 s5, s8;
	s8 =	simm.s32 $0x68;
	s6 =	sadd.s32 s6, s3  }
0xf: {  	s3 =	sadd.s32 $0xE00, s3;
	s4 =	sadd.s32 $0x7A2000, s6;
	s6 =	smax.u32 s1, $0x1  }
.LBB2_12:
0x10: {  	s26 =	sadd.s32 $0x1, s26  }
0x11: {  	p0 =	sne.s32 s26, s6  }
.Ltmp1:
0x12: {  	_ = 	snop;
	(pc) =	sbr.rel @!p0 .LBB2_13-.Ltmp1, $4  }
0x13: {  	[hbm4b:s5+s2] =	stream.linear.scatter [tilespmem:s25], [sflag:$0x2], $0x2000, $0x38;
	[tilespmem:$0x14C00] =	vst v63  }
0x14: {  	_ =	swait.ge [sflag:s7], $0x2000  }
0x15: {  	[sflag:s7] =	ssyncset.done $0x0  }
0x16: {  	[sflag:s7] =	ssyncadd.s32 $0xFFFFE000  }
.LBB2_1:
0x17: {  	[tilespmem:s2], [sflag:$0x2] =	stream.linear.gather [hbm4b:s4+s2], $0x6400, $0x38;
	[tilespmem:$0x14C00] =	vst v63  }
0x18: {  	_ =	swait.ge [sflag:s7], $0x6400  }
0x19: {  	[sflag:s7] =	ssyncset.done $0x0  }
0x1a: {  	[sflag:s7] =	ssyncadd.s32 $0xFFFF9C00  }
0x1b: {  	[tilespmem:s9], [sflag:$0x1] =	stream.indirect.gather [hbm4b:s3+s8], $0x40, s2, s8, $0xb8;
	[tilespmem:$0x14C00] =	vst v63  }
0x1c: {  	_ = 	snop  }
0x1d: {  	[tilespmem:s11], [sflag:$0x1] =	stream.indirect.gather [hbm4b:s3+s10], $0x40, s8, s10, $0xb8;
	[tilespmem:$0x14C00] =	vst v63  }
0x1e: {  	_ = 	snop  }
0x1f: {  	[tilespmem:s13], [sflag:$0x1] =	stream.indirect.gather [hbm4b:s3+s8], $0x40, s12, s8, $0xb8;
	[tilespmem:$0x14C00] =	vst v63  }
0x20: {  	_ = 	snop  }
0x21: {  	[tilespmem:s15], [sflag:$0x1] =	stream.indirect.gather [hbm4b:s3+s10], $0x40, s14, s10, $0xb8;
	[tilespmem:$0x14C00] =	vst v63  }
0x22: {  	_ = 	snop  }
0x23: {  	[tilespmem:s17], [sflag:$0x1] =	stream.indirect.gather [hbm4b:s3+s8], $0x40, s16, s8, $0xb8;
	[tilespmem:$0x14C00] =	vst v63  }
0x24: {  	_ = 	snop  }
0x25: {  	[tilespmem:s19], [sflag:$0x1] =	stream.indirect.gather [hbm4b:s3+s10], $0x40, s18, s10, $0xb8;
	[tilespmem:$0x14C00] =	vst v63  }
0x26: {  	_ = 	snop  }
0x27: {  	[tilespmem:s21], [sflag:$0x1] =	stream.indirect.gather [hbm4b:s3+s8], $0x40, s20, s8, $0xb8;
	[tilespmem:$0x14C00] =	vst v63  }
0x28: {  	s28 =	simm.s32 $0x0  }
0x29: {  	[tilespmem:s23], [sflag:$0x1] =	stream.indirect.gather [hbm4b:s3+s10], $0x40, s22, s10, $0xb8;
	[tilespmem:$0x14C00] =	vst v63  }
.LBB2_2:
0x2a: {  	_ =	swait.ge [sflag:s24], $0x1A00  }
0x2b: {  	[sflag:s24] =	ssyncset.done $0x0  }
0x2c: {  	[sflag:s24] =	ssyncadd.s32 $0xFFFFE600  }
0x2d: {  	_ =	swait.ge [sflag:s24], $0x1800  }
0x2e: {  	[sflag:s24] =	ssyncset.done $0x0  }
0x2f: {  	s1 =	simm.s32 $0x0;
	[sflag:s24] =	ssyncadd.s32 $0xFFFFE800  }
0x30: {  	v0 =	vld [tilespmem:s1+$0x6430]  }
0x31: {  	v1 =	vld [tilespmem:s1+$0x6470]  }
0x32: {  	v2 =	vld [tilespmem:s1+$0x64B0]  }
0x33: {  	v3 =	vld [tilespmem:s1+$0x64F0]  }
0x34: {  	v4 =	vld [tilespmem:s1+$0x6530]  }
0x35: {  	v5 =	vld [tilespmem:s1+$0x6570]  }
0x36: {  	v6 =	vld [tilespmem:s1+$0x65B0]  }
0x37: {  	v7 =	vld [tilespmem:s1+$0x65F0]  }
0x38: {  	v8 =	vld [tilespmem:s1+$0x6400]  }
0x39: {  	v9 =	vld [tilespmem:s1+$0x6440]  }
0x3a: {  	v10 =	vld [tilespmem:s1+$0x6480]  }
0x3b: {  	v11 =	vld [tilespmem:s1+$0x64C0]  }
0x3c: {  	v12 =	vld [tilespmem:s1+$0x6500]  }
0x3d: {  	v13 =	vld [tilespmem:s1+$0x6540]  }
0x3e: {  	v14 =	vld [tilespmem:s1+$0x6580]  }
0x3f: {  	v15 =	vld [tilespmem:s1+$0x65C0]  }
0x40: {  	v16 =	vld [tilespmem:s1+$0x6410]  }
0x41: {  	v17 =	vld [tilespmem:s1+$0x6450]  }
0x42: {  	v18 =	vld [tilespmem:s1+$0x6490]  }
0x43: {  	v19 =	vld [tilespmem:s1+$0x64D0]  }
0x44: {  	v20 =	vld [tilespmem:s1+$0x6510]  }
0x45: {  	v21 =	vld [tilespmem:s1+$0x6550]  }
0x46: {  	v22 =	vld [tilespmem:s1+$0x6590]  }
0x47: {  	v23 =	vld [tilespmem:s1+$0x64A0];
	v0 =	vadd.f32 v1, v0  }
0x48: {  	v1 =	vadd.f32 v3, v2;
	v2 =	vld [tilespmem:s1+$0x65D0];
	v3 =	vadd.f32 v5, v4  }
0x49: {  	v4 =	vadd.f32 v7, v6;
	v6 =	vld [tilespmem:s1+$0x6420];
	v5 =	vadd.f32 v13, v12  }
0x4a: {  	v7 =	vld [tilespmem:s1+$0x6460];
	v12 =	vadd.f32 v19, v18;
	v0 =	vadd.f32 v1, v0  }
0x4b: {  	v13 =	vld [tilespmem:s1+$0x6560];
	v1 =	vadd.f32 v4, v3;
	v3 =	vadd.f32 v9, v8  }
0x4c: {  	v4 =	vadd.f32 v11, v10;
	v8 =	vld [tilespmem:s1+$0x64E0];
	v9 =	vadd.f32 v15, v14  }
0x4d: {  	v10 =	vld [tilespmem:s1+$0x6520];
	v11 =	vadd.f32 v17, v16;
	v14 =	vadd.f32 v21, v20  }
0x4e: {  	v15 =	vld [tilespmem:s1+$0x65A0];
	v3 =	vadd.f32 v4, v3;
	v5 =	vadd.f32 v9, v5  }
0x4f: {  	s29 =	simm.s32 $0x200;
	v9 =	vld [tilespmem:s1+$0x65E0];
	v11 =	vadd.f32 v12, v11;
	v2 =	vadd.f32 v2, v22  }
0x50: {  	v4 =	vld [tilespmem:s29+$0x6430];
	v0 =	vadd.f32 v1, v0;
	v12 =	vadd.f32 v7, v6  }
0x51: {  	v6 =	vld [tilespmem:s29+$0x64B0];
	v1 =	vadd.f32 v5, v3;
	v3 =	vimm.f32 $0.0e+00;
	v2 =	vadd.f32 v2, v14  }
0x52: {  	v7 =	vld [tilespmem:s29+$0x6530];
	v0 =	vadd.f32 v0, v3  }
0x53: {  	v5 =	vld [tilespmem:s29+$0x6470];
	v14 =	vadd.f32 v2, v11;
	v11 =	vadd.f32 v8, v23  }
0x54: {  	v13 =	vadd.f32 v13, v10;
	v10 =	vld [tilespmem:s29+$0x65B0];
	v15 =	vadd.f32 v9, v15  }
0x55: {  	v8 =	vld [tilespmem:s29+$0x64F0];
	v2 =	vadd.f32 v1, v3;
	v11 =	vadd.f32 v11, v12  }
0x56: {  	s30 =	simm.s32 $0x1000;
	v9 =	vld [tilespmem:s29+$0x6570];
	v1 =	vadd.f32 v14, v3;
	v12 =	vadd.f32 v15, v13  }
.LBB2_3:
0x57: {  	p0 =	sne.s32 s30, $0xC000;
	v13 =	vld [tilespmem:s29+$0x65F0]  }
0x58: {  	v14 =	vld [tilespmem:s29+$0x6400];
	v11 =	vadd.f32 v12, v11  }
0x59: {  	v12 =	vld [tilespmem:s29+$0x6440]  }
0x5a: {  	v15 =	vld [tilespmem:s29+$0x6480];
	v3 =	vadd.f32 v11, v3  }
0x5b: {  	v4 =	vadd.f32 v5, v4;
	v5 =	vadd.f32 v8, v6;
	v11 =	vld [tilespmem:s29+$0x64C0]  }
0x5c: {  	v7 =	vadd.f32 v9, v7;
	v6 =	vld [tilespmem:s29+$0x6500];
	v8 =	vadd.f32 v13, v10  }
0x5d: {  	v9 =	vld [tilespmem:s29+$0x6540]  }
0x5e: {  	v4 =	vadd.f32 v5, v4;
	v10 =	vld [tilespmem:s29+$0x6580];
	v5 =	vadd.f32 v8, v7  }
0x5f: {  	v8 =	vadd.f32 v12, v14;
	v7 =	vld [tilespmem:s29+$0x65C0]  }
0x60: {  	v11 =	vadd.f32 v11, v15;
	v12 =	vld [tilespmem:s29+$0x6410];
	v4 =	vadd.f32 v5, v4  }
0x61: {  	v5 =	vld [tilespmem:s29+$0x6450]  }
0x62: {  	v6 =	vadd.f32 v9, v6;
	v9 =	vld [tilespmem:s29+$0x6490];
	v0 =	vadd.f32 v4, v0  }
0x63: {  	v4 =	vadd.f32 v11, v8;
	v8 =	vld [tilespmem:s29+$0x64D0]  }
0x64: {  	v7 =	vadd.f32 v7, v10;
	v10 =	vld [tilespmem:s29+$0x6510]  }
0x65: {  	v11 =	vld [tilespmem:s29+$0x6550]  }
0x66: {  	v6 =	vadd.f32 v7, v6;
	v7 =	vld [tilespmem:s29+$0x6590];
	v5 =	vadd.f32 v5, v12  }
0x67: {  	v12 =	vld [tilespmem:s29+$0x65D0]  }
0x68: {  	v4 =	vadd.f32 v6, v4;
	v6 =	vadd.f32 v8, v9;
	v8 =	vld [tilespmem:s29+$0x6420]  }
0x69: {  	v9 =	vld [tilespmem:s29+$0x6460]  }
0x6a: {  	v10 =	vadd.f32 v11, v10;
	v5 =	vadd.f32 v6, v5;
	v6 =	vld [tilespmem:s29+$0x64A0]  }
0x6b: {  	v2 =	vadd.f32 v4, v2;
	v11 =	vld [tilespmem:s29+$0x64E0]  }
0x6c: {  	v4 =	vadd.f32 v12, v7;
	v7 =	vld [tilespmem:s29+$0x6520]  }
0x6d: {  	v12 =	vld [tilespmem:s29+$0x6560]  }
0x6e: {  	v10 =	vadd.f32 v4, v10;
	v13 =	vld [tilespmem:s29+$0x65A0];
	v8 =	vadd.f32 v9, v8  }
0x6f: {  	v9 =	vld [tilespmem:s29+$0x65E0];
	s29 =	sshra.s32 s30, $0x2  }
0x70: {  	v4 =	vld [tilespmem:s29+$0x6430];
	v10 =	vadd.f32 v10, v5;
	v11 =	vadd.f32 v11, v6  }
0x71: {  	v5 =	vld [tilespmem:s29+$0x6470]  }
.Ltmp2:
0x72: {  	v6 =	vld [tilespmem:s29+$0x64B0];
	v12 =	vadd.f32 v12, v7;
	v11 =	vadd.f32 v11, v8;
	(pc) =	sbr.rel @p0 .LBB2_3-.Ltmp2, $4  }
0x73: {  	v1 =	vadd.f32 v10, v1;
	v8 =	vld [tilespmem:s29+$0x64F0]  }
0x74: {  	v7 =	vld [tilespmem:s29+$0x6530];
	v13 =	vadd.f32 v9, v13  }
0x75: {  	v9 =	vld [tilespmem:s29+$0x6570]  }
0x76: {  	s30 =	sadd.s32 $0x800, s30;
	v10 =	vld [tilespmem:s29+$0x65B0];
	v12 =	vadd.f32 v13, v12  }
0x77: {  	v13 =	vld [tilespmem:s29+$0x65F0]  }
0x78: {  	v14 =	vld [tilespmem:s29+$0x6400]  }
0x79: {  	v15 =	vld [tilespmem:s29+$0x6440]  }
0x7a: {  	v16 =	vld [tilespmem:s29+$0x6480]  }
0x7b: {  	v17 =	vld [tilespmem:s29+$0x64C0]  }
0x7c: {  	v18 =	vld [tilespmem:s29+$0x6500]  }
0x7d: {  	v19 =	vld [tilespmem:s29+$0x6540]  }
0x7e: {  	v20 =	vld [tilespmem:s29+$0x6580]  }
0x7f: {  	v21 =	vld [tilespmem:s29+$0x65C0]  }
0x80: {  	v22 =	vld [tilespmem:s29+$0x6410]  }
0x81: {  	v23 =	vld [tilespmem:s29+$0x6450]  }
0x82: {  	v24 =	vld [tilespmem:s29+$0x6490]  }
0x83: {  	v25 =	vld [tilespmem:s29+$0x64D0]  }
0x84: {  	v26 =	vld [tilespmem:s29+$0x6510]  }
0x85: {  	v27 =	vld [tilespmem:s29+$0x6550]  }
0x86: {  	v28 =	vld [tilespmem:s29+$0x6590]  }
0x87: {  	v29 =	vld [tilespmem:s29+$0x65D0]  }
0x88: {  	v30 =	vld [tilespmem:s29+$0x6460];
	v11 =	vadd.f32 v12, v11  }
0x89: {  	v4 =	vadd.f32 v5, v4;
	v53 =	vld [tilespmem:s29+$0x6560];
	v5 =	vadd.f32 v8, v6  }
0x8a: {  	v12 =	vld [tilespmem:s29+$0x6420];
	v3 =	vadd.f32 v11, v3  }
0x8b: {  	v6 =	vld [tilespmem:s29+$0x64E0];
	v7 =	vadd.f32 v9, v7;
	v4 =	vadd.f32 v5, v4  }
0x8c: {  	v11 =	vld [tilespmem:s29+$0x64A0];
	v8 =	vadd.f32 v15, v14;
	v14 =	vadd.f32 v17, v16  }
0x8d: {  	v15 =	vld [tilespmem:s29+$0x6520];
	v51 =	vadd.f32 v19, v18;
	v52 =	vadd.f32 v21, v20  }
0x8e: {  	v9 =	vadd.f32 v13, v10;
	v10 =	vld [tilespmem:s29+$0x65A0];
	v5 =	vadd.f32 v23, v22  }
0x8f: {  	v54 =	vadd.f32 v27, v26;
	v8 =	vadd.f32 v14, v8;
	v14 =	vld [tilespmem:s29+$0x65E0]  }
0x90: {  	v55 =	vadd.f32 v29, v28;
	v13 =	vadd.f32 v52, v51  }
0x91: {  	v12 =	vadd.f32 v30, v12;
	v7 =	vadd.f32 v9, v7  }
0x92: {  	v6 =	vadd.f32 v6, v11;
	v8 =	vadd.f32 v13, v8  }
0x93: {  	v13 =	vadd.f32 v25, v24;
	v4 =	vadd.f32 v7, v4  }
0x94: {  	v11 =	vadd.f32 v53, v15;
	v10 =	vadd.f32 v14, v10  }
0x95: {  	v5 =	vadd.f32 v13, v5;
	v13 =	vadd.f32 v55, v54  }
0x96: {  	v6 =	vadd.f32 v6, v12;
	v10 =	vadd.f32 v10, v11  }
0x97: {  	s1 =	sshll.u32 s28, $0x8;
	v2 =	vadd.f32 v8, v2;
	v5 =	vadd.f32 v13, v5  }
0x98: {  	p0 =	seq.s32 s28, $0x1F;
	s29 =	sand.u32 $0x3FFFFF00, s1;
	v0 =	vadd.f32 v4, v0;
	v6 =	vadd.f32 v10, v6  }
0x99: {  	s1 =	smul.u32 @!p0 $0xC80, s28;
	[tilespmem:s29+$0x12C00] =	vst v2;
	v1 =	vadd.f32 v5, v1  }
0x9a: {  	[tilespmem:s29+$0x12C30] =	vst v0;
	v3 =	vadd.f32 v6, v3  }
0x9b: {  	s30 =	sshra.s32 @!p0 s1, $0x2;
	[tilespmem:s29+$0x12C10] =	vst v1  }
0x9c: {  	s31 =	simm.s32 @!p0 $0x68;
	s0 =	simm.s32 @!p0 $0x6400;
	s1 =	sadd.s32 @!p0 $0x320, s30;
	[tilespmem:s29+$0x12C20] =	vst v3  }
0x9d: {  	[tilespmem:s0], [sflag:$0x1] =	stream.indirect.gather @!p0 [hbm4b:s3+s31], $0x40, s1, s31, $0xb8;
	[tilespmem:$0x14C00] =	vst v63  }
0x9e: {  	s0 =	sadd.s32 @!p0 $0x388, s30;
	s1 =	simm.s32 @!p0 $0x60;
	s31 =	simm.s32 @!p0 $0x7E00  }
0x9f: {  	[tilespmem:s31], [sflag:$0x1] =	stream.indirect.gather @!p0 [hbm4b:s3+s1], $0x40, s0, s1, $0xb8;
	[tilespmem:$0x14C00] =	vst v63  }
0xa0: {  	_ =	swait.ge [sflag:s24], $0x1A00  }
0xa1: {  	[sflag:s24] =	ssyncset.done $0x0  }
0xa2: {  	[sflag:s24] =	ssyncadd.s32 $0xFFFFE600  }
0xa3: {  	_ =	swait.ge [sflag:s24], $0x1800  }
0xa4: {  	[sflag:s24] =	ssyncset.done $0x0  }
0xa5: {  	s1 =	simm.s32 $0x0;
	[sflag:s24] =	ssyncadd.s32 $0xFFFFE800  }
0xa6: {  	v0 =	vld [tilespmem:s1+$0x9630]  }
0xa7: {  	v1 =	vld [tilespmem:s1+$0x9670]  }
0xa8: {  	v2 =	vld [tilespmem:s1+$0x96B0]  }
0xa9: {  	v3 =	vld [tilespmem:s1+$0x96F0]  }
0xaa: {  	v4 =	vld [tilespmem:s1+$0x9730]  }
0xab: {  	v5 =	vld [tilespmem:s1+$0x9770]  }
0xac: {  	v6 =	vld [tilespmem:s1+$0x97B0]  }
0xad: {  	v7 =	vld [tilespmem:s1+$0x97F0]  }
0xae: {  	v8 =	vld [tilespmem:s1+$0x9600]  }
0xaf: {  	v9 =	vld [tilespmem:s1+$0x9640]  }
0xb0: {  	v10 =	vld [tilespmem:s1+$0x9680]  }
0xb1: {  	v11 =	vld [tilespmem:s1+$0x96C0]  }
0xb2: {  	v12 =	vld [tilespmem:s1+$0x9700]  }
0xb3: {  	v13 =	vld [tilespmem:s1+$0x9740]  }
0xb4: {  	v14 =	vld [tilespmem:s1+$0x9780]  }
0xb5: {  	v15 =	vld [tilespmem:s1+$0x97C0]  }
0xb6: {  	v56 =	vld [tilespmem:s1+$0x9610]  }
0xb7: {  	v57 =	vld [tilespmem:s1+$0x9650]  }
0xb8: {  	v58 =	vld [tilespmem:s1+$0x9690]  }
0xb9: {  	v59 =	vld [tilespmem:s1+$0x96D0]  }
0xba: {  	v60 =	vld [tilespmem:s1+$0x9710]  }
0xbb: {  	v61 =	vld [tilespmem:s1+$0x9750]  }
0xbc: {  	v62 =	vld [tilespmem:s1+$0x9790]  }
0xbd: {  	v63 =	vld [tilespmem:s1+$0x96A0];
	v0 =	vadd.f32 v1, v0;
	v1 =	vadd.f32 v3, v2  }
0xbe: {  	v2 =	vld [tilespmem:s1+$0x97D0];
	v3 =	vadd.f32 v5, v4;
	v4 =	vadd.f32 v7, v6  }
0xbf: {  	v6 =	vld [tilespmem:s1+$0x9620]  }
0xc0: {  	v7 =	vld [tilespmem:s1+$0x9660];
	v0 =	vadd.f32 v1, v0;
	v1 =	vadd.f32 v4, v3  }
0xc1: {  	v3 =	vadd.f32 v9, v8;
	v4 =	vadd.f32 v11, v10;
	v8 =	vld [tilespmem:s1+$0x96E0]  }
0xc2: {  	v5 =	vadd.f32 v59, v58;
	v9 =	vld [tilespmem:s1+$0x9720];
	v0 =	vadd.f32 v1, v0  }
0xc3: {  	v11 =	vld [tilespmem:s1+$0x9760];
	v1 =	vadd.f32 v13, v12;
	v10 =	vadd.f32 v4, v3  }
0xc4: {  	v3 =	vadd.f32 v15, v14;
	v4 =	vadd.f32 v57, v56;
	v12 =	vld [tilespmem:s1+$0x97A0]  }
0xc5: {  	s31 =	simm.s32 $0x200;
	v13 =	vadd.f32 v61, v60;
	v14 =	vld [tilespmem:s1+$0x97E0];
	v2 =	vadd.f32 v2, v62  }
0xc6: {  	v1 =	vadd.f32 v3, v1;
	v3 =	vimm.f32 $0.0e+00;
	v15 =	vadd.f32 v5, v4;
	v4 =	vld [tilespmem:s31+$0x9630]  }
0xc7: {  	v5 =	vld [tilespmem:s31+$0x9670];
	v0 =	vadd.f32 v0, v3;
	v2 =	vadd.f32 v2, v13  }
0xc8: {  	v13 =	vadd.f32 v8, v63;
	v8 =	vld [tilespmem:s31+$0x96F0];
	v1 =	vadd.f32 v1, v10  }
0xc9: {  	v10 =	vadd.f32 v7, v6;
	v6 =	vld [tilespmem:s31+$0x96B0];
	v2 =	vadd.f32 v2, v15  }
0xca: {  	v7 =	vld [tilespmem:s31+$0x9730];
	v15 =	vadd.f32 v11, v9;
	v12 =	vadd.f32 v14, v12  }
0xcb: {  	v9 =	vld [tilespmem:s31+$0x9770];
	v1 =	vadd.f32 v1, v3;
	v11 =	vadd.f32 v13, v10  }
0xcc: {  	s1 =	simm.s32 $0x1000;
	v10 =	vld [tilespmem:s31+$0x97B0];
	v2 =	vadd.f32 v2, v3;
	v12 =	vadd.f32 v12, v15  }
.LBB2_5:
0xcd: {  	p1 =	sne.s32 s1, $0xC000;
	v13 =	vld [tilespmem:s31+$0x97F0]  }
0xce: {  	v14 =	vld [tilespmem:s31+$0x9600];
	v11 =	vadd.f32 v12, v11  }
0xcf: {  	v12 =	vld [tilespmem:s31+$0x9640]  }
0xd0: {  	v15 =	vld [tilespmem:s31+$0x9680];
	v3 =	vadd.f32 v11, v3  }
0xd1: {  	v4 =	vadd.f32 v5, v4;
	v5 =	vadd.f32 v8, v6;
	v11 =	vld [tilespmem:s31+$0x96C0]  }
0xd2: {  	v7 =	vadd.f32 v9, v7;
	v6 =	vld [tilespmem:s31+$0x9700];
	v8 =	vadd.f32 v13, v10  }
0xd3: {  	v9 =	vld [tilespmem:s31+$0x9740]  }
0xd4: {  	v4 =	vadd.f32 v5, v4;
	v10 =	vld [tilespmem:s31+$0x9780];
	v5 =	vadd.f32 v8, v7  }
0xd5: {  	v8 =	vadd.f32 v12, v14;
	v7 =	vld [tilespmem:s31+$0x97C0]  }
0xd6: {  	v11 =	vadd.f32 v11, v15;
	v12 =	vld [tilespmem:s31+$0x9610];
	v4 =	vadd.f32 v5, v4  }
0xd7: {  	v5 =	vld [tilespmem:s31+$0x9650]  }
0xd8: {  	v6 =	vadd.f32 v9, v6;
	v9 =	vld [tilespmem:s31+$0x9690];
	v0 =	vadd.f32 v4, v0  }
0xd9: {  	v4 =	vadd.f32 v11, v8;
	v8 =	vld [tilespmem:s31+$0x96D0]  }
0xda: {  	v7 =	vadd.f32 v7, v10;
	v10 =	vld [tilespmem:s31+$0x9710]  }
0xdb: {  	v11 =	vld [tilespmem:s31+$0x9750]  }
0xdc: {  	v6 =	vadd.f32 v7, v6;
	v7 =	vld [tilespmem:s31+$0x9790];
	v5 =	vadd.f32 v5, v12  }
0xdd: {  	v12 =	vld [tilespmem:s31+$0x97D0]  }
0xde: {  	v4 =	vadd.f32 v6, v4;
	v6 =	vadd.f32 v8, v9;
	v8 =	vld [tilespmem:s31+$0x9620]  }
0xdf: {  	v9 =	vld [tilespmem:s31+$0x9660]  }
0xe0: {  	v10 =	vadd.f32 v11, v10;
	v5 =	vadd.f32 v6, v5;
	v6 =	vld [tilespmem:s31+$0x96A0]  }
0xe1: {  	v1 =	vadd.f32 v4, v1;
	v11 =	vld [tilespmem:s31+$0x96E0]  }
0xe2: {  	v4 =	vadd.f32 v12, v7;
	v7 =	vld [tilespmem:s31+$0x9720]  }
0xe3: {  	v12 =	vld [tilespmem:s31+$0x9760]  }
0xe4: {  	v10 =	vadd.f32 v4, v10;
	v13 =	vld [tilespmem:s31+$0x97A0];
	v8 =	vadd.f32 v9, v8  }
0xe5: {  	v9 =	vld [tilespmem:s31+$0x97E0];
	s31 =	sshra.s32 s1, $0x2  }
0xe6: {  	v4 =	vld [tilespmem:s31+$0x9630];
	v10 =	vadd.f32 v10, v5;
	v11 =	vadd.f32 v11, v6  }
0xe7: {  	v5 =	vld [tilespmem:s31+$0x9670]  }
.Ltmp3:
0xe8: {  	v6 =	vld [tilespmem:s31+$0x96B0];
	v12 =	vadd.f32 v12, v7;
	v11 =	vadd.f32 v11, v8;
	(pc) =	sbr.rel @p1 .LBB2_5-.Ltmp3, $4  }
0xe9: {  	v2 =	vadd.f32 v10, v2;
	v8 =	vld [tilespmem:s31+$0x96F0]  }
0xea: {  	v7 =	vld [tilespmem:s31+$0x9730];
	v13 =	vadd.f32 v9, v13  }
0xeb: {  	v9 =	vld [tilespmem:s31+$0x9770]  }
0xec: {  	s1 =	sadd.s32 $0x800, s1;
	v10 =	vld [tilespmem:s31+$0x97B0];
	v12 =	vadd.f32 v13, v12  }
0xed: {  	v13 =	vld [tilespmem:s31+$0x97F0]  }
0xee: {  	v14 =	vld [tilespmem:s31+$0x9600]  }
0xef: {  	v15 =	vld [tilespmem:s31+$0x9640]  }
0xf0: {  	v16 =	vld [tilespmem:s31+$0x9680]  }
0xf1: {  	v17 =	vld [tilespmem:s31+$0x96C0]  }
0xf2: {  	v18 =	vld [tilespmem:s31+$0x9700]  }
0xf3: {  	v19 =	vld [tilespmem:s31+$0x9740]  }
0xf4: {  	v20 =	vld [tilespmem:s31+$0x9780]  }
0xf5: {  	v21 =	vld [tilespmem:s31+$0x97C0]  }
0xf6: {  	v22 =	vld [tilespmem:s31+$0x9610]  }
0xf7: {  	v23 =	vld [tilespmem:s31+$0x9650]  }
0xf8: {  	v24 =	vld [tilespmem:s31+$0x9690]  }
0xf9: {  	v25 =	vld [tilespmem:s31+$0x96D0]  }
0xfa: {  	v26 =	vld [tilespmem:s31+$0x9710]  }
0xfb: {  	v27 =	vld [tilespmem:s31+$0x9750]  }
0xfc: {  	v28 =	vld [tilespmem:s31+$0x9790]  }
0xfd: {  	v29 =	vld [tilespmem:s31+$0x97D0]  }
0xfe: {  	v30 =	vld [tilespmem:s31+$0x9660];
	v11 =	vadd.f32 v12, v11  }
0xff: {  	v4 =	vadd.f32 v5, v4;
	v53 =	vld [tilespmem:s31+$0x9760];
	v5 =	vadd.f32 v8, v6  }
0x100: {  	v12 =	vld [tilespmem:s31+$0x9620];
	v3 =	vadd.f32 v11, v3  }
0x101: {  	v6 =	vld [tilespmem:s31+$0x96E0];
	v7 =	vadd.f32 v9, v7;
	v4 =	vadd.f32 v5, v4  }
0x102: {  	v11 =	vld [tilespmem:s31+$0x96A0];
	v8 =	vadd.f32 v15, v14;
	v14 =	vadd.f32 v17, v16  }
0x103: {  	v15 =	vld [tilespmem:s31+$0x9720];
	v51 =	vadd.f32 v19, v18;
	v52 =	vadd.f32 v21, v20  }
0x104: {  	v9 =	vadd.f32 v13, v10;
	v10 =	vld [tilespmem:s31+$0x97A0];
	v5 =	vadd.f32 v23, v22  }
0x105: {  	v54 =	vadd.f32 v27, v26;
	v8 =	vadd.f32 v14, v8;
	v14 =	vld [tilespmem:s31+$0x97E0]  }
0x106: {  	v55 =	vadd.f32 v29, v28;
	v13 =	vadd.f32 v52, v51  }
0x107: {  	v12 =	vadd.f32 v30, v12;
	v7 =	vadd.f32 v9, v7  }
0x108: {  	v6 =	vadd.f32 v6, v11;
	v8 =	vadd.f32 v13, v8  }
0x109: {  	v13 =	vadd.f32 v25, v24;
	v4 =	vadd.f32 v7, v4  }
0x10a: {  	v11 =	vadd.f32 v53, v15;
	v10 =	vadd.f32 v14, v10  }
0x10b: {  	v5 =	vadd.f32 v13, v5;
	v13 =	vadd.f32 v55, v54  }
0x10c: {  	v6 =	vadd.f32 v6, v12;
	v10 =	vadd.f32 v10, v11  }
0x10d: {  	v1 =	vadd.f32 v8, v1;
	v5 =	vadd.f32 v13, v5  }
0x10e: {  	v0 =	vadd.f32 v4, v0;
	v6 =	vadd.f32 v10, v6  }
0x10f: {  	[tilespmem:s29+$0x12C40] =	vst v1;
	v2 =	vadd.f32 v5, v2  }
0x110: {  	[tilespmem:s29+$0x12C70] =	vst v0;
	v3 =	vadd.f32 v6, v3  }
0x111: {  	[tilespmem:s29+$0x12C50] =	vst v2  }
0x112: {  	s0 =	sadd.s32 @!p0 $0x3E8, s30;
	s1 =	simm.s32 @!p0 $0x68;
	s31 =	simm.s32 @!p0 $0x9600;
	[tilespmem:s29+$0x12C60] =	vst v3  }
0x113: {  	[tilespmem:s31], [sflag:$0x1] =	stream.indirect.gather @!p0 [hbm4b:s3+s1], $0x40, s0, s1, $0xb8;
	[tilespmem:$0x14C00] =	vst v63  }
0x114: {  	s0 =	sadd.s32 @!p0 $0x450, s30;
	s1 =	simm.s32 @!p0 $0x60;
	s31 =	simm.s32 @!p0 $0xB000  }
0x115: {  	[tilespmem:s31], [sflag:$0x1] =	stream.indirect.gather @!p0 [hbm4b:s3+s1], $0x40, s0, s1, $0xb8;
	[tilespmem:$0x14C00] =	vst v63  }
0x116: {  	_ =	swait.ge [sflag:s24], $0x1A00  }
0x117: {  	[sflag:s24] =	ssyncset.done $0x0  }
0x118: {  	[sflag:s24] =	ssyncadd.s32 $0xFFFFE600  }
0x119: {  	_ =	swait.ge [sflag:s24], $0x1800  }
0x11a: {  	[sflag:s24] =	ssyncset.done $0x0  }
0x11b: {  	s1 =	simm.s32 $0x0;
	[sflag:s24] =	ssyncadd.s32 $0xFFFFE800  }
0x11c: {  	v0 =	vld [tilespmem:s1+$0xC830]  }
0x11d: {  	v1 =	vld [tilespmem:s1+$0xC870]  }
0x11e: {  	v2 =	vld [tilespmem:s1+$0xC8B0]  }
0x11f: {  	v3 =	vld [tilespmem:s1+$0xC8F0]  }
0x120: {  	v4 =	vld [tilespmem:s1+$0xC930]  }
0x121: {  	v5 =	vld [tilespmem:s1+$0xC970]  }
0x122: {  	v6 =	vld [tilespmem:s1+$0xC9B0]  }
0x123: {  	v7 =	vld [tilespmem:s1+$0xC9F0]  }
0x124: {  	v8 =	vld [tilespmem:s1+$0xC800]  }
0x125: {  	v9 =	vld [tilespmem:s1+$0xC840]  }
0x126: {  	v10 =	vld [tilespmem:s1+$0xC880]  }
0x127: {  	v11 =	vld [tilespmem:s1+$0xC8C0]  }
0x128: {  	v12 =	vld [tilespmem:s1+$0xC900]  }
0x129: {  	v13 =	vld [tilespmem:s1+$0xC940]  }
0x12a: {  	v14 =	vld [tilespmem:s1+$0xC980]  }
0x12b: {  	v15 =	vld [tilespmem:s1+$0xC9C0]  }
0x12c: {  	v56 =	vld [tilespmem:s1+$0xC810]  }
0x12d: {  	v57 =	vld [tilespmem:s1+$0xC850]  }
0x12e: {  	v58 =	vld [tilespmem:s1+$0xC890]  }
0x12f: {  	v59 =	vld [tilespmem:s1+$0xC8D0]  }
0x130: {  	v60 =	vld [tilespmem:s1+$0xC910]  }
0x131: {  	v61 =	vld [tilespmem:s1+$0xC950]  }
0x132: {  	v62 =	vld [tilespmem:s1+$0xC990]  }
0x133: {  	v63 =	vld [tilespmem:s1+$0xC8A0];
	v0 =	vadd.f32 v1, v0;
	v1 =	vadd.f32 v3, v2  }
0x134: {  	v2 =	vld [tilespmem:s1+$0xC9D0];
	v3 =	vadd.f32 v5, v4;
	v4 =	vadd.f32 v7, v6  }
0x135: {  	v6 =	vld [tilespmem:s1+$0xC820]  }
0x136: {  	v7 =	vld [tilespmem:s1+$0xC860];
	v0 =	vadd.f32 v1, v0;
	v1 =	vadd.f32 v4, v3  }
0x137: {  	v3 =	vadd.f32 v9, v8;
	v4 =	vadd.f32 v11, v10;
	v8 =	vld [tilespmem:s1+$0xC8E0]  }
0x138: {  	v5 =	vadd.f32 v59, v58;
	v9 =	vld [tilespmem:s1+$0xC920];
	v0 =	vadd.f32 v1, v0  }
0x139: {  	v11 =	vld [tilespmem:s1+$0xC960];
	v1 =	vadd.f32 v13, v12;
	v10 =	vadd.f32 v4, v3  }
0x13a: {  	v3 =	vadd.f32 v15, v14;
	v4 =	vadd.f32 v57, v56;
	v12 =	vld [tilespmem:s1+$0xC9A0]  }
0x13b: {  	s31 =	simm.s32 $0x200;
	v13 =	vadd.f32 v61, v60;
	v14 =	vld [tilespmem:s1+$0xC9E0];
	v2 =	vadd.f32 v2, v62  }
0x13c: {  	v1 =	vadd.f32 v3, v1;
	v3 =	vimm.f32 $0.0e+00;
	v15 =	vadd.f32 v5, v4;
	v4 =	vld [tilespmem:s31+$0xC830]  }
0x13d: {  	v5 =	vld [tilespmem:s31+$0xC870];
	v0 =	vadd.f32 v0, v3;
	v2 =	vadd.f32 v2, v13  }
0x13e: {  	v13 =	vadd.f32 v8, v63;
	v8 =	vld [tilespmem:s31+$0xC8F0];
	v1 =	vadd.f32 v1, v10  }
0x13f: {  	v10 =	vadd.f32 v7, v6;
	v6 =	vld [tilespmem:s31+$0xC8B0];
	v2 =	vadd.f32 v2, v15  }
0x140: {  	v7 =	vld [tilespmem:s31+$0xC930];
	v15 =	vadd.f32 v11, v9;
	v12 =	vadd.f32 v14, v12  }
0x141: {  	v9 =	vld [tilespmem:s31+$0xC970];
	v1 =	vadd.f32 v1, v3;
	v11 =	vadd.f32 v13, v10  }
0x142: {  	s1 =	simm.s32 $0x1000;
	v10 =	vld [tilespmem:s31+$0xC9B0];
	v2 =	vadd.f32 v2, v3;
	v12 =	vadd.f32 v12, v15  }
.LBB2_7:
0x143: {  	p1 =	sne.s32 s1, $0xC000;
	v13 =	vld [tilespmem:s31+$0xC9F0]  }
0x144: {  	v14 =	vld [tilespmem:s31+$0xC800];
	v11 =	vadd.f32 v12, v11  }
0x145: {  	v12 =	vld [tilespmem:s31+$0xC840]  }
0x146: {  	v15 =	vld [tilespmem:s31+$0xC880];
	v3 =	vadd.f32 v11, v3  }
0x147: {  	v4 =	vadd.f32 v5, v4;
	v5 =	vadd.f32 v8, v6;
	v11 =	vld [tilespmem:s31+$0xC8C0]  }
0x148: {  	v7 =	vadd.f32 v9, v7;
	v6 =	vld [tilespmem:s31+$0xC900];
	v8 =	vadd.f32 v13, v10  }
0x149: {  	v9 =	vld [tilespmem:s31+$0xC940]  }
0x14a: {  	v4 =	vadd.f32 v5, v4;
	v10 =	vld [tilespmem:s31+$0xC980];
	v5 =	vadd.f32 v8, v7  }
0x14b: {  	v8 =	vadd.f32 v12, v14;
	v7 =	vld [tilespmem:s31+$0xC9C0]  }
0x14c: {  	v11 =	vadd.f32 v11, v15;
	v12 =	vld [tilespmem:s31+$0xC810];
	v4 =	vadd.f32 v5, v4  }
0x14d: {  	v5 =	vld [tilespmem:s31+$0xC850]  }
0x14e: {  	v6 =	vadd.f32 v9, v6;
	v9 =	vld [tilespmem:s31+$0xC890];
	v0 =	vadd.f32 v4, v0  }
0x14f: {  	v4 =	vadd.f32 v11, v8;
	v8 =	vld [tilespmem:s31+$0xC8D0]  }
0x150: {  	v7 =	vadd.f32 v7, v10;
	v10 =	vld [tilespmem:s31+$0xC910]  }
0x151: {  	v11 =	vld [tilespmem:s31+$0xC950]  }
0x152: {  	v6 =	vadd.f32 v7, v6;
	v7 =	vld [tilespmem:s31+$0xC990];
	v5 =	vadd.f32 v5, v12  }
0x153: {  	v12 =	vld [tilespmem:s31+$0xC9D0]  }
0x154: {  	v4 =	vadd.f32 v6, v4;
	v6 =	vadd.f32 v8, v9;
	v8 =	vld [tilespmem:s31+$0xC820]  }
0x155: {  	v9 =	vld [tilespmem:s31+$0xC860]  }
0x156: {  	v10 =	vadd.f32 v11, v10;
	v5 =	vadd.f32 v6, v5;
	v6 =	vld [tilespmem:s31+$0xC8A0]  }
0x157: {  	v1 =	vadd.f32 v4, v1;
	v11 =	vld [tilespmem:s31+$0xC8E0]  }
0x158: {  	v4 =	vadd.f32 v12, v7;
	v7 =	vld [tilespmem:s31+$0xC920]  }
0x159: {  	v12 =	vld [tilespmem:s31+$0xC960]  }
0x15a: {  	v10 =	vadd.f32 v4, v10;
	v13 =	vld [tilespmem:s31+$0xC9A0];
	v8 =	vadd.f32 v9, v8  }
0x15b: {  	v9 =	vld [tilespmem:s31+$0xC9E0];
	s31 =	sshra.s32 s1, $0x2  }
0x15c: {  	v4 =	vld [tilespmem:s31+$0xC830];
	v10 =	vadd.f32 v10, v5;
	v11 =	vadd.f32 v11, v6  }
0x15d: {  	v5 =	vld [tilespmem:s31+$0xC870]  }
.Ltmp4:
0x15e: {  	v6 =	vld [tilespmem:s31+$0xC8B0];
	v12 =	vadd.f32 v12, v7;
	v11 =	vadd.f32 v11, v8;
	(pc) =	sbr.rel @p1 .LBB2_7-.Ltmp4, $4  }
0x15f: {  	v2 =	vadd.f32 v10, v2;
	v8 =	vld [tilespmem:s31+$0xC8F0]  }
0x160: {  	v7 =	vld [tilespmem:s31+$0xC930];
	v13 =	vadd.f32 v9, v13  }
0x161: {  	v9 =	vld [tilespmem:s31+$0xC970]  }
0x162: {  	s1 =	sadd.s32 $0x800, s1;
	v10 =	vld [tilespmem:s31+$0xC9B0];
	v12 =	vadd.f32 v13, v12  }
0x163: {  	v13 =	vld [tilespmem:s31+$0xC9F0]  }
0x164: {  	v14 =	vld [tilespmem:s31+$0xC800]  }
0x165: {  	v15 =	vld [tilespmem:s31+$0xC840]  }
0x166: {  	v16 =	vld [tilespmem:s31+$0xC880]  }
0x167: {  	v17 =	vld [tilespmem:s31+$0xC8C0]  }
0x168: {  	v18 =	vld [tilespmem:s31+$0xC900]  }
0x169: {  	v19 =	vld [tilespmem:s31+$0xC940]  }
0x16a: {  	v20 =	vld [tilespmem:s31+$0xC980]  }
0x16b: {  	v21 =	vld [tilespmem:s31+$0xC9C0]  }
0x16c: {  	v22 =	vld [tilespmem:s31+$0xC810]  }
0x16d: {  	v23 =	vld [tilespmem:s31+$0xC850]  }
0x16e: {  	v24 =	vld [tilespmem:s31+$0xC890]  }
0x16f: {  	v25 =	vld [tilespmem:s31+$0xC8D0]  }
0x170: {  	v26 =	vld [tilespmem:s31+$0xC910]  }
0x171: {  	v27 =	vld [tilespmem:s31+$0xC950]  }
0x172: {  	v28 =	vld [tilespmem:s31+$0xC990]  }
0x173: {  	v29 =	vld [tilespmem:s31+$0xC9D0]  }
0x174: {  	v30 =	vld [tilespmem:s31+$0xC860];
	v11 =	vadd.f32 v12, v11  }
0x175: {  	v4 =	vadd.f32 v5, v4;
	v53 =	vld [tilespmem:s31+$0xC960];
	v5 =	vadd.f32 v8, v6  }
0x176: {  	v12 =	vld [tilespmem:s31+$0xC820];
	v3 =	vadd.f32 v11, v3  }
0x177: {  	v6 =	vld [tilespmem:s31+$0xC8E0];
	v7 =	vadd.f32 v9, v7;
	v4 =	vadd.f32 v5, v4  }
0x178: {  	v11 =	vld [tilespmem:s31+$0xC8A0];
	v8 =	vadd.f32 v15, v14;
	v14 =	vadd.f32 v17, v16  }
0x179: {  	v15 =	vld [tilespmem:s31+$0xC920];
	v51 =	vadd.f32 v19, v18;
	v52 =	vadd.f32 v21, v20  }
0x17a: {  	v9 =	vadd.f32 v13, v10;
	v10 =	vld [tilespmem:s31+$0xC9A0];
	v5 =	vadd.f32 v23, v22  }
0x17b: {  	v54 =	vadd.f32 v27, v26;
	v8 =	vadd.f32 v14, v8;
	v14 =	vld [tilespmem:s31+$0xC9E0]  }
0x17c: {  	v55 =	vadd.f32 v29, v28;
	v13 =	vadd.f32 v52, v51  }
0x17d: {  	v12 =	vadd.f32 v30, v12;
	v7 =	vadd.f32 v9, v7  }
0x17e: {  	v6 =	vadd.f32 v6, v11;
	v8 =	vadd.f32 v13, v8  }
0x17f: {  	v13 =	vadd.f32 v25, v24;
	v4 =	vadd.f32 v7, v4  }
0x180: {  	v11 =	vadd.f32 v53, v15;
	v10 =	vadd.f32 v14, v10  }
0x181: {  	v5 =	vadd.f32 v13, v5;
	v13 =	vadd.f32 v55, v54  }
0x182: {  	v6 =	vadd.f32 v6, v12;
	v10 =	vadd.f32 v10, v11  }
0x183: {  	v1 =	vadd.f32 v8, v1;
	v5 =	vadd.f32 v13, v5  }
0x184: {  	v0 =	vadd.f32 v4, v0;
	v6 =	vadd.f32 v10, v6  }
0x185: {  	[tilespmem:s29+$0x12C80] =	vst v1;
	v2 =	vadd.f32 v5, v2  }
0x186: {  	[tilespmem:s29+$0x12CB0] =	vst v0;
	v3 =	vadd.f32 v6, v3  }
0x187: {  	[tilespmem:s29+$0x12C90] =	vst v2  }
0x188: {  	s0 =	sadd.s32 @!p0 $0x4B0, s30;
	s1 =	simm.s32 @!p0 $0x68;
	s31 =	simm.s32 @!p0 $0xC800;
	[tilespmem:s29+$0x12CA0] =	vst v3  }
0x189: {  	[tilespmem:s31], [sflag:$0x1] =	stream.indirect.gather @!p0 [hbm4b:s3+s1], $0x40, s0, s1, $0xb8;
	[tilespmem:$0x14C00] =	vst v63  }
0x18a: {  	s0 =	sadd.s32 @!p0 $0x518, s30;
	s1 =	simm.s32 @!p0 $0x60;
	s30 =	simm.s32 @!p0 $0xE200  }
0x18b: {  	[tilespmem:s30], [sflag:$0x1] =	stream.indirect.gather @!p0 [hbm4b:s3+s1], $0x40, s0, s1, $0xb8;
	[tilespmem:$0x14C00] =	vst v63  }
0x18c: {  	_ =	swait.ge [sflag:s24], $0x1A00  }
0x18d: {  	[sflag:s24] =	ssyncset.done $0x0  }
0x18e: {  	[sflag:s24] =	ssyncadd.s32 $0xFFFFE600  }
0x18f: {  	_ =	swait.ge [sflag:s24], $0x1800  }
0x190: {  	[sflag:s24] =	ssyncset.done $0x0  }
0x191: {  	s31 =	simm.s32 $0x0;
	[sflag:s24] =	ssyncadd.s32 $0xFFFFE800  }
0x192: {  	v0 =	vld [tilespmem:s31+$0xFA30]  }
0x193: {  	v1 =	vld [tilespmem:s31+$0xFA70]  }
0x194: {  	v2 =	vld [tilespmem:s31+$0xFAB0]  }
0x195: {  	v3 =	vld [tilespmem:s31+$0xFAF0]  }
0x196: {  	v4 =	vld [tilespmem:s31+$0xFB30]  }
0x197: {  	v5 =	vld [tilespmem:s31+$0xFB70]  }
0x198: {  	v6 =	vld [tilespmem:s31+$0xFBB0]  }
0x199: {  	v7 =	vld [tilespmem:s31+$0xFBF0]  }
0x19a: {  	v8 =	vld [tilespmem:s31+$0xFA00]  }
0x19b: {  	v9 =	vld [tilespmem:s31+$0xFA40]  }
0x19c: {  	v10 =	vld [tilespmem:s31+$0xFA80]  }
0x19d: {  	v11 =	vld [tilespmem:s31+$0xFAC0]  }
0x19e: {  	v12 =	vld [tilespmem:s31+$0xFB00]  }
0x19f: {  	v13 =	vld [tilespmem:s31+$0xFB40]  }
0x1a0: {  	v14 =	vld [tilespmem:s31+$0xFB80]  }
0x1a1: {  	v15 =	vld [tilespmem:s31+$0xFBC0]  }
0x1a2: {  	v56 =	vld [tilespmem:s31+$0xFA10]  }
0x1a3: {  	v57 =	vld [tilespmem:s31+$0xFA50]  }
0x1a4: {  	v58 =	vld [tilespmem:s31+$0xFA90]  }
0x1a5: {  	v59 =	vld [tilespmem:s31+$0xFAD0]  }
0x1a6: {  	v60 =	vld [tilespmem:s31+$0xFB10]  }
0x1a7: {  	v61 =	vld [tilespmem:s31+$0xFB50]  }
0x1a8: {  	v62 =	vld [tilespmem:s31+$0xFB90]  }
0x1a9: {  	v63 =	vld [tilespmem:s31+$0xFAA0];
	v0 =	vadd.f32 v1, v0;
	v1 =	vadd.f32 v3, v2  }
0x1aa: {  	v2 =	vld [tilespmem:s31+$0xFBD0];
	v3 =	vadd.f32 v5, v4;
	v4 =	vadd.f32 v7, v6  }
0x1ab: {  	v6 =	vld [tilespmem:s31+$0xFA20]  }
0x1ac: {  	v7 =	vld [tilespmem:s31+$0xFA60];
	v0 =	vadd.f32 v1, v0;
	v1 =	vadd.f32 v4, v3  }
0x1ad: {  	v3 =	vadd.f32 v9, v8;
	v4 =	vadd.f32 v11, v10;
	v8 =	vld [tilespmem:s31+$0xFAE0]  }
0x1ae: {  	v5 =	vadd.f32 v59, v58;
	v9 =	vld [tilespmem:s31+$0xFB20];
	v0 =	vadd.f32 v1, v0  }
0x1af: {  	v11 =	vld [tilespmem:s31+$0xFB60];
	v1 =	vadd.f32 v13, v12;
	v10 =	vadd.f32 v4, v3  }
0x1b0: {  	v3 =	vadd.f32 v15, v14;
	v4 =	vadd.f32 v57, v56;
	v12 =	vld [tilespmem:s31+$0xFBA0]  }
0x1b1: {  	s30 =	simm.s32 $0x200;
	v13 =	vadd.f32 v61, v60;
	v14 =	vld [tilespmem:s31+$0xFBE0];
	v2 =	vadd.f32 v2, v62  }
0x1b2: {  	v1 =	vadd.f32 v3, v1;
	v3 =	vimm.f32 $0.0e+00;
	v15 =	vadd.f32 v5, v4;
	v4 =	vld [tilespmem:s30+$0xFA30]  }
0x1b3: {  	v5 =	vld [tilespmem:s30+$0xFA70];
	v0 =	vadd.f32 v0, v3;
	v2 =	vadd.f32 v2, v13  }
0x1b4: {  	v13 =	vadd.f32 v8, v63;
	v8 =	vld [tilespmem:s30+$0xFAF0];
	v1 =	vadd.f32 v1, v10  }
0x1b5: {  	v10 =	vadd.f32 v7, v6;
	v6 =	vld [tilespmem:s30+$0xFAB0];
	v2 =	vadd.f32 v2, v15  }
0x1b6: {  	v7 =	vld [tilespmem:s30+$0xFB30];
	v15 =	vadd.f32 v11, v9;
	v12 =	vadd.f32 v14, v12  }
0x1b7: {  	v9 =	vld [tilespmem:s30+$0xFB70];
	v1 =	vadd.f32 v1, v3;
	v11 =	vadd.f32 v13, v10  }
0x1b8: {  	s1 =	simm.s32 $0x1000;
	v10 =	vld [tilespmem:s30+$0xFBB0];
	v2 =	vadd.f32 v2, v3;
	v12 =	vadd.f32 v12, v15  }
.LBB2_9:
0x1b9: {  	p1 =	sne.s32 s1, $0xC000;
	v13 =	vld [tilespmem:s30+$0xFBF0]  }
0x1ba: {  	v14 =	vld [tilespmem:s30+$0xFA00];
	v11 =	vadd.f32 v12, v11  }
0x1bb: {  	v12 =	vld [tilespmem:s30+$0xFA40]  }
0x1bc: {  	v15 =	vld [tilespmem:s30+$0xFA80];
	v3 =	vadd.f32 v11, v3  }
0x1bd: {  	v4 =	vadd.f32 v5, v4;
	v5 =	vadd.f32 v8, v6;
	v11 =	vld [tilespmem:s30+$0xFAC0]  }
0x1be: {  	v7 =	vadd.f32 v9, v7;
	v6 =	vld [tilespmem:s30+$0xFB00];
	v8 =	vadd.f32 v13, v10  }
0x1bf: {  	v9 =	vld [tilespmem:s30+$0xFB40]  }
0x1c0: {  	v4 =	vadd.f32 v5, v4;
	v10 =	vld [tilespmem:s30+$0xFB80];
	v5 =	vadd.f32 v8, v7  }
0x1c1: {  	v8 =	vadd.f32 v12, v14;
	v7 =	vld [tilespmem:s30+$0xFBC0]  }
0x1c2: {  	v11 =	vadd.f32 v11, v15;
	v12 =	vld [tilespmem:s30+$0xFA10];
	v4 =	vadd.f32 v5, v4  }
0x1c3: {  	v5 =	vld [tilespmem:s30+$0xFA50]  }
0x1c4: {  	v6 =	vadd.f32 v9, v6;
	v9 =	vld [tilespmem:s30+$0xFA90];
	v0 =	vadd.f32 v4, v0  }
0x1c5: {  	v4 =	vadd.f32 v11, v8;
	v8 =	vld [tilespmem:s30+$0xFAD0]  }
0x1c6: {  	v7 =	vadd.f32 v7, v10;
	v10 =	vld [tilespmem:s30+$0xFB10]  }
0x1c7: {  	v11 =	vld [tilespmem:s30+$0xFB50]  }
0x1c8: {  	v6 =	vadd.f32 v7, v6;
	v7 =	vld [tilespmem:s30+$0xFB90];
	v5 =	vadd.f32 v5, v12  }
0x1c9: {  	v12 =	vld [tilespmem:s30+$0xFBD0]  }
0x1ca: {  	v4 =	vadd.f32 v6, v4;
	v6 =	vadd.f32 v8, v9;
	v8 =	vld [tilespmem:s30+$0xFA20]  }
0x1cb: {  	v9 =	vld [tilespmem:s30+$0xFA60]  }
0x1cc: {  	v10 =	vadd.f32 v11, v10;
	v5 =	vadd.f32 v6, v5;
	v6 =	vld [tilespmem:s30+$0xFAA0]  }
0x1cd: {  	v1 =	vadd.f32 v4, v1;
	v11 =	vld [tilespmem:s30+$0xFAE0]  }
0x1ce: {  	v4 =	vadd.f32 v12, v7;
	v7 =	vld [tilespmem:s30+$0xFB20]  }
0x1cf: {  	v12 =	vld [tilespmem:s30+$0xFB60]  }
0x1d0: {  	v10 =	vadd.f32 v4, v10;
	v13 =	vld [tilespmem:s30+$0xFBA0];
	v8 =	vadd.f32 v9, v8  }
0x1d1: {  	v9 =	vld [tilespmem:s30+$0xFBE0];
	s30 =	sshra.s32 s1, $0x2  }
0x1d2: {  	v4 =	vld [tilespmem:s30+$0xFA30];
	v10 =	vadd.f32 v10, v5;
	v11 =	vadd.f32 v11, v6  }
0x1d3: {  	v5 =	vld [tilespmem:s30+$0xFA70]  }
.Ltmp5:
0x1d4: {  	v6 =	vld [tilespmem:s30+$0xFAB0];
	v12 =	vadd.f32 v12, v7;
	v11 =	vadd.f32 v11, v8;
	(pc) =	sbr.rel @p1 .LBB2_9-.Ltmp5, $4  }
0x1d5: {  	v2 =	vadd.f32 v10, v2;
	v8 =	vld [tilespmem:s30+$0xFAF0]  }
0x1d6: {  	v7 =	vld [tilespmem:s30+$0xFB30];
	v13 =	vadd.f32 v9, v13  }
0x1d7: {  	v9 =	vld [tilespmem:s30+$0xFB70]  }
0x1d8: {  	s1 =	sadd.s32 $0x800, s1;
	v10 =	vld [tilespmem:s30+$0xFBB0];
	v12 =	vadd.f32 v13, v12  }
0x1d9: {  	v13 =	vld [tilespmem:s30+$0xFBF0]  }
0x1da: {  	v14 =	vld [tilespmem:s30+$0xFA00]  }
0x1db: {  	v15 =	vld [tilespmem:s30+$0xFA40]  }
0x1dc: {  	v16 =	vld [tilespmem:s30+$0xFA80]  }
0x1dd: {  	v17 =	vld [tilespmem:s30+$0xFAC0]  }
0x1de: {  	v18 =	vld [tilespmem:s30+$0xFB00]  }
0x1df: {  	v19 =	vld [tilespmem:s30+$0xFB40]  }
0x1e0: {  	v20 =	vld [tilespmem:s30+$0xFB80]  }
0x1e1: {  	v21 =	vld [tilespmem:s30+$0xFBC0]  }
0x1e2: {  	v22 =	vld [tilespmem:s30+$0xFA10]  }
0x1e3: {  	v23 =	vld [tilespmem:s30+$0xFA50]  }
0x1e4: {  	v24 =	vld [tilespmem:s30+$0xFA90]  }
0x1e5: {  	v25 =	vld [tilespmem:s30+$0xFAD0]  }
0x1e6: {  	v26 =	vld [tilespmem:s30+$0xFB10]  }
0x1e7: {  	v27 =	vld [tilespmem:s30+$0xFB50]  }
0x1e8: {  	v28 =	vld [tilespmem:s30+$0xFB90]  }
0x1e9: {  	v29 =	vld [tilespmem:s30+$0xFBD0]  }
0x1ea: {  	v44 =	vld [tilespmem:s30+$0xFA20]  }
0x1eb: {  	v30 =	vld [tilespmem:s30+$0xFA60]  }
0x1ec: {  	v45 =	vld [tilespmem:s30+$0xFAA0];
	v11 =	vadd.f32 v12, v11  }
0x1ed: {  	v4 =	vadd.f32 v5, v4;
	v47 =	vld [tilespmem:s30+$0xFAE0];
	v46 =	vadd.f32 v8, v6  }
0x1ee: {  	v50 =	vld [tilespmem:s30+$0xFB20];
	v3 =	vadd.f32 v11, v3  }
0x1ef: {  	v53 =	vld [tilespmem:s30+$0xFB60];
	v7 =	vadd.f32 v9, v7;
	v4 =	vadd.f32 v46, v4  }
0x1f0: {  	v55 =	vld [tilespmem:s30+$0xFBA0];
	v48 =	vadd.f32 v15, v14;
	v49 =	vadd.f32 v17, v16  }
0x1f1: {  	v57 =	vld [tilespmem:s30+$0xFBE0];
	v51 =	vadd.f32 v19, v18;
	v52 =	vadd.f32 v21, v20  }
0x1f2: {  	v54 =	vadd.f32 v13, v10;
	v58 =	vadd.f32 v23, v22  }
0x1f3: {  	v59 =	vadd.f32 v25, v24;
	v60 =	vadd.f32 v27, v26  }
0x1f4: {  	v61 =	vadd.f32 v29, v28;
	v12 =	vadd.f32 v30, v44  }
0x1f5: {  	v6 =	vadd.f32 v47, v45;
	v62 =	vadd.f32 v53, v50  }
0x1f6: {  	v10 =	vadd.f32 v57, v55;
	v8 =	vadd.f32 v49, v48  }
0x1f7: {  	v56 =	vadd.f32 v52, v51;
	v5 =	vadd.f32 v59, v58  }
0x1f8: {  	v63 =	vadd.f32 v61, v60;
	v6 =	vadd.f32 v6, v12  }
0x1f9: {  	v10 =	vadd.f32 v10, v62;
	v8 =	vadd.f32 v56, v8  }
0x1fa: {  	v7 =	vadd.f32 v54, v7;
	v5 =	vadd.f32 v63, v5  }
0x1fb: {  	v6 =	vadd.f32 v10, v6;
	v1 =	vadd.f32 v8, v1  }
.Ltmp6:
0x1fc: {  	v4 =	vadd.f32 v7, v4;
	v2 =	vadd.f32 v5, v2;
	(pc) =	sbr.rel @p0 .LBB2_12-.Ltmp6, $4  }
0x1fd: {  	v3 =	vadd.f32 v6, v3;
	[tilespmem:s29+$0x12CC0] =	vst v1  }
0x1fe: {  	v0 =	vadd.f32 v4, v0;
	[tilespmem:s29+$0x12CD0] =	vst v2  }
0x1ff: {  	[tilespmem:s29+$0x12CE0] =	vst v3  }
0x200: {  	[tilespmem:s29+$0x12CF0] =	vst v0  }
0x201: {  	s0 =	smul.u32 $0xC80, s28;
	_ =	sdelay $0x1  }
.Ltmp7:
0x202: {  	s0 =	sshra.s32 s0, $0x2;
	(pc) =	sbr.rel .LBB2_2-.Ltmp7, $4  }
0x203: {  	s1 =	sadd.s32 $0x578, s0  }
0x204: {  	[tilespmem:s21], [sflag:$0x1] =	stream.indirect.gather [hbm4b:s3+s8], $0x40, s1, s8, $0xb8;
	[tilespmem:$0x14C00] =	vst v63  }
0x205: {  	s28 =	sadd.s32 $0x1, s28;
	s0 =	sadd.s32 $0x5E0, s0  }
0x206: {  	[tilespmem:s23], [sflag:$0x1] =	stream.indirect.gather [hbm4b:s3+s10], $0x40, s0, s10, $0xb8;
	[tilespmem:$0x14C00] =	vst v63  }
.LBB2_13:
0x207: {  	_ =	sfence.sel $0x180000  }
0x208: {  	[bflag:$0x0] =	sbarrier.arrive $0xFFFF  }
0x209: {  	_ =	strace $0x9000004A  }
0x20a: {  	s0 =	stileid.u32;
	[bflag:$0x2] =	sbarrier.arrive $0xFFFF  }
0x20b: {  	p0 =	sne.s32 s0, $0x0;
	s0 =	rddreg [dreg:$0x2]  }
0x20c: {  	s0 =	sadd.s32 @!p0 $0x100000, s0  }
0x20d: {  	[sflag:s0] =	ssyncadd.tile.s32 @!p0 $0x1;
	_ =	shalt  }
.Lfunc_end2:
_tile_overlayer_lowered:
.L_overlay_start_2:
0x20e: {  	(tag) =	ssettag $0x2  }
0x20f: {  	s0 =	rddreg [dreg:$0x0];
	s2 =	stileid.u32  }
0x210: {  	s1 =	rddreg [dreg:$0x1];
	p0 =	sne.s32 s2, $0x0  }
0x211: {  	s3 =	rddreg [dreg:$0x2];
	[bflag:$0x3] =	sbarrier.arrive $0xFFFF;
	s2 =	simm.s32 @!p0 $0x1C02  }
0x212: {  	[timem:s3], [sflag:s2] =	dma.local @!p0 [hbm:s0], s1  }
0x213: {  	s0 =	simm.s32 @!p0 $0x2  }
0x214: {  	_ =	swait.ge @!p0 [sflag:s0], s1  }
0x215: {  	s1 =	ssub.s32 @!p0 $0x0, s1;
	[sflag:s0] =	ssyncset.done @!p0 $0x0  }
0x216: {  	[sflag:s0] =	ssyncadd.s32 @!p0 s1  }
0x217: {  	[bflag:$0x3] =	sbarrier.arrive $0xFFFF  }
0x218: {  	_ =	shalt  }

</sc_bundles>
